<compile_context>
chip_gen: v7x
topology: tpu7x:2x2x1
jax: 0.10.2.dev20260603
libtpu: 0.0.44.dev20260713+nightly
codegen_flags: <defaults>
</compile_context>

<pallas_src>
import functools

import jax
import jax.numpy as jnp
from jax import lax
from jax.experimental import pallas as pl
from jax.experimental.pallas import tpu as pltpu
from jax.experimental.pallas import tpu_sc as plsc

LANES = 16
CHUNK = 128
UNROLL = 16


@functools.lru_cache(maxsize=None)
def _build(B, D, n_ent, n_rel):
    info = plsc.get_sparse_core_info()
    NC, NS = info.num_cores, info.num_subcores
    NW = NC * NS
    assert B % (NW * CHUNK) == 0
    b_per_w = B // NW
    n_ch = b_per_w // CHUNK
    half = D // 2
    assert half % LANES == 0
    n_vr = half // LANES

    mesh = plsc.VectorSubcoreMesh(core_axis_name="c", subcore_axis_name="s")

    @functools.partial(
        pl.kernel,
        mesh=mesh,
        out_type=jax.ShapeDtypeStruct((B,), jnp.float32),
        compiler_params=pltpu.CompilerParams(
            needs_layout_passes=False, use_tc_tiling_on_sc=False),
        scratch_types=[
            pltpu.VMEM((b_per_w,), jnp.int32),
            pltpu.VMEM((b_per_w,), jnp.int32),
            pltpu.VMEM((b_per_w,), jnp.int32),
            pltpu.VMEM((b_per_w, D), jnp.float32),
            pltpu.VMEM((b_per_w, D), jnp.float32),
            pltpu.VMEM((b_per_w, D), jnp.float32),
            pltpu.VMEM((b_per_w,), jnp.float32),
            pltpu.VMEM((LANES, LANES), jnp.float32),
        ]
        + [pltpu.SemaphoreType.DMA] * n_ch,
    )
    def compl_ex(s_idx_hbm, p_idx_hbm, o_idx_hbm, so_hbm, p_hbm, out_hbm,
                 sidx_v, pidx_v, oidx_v, s_v, p_v, o_v, out_v, m_v, *sems):
        wid = lax.axis_index("s") * NC + lax.axis_index("c")
        base = wid * b_per_w

        pltpu.sync_copy(s_idx_hbm.at[pl.ds(base, b_per_w)], sidx_v)
        pltpu.sync_copy(p_idx_hbm.at[pl.ds(base, b_per_w)], pidx_v)
        pltpu.sync_copy(o_idx_hbm.at[pl.ds(base, b_per_w)], oidx_v)

        copies = []
        for j in range(n_ch):
            sl = pl.ds(j * CHUNK, CHUNK)
            copies.append((
                pltpu.async_copy(so_hbm.at[sidx_v.at[sl]], s_v.at[sl], sems[j]),
                pltpu.async_copy(p_hbm.at[pidx_v.at[sl]], p_v.at[sl], sems[j]),
                pltpu.async_copy(so_hbm.at[oidx_v.at[sl]], o_v.at[sl], sems[j]),
            ))

        def partials_one(e):
            acc = None
            for v in range(n_vr):
                re_sl = pl.ds(v * LANES, LANES)
                im_sl = pl.ds(half + v * LANES, LANES)
                sr, si = s_v[e, re_sl], s_v[e, im_sl]
                pr, pi = p_v[e, re_sl], p_v[e, im_sl]
                orr, oi = o_v[e, re_sl], o_v[e, im_sl]
                t = pr * (sr * orr + si * oi) + pi * (sr * oi - si * orr)
                acc = t if acc is None else acc + t
            return acc

        row_iota = lax.iota(jnp.int32, LANES)

        for j in range(n_ch):
            for c in copies[j]:
                c.wait()

            def body(g, carry, j=j):
                e0 = j * CHUNK + g * UNROLL
                for t in range(UNROLL):
                    m_v[t, :] = partials_one(e0 + t)
                cols = [
                    plsc.load_gather(
                        m_v,
                        [row_iota, jnp.broadcast_to(jnp.int32(c), (LANES,))])
                    for c in range(LANES)
                ]
                while len(cols) > 1:
                    cols = [cols[i] + cols[i + 1]
                            for i in range(0, len(cols), 2)]
                out_v[pl.ds(e0, LANES)] = cols[0]
                return carry

            lax.fori_loop(0, CHUNK // UNROLL, body, 0)

        pltpu.sync_copy(out_v, out_hbm.at[pl.ds(base, b_per_w)])

    return compl_ex


def kernel(s_idx, p_idx, o_idx, emb_so, emb_p):
    B = s_idx.shape[0]
    D = emb_so.shape[1]
    fn = _build(B, D, emb_so.shape[0], emb_p.shape[0])
    return fn(
        s_idx.astype(jnp.int32),
        p_idx.astype(jnp.int32),
        o_idx.astype(jnp.int32),
        emb_so,
        emb_p,
    )

# --- scband reference (transcript-rebuilt; emitter-appended) ---
"""Pipeline reference for scband-compl-ex-4312147165221 (READ-ONLY COPY).

The authoritative reference and input builder live on the scoring server;
editing this copy changes nothing except your own understanding.
"""

import jax, jax.numpy as jnp
import numpy as np

N_ENT = 1000000
N_REL = 1000
RANK = 32
BATCH = 16384


def setup_inputs(seed: int = 0) -> dict:
    key = jax.random.key(seed)
    k1, k2, k3, k4, k5 = jax.random.split(key, 5)
    s_idx = jax.random.randint(k1, (BATCH,), 0, N_ENT, dtype=jnp.int64 if jax.config.jax_enable_x64 else jnp.int32)
    p_idx = jax.random.randint(k2, (BATCH,), 0, N_REL, dtype=jnp.int64 if jax.config.jax_enable_x64 else jnp.int32)
    o_idx = jax.random.randint(k3, (BATCH,), 0, N_ENT, dtype=jnp.int64 if jax.config.jax_enable_x64 else jnp.int32)
    emb_so = jax.random.normal(k4, (N_ENT, 2 * RANK), dtype=jnp.float32)
    emb_p = jax.random.normal(k5, (N_REL, 2 * RANK), dtype=jnp.float32)
    return {"s_idx": s_idx, "p_idx": p_idx, "o_idx": o_idx, "emb_so": emb_so, "emb_p": emb_p}


def reference(s_idx, p_idx, o_idx, emb_so, emb_p):
    s = jnp.take(emb_so, s_idx, axis=0)
    p = jnp.take(emb_p, p_idx, axis=0)
    o = jnp.take(emb_so, o_idx, axis=0)
    rank = p.shape[1] // 2
    p_real, p_img = p[:, :rank], p[:, rank:]
    s_real, s_img = s[:, :rank], s[:, rank:]
    o_real, o_img = o[:, :rank], o[:, rank:]
    score1 = jnp.sum(p_real * s_real * o_real, axis=1)
    score2 = jnp.sum(p_real * s_img * o_img, axis=1)
    score3 = jnp.sum(p_img * s_real * o_img, axis=1)
    score4 = jnp.sum(p_img * s_img * o_real, axis=1)
    res = score1 + score2 + score3 - score4
    return res

if __name__ == "__main__":
    import jax
    _d = setup_inputs()
    print(jax.jit(kernel)(*tuple(_d.values())))

</pallas_src>

<mosaic_0001>
#map = affine_map<(d0, d1) -> (0)>
#map1 = affine_map<(d0, d1) -> (0, 0)>
module attributes {stable_mosaic.version = 14 : i64} {
  func.func @compl_ex(%arg0: i32, %arg1: i32, %arg2: memref<16384xi32, #tpu.memory_space<hbm>>, %arg3: memref<16384xi32, #tpu.memory_space<hbm>>, %arg4: memref<16384xi32, #tpu.memory_space<hbm>>, %arg5: memref<1000000x64xf32, #tpu.memory_space<hbm>>, %arg6: memref<1000x64xf32, #tpu.memory_space<hbm>>, %arg7: memref<16384xf32, #tpu.memory_space<hbm>>, %arg8: memref<512xi32, #tpu.memory_space<vmem>>, %arg9: memref<512xi32, #tpu.memory_space<vmem>>, %arg10: memref<512xi32, #tpu.memory_space<vmem>>, %arg11: memref<512x64xf32, #tpu.memory_space<vmem>>, %arg12: memref<512x64xf32, #tpu.memory_space<vmem>>, %arg13: memref<512x64xf32, #tpu.memory_space<vmem>>, %arg14: memref<512xf32, #tpu.memory_space<vmem>>, %arg15: memref<16x16xf32, #tpu.memory_space<vmem>>, %arg16: memref<!tpu.dma_semaphore, #tpu.memory_space<semaphore_mem>>, %arg17: memref<!tpu.dma_semaphore, #tpu.memory_space<semaphore_mem>>, %arg18: memref<!tpu.dma_semaphore, #tpu.memory_space<semaphore_mem>>, %arg19: memref<!tpu.dma_semaphore, #tpu.memory_space<semaphore_mem>>) attributes {dimension_semantics = [#tpu.dimension_semantics<core_parallel>, #tpu.dimension_semantics<subcore_parallel>], iteration_bounds = array<i64: 2, 16>, scalar_prefetch = 0 : i64, scratch_operands = 12 : i64, tpu.core_type = #tpu.core_type<sc_vector_subcore>, window_params = [{transform_indices = #map}, {transform_indices = #map}, {transform_indices = #map}, {transform_indices = #map1}, {transform_indices = #map1}, {transform_indices = #map}]} {
    %mul3A = arith.constant 2 : i32
    %mul3A_0 = arith.muli %arg1, %mul3A : i32
    %add3A = arith.addi %mul3A_0, %arg0 : i32
    %mul3A_1 = arith.constant 512 : i32
    %mul3A_2 = arith.muli %add3A, %mul3A_1 : i32
    "tpu.region"() ({
      %run_scoped3A = tpu.sem_alloc : memref<!tpu.dma_semaphore, #tpu.memory_space<semaphore_mem>>
      %dma_start3A_216 = tpu.memref_slice %arg2[%mul3A_2] : memref<16384xi32, #tpu.memory_space<hbm>> -> memref<512xi32, #tpu.memory_space<hbm>>
      %dma_start3A_217 = tpu.memref_slice %arg2[%mul3A_2] : memref<16384xi32, #tpu.memory_space<hbm>> -> memref<512xi32, #tpu.memory_space<hbm>>
      tpu.enqueue_dma source(%dma_start3A_217 : memref<512xi32, #tpu.memory_space<hbm>>) target(%arg8 : memref<512xi32, #tpu.memory_space<vmem>>) target_semaphore(%run_scoped3A : memref<!tpu.dma_semaphore, #tpu.memory_space<semaphore_mem>>)
      %dma_wait3A_218 = tpu.memref_slice %arg2[%mul3A_2] : memref<16384xi32, #tpu.memory_space<hbm>> -> memref<512xi32, #tpu.memory_space<hbm>>
      %dma_wait3A_219 = tpu.memref_slice %arg2[%mul3A_2] : memref<16384xi32, #tpu.memory_space<hbm>> -> memref<512xi32, #tpu.memory_space<hbm>>
      tpu.wait_dma2 semaphore(%run_scoped3A : memref<!tpu.dma_semaphore, #tpu.memory_space<semaphore_mem>>) src(%dma_wait3A_219 : memref<512xi32, #tpu.memory_space<hbm>>) dst(%arg8 : memref<512xi32, #tpu.memory_space<vmem>>)
      tpu.yield
    }) : () -> ()
    "tpu.region"() ({
      %run_scoped3A = tpu.sem_alloc : memref<!tpu.dma_semaphore, #tpu.memory_space<semaphore_mem>>
      %dma_start3A_216 = tpu.memref_slice %arg3[%mul3A_2] : memref<16384xi32, #tpu.memory_space<hbm>> -> memref<512xi32, #tpu.memory_space<hbm>>
      %dma_start3A_217 = tpu.memref_slice %arg3[%mul3A_2] : memref<16384xi32, #tpu.memory_space<hbm>> -> memref<512xi32, #tpu.memory_space<hbm>>
      tpu.enqueue_dma source(%dma_start3A_217 : memref<512xi32, #tpu.memory_space<hbm>>) target(%arg9 : memref<512xi32, #tpu.memory_space<vmem>>) target_semaphore(%run_scoped3A : memref<!tpu.dma_semaphore, #tpu.memory_space<semaphore_mem>>)
      %dma_wait3A_218 = tpu.memref_slice %arg3[%mul3A_2] : memref<16384xi32, #tpu.memory_space<hbm>> -> memref<512xi32, #tpu.memory_space<hbm>>
      %dma_wait3A_219 = tpu.memref_slice %arg3[%mul3A_2] : memref<16384xi32, #tpu.memory_space<hbm>> -> memref<512xi32, #tpu.memory_space<hbm>>
      tpu.wait_dma2 semaphore(%run_scoped3A : memref<!tpu.dma_semaphore, #tpu.memory_space<semaphore_mem>>) src(%dma_wait3A_219 : memref<512xi32, #tpu.memory_space<hbm>>) dst(%arg9 : memref<512xi32, #tpu.memory_space<vmem>>)
      tpu.yield
    }) : () -> ()
    "tpu.region"() ({
      %run_scoped3A = tpu.sem_alloc : memref<!tpu.dma_semaphore, #tpu.memory_space<semaphore_mem>>
      %dma_start3A_216 = tpu.memref_slice %arg4[%mul3A_2] : memref<16384xi32, #tpu.memory_space<hbm>> -> memref<512xi32, #tpu.memory_space<hbm>>
      %dma_start3A_217 = tpu.memref_slice %arg4[%mul3A_2] : memref<16384xi32, #tpu.memory_space<hbm>> -> memref<512xi32, #tpu.memory_space<hbm>>
      tpu.enqueue_dma source(%dma_start3A_217 : memref<512xi32, #tpu.memory_space<hbm>>) target(%arg10 : memref<512xi32, #tpu.memory_space<vmem>>) target_semaphore(%run_scoped3A : memref<!tpu.dma_semaphore, #tpu.memory_space<semaphore_mem>>)
      %dma_wait3A_218 = tpu.memref_slice %arg4[%mul3A_2] : memref<16384xi32, #tpu.memory_space<hbm>> -> memref<512xi32, #tpu.memory_space<hbm>>
      %dma_wait3A_219 = tpu.memref_slice %arg4[%mul3A_2] : memref<16384xi32, #tpu.memory_space<hbm>> -> memref<512xi32, #tpu.memory_space<hbm>>
      tpu.wait_dma2 semaphore(%run_scoped3A : memref<!tpu.dma_semaphore, #tpu.memory_space<semaphore_mem>>) src(%dma_wait3A_219 : memref<512xi32, #tpu.memory_space<hbm>>) dst(%arg10 : memref<512xi32, #tpu.memory_space<vmem>>)
      tpu.yield
    }) : () -> ()
    %dma_start3A = arith.constant 0 : i32
    %dma_start3A_3 = arith.constant 0 : i32
    %dma_start3A_4 = tpu.memref_slice %arg11[%dma_start3A, %dma_start3A_3] : memref<512x64xf32, #tpu.memory_space<vmem>> -> memref<128x64xf32, #tpu.memory_space<vmem>>
    %dma_start3A_5 = arith.constant 0 : i32
    %dma_start3A_6 = tpu.memref_slice %arg8[%dma_start3A_5] : memref<512xi32, #tpu.memory_space<vmem>> -> memref<128xi32, #tpu.memory_space<vmem>>
    %dma_start3A_7 = arith.constant 0 : i32
    %dma_start3A_8 = arith.constant 0 : i32
    %dma_start3A_9 = tpu.memref_slice %arg5[%dma_start3A_7, %dma_start3A_8] : memref<1000000x64xf32, #tpu.memory_space<hbm>> -> memref<1000000x64xf32, #tpu.memory_space<hbm>>
    tpu.enqueue_indirect_dma source(%dma_start3A_9 : memref<1000000x64xf32, #tpu.memory_space<hbm>>) target(%dma_start3A_4 : memref<128x64xf32, #tpu.memory_space<vmem>>) offsets(%dma_start3A_6 : memref<128xi32, #tpu.memory_space<vmem>>) semaphore(%arg16 : memref<!tpu.dma_semaphore, #tpu.memory_space<semaphore_mem>>)
    %dma_start3A_10 = arith.constant 0 : i32
    %dma_start3A_11 = arith.constant 0 : i32
    %dma_start3A_12 = tpu.memref_slice %arg12[%dma_start3A_10, %dma_start3A_11] : memref<512x64xf32, #tpu.memory_space<vmem>> -> memref<128x64xf32, #tpu.memory_space<vmem>>
    %dma_start3A_13 = arith.constant 0 : i32
    %dma_start3A_14 = tpu.memref_slice %arg9[%dma_start3A_13] : memref<512xi32, #tpu.memory_space<vmem>> -> memref<128xi32, #tpu.memory_space<vmem>>
    %dma_start3A_15 = arith.constant 0 : i32
    %dma_start3A_16 = arith.constant 0 : i32
    %dma_start3A_17 = tpu.memref_slice %arg6[%dma_start3A_15, %dma_start3A_16] : memref<1000x64xf32, #tpu.memory_space<hbm>> -> memref<1000x64xf32, #tpu.memory_space<hbm>>
    tpu.enqueue_indirect_dma source(%dma_start3A_17 : memref<1000x64xf32, #tpu.memory_space<hbm>>) target(%dma_start3A_12 : memref<128x64xf32, #tpu.memory_space<vmem>>) offsets(%dma_start3A_14 : memref<128xi32, #tpu.memory_space<vmem>>) semaphore(%arg16 : memref<!tpu.dma_semaphore, #tpu.memory_space<semaphore_mem>>)
    %dma_start3A_18 = arith.constant 0 : i32
    %dma_start3A_19 = arith.constant 0 : i32
    %dma_start3A_20 = tpu.memref_slice %arg13[%dma_start3A_18, %dma_start3A_19] : memref<512x64xf32, #tpu.memory_space<vmem>> -> memref<128x64xf32, #tpu.memory_space<vmem>>
    %dma_start3A_21 = arith.constant 0 : i32
    %dma_start3A_22 = tpu.memref_slice %arg10[%dma_start3A_21] : memref<512xi32, #tpu.memory_space<vmem>> -> memref<128xi32, #tpu.memory_space<vmem>>
    %dma_start3A_23 = arith.constant 0 : i32
    %dma_start3A_24 = arith.constant 0 : i32
    %dma_start3A_25 = tpu.memref_slice %arg5[%dma_start3A_23, %dma_start3A_24] : memref<1000000x64xf32, #tpu.memory_space<hbm>> -> memref<1000000x64xf32, #tpu.memory_space<hbm>>
    tpu.enqueue_indirect_dma source(%dma_start3A_25 : memref<1000000x64xf32, #tpu.memory_space<hbm>>) target(%dma_start3A_20 : memref<128x64xf32, #tpu.memory_space<vmem>>) offsets(%dma_start3A_22 : memref<128xi32, #tpu.memory_space<vmem>>) semaphore(%arg16 : memref<!tpu.dma_semaphore, #tpu.memory_space<semaphore_mem>>)
    %dma_start3A_26 = arith.constant 128 : i32
    %dma_start3A_27 = arith.constant 0 : i32
    %dma_start3A_28 = tpu.memref_slice %arg11[%dma_start3A_26, %dma_start3A_27] : memref<512x64xf32, #tpu.memory_space<vmem>> -> memref<128x64xf32, #tpu.memory_space<vmem>>
    %dma_start3A_29 = arith.constant 128 : i32
    %dma_start3A_30 = tpu.memref_slice %arg8[%dma_start3A_29] : memref<512xi32, #tpu.memory_space<vmem>> -> memref<128xi32, #tpu.memory_space<vmem>>
    %dma_start3A_31 = arith.constant 0 : i32
    %dma_start3A_32 = arith.constant 0 : i32
    %dma_start3A_33 = tpu.memref_slice %arg5[%dma_start3A_31, %dma_start3A_32] : memref<1000000x64xf32, #tpu.memory_space<hbm>> -> memref<1000000x64xf32, #tpu.memory_space<hbm>>
    tpu.enqueue_indirect_dma source(%dma_start3A_33 : memref<1000000x64xf32, #tpu.memory_space<hbm>>) target(%dma_start3A_28 : memref<128x64xf32, #tpu.memory_space<vmem>>) offsets(%dma_start3A_30 : memref<128xi32, #tpu.memory_space<vmem>>) semaphore(%arg17 : memref<!tpu.dma_semaphore, #tpu.memory_space<semaphore_mem>>)
    %dma_start3A_34 = arith.constant 128 : i32
    %dma_start3A_35 = arith.constant 0 : i32
    %dma_start3A_36 = tpu.memref_slice %arg12[%dma_start3A_34, %dma_start3A_35] : memref<512x64xf32, #tpu.memory_space<vmem>> -> memref<128x64xf32, #tpu.memory_space<vmem>>
    %dma_start3A_37 = arith.constant 128 : i32
    %dma_start3A_38 = tpu.memref_slice %arg9[%dma_start3A_37] : memref<512xi32, #tpu.memory_space<vmem>> -> memref<128xi32, #tpu.memory_space<vmem>>
    %dma_start3A_39 = arith.constant 0 : i32
    %dma_start3A_40 = arith.constant 0 : i32
    %dma_start3A_41 = tpu.memref_slice %arg6[%dma_start3A_39, %dma_start3A_40] : memref<1000x64xf32, #tpu.memory_space<hbm>> -> memref<1000x64xf32, #tpu.memory_space<hbm>>
    tpu.enqueue_indirect_dma source(%dma_start3A_41 : memref<1000x64xf32, #tpu.memory_space<hbm>>) target(%dma_start3A_36 : memref<128x64xf32, #tpu.memory_space<vmem>>) offsets(%dma_start3A_38 : memref<128xi32, #tpu.memory_space<vmem>>) semaphore(%arg17 : memref<!tpu.dma_semaphore, #tpu.memory_space<semaphore_mem>>)
    %dma_start3A_42 = arith.constant 128 : i32
    %dma_start3A_43 = arith.constant 0 : i32
    %dma_start3A_44 = tpu.memref_slice %arg13[%dma_start3A_42, %dma_start3A_43] : memref<512x64xf32, #tpu.memory_space<vmem>> -> memref<128x64xf32, #tpu.memory_space<vmem>>
    %dma_start3A_45 = arith.constant 128 : i32
    %dma_start3A_46 = tpu.memref_slice %arg10[%dma_start3A_45] : memref<512xi32, #tpu.memory_space<vmem>> -> memref<128xi32, #tpu.memory_space<vmem>>
    %dma_start3A_47 = arith.constant 0 : i32
    %dma_start3A_48 = arith.constant 0 : i32
    %dma_start3A_49 = tpu.memref_slice %arg5[%dma_start3A_47, %dma_start3A_48] : memref<1000000x64xf32, #tpu.memory_space<hbm>> -> memref<1000000x64xf32, #tpu.memory_space<hbm>>
    tpu.enqueue_indirect_dma source(%dma_start3A_49 : memref<1000000x64xf32, #tpu.memory_space<hbm>>) target(%dma_start3A_44 : memref<128x64xf32, #tpu.memory_space<vmem>>) offsets(%dma_start3A_46 : memref<128xi32, #tpu.memory_space<vmem>>) semaphore(%arg17 : memref<!tpu.dma_semaphore, #tpu.memory_space<semaphore_mem>>)
    %dma_start3A_50 = arith.constant 256 : i32
    %dma_start3A_51 = arith.constant 0 : i32
    %dma_start3A_52 = tpu.memref_slice %arg11[%dma_start3A_50, %dma_start3A_51] : memref<512x64xf32, #tpu.memory_space<vmem>> -> memref<128x64xf32, #tpu.memory_space<vmem>>
    %dma_start3A_53 = arith.constant 256 : i32
    %dma_start3A_54 = tpu.memref_slice %arg8[%dma_start3A_53] : memref<512xi32, #tpu.memory_space<vmem>> -> memref<128xi32, #tpu.memory_space<vmem>>
    %dma_start3A_55 = arith.constant 0 : i32
    %dma_start3A_56 = arith.constant 0 : i32
    %dma_start3A_57 = tpu.memref_slice %arg5[%dma_start3A_55, %dma_start3A_56] : memref<1000000x64xf32, #tpu.memory_space<hbm>> -> memref<1000000x64xf32, #tpu.memory_space<hbm>>
    tpu.enqueue_indirect_dma source(%dma_start3A_57 : memref<1000000x64xf32, #tpu.memory_space<hbm>>) target(%dma_start3A_52 : memref<128x64xf32, #tpu.memory_space<vmem>>) offsets(%dma_start3A_54 : memref<128xi32, #tpu.memory_space<vmem>>) semaphore(%arg18 : memref<!tpu.dma_semaphore, #tpu.memory_space<semaphore_mem>>)
    %dma_start3A_58 = arith.constant 256 : i32
    %dma_start3A_59 = arith.constant 0 : i32
    %dma_start3A_60 = tpu.memref_slice %arg12[%dma_start3A_58, %dma_start3A_59] : memref<512x64xf32, #tpu.memory_space<vmem>> -> memref<128x64xf32, #tpu.memory_space<vmem>>
    %dma_start3A_61 = arith.constant 256 : i32
    %dma_start3A_62 = tpu.memref_slice %arg9[%dma_start3A_61] : memref<512xi32, #tpu.memory_space<vmem>> -> memref<128xi32, #tpu.memory_space<vmem>>
    %dma_start3A_63 = arith.constant 0 : i32
    %dma_start3A_64 = arith.constant 0 : i32
    %dma_start3A_65 = tpu.memref_slice %arg6[%dma_start3A_63, %dma_start3A_64] : memref<1000x64xf32, #tpu.memory_space<hbm>> -> memref<1000x64xf32, #tpu.memory_space<hbm>>
    tpu.enqueue_indirect_dma source(%dma_start3A_65 : memref<1000x64xf32, #tpu.memory_space<hbm>>) target(%dma_start3A_60 : memref<128x64xf32, #tpu.memory_space<vmem>>) offsets(%dma_start3A_62 : memref<128xi32, #tpu.memory_space<vmem>>) semaphore(%arg18 : memref<!tpu.dma_semaphore, #tpu.memory_space<semaphore_mem>>)
    %dma_start3A_66 = arith.constant 256 : i32
    %dma_start3A_67 = arith.constant 0 : i32
    %dma_start3A_68 = tpu.memref_slice %arg13[%dma_start3A_66, %dma_start3A_67] : memref<512x64xf32, #tpu.memory_space<vmem>> -> memref<128x64xf32, #tpu.memory_space<vmem>>
    %dma_start3A_69 = arith.constant 256 : i32
    %dma_start3A_70 = tpu.memref_slice %arg10[%dma_start3A_69] : memref<512xi32, #tpu.memory_space<vmem>> -> memref<128xi32, #tpu.memory_space<vmem>>
    %dma_start3A_71 = arith.constant 0 : i32
    %dma_start3A_72 = arith.constant 0 : i32
    %dma_start3A_73 = tpu.memref_slice %arg5[%dma_start3A_71, %dma_start3A_72] : memref<1000000x64xf32, #tpu.memory_space<hbm>> -> memref<1000000x64xf32, #tpu.memory_space<hbm>>
    tpu.enqueue_indirect_dma source(%dma_start3A_73 : memref<1000000x64xf32, #tpu.memory_space<hbm>>) target(%dma_start3A_68 : memref<128x64xf32, #tpu.memory_space<vmem>>) offsets(%dma_start3A_70 : memref<128xi32, #tpu.memory_space<vmem>>) semaphore(%arg18 : memref<!tpu.dma_semaphore, #tpu.memory_space<semaphore_mem>>)
    %dma_start3A_74 = arith.constant 384 : i32
    %dma_start3A_75 = arith.constant 0 : i32
    %dma_start3A_76 = tpu.memref_slice %arg11[%dma_start3A_74, %dma_start3A_75] : memref<512x64xf32, #tpu.memory_space<vmem>> -> memref<128x64xf32, #tpu.memory_space<vmem>>
    %dma_start3A_77 = arith.constant 384 : i32
    %dma_start3A_78 = tpu.memref_slice %arg8[%dma_start3A_77] : memref<512xi32, #tpu.memory_space<vmem>> -> memref<128xi32, #tpu.memory_space<vmem>>
    %dma_start3A_79 = arith.constant 0 : i32
    %dma_start3A_80 = arith.constant 0 : i32
    %dma_start3A_81 = tpu.memref_slice %arg5[%dma_start3A_79, %dma_start3A_80] : memref<1000000x64xf32, #tpu.memory_space<hbm>> -> memref<1000000x64xf32, #tpu.memory_space<hbm>>
    tpu.enqueue_indirect_dma source(%dma_start3A_81 : memref<1000000x64xf32, #tpu.memory_space<hbm>>) target(%dma_start3A_76 : memref<128x64xf32, #tpu.memory_space<vmem>>) offsets(%dma_start3A_78 : memref<128xi32, #tpu.memory_space<vmem>>) semaphore(%arg19 : memref<!tpu.dma_semaphore, #tpu.memory_space<semaphore_mem>>)
    %dma_start3A_82 = arith.constant 384 : i32
    %dma_start3A_83 = arith.constant 0 : i32
    %dma_start3A_84 = tpu.memref_slice %arg12[%dma_start3A_82, %dma_start3A_83] : memref<512x64xf32, #tpu.memory_space<vmem>> -> memref<128x64xf32, #tpu.memory_space<vmem>>
    %dma_start3A_85 = arith.constant 384 : i32
    %dma_start3A_86 = tpu.memref_slice %arg9[%dma_start3A_85] : memref<512xi32, #tpu.memory_space<vmem>> -> memref<128xi32, #tpu.memory_space<vmem>>
    %dma_start3A_87 = arith.constant 0 : i32
    %dma_start3A_88 = arith.constant 0 : i32
    %dma_start3A_89 = tpu.memref_slice %arg6[%dma_start3A_87, %dma_start3A_88] : memref<1000x64xf32, #tpu.memory_space<hbm>> -> memref<1000x64xf32, #tpu.memory_space<hbm>>
    tpu.enqueue_indirect_dma source(%dma_start3A_89 : memref<1000x64xf32, #tpu.memory_space<hbm>>) target(%dma_start3A_84 : memref<128x64xf32, #tpu.memory_space<vmem>>) offsets(%dma_start3A_86 : memref<128xi32, #tpu.memory_space<vmem>>) semaphore(%arg19 : memref<!tpu.dma_semaphore, #tpu.memory_space<semaphore_mem>>)
    %dma_start3A_90 = arith.constant 384 : i32
    %dma_start3A_91 = arith.constant 0 : i32
    %dma_start3A_92 = tpu.memref_slice %arg13[%dma_start3A_90, %dma_start3A_91] : memref<512x64xf32, #tpu.memory_space<vmem>> -> memref<128x64xf32, #tpu.memory_space<vmem>>
    %dma_start3A_93 = arith.constant 384 : i32
    %dma_start3A_94 = tpu.memref_slice %arg10[%dma_start3A_93] : memref<512xi32, #tpu.memory_space<vmem>> -> memref<128xi32, #tpu.memory_space<vmem>>
    %dma_start3A_95 = arith.constant 0 : i32
    %dma_start3A_96 = arith.constant 0 : i32
    %dma_start3A_97 = tpu.memref_slice %arg5[%dma_start3A_95, %dma_start3A_96] : memref<1000000x64xf32, #tpu.memory_space<hbm>> -> memref<1000000x64xf32, #tpu.memory_space<hbm>>
    tpu.enqueue_indirect_dma source(%dma_start3A_97 : memref<1000000x64xf32, #tpu.memory_space<hbm>>) target(%dma_start3A_92 : memref<128x64xf32, #tpu.memory_space<vmem>>) offsets(%dma_start3A_94 : memref<128xi32, #tpu.memory_space<vmem>>) semaphore(%arg19 : memref<!tpu.dma_semaphore, #tpu.memory_space<semaphore_mem>>)
    %iota3A = tpu.iota {dimensions = array<i32: 0>} : vector<16xi32>
    %dma_wait3A = arith.constant 0 : i32
    %dma_wait3A_98 = arith.constant 0 : i32
    %dma_wait3A_99 = tpu.memref_slice %arg11[%dma_wait3A, %dma_wait3A_98] : memref<512x64xf32, #tpu.memory_space<vmem>> -> memref<128x64xf32, #tpu.memory_space<vmem>>
    %dma_wait3A_100 = arith.constant 0 : i32
    %dma_wait3A_101 = tpu.memref_slice %arg8[%dma_wait3A_100] : memref<512xi32, #tpu.memory_space<vmem>> -> memref<128xi32, #tpu.memory_space<vmem>>
    %dma_wait3A_102 = arith.constant 0 : i32
    %dma_wait3A_103 = arith.constant 0 : i32
    %dma_wait3A_104 = tpu.memref_slice %arg5[%dma_wait3A_102, %dma_wait3A_103] : memref<1000000x64xf32, #tpu.memory_space<hbm>> -> memref<1000000x64xf32, #tpu.memory_space<hbm>>
    tpu.wait_indirect_dma semaphore(%arg16 : memref<!tpu.dma_semaphore, #tpu.memory_space<semaphore_mem>>) src(%dma_wait3A_104 : memref<1000000x64xf32, #tpu.memory_space<hbm>>) dst(%dma_wait3A_99 : memref<128x64xf32, #tpu.memory_space<vmem>>)
    %dma_wait3A_105 = arith.constant 0 : i32
    %dma_wait3A_106 = arith.constant 0 : i32
    %dma_wait3A_107 = tpu.memref_slice %arg12[%dma_wait3A_105, %dma_wait3A_106] : memref<512x64xf32, #tpu.memory_space<vmem>> -> memref<128x64xf32, #tpu.memory_space<vmem>>
    %dma_wait3A_108 = arith.constant 0 : i32
    %dma_wait3A_109 = tpu.memref_slice %arg9[%dma_wait3A_108] : memref<512xi32, #tpu.memory_space<vmem>> -> memref<128xi32, #tpu.memory_space<vmem>>
    %dma_wait3A_110 = arith.constant 0 : i32
    %dma_wait3A_111 = arith.constant 0 : i32
    %dma_wait3A_112 = tpu.memref_slice %arg6[%dma_wait3A_110, %dma_wait3A_111] : memref<1000x64xf32, #tpu.memory_space<hbm>> -> memref<1000x64xf32, #tpu.memory_space<hbm>>
    tpu.wait_indirect_dma semaphore(%arg16 : memref<!tpu.dma_semaphore, #tpu.memory_space<semaphore_mem>>) src(%dma_wait3A_112 : memref<1000x64xf32, #tpu.memory_space<hbm>>) dst(%dma_wait3A_107 : memref<128x64xf32, #tpu.memory_space<vmem>>)
    %dma_wait3A_113 = arith.constant 0 : i32
    %dma_wait3A_114 = arith.constant 0 : i32
    %dma_wait3A_115 = tpu.memref_slice %arg13[%dma_wait3A_113, %dma_wait3A_114] : memref<512x64xf32, #tpu.memory_space<vmem>> -> memref<128x64xf32, #tpu.memory_space<vmem>>
    %dma_wait3A_116 = arith.constant 0 : i32
    %dma_wait3A_117 = tpu.memref_slice %arg10[%dma_wait3A_116] : memref<512xi32, #tpu.memory_space<vmem>> -> memref<128xi32, #tpu.memory_space<vmem>>
    %dma_wait3A_118 = arith.constant 0 : i32
    %dma_wait3A_119 = arith.constant 0 : i32
    %dma_wait3A_120 = tpu.memref_slice %arg5[%dma_wait3A_118, %dma_wait3A_119] : memref<1000000x64xf32, #tpu.memory_space<hbm>> -> memref<1000000x64xf32, #tpu.memory_space<hbm>>
    tpu.wait_indirect_dma semaphore(%arg16 : memref<!tpu.dma_semaphore, #tpu.memory_space<semaphore_mem>>) src(%dma_wait3A_120 : memref<1000000x64xf32, #tpu.memory_space<hbm>>) dst(%dma_wait3A_115 : memref<128x64xf32, #tpu.memory_space<vmem>>)
    %scan3A = arith.constant 0 : i32
    %scan3A_121 = arith.constant 0 : i32
    %scan3A_122 = arith.constant 8 : i32
    %scan3A_123 = arith.addi %scan3A_121, %scan3A_122 : i32
    %scan3A_124 = arith.constant 1 : i32
    scf.for %scan3A_216 = %scan3A_121 to %scan3A_123 step %scan3A_124  : i32 {
      %mul3A_217 = arith.constant 16 : i32
      %mul3A_218 = arith.muli %scan3A_216, %mul3A_217 : i32
      %add3A_219 = arith.constant 0 : i32
      %add3A_220 = arith.addi %add3A_219, %mul3A_218 : i32
      %add3A_221 = arith.constant 0 : i32
      %add3A_222 = arith.addi %add3A_220, %add3A_221 : i32
      %get3A = arith.index_cast %add3A_222 : i32 to index
      %get3A_223 = arith.constant 0 : index
      %get3A_224 = tpu.vector_load %arg11[%get3A, %get3A_223] {strides = array<i32>} : memref<512x64xf32, #tpu.memory_space<vmem>>, vector<16xf32>,
      %get3A_225 = arith.index_cast %add3A_222 : i32 to index
      %get3A_226 = arith.constant 32 : index
      %get3A_227 = tpu.vector_load %arg11[%get3A_225, %get3A_226] {strides = array<i32>} : memref<512x64xf32, #tpu.memory_space<vmem>>, vector<16xf32>,
      %get3A_228 = arith.index_cast %add3A_222 : i32 to index
      %get3A_229 = arith.constant 0 : index
      %get3A_230 = tpu.vector_load %arg12[%get3A_228, %get3A_229] {strides = array<i32>} : memref<512x64xf32, #tpu.memory_space<vmem>>, vector<16xf32>,
      %get3A_231 = arith.index_cast %add3A_222 : i32 to index
      %get3A_232 = arith.constant 32 : index
      %get3A_233 = tpu.vector_load %arg12[%get3A_231, %get3A_232] {strides = array<i32>} : memref<512x64xf32, #tpu.memory_space<vmem>>, vector<16xf32>,
      %get3A_234 = arith.index_cast %add3A_222 : i32 to index
      %get3A_235 = arith.constant 0 : index
      %get3A_236 = tpu.vector_load %arg13[%get3A_234, %get3A_235] {strides = array<i32>} : memref<512x64xf32, #tpu.memory_space<vmem>>, vector<16xf32>,
      %get3A_237 = arith.index_cast %add3A_222 : i32 to index
      %get3A_238 = arith.constant 32 : index
      %get3A_239 = tpu.vector_load %arg13[%get3A_237, %get3A_238] {strides = array<i32>} : memref<512x64xf32, #tpu.memory_space<vmem>>, vector<16xf32>,
      %mul3A_240 = arith.mulf %get3A_224, %get3A_236 : vector<16xf32>
      %mul3A_241 = arith.mulf %get3A_227, %get3A_239 : vector<16xf32>
      %add3A_242 = arith.addf %mul3A_240, %mul3A_241 : vector<16xf32>
      %mul3A_243 = arith.mulf %get3A_230, %add3A_242 : vector<16xf32>
      %mul3A_244 = arith.mulf %get3A_224, %get3A_239 : vector<16xf32>
      %mul3A_245 = arith.mulf %get3A_227, %get3A_236 : vector<16xf32>
      %sub3A = arith.subf %mul3A_244, %mul3A_245 : vector<16xf32>
      %mul3A_246 = arith.mulf %get3A_233, %sub3A : vector<16xf32>
      %add3A_247 = arith.addf %mul3A_243, %mul3A_246 : vector<16xf32>
      %get3A_248 = arith.index_cast %add3A_222 : i32 to index
      %get3A_249 = arith.constant 16 : index
      %get3A_250 = tpu.vector_load %arg11[%get3A_248, %get3A_249] {strides = array<i32>} : memref<512x64xf32, #tpu.memory_space<vmem>>, vector<16xf32>,
      %get3A_251 = arith.index_cast %add3A_222 : i32 to index
      %get3A_252 = arith.constant 48 : index
      %get3A_253 = tpu.vector_load %arg11[%get3A_251, %get3A_252] {strides = array<i32>} : memref<512x64xf32, #tpu.memory_space<vmem>>, vector<16xf32>,
      %get3A_254 = arith.index_cast %add3A_222 : i32 to index
      %get3A_255 = arith.constant 16 : index
      %get3A_256 = tpu.vector_load %arg12[%get3A_254, %get3A_255] {strides = array<i32>} : memref<512x64xf32, #tpu.memory_space<vmem>>, vector<16xf32>,
      %get3A_257 = arith.index_cast %add3A_222 : i32 to index
      %get3A_258 = arith.constant 48 : index
      %get3A_259 = tpu.vector_load %arg12[%get3A_257, %get3A_258] {strides = array<i32>} : memref<512x64xf32, #tpu.memory_space<vmem>>, vector<16xf32>,
      %get3A_260 = arith.index_cast %add3A_222 : i32 to index
      %get3A_261 = arith.constant 16 : index
      %get3A_262 = tpu.vector_load %arg13[%get3A_260, %get3A_261] {strides = array<i32>} : memref<512x64xf32, #tpu.memory_space<vmem>>, vector<16xf32>,
      %get3A_263 = arith.index_cast %add3A_222 : i32 to index
      %get3A_264 = arith.constant 48 : index
      %get3A_265 = tpu.vector_load %arg13[%get3A_263, %get3A_264] {strides = array<i32>} : memref<512x64xf32, #tpu.memory_space<vmem>>, vector<16xf32>,
      %mul3A_266 = arith.mulf %get3A_250, %get3A_262 : vector<16xf32>
      %mul3A_267 = arith.mulf %get3A_253, %get3A_265 : vector<16xf32>
      %add3A_268 = arith.addf %mul3A_266, %mul3A_267 : vector<16xf32>
      %mul3A_269 = arith.mulf %get3A_256, %add3A_268 : vector<16xf32>
      %mul3A_270 = arith.mulf %get3A_250, %get3A_265 : vector<16xf32>
      %mul3A_271 = arith.mulf %get3A_253, %get3A_262 : vector<16xf32>
      %sub3A_272 = arith.subf %mul3A_270, %mul3A_271 : vector<16xf32>
      %mul3A_273 = arith.mulf %get3A_259, %sub3A_272 : vector<16xf32>
      %add3A_274 = arith.addf %mul3A_269, %mul3A_273 : vector<16xf32>
      %add3A_275 = arith.addf %add3A_247, %add3A_274 : vector<16xf32>
      %swap3A = arith.constant 0 : i32
      %swap3A_276 = arith.index_cast %swap3A : i32 to index
      %swap3A_277 = arith.constant 0 : index
      %swap3A_278 = tpu.vector_load %arg15[%swap3A_276, %swap3A_277] {strides = array<i32>} : memref<16x16xf32, #tpu.memory_space<vmem>>, vector<16xf32>,
      tpu.vector_store %arg15[%swap3A_276, %swap3A_277], %add3A_275 {strides = array<i32>} : memref<16x16xf32, #tpu.memory_space<vmem>>, vector<16xf32>,
      %add3A_279 = arith.constant 1 : i32
      %add3A_280 = arith.addi %add3A_220, %add3A_279 : i32
      %get3A_281 = arith.index_cast %add3A_280 : i32 to index
      %get3A_282 = arith.constant 0 : index
      %get3A_283 = tpu.vector_load %arg11[%get3A_281, %get3A_282] {strides = array<i32>} : memref<512x64xf32, #tpu.memory_space<vmem>>, vector<16xf32>,
      %get3A_284 = arith.index_cast %add3A_280 : i32 to index
      %get3A_285 = arith.constant 32 : index
      %get3A_286 = tpu.vector_load %arg11[%get3A_284, %get3A_285] {strides = array<i32>} : memref<512x64xf32, #tpu.memory_space<vmem>>, vector<16xf32>,
      %get3A_287 = arith.index_cast %add3A_280 : i32 to index
      %get3A_288 = arith.constant 0 : index
      %get3A_289 = tpu.vector_load %arg12[%get3A_287, %get3A_288] {strides = array<i32>} : memref<512x64xf32, #tpu.memory_space<vmem>>, vector<16xf32>,
      %get3A_290 = arith.index_cast %add3A_280 : i32 to index
      %get3A_291 = arith.constant 32 : index
      %get3A_292 = tpu.vector_load %arg12[%get3A_290, %get3A_291] {strides = array<i32>} : memref<512x64xf32, #tpu.memory_space<vmem>>, vector<16xf32>,
      %get3A_293 = arith.index_cast %add3A_280 : i32 to index
      %get3A_294 = arith.constant 0 : index
      %get3A_295 = tpu.vector_load %arg13[%get3A_293, %get3A_294] {strides = array<i32>} : memref<512x64xf32, #tpu.memory_space<vmem>>, vector<16xf32>,
      %get3A_296 = arith.index_cast %add3A_280 : i32 to index
      %get3A_297 = arith.constant 32 : index
      %get3A_298 = tpu.vector_load %arg13[%get3A_296, %get3A_297] {strides = array<i32>} : memref<512x64xf32, #tpu.memory_space<vmem>>, vector<16xf32>,
      %mul3A_299 = arith.mulf %get3A_283, %get3A_295 : vector<16xf32>
      %mul3A_300 = arith.mulf %get3A_286, %get3A_298 : vector<16xf32>
      %add3A_301 = arith.addf %mul3A_299, %mul3A_300 : vector<16xf32>
      %mul3A_302 = arith.mulf %get3A_289, %add3A_301 : vector<16xf32>
      %mul3A_303 = arith.mulf %get3A_283, %get3A_298 : vector<16xf32>
      %mul3A_304 = arith.mulf %get3A_286, %get3A_295 : vector<16xf32>
      %sub3A_305 = arith.subf %mul3A_303, %mul3A_304 : vector<16xf32>
      %mul3A_306 = arith.mulf %get3A_292, %sub3A_305 : vector<16xf32>
      %add3A_307 = arith.addf %mul3A_302, %mul3A_306 : vector<16xf32>
      %get3A_308 = arith.index_cast %add3A_280 : i32 to index
      %get3A_309 = arith.constant 16 : index
      %get3A_310 = tpu.vector_load %arg11[%get3A_308, %get3A_309] {strides = array<i32>} : memref<512x64xf32, #tpu.memory_space<vmem>>, vector<16xf32>,
      %get3A_311 = arith.index_cast %add3A_280 : i32 to index
      %get3A_312 = arith.constant 48 : index
      %get3A_313 = tpu.vector_load %arg11[%get3A_311, %get3A_312] {strides = array<i32>} : memref<512x64xf32, #tpu.memory_space<vmem>>, vector<16xf32>,
      %get3A_314 = arith.index_cast %add3A_280 : i32 to index
      %get3A_315 = arith.constant 16 : index
      %get3A_316 = tpu.vector_load %arg12[%get3A_314, %get3A_315] {strides = array<i32>} : memref<512x64xf32, #tpu.memory_space<vmem>>, vector<16xf32>,
      %get3A_317 = arith.index_cast %add3A_280 : i32 to index
      %get3A_318 = arith.constant 48 : index
      %get3A_319 = tpu.vector_load %arg12[%get3A_317, %get3A_318] {strides = array<i32>} : memref<512x64xf32, #tpu.memory_space<vmem>>, vector<16xf32>,
      %get3A_320 = arith.index_cast %add3A_280 : i32 to index
      %get3A_321 = arith.constant 16 : index
      %get3A_322 = tpu.vector_load %arg13[%get3A_320, %get3A_321] {strides = array<i32>} : memref<512x64xf32, #tpu.memory_space<vmem>>, vector<16xf32>,
      %get3A_323 = arith.index_cast %add3A_280 : i32 to index
      %get3A_324 = arith.constant 48 : index
      %get3A_325 = tpu.vector_load %arg13[%get3A_323, %get3A_324] {strides = array<i32>} : memref<512x64xf32, #tpu.memory_space<vmem>>, vector<16xf32>,
      %mul3A_326 = arith.mulf %get3A_310, %get3A_322 : vector<16xf32>
      %mul3A_327 = arith.mulf %get3A_313, %get3A_325 : vector<16xf32>
      %add3A_328 = arith.addf %mul3A_326, %mul3A_327 : vector<16xf32>
      %mul3A_329 = arith.mulf %get3A_316, %add3A_328 : vector<16xf32>
      %mul3A_330 = arith.mulf %get3A_310, %get3A_325 : vector<16xf32>
      %mul3A_331 = arith.mulf %get3A_313, %get3A_322 : vector<16xf32>
      %sub3A_332 = arith.subf %mul3A_330, %mul3A_331 : vector<16xf32>
      %mul3A_333 = arith.mulf %get3A_319, %sub3A_332 : vector<16xf32>
      %add3A_334 = arith.addf %mul3A_329, %mul3A_333 : vector<16xf32>
      %add3A_335 = arith.addf %add3A_307, %add3A_334 : vector<16xf32>
      %swap3A_336 = arith.constant 1 : i32
      %swap3A_337 = arith.index_cast %swap3A_336 : i32 to index
      %swap3A_338 = arith.constant 0 : index
      %swap3A_339 = tpu.vector_load %arg15[%swap3A_337, %swap3A_338] {strides = array<i32>} : memref<16x16xf32, #tpu.memory_space<vmem>>, vector<16xf32>,
      tpu.vector_store %arg15[%swap3A_337, %swap3A_338], %add3A_335 {strides = array<i32>} : memref<16x16xf32, #tpu.memory_space<vmem>>, vector<16xf32>,
      %add3A_340 = arith.constant 2 : i32
      %add3A_341 = arith.addi %add3A_220, %add3A_340 : i32
      %get3A_342 = arith.index_cast %add3A_341 : i32 to index
      %get3A_343 = arith.constant 0 : index
      %get3A_344 = tpu.vector_load %arg11[%get3A_342, %get3A_343] {strides = array<i32>} : memref<512x64xf32, #tpu.memory_space<vmem>>, vector<16xf32>,
      %get3A_345 = arith.index_cast %add3A_341 : i32 to index
      %get3A_346 = arith.constant 32 : index
      %get3A_347 = tpu.vector_load %arg11[%get3A_345, %get3A_346] {strides = array<i32>} : memref<512x64xf32, #tpu.memory_space<vmem>>, vector<16xf32>,
      %get3A_348 = arith.index_cast %add3A_341 : i32 to index
      %get3A_349 = arith.constant 0 : index
      %get3A_350 = tpu.vector_load %arg12[%get3A_348, %get3A_349] {strides = array<i32>} : memref<512x64xf32, #tpu.memory_space<vmem>>, vector<16xf32>,
      %get3A_351 = arith.index_cast %add3A_341 : i32 to index
      %get3A_352 = arith.constant 32 : index
      %get3A_353 = tpu.vector_load %arg12[%get3A_351, %get3A_352] {strides = array<i32>} : memref<512x64xf32, #tpu.memory_space<vmem>>, vector<16xf32>,
      %get3A_354 = arith.index_cast %add3A_341 : i32 to index
      %get3A_355 = arith.constant 0 : index
      %get3A_356 = tpu.vector_load %arg13[%get3A_354, %get3A_355] {strides = array<i32>} : memref<512x64xf32, #tpu.memory_space<vmem>>, vector<16xf32>,
      %get3A_357 = arith.index_cast %add3A_341 : i32 to index
      %get3A_358 = arith.constant 32 : index
      %get3A_359 = tpu.vector_load %arg13[%get3A_357, %get3A_358] {strides = array<i32>} : memref<512x64xf32, #tpu.memory_space<vmem>>, vector<16xf32>,
      %mul3A_360 = arith.mulf %get3A_344, %get3A_356 : vector<16xf32>
      %mul3A_361 = arith.mulf %get3A_347, %get3A_359 : vector<16xf32>
      %add3A_362 = arith.addf %mul3A_360, %mul3A_361 : vector<16xf32>
      %mul3A_363 = arith.mulf %get3A_350, %add3A_362 : vector<16xf32>
      %mul3A_364 = arith.mulf %get3A_344, %get3A_359 : vector<16xf32>
      %mul3A_365 = arith.mulf %get3A_347, %get3A_356 : vector<16xf32>
      %sub3A_366 = arith.subf %mul3A_364, %mul3A_365 : vector<16xf32>
      %mul3A_367 = arith.mulf %get3A_353, %sub3A_366 : vector<16xf32>
      %add3A_368 = arith.addf %mul3A_363, %mul3A_367 : vector<16xf32>
      %get3A_369 = arith.index_cast %add3A_341 : i32 to index
      %get3A_370 = arith.constant 16 : index
      %get3A_371 = tpu.vector_load %arg11[%get3A_369, %get3A_370] {strides = array<i32>} : memref<512x64xf32, #tpu.memory_space<vmem>>, vector<16xf32>,
      %get3A_372 = arith.index_cast %add3A_341 : i32 to index
      %get3A_373 = arith.constant 48 : index
      %get3A_374 = tpu.vector_load %arg11[%get3A_372, %get3A_373] {strides = array<i32>} : memref<512x64xf32, #tpu.memory_space<vmem>>, vector<16xf32>,
      %get3A_375 = arith.index_cast %add3A_341 : i32 to index
      %get3A_376 = arith.constant 16 : index
      %get3A_377 = tpu.vector_load %arg12[%get3A_375, %get3A_376] {strides = array<i32>} : memref<512x64xf32, #tpu.memory_space<vmem>>, vector<16xf32>,
      %get3A_378 = arith.index_cast %add3A_341 : i32 to index
      %get3A_379 = arith.constant 48 : index
      %get3A_380 = tpu.vector_load %arg12[%get3A_378, %get3A_379] {strides = array<i32>} : memref<512x64xf32, #tpu.memory_space<vmem>>, vector<16xf32>,
      %get3A_381 = arith.index_cast %add3A_341 : i32 to index
      %get3A_382 = arith.constant 16 : index
      %get3A_383 = tpu.vector_load %arg13[%get3A_381, %get3A_382] {strides = array<i32>} : memref<512x64xf32, #tpu.memory_space<vmem>>, vector<16xf32>,
      %get3A_384 = arith.index_cast %add3A_341 : i32 to index
      %get3A_385 = arith.constant 48 : index
      %get3A_386 = tpu.vector_load %arg13[%get3A_384, %get3A_385] {strides = array<i32>} : memref<512x64xf32, #tpu.memory_space<vmem>>, vector<16xf32>,
      %mul3A_387 = arith.mulf %get3A_371, %get3A_383 : vector<16xf32>
      %mul3A_388 = arith.mulf %get3A_374, %get3A_386 : vector<16xf32>
      %add3A_389 = arith.addf %mul3A_387, %mul3A_388 : vector<16xf32>
      %mul3A_390 = arith.mulf %get3A_377, %add3A_389 : vector<16xf32>
      %mul3A_391 = arith.mulf %get3A_371, %get3A_386 : vector<16xf32>
      %mul3A_392 = arith.mulf %get3A_374, %get3A_383 : vector<16xf32>
      %sub3A_393 = arith.subf %mul3A_391, %mul3A_392 : vector<16xf32>
      %mul3A_394 = arith.mulf %get3A_380, %sub3A_393 : vector<16xf32>
      %add3A_395 = arith.addf %mul3A_390, %mul3A_394 : vector<16xf32>
      %add3A_396 = arith.addf %add3A_368, %add3A_395 : vector<16xf32>
      %swap3A_397 = arith.constant 2 : i32
      %swap3A_398 = arith.index_cast %swap3A_397 : i32 to index
      %swap3A_399 = arith.constant 0 : index
      %swap3A_400 = tpu.vector_load %arg15[%swap3A_398, %swap3A_399] {strides = array<i32>} : memref<16x16xf32, #tpu.memory_space<vmem>>, vector<16xf32>,
      tpu.vector_store %arg15[%swap3A_398, %swap3A_399], %add3A_396 {strides = array<i32>} : memref<16x16xf32, #tpu.memory_space<vmem>>, vector<16xf32>,
      %add3A_401 = arith.constant 3 : i32
      %add3A_402 = arith.addi %add3A_220, %add3A_401 : i32
      %get3A_403 = arith.index_cast %add3A_402 : i32 to index
      %get3A_404 = arith.constant 0 : index
      %get3A_405 = tpu.vector_load %arg11[%get3A_403, %get3A_404] {strides = array<i32>} : memref<512x64xf32, #tpu.memory_space<vmem>>, vector<16xf32>,
      %get3A_406 = arith.index_cast %add3A_402 : i32 to index
      %get3A_407 = arith.constant 32 : index
      %get3A_408 = tpu.vector_load %arg11[%get3A_406, %get3A_407] {strides = array<i32>} : memref<512x64xf32, #tpu.memory_space<vmem>>, vector<16xf32>,
      %get3A_409 = arith.index_cast %add3A_402 : i32 to index
      %get3A_410 = arith.constant 0 : index
      %get3A_411 = tpu.vector_load %arg12[%get3A_409, %get3A_410] {strides = array<i32>} : memref<512x64xf32, #tpu.memory_space<vmem>>, vector<16xf32>,
      %get3A_412 = arith.index_cast %add3A_402 : i32 to index
      %get3A_413 = arith.constant 32 : index
      %get3A_414 = tpu.vector_load %arg12[%get3A_412, %get3A_413] {strides = array<i32>} : memref<512x64xf32, #tpu.memory_space<vmem>>, vector<16xf32>,
      %get3A_415 = arith.index_cast %add3A_402 : i32 to index
      %get3A_416 = arith.constant 0 : index
      %get3A_417 = tpu.vector_load %arg13[%get3A_415, %get3A_416] {strides = array<i32>} : memref<512x64xf32, #tpu.memory_space<vmem>>, vector<16xf32>,
      %get3A_418 = arith.index_cast %add3A_402 : i32 to index
      %get3A_419 = arith.constant 32 : index
      %get3A_420 = tpu.vector_load %arg13[%get3A_418, %get3A_419] {strides = array<i32>} : memref<512x64xf32, #tpu.memory_space<vmem>>, vector<16xf32>,
      %mul3A_421 = arith.mulf %get3A_405, %get3A_417 : vector<16xf32>
      %mul3A_422 = arith.mulf %get3A_408, %get3A_420 : vector<16xf32>
      %add3A_423 = arith.addf %mul3A_421, %mul3A_422 : vector<16xf32>
      %mul3A_424 = arith.mulf %get3A_411, %add3A_423 : vector<16xf32>
      %mul3A_425 = arith.mulf %get3A_405, %get3A_420 : vector<16xf32>
      %mul3A_426 = arith.mulf %get3A_408, %get3A_417 : vector<16xf32>
      %sub3A_427 = arith.subf %mul3A_425, %mul3A_426 : vector<16xf32>
      %mul3A_428 = arith.mulf %get3A_414, %sub3A_427 : vector<16xf32>
      %add3A_429 = arith.addf %mul3A_424, %mul3A_428 : vector<16xf32>
      %get3A_430 = arith.index_cast %add3A_402 : i32 to index
      %get3A_431 = arith.constant 16 : index
      %get3A_432 = tpu.vector_load %arg11[%get3A_430, %get3A_431] {strides = array<i32>} : memref<512x64xf32, #tpu.memory_space<vmem>>, vector<16xf32>,
      %get3A_433 = arith.index_cast %add3A_402 : i32 to index
      %get3A_434 = arith.constant 48 : index
      %get3A_435 = tpu.vector_load %arg11[%get3A_433, %get3A_434] {strides = array<i32>} : memref<512x64xf32, #tpu.memory_space<vmem>>, vector<16xf32>,
      %get3A_436 = arith.index_cast %add3A_402 : i32 to index
      %get3A_437 = arith.constant 16 : index
      %get3A_438 = tpu.vector_load %arg12[%get3A_436, %get3A_437] {strides = array<i32>} : memref<512x64xf32, #tpu.memory_space<vmem>>, vector<16xf32>,
      %get3A_439 = arith.index_cast %add3A_402 : i32 to index
      %get3A_440 = arith.constant 48 : index
      %get3A_441 = tpu.vector_load %arg12[%get3A_439, %get3A_440] {strides = array<i32>} : memref<512x64xf32, #tpu.memory_space<vmem>>, vector<16xf32>,
      %get3A_442 = arith.index_cast %add3A_402 : i32 to index
      %get3A_443 = arith.constant 16 : index
      %get3A_444 = tpu.vector_load %arg13[%get3A_442, %get3A_443] {strides = array<i32>} : memref<512x64xf32, #tpu.memory_space<vmem>>, vector<16xf32>,
      %get3A_445 = arith.index_cast %add3A_402 : i32 to index
      %get3A_446 = arith.constant 48 : index
      %get3A_447 = tpu.vector_load %arg13[%get3A_445, %get3A_446] {strides = array<i32>} : memref<512x64xf32, #tpu.memory_space<vmem>>, vector<16xf32>,
      %mul3A_448 = arith.mulf %get3A_432, %get3A_444 : vector<16xf32>
      %mul3A_449 = arith.mulf %get3A_435, %get3A_447 : vector<16xf32>
      %add3A_450 = arith.addf %mul3A_448, %mul3A_449 : vector<16xf32>
      %mul3A_451 = arith.mulf %get3A_438, %add3A_450 : vector<16xf32>
      %mul3A_452 = arith.mulf %get3A_432, %get3A_447 : vector<16xf32>
      %mul3A_453 = arith.mulf %get3A_435, %get3A_444 : vector<16xf32>
      %sub3A_454 = arith.subf %mul3A_452, %mul3A_453 : vector<16xf32>
      %mul3A_455 = arith.mulf %get3A_441, %sub3A_454 : vector<16xf32>
      %add3A_456 = arith.addf %mul3A_451, %mul3A_455 : vector<16xf32>
      %add3A_457 = arith.addf %add3A_429, %add3A_456 : vector<16xf32>
      %swap3A_458 = arith.constant 3 : i32
      %swap3A_459 = arith.index_cast %swap3A_458 : i32 to index
      %swap3A_460 = arith.constant 0 : index
      %swap3A_461 = tpu.vector_load %arg15[%swap3A_459, %swap3A_460] {strides = array<i32>} : memref<16x16xf32, #tpu.memory_space<vmem>>, vector<16xf32>,
      tpu.vector_store %arg15[%swap3A_459, %swap3A_460], %add3A_457 {strides = array<i32>} : memref<16x16xf32, #tpu.memory_space<vmem>>, vector<16xf32>,
      %add3A_462 = arith.constant 4 : i32
      %add3A_463 = arith.addi %add3A_220, %add3A_462 : i32
      %get3A_464 = arith.index_cast %add3A_463 : i32 to index
      %get3A_465 = arith.constant 0 : index
      %get3A_466 = tpu.vector_load %arg11[%get3A_464, %get3A_465] {strides = array<i32>} : memref<512x64xf32, #tpu.memory_space<vmem>>, vector<16xf32>,
      %get3A_467 = arith.index_cast %add3A_463 : i32 to index
      %get3A_468 = arith.constant 32 : index
      %get3A_469 = tpu.vector_load %arg11[%get3A_467, %get3A_468] {strides = array<i32>} : memref<512x64xf32, #tpu.memory_space<vmem>>, vector<16xf32>,
      %get3A_470 = arith.index_cast %add3A_463 : i32 to index
      %get3A_471 = arith.constant 0 : index
      %get3A_472 = tpu.vector_load %arg12[%get3A_470, %get3A_471] {strides = array<i32>} : memref<512x64xf32, #tpu.memory_space<vmem>>, vector<16xf32>,
      %get3A_473 = arith.index_cast %add3A_463 : i32 to index
      %get3A_474 = arith.constant 32 : index
      %get3A_475 = tpu.vector_load %arg12[%get3A_473, %get3A_474] {strides = array<i32>} : memref<512x64xf32, #tpu.memory_space<vmem>>, vector<16xf32>,
      %get3A_476 = arith.index_cast %add3A_463 : i32 to index
      %get3A_477 = arith.constant 0 : index
      %get3A_478 = tpu.vector_load %arg13[%get3A_476, %get3A_477] {strides = array<i32>} : memref<512x64xf32, #tpu.memory_space<vmem>>, vector<16xf32>,
      %get3A_479 = arith.index_cast %add3A_463 : i32 to index
      %get3A_480 = arith.constant 32 : index
      %get3A_481 = tpu.vector_load %arg13[%get3A_479, %get3A_480] {strides = array<i32>} : memref<512x64xf32, #tpu.memory_space<vmem>>, vector<16xf32>,
      %mul3A_482 = arith.mulf %get3A_466, %get3A_478 : vector<16xf32>
      %mul3A_483 = arith.mulf %get3A_469, %get3A_481 : vector<16xf32>
      %add3A_484 = arith.addf %mul3A_482, %mul3A_483 : vector<16xf32>
      %mul3A_485 = arith.mulf %get3A_472, %add3A_484 : vector<16xf32>
      %mul3A_486 = arith.mulf %get3A_466, %get3A_481 : vector<16xf32>
      %mul3A_487 = arith.mulf %get3A_469, %get3A_478 : vector<16xf32>
      %sub3A_488 = arith.subf %mul3A_486, %mul3A_487 : vector<16xf32>
      %mul3A_489 = arith.mulf %get3A_475, %sub3A_488 : vector<16xf32>
      %add3A_490 = arith.addf %mul3A_485, %mul3A_489 : vector<16xf32>
      %get3A_491 = arith.index_cast %add3A_463 : i32 to index
      %get3A_492 = arith.constant 16 : index
      %get3A_493 = tpu.vector_load %arg11[%get3A_491, %get3A_492] {strides = array<i32>} : memref<512x64xf32, #tpu.memory_space<vmem>>, vector<16xf32>,
      %get3A_494 = arith.index_cast %add3A_463 : i32 to index
      %get3A_495 = arith.constant 48 : index
      %get3A_496 = tpu.vector_load %arg11[%get3A_494, %get3A_495] {strides = array<i32>} : memref<512x64xf32, #tpu.memory_space<vmem>>, vector<16xf32>,
      %get3A_497 = arith.index_cast %add3A_463 : i32 to index
      %get3A_498 = arith.constant 16 : index
      %get3A_499 = tpu.vector_load %arg12[%get3A_497, %get3A_498] {strides = array<i32>} : memref<512x64xf32, #tpu.memory_space<vmem>>, vector<16xf32>,
      %get3A_500 = arith.index_cast %add3A_463 : i32 to index
      %get3A_501 = arith.constant 48 : index
      %get3A_502 = tpu.vector_load %arg12[%get3A_500, %get3A_501] {strides = array<i32>} : memref<512x64xf32, #tpu.memory_space<vmem>>, vector<16xf32>,
      %get3A_503 = arith.index_cast %add3A_463 : i32 to index
      %get3A_504 = arith.constant 16 : index
      %get3A_505 = tpu.vector_load %arg13[%get3A_503, %get3A_504] {strides = array<i32>} : memref<512x64xf32, #tpu.memory_space<vmem>>, vector<16xf32>,
      %get3A_506 = arith.index_cast %add3A_463 : i32 to index
      %get3A_507 = arith.constant 48 : index
      %get3A_508 = tpu.vector_load %arg13[%get3A_506, %get3A_507] {strides = array<i32>} : memref<512x64xf32, #tpu.memory_space<vmem>>, vector<16xf32>,
      %mul3A_509 = arith.mulf %get3A_493, %get3A_505 : vector<16xf32>
      %mul3A_510 = arith.mulf %get3A_496, %get3A_508 : vector<16xf32>
      %add3A_511 = arith.addf %mul3A_509, %mul3A_510 : vector<16xf32>
      %mul3A_512 = arith.mulf %get3A_499, %add3A_511 : vector<16xf32>
      %mul3A_513 = arith.mulf %get3A_493, %get3A_508 : vector<16xf32>
      %mul3A_514 = arith.mulf %get3A_496, %get3A_505 : vector<16xf32>
      %sub3A_515 = arith.subf %mul3A_513, %mul3A_514 : vector<16xf32>
      %mul3A_516 = arith.mulf %get3A_502, %sub3A_515 : vector<16xf32>
      %add3A_517 = arith.addf %mul3A_512, %mul3A_516 : vector<16xf32>
      %add3A_518 = arith.addf %add3A_490, %add3A_517 : vector<16xf32>
      %swap3A_519 = arith.constant 4 : i32
      %swap3A_520 = arith.index_cast %swap3A_519 : i32 to index
      %swap3A_521 = arith.constant 0 : index
      %swap3A_522 = tpu.vector_load %arg15[%swap3A_520, %swap3A_521] {strides = array<i32>} : memref<16x16xf32, #tpu.memory_space<vmem>>, vector<16xf32>,
      tpu.vector_store %arg15[%swap3A_520, %swap3A_521], %add3A_518 {strides = array<i32>} : memref<16x16xf32, #tpu.memory_space<vmem>>, vector<16xf32>,
      %add3A_523 = arith.constant 5 : i32
      %add3A_524 = arith.addi %add3A_220, %add3A_523 : i32
      %get3A_525 = arith.index_cast %add3A_524 : i32 to index
      %get3A_526 = arith.constant 0 : index
      %get3A_527 = tpu.vector_load %arg11[%get3A_525, %get3A_526] {strides = array<i32>} : memref<512x64xf32, #tpu.memory_space<vmem>>, vector<16xf32>,
      %get3A_528 = arith.index_cast %add3A_524 : i32 to index
      %get3A_529 = arith.constant 32 : index
      %get3A_530 = tpu.vector_load %arg11[%get3A_528, %get3A_529] {strides = array<i32>} : memref<512x64xf32, #tpu.memory_space<vmem>>, vector<16xf32>,
      %get3A_531 = arith.index_cast %add3A_524 : i32 to index
      %get3A_532 = arith.constant 0 : index
      %get3A_533 = tpu.vector_load %arg12[%get3A_531, %get3A_532] {strides = array<i32>} : memref<512x64xf32, #tpu.memory_space<vmem>>, vector<16xf32>,
      %get3A_534 = arith.index_cast %add3A_524 : i32 to index
      %get3A_535 = arith.constant 32 : index
      %get3A_536 = tpu.vector_load %arg12[%get3A_534, %get3A_535] {strides = array<i32>} : memref<512x64xf32, #tpu.memory_space<vmem>>, vector<16xf32>,
      %get3A_537 = arith.index_cast %add3A_524 : i32 to index
      %get3A_538 = arith.constant 0 : index
      %get3A_539 = tpu.vector_load %arg13[%get3A_537, %get3A_538] {strides = array<i32>} : memref<512x64xf32, #tpu.memory_space<vmem>>, vector<16xf32>,
      %get3A_540 = arith.index_cast %add3A_524 : i32 to index
      %get3A_541 = arith.constant 32 : index
      %get3A_542 = tpu.vector_load %arg13[%get3A_540, %get3A_541] {strides = array<i32>} : memref<512x64xf32, #tpu.memory_space<vmem>>, vector<16xf32>,
      %mul3A_543 = arith.mulf %get3A_527, %get3A_539 : vector<16xf32>
      %mul3A_544 = arith.mulf %get3A_530, %get3A_542 : vector<16xf32>
      %add3A_545 = arith.addf %mul3A_543, %mul3A_544 : vector<16xf32>
      %mul3A_546 = arith.mulf %get3A_533, %add3A_545 : vector<16xf32>
      %mul3A_547 = arith.mulf %get3A_527, %get3A_542 : vector<16xf32>
      %mul3A_548 = arith.mulf %get3A_530, %get3A_539 : vector<16xf32>
      %sub3A_549 = arith.subf %mul3A_547, %mul3A_548 : vector<16xf32>
      %mul3A_550 = arith.mulf %get3A_536, %sub3A_549 : vector<16xf32>
      %add3A_551 = arith.addf %mul3A_546, %mul3A_550 : vector<16xf32>
      %get3A_552 = arith.index_cast %add3A_524 : i32 to index
      %get3A_553 = arith.constant 16 : index
      %get3A_554 = tpu.vector_load %arg11[%get3A_552, %get3A_553] {strides = array<i32>} : memref<512x64xf32, #tpu.memory_space<vmem>>, vector<16xf32>,
      %get3A_555 = arith.index_cast %add3A_524 : i32 to index
      %get3A_556 = arith.constant 48 : index
      %get3A_557 = tpu.vector_load %arg11[%get3A_555, %get3A_556] {strides = array<i32>} : memref<512x64xf32, #tpu.memory_space<vmem>>, vector<16xf32>,
      %get3A_558 = arith.index_cast %add3A_524 : i32 to index
      %get3A_559 = arith.constant 16 : index
      %get3A_560 = tpu.vector_load %arg12[%get3A_558, %get3A_559] {strides = array<i32>} : memref<512x64xf32, #tpu.memory_space<vmem>>, vector<16xf32>,
      %get3A_561 = arith.index_cast %add3A_524 : i32 to index
      %get3A_562 = arith.constant 48 : index
      %get3A_563 = tpu.vector_load %arg12[%get3A_561, %get3A_562] {strides = array<i32>} : memref<512x64xf32, #tpu.memory_space<vmem>>, vector<16xf32>,
      %get3A_564 = arith.index_cast %add3A_524 : i32 to index
      %get3A_565 = arith.constant 16 : index
      %get3A_566 = tpu.vector_load %arg13[%get3A_564, %get3A_565] {strides = array<i32>} : memref<512x64xf32, #tpu.memory_space<vmem>>, vector<16xf32>,
      %get3A_567 = arith.index_cast %add3A_524 : i32 to index
      %get3A_568 = arith.constant 48 : index
      %get3A_569 = tpu.vector_load %arg13[%get3A_567, %get3A_568] {strides = array<i32>} : memref<512x64xf32, #tpu.memory_space<vmem>>, vector<16xf32>,
      %mul3A_570 = arith.mulf %get3A_554, %get3A_566 : vector<16xf32>
      %mul3A_571 = arith.mulf %get3A_557, %get3A_569 : vector<16xf32>
      %add3A_572 = arith.addf %mul3A_570, %mul3A_571 : vector<16xf32>
      %mul3A_573 = arith.mulf %get3A_560, %add3A_572 : vector<16xf32>
      %mul3A_574 = arith.mulf %get3A_554, %get3A_569 : vector<16xf32>
      %mul3A_575 = arith.mulf %get3A_557, %get3A_566 : vector<16xf32>
      %sub3A_576 = arith.subf %mul3A_574, %mul3A_575 : vector<16xf32>
      %mul3A_577 = arith.mulf %get3A_563, %sub3A_576 : vector<16xf32>
      %add3A_578 = arith.addf %mul3A_573, %mul3A_577 : vector<16xf32>
      %add3A_579 = arith.addf %add3A_551, %add3A_578 : vector<16xf32>
      %swap3A_580 = arith.constant 5 : i32
      %swap3A_581 = arith.index_cast %swap3A_580 : i32 to index
      %swap3A_582 = arith.constant 0 : index
      %swap3A_583 = tpu.vector_load %arg15[%swap3A_581, %swap3A_582] {strides = array<i32>} : memref<16x16xf32, #tpu.memory_space<vmem>>, vector<16xf32>,
      tpu.vector_store %arg15[%swap3A_581, %swap3A_582], %add3A_579 {strides = array<i32>} : memref<16x16xf32, #tpu.memory_space<vmem>>, vector<16xf32>,
      %add3A_584 = arith.constant 6 : i32
      %add3A_585 = arith.addi %add3A_220, %add3A_584 : i32
      %get3A_586 = arith.index_cast %add3A_585 : i32 to index
      %get3A_587 = arith.constant 0 : index
      %get3A_588 = tpu.vector_load %arg11[%get3A_586, %get3A_587] {strides = array<i32>} : memref<512x64xf32, #tpu.memory_space<vmem>>, vector<16xf32>,
      %get3A_589 = arith.index_cast %add3A_585 : i32 to index
      %get3A_590 = arith.constant 32 : index
      %get3A_591 = tpu.vector_load %arg11[%get3A_589, %get3A_590] {strides = array<i32>} : memref<512x64xf32, #tpu.memory_space<vmem>>, vector<16xf32>,
      %get3A_592 = arith.index_cast %add3A_585 : i32 to index
      %get3A_593 = arith.constant 0 : index
      %get3A_594 = tpu.vector_load %arg12[%get3A_592, %get3A_593] {strides = array<i32>} : memref<512x64xf32, #tpu.memory_space<vmem>>, vector<16xf32>,
      %get3A_595 = arith.index_cast %add3A_585 : i32 to index
      %get3A_596 = arith.constant 32 : index
      %get3A_597 = tpu.vector_load %arg12[%get3A_595, %get3A_596] {strides = array<i32>} : memref<512x64xf32, #tpu.memory_space<vmem>>, vector<16xf32>,
      %get3A_598 = arith.index_cast %add3A_585 : i32 to index
      %get3A_599 = arith.constant 0 : index
      %get3A_600 = tpu.vector_load %arg13[%get3A_598, %get3A_599] {strides = array<i32>} : memref<512x64xf32, #tpu.memory_space<vmem>>, vector<16xf32>,
      %get3A_601 = arith.index_cast %add3A_585 : i32 to index
      %get3A_602 = arith.constant 32 : index
      %get3A_603 = tpu.vector_load %arg13[%get3A_601, %get3A_602] {strides = array<i32>} : memref<512x64xf32, #tpu.memory_space<vmem>>, vector<16xf32>,
      %mul3A_604 = arith.mulf %get3A_588, %get3A_600 : vector<16xf32>
      %mul3A_605 = arith.mulf %get3A_591, %get3A_603 : vector<16xf32>
      %add3A_606 = arith.addf %mul3A_604, %mul3A_605 : vector<16xf32>
      %mul3A_607 = arith.mulf %get3A_594, %add3A_606 : vector<16xf32>
      %mul3A_608 = arith.mulf %get3A_588, %get3A_603 : vector<16xf32>
      %mul3A_609 = arith.mulf %get3A_591, %get3A_600 : vector<16xf32>
      %sub3A_610 = arith.subf %mul3A_608, %mul3A_609 : vector<16xf32>
      %mul3A_611 = arith.mulf %get3A_597, %sub3A_610 : vector<16xf32>
      %add3A_612 = arith.addf %mul3A_607, %mul3A_611 : vector<16xf32>
      %get3A_613 = arith.index_cast %add3A_585 : i32 to index
      %get3A_614 = arith.constant 16 : index
      %get3A_615 = tpu.vector_load %arg11[%get3A_613, %get3A_614] {strides = array<i32>} : memref<512x64xf32, #tpu.memory_space<vmem>>, vector<16xf32>,
      %get3A_616 = arith.index_cast %add3A_585 : i32 to index
      %get3A_617 = arith.constant 48 : index
      %get3A_618 = tpu.vector_load %arg11[%get3A_616, %get3A_617] {strides = array<i32>} : memref<512x64xf32, #tpu.memory_space<vmem>>, vector<16xf32>,
      %get3A_619 = arith.index_cast %add3A_585 : i32 to index
      %get3A_620 = arith.constant 16 : index
      %get3A_621 = tpu.vector_load %arg12[%get3A_619, %get3A_620] {strides = array<i32>} : memref<512x64xf32, #tpu.memory_space<vmem>>, vector<16xf32>,
      %get3A_622 = arith.index_cast %add3A_585 : i32 to index
      %get3A_623 = arith.constant 48 : index
      %get3A_624 = tpu.vector_load %arg12[%get3A_622, %get3A_623] {strides = array<i32>} : memref<512x64xf32, #tpu.memory_space<vmem>>, vector<16xf32>,
      %get3A_625 = arith.index_cast %add3A_585 : i32 to index
      %get3A_626 = arith.constant 16 : index
      %get3A_627 = tpu.vector_load %arg13[%get3A_625, %get3A_626] {strides = array<i32>} : memref<512x64xf32, #tpu.memory_space<vmem>>, vector<16xf32>,
      %get3A_628 = arith.index_cast %add3A_585 : i32 to index
      %get3A_629 = arith.constant 48 : index
      %get3A_630 = tpu.vector_load %arg13[%get3A_628, %get3A_629] {strides = array<i32>} : memref<512x64xf32, #tpu.memory_space<vmem>>, vector<16xf32>,
      %mul3A_631 = arith.mulf %get3A_615, %get3A_627 : vector<16xf32>
      %mul3A_632 = arith.mulf %get3A_618, %get3A_630 : vector<16xf32>
      %add3A_633 = arith.addf %mul3A_631, %mul3A_632 : vector<16xf32>
      %mul3A_634 = arith.mulf %get3A_621, %add3A_633 : vector<16xf32>
      %mul3A_635 = arith.mulf %get3A_615, %get3A_630 : vector<16xf32>
      %mul3A_636 = arith.mulf %get3A_618, %get3A_627 : vector<16xf32>
      %sub3A_637 = arith.subf %mul3A_635, %mul3A_636 : vector<16xf32>
      %mul3A_638 = arith.mulf %get3A_624, %sub3A_637 : vector<16xf32>
      %add3A_639 = arith.addf %mul3A_634, %mul3A_638 : vector<16xf32>
      %add3A_640 = arith.addf %add3A_612, %add3A_639 : vector<16xf32>
      %swap3A_641 = arith.constant 6 : i32
      %swap3A_642 = arith.index_cast %swap3A_641 : i32 to index
      %swap3A_643 = arith.constant 0 : index
      %swap3A_644 = tpu.vector_load %arg15[%swap3A_642, %swap3A_643] {strides = array<i32>} : memref<16x16xf32, #tpu.memory_space<vmem>>, vector<16xf32>,
      tpu.vector_store %arg15[%swap3A_642, %swap3A_643], %add3A_640 {strides = array<i32>} : memref<16x16xf32, #tpu.memory_space<vmem>>, vector<16xf32>,
      %add3A_645 = arith.constant 7 : i32
      %add3A_646 = arith.addi %add3A_220, %add3A_645 : i32
      %get3A_647 = arith.index_cast %add3A_646 : i32 to index
      %get3A_648 = arith.constant 0 : index
      %get3A_649 = tpu.vector_load %arg11[%get3A_647, %get3A_648] {strides = array<i32>} : memref<512x64xf32, #tpu.memory_space<vmem>>, vector<16xf32>,
      %get3A_650 = arith.index_cast %add3A_646 : i32 to index
      %get3A_651 = arith.constant 32 : index
      %get3A_652 = tpu.vector_load %arg11[%get3A_650, %get3A_651] {strides = array<i32>} : memref<512x64xf32, #tpu.memory_space<vmem>>, vector<16xf32>,
      %get3A_653 = arith.index_cast %add3A_646 : i32 to index
      %get3A_654 = arith.constant 0 : index
      %get3A_655 = tpu.vector_load %arg12[%get3A_653, %get3A_654] {strides = array<i32>} : memref<512x64xf32, #tpu.memory_space<vmem>>, vector<16xf32>,
      %get3A_656 = arith.index_cast %add3A_646 : i32 to index
      %get3A_657 = arith.constant 32 : index
      %get3A_658 = tpu.vector_load %arg12[%get3A_656, %get3A_657] {strides = array<i32>} : memref<512x64xf32, #tpu.memory_space<vmem>>, vector<16xf32>,
      %get3A_659 = arith.index_cast %add3A_646 : i32 to index
      %get3A_660 = arith.constant 0 : index
      %get3A_661 = tpu.vector_load %arg13[%get3A_659, %get3A_660] {strides = array<i32>} : memref<512x64xf32, #tpu.memory_space<vmem>>, vector<16xf32>,
      %get3A_662 = arith.index_cast %add3A_646 : i32 to index
      %get3A_663 = arith.constant 32 : index
      %get3A_664 = tpu.vector_load %arg13[%get3A_662, %get3A_663] {strides = array<i32>} : memref<512x64xf32, #tpu.memory_space<vmem>>, vector<16xf32>,
      %mul3A_665 = arith.mulf %get3A_649, %get3A_661 : vector<16xf32>
      %mul3A_666 = arith.mulf %get3A_652, %get3A_664 : vector<16xf32>
      %add3A_667 = arith.addf %mul3A_665, %mul3A_666 : vector<16xf32>
      %mul3A_668 = arith.mulf %get3A_655, %add3A_667 : vector<16xf32>
      %mul3A_669 = arith.mulf %get3A_649, %get3A_664 : vector<16xf32>
      %mul3A_670 = arith.mulf %get3A_652, %get3A_661 : vector<16xf32>
      %sub3A_671 = arith.subf %mul3A_669, %mul3A_670 : vector<16xf32>
      %mul3A_672 = arith.mulf %get3A_658, %sub3A_671 : vector<16xf32>
      %add3A_673 = arith.addf %mul3A_668, %mul3A_672 : vector<16xf32>
      %get3A_674 = arith.index_cast %add3A_646 : i32 to index
      %get3A_675 = arith.constant 16 : index
      %get3A_676 = tpu.vector_load %arg11[%get3A_674, %get3A_675] {strides = array<i32>} : memref<512x64xf32, #tpu.memory_space<vmem>>, vector<16xf32>,
      %get3A_677 = arith.index_cast %add3A_646 : i32 to index
      %get3A_678 = arith.constant 48 : index
      %get3A_679 = tpu.vector_load %arg11[%get3A_677, %get3A_678] {strides = array<i32>} : memref<512x64xf32, #tpu.memory_space<vmem>>, vector<16xf32>,
      %get3A_680 = arith.index_cast %add3A_646 : i32 to index
      %get3A_681 = arith.constant 16 : index
      %get3A_682 = tpu.vector_load %arg12[%get3A_680, %get3A_681] {strides = array<i32>} : memref<512x64xf32, #tpu.memory_space<vmem>>, vector<16xf32>,
      %get3A_683 = arith.index_cast %add3A_646 : i32 to index
      %get3A_684 = arith.constant 48 : index
      %get3A_685 = tpu.vector_load %arg12[%get3A_683, %get3A_684] {strides = array<i32>} : memref<512x64xf32, #tpu.memory_space<vmem>>, vector<16xf32>,
      %get3A_686 = arith.index_cast %add3A_646 : i32 to index
      %get3A_687 = arith.constant 16 : index
      %get3A_688 = tpu.vector_load %arg13[%get3A_686, %get3A_687] {strides = array<i32>} : memref<512x64xf32, #tpu.memory_space<vmem>>, vector<16xf32>,
      %get3A_689 = arith.index_cast %add3A_646 : i32 to index
      %get3A_690 = arith.constant 48 : index
      %get3A_691 = tpu.vector_load %arg13[%get3A_689, %get3A_690] {strides = array<i32>} : memref<512x64xf32, #tpu.memory_space<vmem>>, vector<16xf32>,
      %mul3A_692 = arith.mulf %get3A_676, %get3A_688 : vector<16xf32>
      %mul3A_693 = arith.mulf %get3A_679, %get3A_691 : vector<16xf32>
      %add3A_694 = arith.addf %mul3A_692, %mul3A_693 : vector<16xf32>
      %mul3A_695 = arith.mulf %get3A_682, %add3A_694 : vector<16xf32>
      %mul3A_696 = arith.mulf %get3A_676, %get3A_691 : vector<16xf32>
      %mul3A_697 = arith.mulf %get3A_679, %get3A_688 : vector<16xf32>
      %sub3A_698 = arith.subf %mul3A_696, %mul3A_697 : vector<16xf32>
      %mul3A_699 = arith.mulf %get3A_685, %sub3A_698 : vector<16xf32>
      %add3A_700 = arith.addf %mul3A_695, %mul3A_699 : vector<16xf32>
      %add3A_701 = arith.addf %add3A_673, %add3A_700 : vector<16xf32>
      %swap3A_702 = arith.constant 7 : i32
      %swap3A_703 = arith.index_cast %swap3A_702 : i32 to index
      %swap3A_704 = arith.constant 0 : index
      %swap3A_705 = tpu.vector_load %arg15[%swap3A_703, %swap3A_704] {strides = array<i32>} : memref<16x16xf32, #tpu.memory_space<vmem>>, vector<16xf32>,
      tpu.vector_store %arg15[%swap3A_703, %swap3A_704], %add3A_701 {strides = array<i32>} : memref<16x16xf32, #tpu.memory_space<vmem>>, vector<16xf32>,
      %add3A_706 = arith.constant 8 : i32
      %add3A_707 = arith.addi %add3A_220, %add3A_706 : i32
      %get3A_708 = arith.index_cast %add3A_707 : i32 to index
      %get3A_709 = arith.constant 0 : index
      %get3A_710 = tpu.vector_load %arg11[%get3A_708, %get3A_709] {strides = array<i32>} : memref<512x64xf32, #tpu.memory_space<vmem>>, vector<16xf32>,
      %get3A_711 = arith.index_cast %add3A_707 : i32 to index
      %get3A_712 = arith.constant 32 : index
      %get3A_713 = tpu.vector_load %arg11[%get3A_711, %get3A_712] {strides = array<i32>} : memref<512x64xf32, #tpu.memory_space<vmem>>, vector<16xf32>,
      %get3A_714 = arith.index_cast %add3A_707 : i32 to index
      %get3A_715 = arith.constant 0 : index
      %get3A_716 = tpu.vector_load %arg12[%get3A_714, %get3A_715] {strides = array<i32>} : memref<512x64xf32, #tpu.memory_space<vmem>>, vector<16xf32>,
      %get3A_717 = arith.index_cast %add3A_707 : i32 to index
      %get3A_718 = arith.constant 32 : index
      %get3A_719 = tpu.vector_load %arg12[%get3A_717, %get3A_718] {strides = array<i32>} : memref<512x64xf32, #tpu.memory_space<vmem>>, vector<16xf32>,
      %get3A_720 = arith.index_cast %add3A_707 : i32 to index
      %get3A_721 = arith.constant 0 : index
      %get3A_722 = tpu.vector_load %arg13[%get3A_720, %get3A_721] {strides = array<i32>} : memref<512x64xf32, #tpu.memory_space<vmem>>, vector<16xf32>,
      %get3A_723 = arith.index_cast %add3A_707 : i32 to index
      %get3A_724 = arith.constant 32 : index
      %get3A_725 = tpu.vector_load %arg13[%get3A_723, %get3A_724] {strides = array<i32>} : memref<512x64xf32, #tpu.memory_space<vmem>>, vector<16xf32>,
      %mul3A_726 = arith.mulf %get3A_710, %get3A_722 : vector<16xf32>
      %mul3A_727 = arith.mulf %get3A_713, %get3A_725 : vector<16xf32>
      %add3A_728 = arith.addf %mul3A_726, %mul3A_727 : vector<16xf32>
      %mul3A_729 = arith.mulf %get3A_716, %add3A_728 : vector<16xf32>
      %mul3A_730 = arith.mulf %get3A_710, %get3A_725 : vector<16xf32>
      %mul3A_731 = arith.mulf %get3A_713, %get3A_722 : vector<16xf32>
      %sub3A_732 = arith.subf %mul3A_730, %mul3A_731 : vector<16xf32>
      %mul3A_733 = arith.mulf %get3A_719, %sub3A_732 : vector<16xf32>
      %add3A_734 = arith.addf %mul3A_729, %mul3A_733 : vector<16xf32>
      %get3A_735 = arith.index_cast %add3A_707 : i32 to index
      %get3A_736 = arith.constant 16 : index
      %get3A_737 = tpu.vector_load %arg11[%get3A_735, %get3A_736] {strides = array<i32>} : memref<512x64xf32, #tpu.memory_space<vmem>>, vector<16xf32>,
      %get3A_738 = arith.index_cast %add3A_707 : i32 to index
      %get3A_739 = arith.constant 48 : index
      %get3A_740 = tpu.vector_load %arg11[%get3A_738, %get3A_739] {strides = array<i32>} : memref<512x64xf32, #tpu.memory_space<vmem>>, vector<16xf32>,
      %get3A_741 = arith.index_cast %add3A_707 : i32 to index
      %get3A_742 = arith.constant 16 : index
      %get3A_743 = tpu.vector_load %arg12[%get3A_741, %get3A_742] {strides = array<i32>} : memref<512x64xf32, #tpu.memory_space<vmem>>, vector<16xf32>,
      %get3A_744 = arith.index_cast %add3A_707 : i32 to index
      %get3A_745 = arith.constant 48 : index
      %get3A_746 = tpu.vector_load %arg12[%get3A_744, %get3A_745] {strides = array<i32>} : memref<512x64xf32, #tpu.memory_space<vmem>>, vector<16xf32>,
      %get3A_747 = arith.index_cast %add3A_707 : i32 to index
      %get3A_748 = arith.constant 16 : index
      %get3A_749 = tpu.vector_load %arg13[%get3A_747, %get3A_748] {strides = array<i32>} : memref<512x64xf32, #tpu.memory_space<vmem>>, vector<16xf32>,
      %get3A_750 = arith.index_cast %add3A_707 : i32 to index
      %get3A_751 = arith.constant 48 : index
      %get3A_752 = tpu.vector_load %arg13[%get3A_750, %get3A_751] {strides = array<i32>} : memref<512x64xf32, #tpu.memory_space<vmem>>, vector<16xf32>,
      %mul3A_753 = arith.mulf %get3A_737, %get3A_749 : vector<16xf32>
      %mul3A_754 = arith.mulf %get3A_740, %get3A_752 : vector<16xf32>
      %add3A_755 = arith.addf %mul3A_753, %mul3A_754 : vector<16xf32>
      %mul3A_756 = arith.mulf %get3A_743, %add3A_755 : vector<16xf32>
      %mul3A_757 = arith.mulf %get3A_737, %get3A_752 : vector<16xf32>
      %mul3A_758 = arith.mulf %get3A_740, %get3A_749 : vector<16xf32>
      %sub3A_759 = arith.subf %mul3A_757, %mul3A_758 : vector<16xf32>
      %mul3A_760 = arith.mulf %get3A_746, %sub3A_759 : vector<16xf32>
      %add3A_761 = arith.addf %mul3A_756, %mul3A_760 : vector<16xf32>
      %add3A_762 = arith.addf %add3A_734, %add3A_761 : vector<16xf32>
      %swap3A_763 = arith.constant 8 : i32
      %swap3A_764 = arith.index_cast %swap3A_763 : i32 to index
      %swap3A_765 = arith.constant 0 : index
      %swap3A_766 = tpu.vector_load %arg15[%swap3A_764, %swap3A_765] {strides = array<i32>} : memref<16x16xf32, #tpu.memory_space<vmem>>, vector<16xf32>,
      tpu.vector_store %arg15[%swap3A_764, %swap3A_765], %add3A_762 {strides = array<i32>} : memref<16x16xf32, #tpu.memory_space<vmem>>, vector<16xf32>,
      %add3A_767 = arith.constant 9 : i32
      %add3A_768 = arith.addi %add3A_220, %add3A_767 : i32
      %get3A_769 = arith.index_cast %add3A_768 : i32 to index
      %get3A_770 = arith.constant 0 : index
      %get3A_771 = tpu.vector_load %arg11[%get3A_769, %get3A_770] {strides = array<i32>} : memref<512x64xf32, #tpu.memory_space<vmem>>, vector<16xf32>,
      %get3A_772 = arith.index_cast %add3A_768 : i32 to index
      %get3A_773 = arith.constant 32 : index
      %get3A_774 = tpu.vector_load %arg11[%get3A_772, %get3A_773] {strides = array<i32>} : memref<512x64xf32, #tpu.memory_space<vmem>>, vector<16xf32>,
      %get3A_775 = arith.index_cast %add3A_768 : i32 to index
      %get3A_776 = arith.constant 0 : index
      %get3A_777 = tpu.vector_load %arg12[%get3A_775, %get3A_776] {strides = array<i32>} : memref<512x64xf32, #tpu.memory_space<vmem>>, vector<16xf32>,
      %get3A_778 = arith.index_cast %add3A_768 : i32 to index
      %get3A_779 = arith.constant 32 : index
      %get3A_780 = tpu.vector_load %arg12[%get3A_778, %get3A_779] {strides = array<i32>} : memref<512x64xf32, #tpu.memory_space<vmem>>, vector<16xf32>,
      %get3A_781 = arith.index_cast %add3A_768 : i32 to index
      %get3A_782 = arith.constant 0 : index
      %get3A_783 = tpu.vector_load %arg13[%get3A_781, %get3A_782] {strides = array<i32>} : memref<512x64xf32, #tpu.memory_space<vmem>>, vector<16xf32>,
      %get3A_784 = arith.index_cast %add3A_768 : i32 to index
      %get3A_785 = arith.constant 32 : index
      %get3A_786 = tpu.vector_load %arg13[%get3A_784, %get3A_785] {strides = array<i32>} : memref<512x64xf32, #tpu.memory_space<vmem>>, vector<16xf32>,
      %mul3A_787 = arith.mulf %get3A_771, %get3A_783 : vector<16xf32>
      %mul3A_788 = arith.mulf %get3A_774, %get3A_786 : vector<16xf32>
      %add3A_789 = arith.addf %mul3A_787, %mul3A_788 : vector<16xf32>
      %mul3A_790 = arith.mulf %get3A_777, %add3A_789 : vector<16xf32>
      %mul3A_791 = arith.mulf %get3A_771, %get3A_786 : vector<16xf32>
      %mul3A_792 = arith.mulf %get3A_774, %get3A_783 : vector<16xf32>
      %sub3A_793 = arith.subf %mul3A_791, %mul3A_792 : vector<16xf32>
      %mul3A_794 = arith.mulf %get3A_780, %sub3A_793 : vector<16xf32>
      %add3A_795 = arith.addf %mul3A_790, %mul3A_794 : vector<16xf32>
      %get3A_796 = arith.index_cast %add3A_768 : i32 to index
      %get3A_797 = arith.constant 16 : index
      %get3A_798 = tpu.vector_load %arg11[%get3A_796, %get3A_797] {strides = array<i32>} : memref<512x64xf32, #tpu.memory_space<vmem>>, vector<16xf32>,
      %get3A_799 = arith.index_cast %add3A_768 : i32 to index
      %get3A_800 = arith.constant 48 : index
      %get3A_801 = tpu.vector_load %arg11[%get3A_799, %get3A_800] {strides = array<i32>} : memref<512x64xf32, #tpu.memory_space<vmem>>, vector<16xf32>,
      %get3A_802 = arith.index_cast %add3A_768 : i32 to index
      %get3A_803 = arith.constant 16 : index
      %get3A_804 = tpu.vector_load %arg12[%get3A_802, %get3A_803] {strides = array<i32>} : memref<512x64xf32, #tpu.memory_space<vmem>>, vector<16xf32>,
      %get3A_805 = arith.index_cast %add3A_768 : i32 to index
      %get3A_806 = arith.constant 48 : index
      %get3A_807 = tpu.vector_load %arg12[%get3A_805, %get3A_806] {strides = array<i32>} : memref<512x64xf32, #tpu.memory_space<vmem>>, vector<16xf32>,
      %get3A_808 = arith.index_cast %add3A_768 : i32 to index
      %get3A_809 = arith.constant 16 : index
      %get3A_810 = tpu.vector_load %arg13[%get3A_808, %get3A_809] {strides = array<i32>} : memref<512x64xf32, #tpu.memory_space<vmem>>, vector<16xf32>,
      %get3A_811 = arith.index_cast %add3A_768 : i32 to index
      %get3A_812 = arith.constant 48 : index
      %get3A_813 = tpu.vector_load %arg13[%get3A_811, %get3A_812] {strides = array<i32>} : memref<512x64xf32, #tpu.memory_space<vmem>>, vector<16xf32>,
      %mul3A_814 = arith.mulf %get3A_798, %get3A_810 : vector<16xf32>
      %mul3A_815 = arith.mulf %get3A_801, %get3A_813 : vector<16xf32>
      %add3A_816 = arith.addf %mul3A_814, %mul3A_815 : vector<16xf32>
      %mul3A_817 = arith.mulf %get3A_804, %add3A_816 : vector<16xf32>
      %mul3A_818 = arith.mulf %get3A_798, %get3A_813 : vector<16xf32>
      %mul3A_819 = arith.mulf %get3A_801, %get3A_810 : vector<16xf32>
      %sub3A_820 = arith.subf %mul3A_818, %mul3A_819 : vector<16xf32>
      %mul3A_821 = arith.mulf %get3A_807, %sub3A_820 : vector<16xf32>
      %add3A_822 = arith.addf %mul3A_817, %mul3A_821 : vector<16xf32>
      %add3A_823 = arith.addf %add3A_795, %add3A_822 : vector<16xf32>
      %swap3A_824 = arith.constant 9 : i32
      %swap3A_825 = arith.index_cast %swap3A_824 : i32 to index
      %swap3A_826 = arith.constant 0 : index
      %swap3A_827 = tpu.vector_load %arg15[%swap3A_825, %swap3A_826] {strides = array<i32>} : memref<16x16xf32, #tpu.memory_space<vmem>>, vector<16xf32>,
      tpu.vector_store %arg15[%swap3A_825, %swap3A_826], %add3A_823 {strides = array<i32>} : memref<16x16xf32, #tpu.memory_space<vmem>>, vector<16xf32>,
      %add3A_828 = arith.constant 10 : i32
      %add3A_829 = arith.addi %add3A_220, %add3A_828 : i32
      %get3A_830 = arith.index_cast %add3A_829 : i32 to index
      %get3A_831 = arith.constant 0 : index
      %get3A_832 = tpu.vector_load %arg11[%get3A_830, %get3A_831] {strides = array<i32>} : memref<512x64xf32, #tpu.memory_space<vmem>>, vector<16xf32>,
      %get3A_833 = arith.index_cast %add3A_829 : i32 to index
      %get3A_834 = arith.constant 32 : index
      %get3A_835 = tpu.vector_load %arg11[%get3A_833, %get3A_834] {strides = array<i32>} : memref<512x64xf32, #tpu.memory_space<vmem>>, vector<16xf32>,
      %get3A_836 = arith.index_cast %add3A_829 : i32 to index
      %get3A_837 = arith.constant 0 : index
      %get3A_838 = tpu.vector_load %arg12[%get3A_836, %get3A_837] {strides = array<i32>} : memref<512x64xf32, #tpu.memory_space<vmem>>, vector<16xf32>,
      %get3A_839 = arith.index_cast %add3A_829 : i32 to index
      %get3A_840 = arith.constant 32 : index
      %get3A_841 = tpu.vector_load %arg12[%get3A_839, %get3A_840] {strides = array<i32>} : memref<512x64xf32, #tpu.memory_space<vmem>>, vector<16xf32>,
      %get3A_842 = arith.index_cast %add3A_829 : i32 to index
      %get3A_843 = arith.constant 0 : index
      %get3A_844 = tpu.vector_load %arg13[%get3A_842, %get3A_843] {strides = array<i32>} : memref<512x64xf32, #tpu.memory_space<vmem>>, vector<16xf32>,
      %get3A_845 = arith.index_cast %add3A_829 : i32 to index
      %get3A_846 = arith.constant 32 : index
      %get3A_847 = tpu.vector_load %arg13[%get3A_845, %get3A_846] {strides = array<i32>} : memref<512x64xf32, #tpu.memory_space<vmem>>, vector<16xf32>,
      %mul3A_848 = arith.mulf %get3A_832, %get3A_844 : vector<16xf32>
      %mul3A_849 = arith.mulf %get3A_835, %get3A_847 : vector<16xf32>
      %add3A_850 = arith.addf %mul3A_848, %mul3A_849 : vector<16xf32>
      %mul3A_851 = arith.mulf %get3A_838, %add3A_850 : vector<16xf32>
      %mul3A_852 = arith.mulf %get3A_832, %get3A_847 : vector<16xf32>
      %mul3A_853 = arith.mulf %get3A_835, %get3A_844 : vector<16xf32>
      %sub3A_854 = arith.subf %mul3A_852, %mul3A_853 : vector<16xf32>
      %mul3A_855 = arith.mulf %get3A_841, %sub3A_854 : vector<16xf32>
      %add3A_856 = arith.addf %mul3A_851, %mul3A_855 : vector<16xf32>
      %get3A_857 = arith.index_cast %add3A_829 : i32 to index
      %get3A_858 = arith.constant 16 : index
      %get3A_859 = tpu.vector_load %arg11[%get3A_857, %get3A_858] {strides = array<i32>} : memref<512x64xf32, #tpu.memory_space<vmem>>, vector<16xf32>,
      %get3A_860 = arith.index_cast %add3A_829 : i32 to index
      %get3A_861 = arith.constant 48 : index
      %get3A_862 = tpu.vector_load %arg11[%get3A_860, %get3A_861] {strides = array<i32>} : memref<512x64xf32, #tpu.memory_space<vmem>>, vector<16xf32>,
      %get3A_863 = arith.index_cast %add3A_829 : i32 to index
      %get3A_864 = arith.constant 16 : index
      %get3A_865 = tpu.vector_load %arg12[%get3A_863, %get3A_864] {strides = array<i32>} : memref<512x64xf32, #tpu.memory_space<vmem>>, vector<16xf32>,
      %get3A_866 = arith.index_cast %add3A_829 : i32 to index
      %get3A_867 = arith.constant 48 : index
      %get3A_868 = tpu.vector_load %arg12[%get3A_866, %get3A_867] {strides = array<i32>} : memref<512x64xf32, #tpu.memory_space<vmem>>, vector<16xf32>,
      %get3A_869 = arith.index_cast %add3A_829 : i32 to index
      %get3A_870 = arith.constant 16 : index
      %get3A_871 = tpu.vector_load %arg13[%get3A_869, %get3A_870] {strides = array<i32>} : memref<512x64xf32, #tpu.memory_space<vmem>>, vector<16xf32>,
      %get3A_872 = arith.index_cast %add3A_829 : i32 to index
      %get3A_873 = arith.constant 48 : index
      %get3A_874 = tpu.vector_load %arg13[%get3A_872, %get3A_873] {strides = array<i32>} : memref<512x64xf32, #tpu.memory_space<vmem>>, vector<16xf32>,
      %mul3A_875 = arith.mulf %get3A_859, %get3A_871 : vector<16xf32>
      %mul3A_876 = arith.mulf %get3A_862, %get3A_874 : vector<16xf32>
      %add3A_877 = arith.addf %mul3A_875, %mul3A_876 : vector<16xf32>
      %mul3A_878 = arith.mulf %get3A_865, %add3A_877 : vector<16xf32>
      %mul3A_879 = arith.mulf %get3A_859, %get3A_874 : vector<16xf32>
      %mul3A_880 = arith.mulf %get3A_862, %get3A_871 : vector<16xf32>
      %sub3A_881 = arith.subf %mul3A_879, %mul3A_880 : vector<16xf32>
      %mul3A_882 = arith.mulf %get3A_868, %sub3A_881 : vector<16xf32>
      %add3A_883 = arith.addf %mul3A_878, %mul3A_882 : vector<16xf32>
      %add3A_884 = arith.addf %add3A_856, %add3A_883 : vector<16xf32>
      %swap3A_885 = arith.constant 10 : i32
      %swap3A_886 = arith.index_cast %swap3A_885 : i32 to index
      %swap3A_887 = arith.constant 0 : index
      %swap3A_888 = tpu.vector_load %arg15[%swap3A_886, %swap3A_887] {strides = array<i32>} : memref<16x16xf32, #tpu.memory_space<vmem>>, vector<16xf32>,
      tpu.vector_store %arg15[%swap3A_886, %swap3A_887], %add3A_884 {strides = array<i32>} : memref<16x16xf32, #tpu.memory_space<vmem>>, vector<16xf32>,
      %add3A_889 = arith.constant 11 : i32
      %add3A_890 = arith.addi %add3A_220, %add3A_889 : i32
      %get3A_891 = arith.index_cast %add3A_890 : i32 to index
      %get3A_892 = arith.constant 0 : index
      %get3A_893 = tpu.vector_load %arg11[%get3A_891, %get3A_892] {strides = array<i32>} : memref<512x64xf32, #tpu.memory_space<vmem>>, vector<16xf32>,
      %get3A_894 = arith.index_cast %add3A_890 : i32 to index
      %get3A_895 = arith.constant 32 : index
      %get3A_896 = tpu.vector_load %arg11[%get3A_894, %get3A_895] {strides = array<i32>} : memref<512x64xf32, #tpu.memory_space<vmem>>, vector<16xf32>,
      %get3A_897 = arith.index_cast %add3A_890 : i32 to index
      %get3A_898 = arith.constant 0 : index
      %get3A_899 = tpu.vector_load %arg12[%get3A_897, %get3A_898] {strides = array<i32>} : memref<512x64xf32, #tpu.memory_space<vmem>>, vector<16xf32>,
      %get3A_900 = arith.index_cast %add3A_890 : i32 to index
      %get3A_901 = arith.constant 32 : index
      %get3A_902 = tpu.vector_load %arg12[%get3A_900, %get3A_901] {strides = array<i32>} : memref<512x64xf32, #tpu.memory_space<vmem>>, vector<16xf32>,
      %get3A_903 = arith.index_cast %add3A_890 : i32 to index
      %get3A_904 = arith.constant 0 : index
      %get3A_905 = tpu.vector_load %arg13[%get3A_903, %get3A_904] {strides = array<i32>} : memref<512x64xf32, #tpu.memory_space<vmem>>, vector<16xf32>,
      %get3A_906 = arith.index_cast %add3A_890 : i32 to index
      %get3A_907 = arith.constant 32 : index
      %get3A_908 = tpu.vector_load %arg13[%get3A_906, %get3A_907] {strides = array<i32>} : memref<512x64xf32, #tpu.memory_space<vmem>>, vector<16xf32>,
      %mul3A_909 = arith.mulf %get3A_893, %get3A_905 : vector<16xf32>
      %mul3A_910 = arith.mulf %get3A_896, %get3A_908 : vector<16xf32>
      %add3A_911 = arith.addf %mul3A_909, %mul3A_910 : vector<16xf32>
      %mul3A_912 = arith.mulf %get3A_899, %add3A_911 : vector<16xf32>
      %mul3A_913 = arith.mulf %get3A_893, %get3A_908 : vector<16xf32>
      %mul3A_914 = arith.mulf %get3A_896, %get3A_905 : vector<16xf32>
      %sub3A_915 = arith.subf %mul3A_913, %mul3A_914 : vector<16xf32>
      %mul3A_916 = arith.mulf %get3A_902, %sub3A_915 : vector<16xf32>
      %add3A_917 = arith.addf %mul3A_912, %mul3A_916 : vector<16xf32>
      %get3A_918 = arith.index_cast %add3A_890 : i32 to index
      %get3A_919 = arith.constant 16 : index
      %get3A_920 = tpu.vector_load %arg11[%get3A_918, %get3A_919] {strides = array<i32>} : memref<512x64xf32, #tpu.memory_space<vmem>>, vector<16xf32>,
      %get3A_921 = arith.index_cast %add3A_890 : i32 to index
      %get3A_922 = arith.constant 48 : index
      %get3A_923 = tpu.vector_load %arg11[%get3A_921, %get3A_922] {strides = array<i32>} : memref<512x64xf32, #tpu.memory_space<vmem>>, vector<16xf32>,
      %get3A_924 = arith.index_cast %add3A_890 : i32 to index
      %get3A_925 = arith.constant 16 : index
      %get3A_926 = tpu.vector_load %arg12[%get3A_924, %get3A_925] {strides = array<i32>} : memref<512x64xf32, #tpu.memory_space<vmem>>, vector<16xf32>,
      %get3A_927 = arith.index_cast %add3A_890 : i32 to index
      %get3A_928 = arith.constant 48 : index
      %get3A_929 = tpu.vector_load %arg12[%get3A_927, %get3A_928] {strides = array<i32>} : memref<512x64xf32, #tpu.memory_space<vmem>>, vector<16xf32>,
      %get3A_930 = arith.index_cast %add3A_890 : i32 to index
      %get3A_931 = arith.constant 16 : index
      %get3A_932 = tpu.vector_load %arg13[%get3A_930, %get3A_931] {strides = array<i32>} : memref<512x64xf32, #tpu.memory_space<vmem>>, vector<16xf32>,
      %get3A_933 = arith.index_cast %add3A_890 : i32 to index
      %get3A_934 = arith.constant 48 : index
      %get3A_935 = tpu.vector_load %arg13[%get3A_933, %get3A_934] {strides = array<i32>} : memref<512x64xf32, #tpu.memory_space<vmem>>, vector<16xf32>,
      %mul3A_936 = arith.mulf %get3A_920, %get3A_932 : vector<16xf32>
      %mul3A_937 = arith.mulf %get3A_923, %get3A_935 : vector<16xf32>
      %add3A_938 = arith.addf %mul3A_936, %mul3A_937 : vector<16xf32>
      %mul3A_939 = arith.mulf %get3A_926, %add3A_938 : vector<16xf32>
      %mul3A_940 = arith.mulf %get3A_920, %get3A_935 : vector<16xf32>
      %mul3A_941 = arith.mulf %get3A_923, %get3A_932 : vector<16xf32>
      %sub3A_942 = arith.subf %mul3A_940, %mul3A_941 : vector<16xf32>
      %mul3A_943 = arith.mulf %get3A_929, %sub3A_942 : vector<16xf32>
      %add3A_944 = arith.addf %mul3A_939, %mul3A_943 : vector<16xf32>
      %add3A_945 = arith.addf %add3A_917, %add3A_944 : vector<16xf32>
      %swap3A_946 = arith.constant 11 : i32
      %swap3A_947 = arith.index_cast %swap3A_946 : i32 to index
      %swap3A_948 = arith.constant 0 : index
      %swap3A_949 = tpu.vector_load %arg15[%swap3A_947, %swap3A_948] {strides = array<i32>} : memref<16x16xf32, #tpu.memory_space<vmem>>, vector<16xf32>,
      tpu.vector_store %arg15[%swap3A_947, %swap3A_948], %add3A_945 {strides = array<i32>} : memref<16x16xf32, #tpu.memory_space<vmem>>, vector<16xf32>,
      %add3A_950 = arith.constant 12 : i32
      %add3A_951 = arith.addi %add3A_220, %add3A_950 : i32
      %get3A_952 = arith.index_cast %add3A_951 : i32 to index
      %get3A_953 = arith.constant 0 : index
      %get3A_954 = tpu.vector_load %arg11[%get3A_952, %get3A_953] {strides = array<i32>} : memref<512x64xf32, #tpu.memory_space<vmem>>, vector<16xf32>,
      %get3A_955 = arith.index_cast %add3A_951 : i32 to index
      %get3A_956 = arith.constant 32 : index
      %get3A_957 = tpu.vector_load %arg11[%get3A_955, %get3A_956] {strides = array<i32>} : memref<512x64xf32, #tpu.memory_space<vmem>>, vector<16xf32>,
      %get3A_958 = arith.index_cast %add3A_951 : i32 to index
      %get3A_959 = arith.constant 0 : index
      %get3A_960 = tpu.vector_load %arg12[%get3A_958, %get3A_959] {strides = array<i32>} : memref<512x64xf32, #tpu.memory_space<vmem>>, vector<16xf32>,
      %get3A_961 = arith.index_cast %add3A_951 : i32 to index
      %get3A_962 = arith.constant 32 : index
      %get3A_963 = tpu.vector_load %arg12[%get3A_961, %get3A_962] {strides = array<i32>} : memref<512x64xf32, #tpu.memory_space<vmem>>, vector<16xf32>,
      %get3A_964 = arith.index_cast %add3A_951 : i32 to index
      %get3A_965 = arith.constant 0 : index
      %get3A_966 = tpu.vector_load %arg13[%get3A_964, %get3A_965] {strides = array<i32>} : memref<512x64xf32, #tpu.memory_space<vmem>>, vector<16xf32>,
      %get3A_967 = arith.index_cast %add3A_951 : i32 to index
      %get3A_968 = arith.constant 32 : index
      %get3A_969 = tpu.vector_load %arg13[%get3A_967, %get3A_968] {strides = array<i32>} : memref<512x64xf32, #tpu.memory_space<vmem>>, vector<16xf32>,
      %mul3A_970 = arith.mulf %get3A_954, %get3A_966 : vector<16xf32>
      %mul3A_971 = arith.mulf %get3A_957, %get3A_969 : vector<16xf32>
      %add3A_972 = arith.addf %mul3A_970, %mul3A_971 : vector<16xf32>
      %mul3A_973 = arith.mulf %get3A_960, %add3A_972 : vector<16xf32>
      %mul3A_974 = arith.mulf %get3A_954, %get3A_969 : vector<16xf32>
      %mul3A_975 = arith.mulf %get3A_957, %get3A_966 : vector<16xf32>
      %sub3A_976 = arith.subf %mul3A_974, %mul3A_975 : vector<16xf32>
      %mul3A_977 = arith.mulf %get3A_963, %sub3A_976 : vector<16xf32>
      %add3A_978 = arith.addf %mul3A_973, %mul3A_977 : vector<16xf32>
      %get3A_979 = arith.index_cast %add3A_951 : i32 to index
      %get3A_980 = arith.constant 16 : index
      %get3A_981 = tpu.vector_load %arg11[%get3A_979, %get3A_980] {strides = array<i32>} : memref<512x64xf32, #tpu.memory_space<vmem>>, vector<16xf32>,
      %get3A_982 = arith.index_cast %add3A_951 : i32 to index
      %get3A_983 = arith.constant 48 : index
      %get3A_984 = tpu.vector_load %arg11[%get3A_982, %get3A_983] {strides = array<i32>} : memref<512x64xf32, #tpu.memory_space<vmem>>, vector<16xf32>,
      %get3A_985 = arith.index_cast %add3A_951 : i32 to index
      %get3A_986 = arith.constant 16 : index
      %get3A_987 = tpu.vector_load %arg12[%get3A_985, %get3A_986] {strides = array<i32>} : memref<512x64xf32, #tpu.memory_space<vmem>>, vector<16xf32>,
      %get3A_988 = arith.index_cast %add3A_951 : i32 to index
      %get3A_989 = arith.constant 48 : index
      %get3A_990 = tpu.vector_load %arg12[%get3A_988, %get3A_989] {strides = array<i32>} : memref<512x64xf32, #tpu.memory_space<vmem>>, vector<16xf32>,
      %get3A_991 = arith.index_cast %add3A_951 : i32 to index
      %get3A_992 = arith.constant 16 : index
      %get3A_993 = tpu.vector_load %arg13[%get3A_991, %get3A_992] {strides = array<i32>} : memref<512x64xf32, #tpu.memory_space<vmem>>, vector<16xf32>,
      %get3A_994 = arith.index_cast %add3A_951 : i32 to index
      %get3A_995 = arith.constant 48 : index
      %get3A_996 = tpu.vector_load %arg13[%get3A_994, %get3A_995] {strides = array<i32>} : memref<512x64xf32, #tpu.memory_space<vmem>>, vector<16xf32>,
      %mul3A_997 = arith.mulf %get3A_981, %get3A_993 : vector<16xf32>
      %mul3A_998 = arith.mulf %get3A_984, %get3A_996 : vector<16xf32>
      %add3A_999 = arith.addf %mul3A_997, %mul3A_998 : vector<16xf32>
      %mul3A_1000 = arith.mulf %get3A_987, %add3A_999 : vector<16xf32>
      %mul3A_1001 = arith.mulf %get3A_981, %get3A_996 : vector<16xf32>
      %mul3A_1002 = arith.mulf %get3A_984, %get3A_993 : vector<16xf32>
      %sub3A_1003 = arith.subf %mul3A_1001, %mul3A_1002 : vector<16xf32>
      %mul3A_1004 = arith.mulf %get3A_990, %sub3A_1003 : vector<16xf32>
      %add3A_1005 = arith.addf %mul3A_1000, %mul3A_1004 : vector<16xf32>
      %add3A_1006 = arith.addf %add3A_978, %add3A_1005 : vector<16xf32>
      %swap3A_1007 = arith.constant 12 : i32
      %swap3A_1008 = arith.index_cast %swap3A_1007 : i32 to index
      %swap3A_1009 = arith.constant 0 : index
      %swap3A_1010 = tpu.vector_load %arg15[%swap3A_1008, %swap3A_1009] {strides = array<i32>} : memref<16x16xf32, #tpu.memory_space<vmem>>, vector<16xf32>,
      tpu.vector_store %arg15[%swap3A_1008, %swap3A_1009], %add3A_1006 {strides = array<i32>} : memref<16x16xf32, #tpu.memory_space<vmem>>, vector<16xf32>,
      %add3A_1011 = arith.constant 13 : i32
      %add3A_1012 = arith.addi %add3A_220, %add3A_1011 : i32
      %get3A_1013 = arith.index_cast %add3A_1012 : i32 to index
      %get3A_1014 = arith.constant 0 : index
      %get3A_1015 = tpu.vector_load %arg11[%get3A_1013, %get3A_1014] {strides = array<i32>} : memref<512x64xf32, #tpu.memory_space<vmem>>, vector<16xf32>,
      %get3A_1016 = arith.index_cast %add3A_1012 : i32 to index
      %get3A_1017 = arith.constant 32 : index
      %get3A_1018 = tpu.vector_load %arg11[%get3A_1016, %get3A_1017] {strides = array<i32>} : memref<512x64xf32, #tpu.memory_space<vmem>>, vector<16xf32>,
      %get3A_1019 = arith.index_cast %add3A_1012 : i32 to index
      %get3A_1020 = arith.constant 0 : index
      %get3A_1021 = tpu.vector_load %arg12[%get3A_1019, %get3A_1020] {strides = array<i32>} : memref<512x64xf32, #tpu.memory_space<vmem>>, vector<16xf32>,
      %get3A_1022 = arith.index_cast %add3A_1012 : i32 to index
      %get3A_1023 = arith.constant 32 : index
      %get3A_1024 = tpu.vector_load %arg12[%get3A_1022, %get3A_1023] {strides = array<i32>} : memref<512x64xf32, #tpu.memory_space<vmem>>, vector<16xf32>,
      %get3A_1025 = arith.index_cast %add3A_1012 : i32 to index
      %get3A_1026 = arith.constant 0 : index
      %get3A_1027 = tpu.vector_load %arg13[%get3A_1025, %get3A_1026] {strides = array<i32>} : memref<512x64xf32, #tpu.memory_space<vmem>>, vector<16xf32>,
      %get3A_1028 = arith.index_cast %add3A_1012 : i32 to index
      %get3A_1029 = arith.constant 32 : index
      %get3A_1030 = tpu.vector_load %arg13[%get3A_1028, %get3A_1029] {strides = array<i32>} : memref<512x64xf32, #tpu.memory_space<vmem>>, vector<16xf32>,
      %mul3A_1031 = arith.mulf %get3A_1015, %get3A_1027 : vector<16xf32>
      %mul3A_1032 = arith.mulf %get3A_1018, %get3A_1030 : vector<16xf32>
      %add3A_1033 = arith.addf %mul3A_1031, %mul3A_1032 : vector<16xf32>
      %mul3A_1034 = arith.mulf %get3A_1021, %add3A_1033 : vector<16xf32>
      %mul3A_1035 = arith.mulf %get3A_1015, %get3A_1030 : vector<16xf32>
      %mul3A_1036 = arith.mulf %get3A_1018, %get3A_1027 : vector<16xf32>
      %sub3A_1037 = arith.subf %mul3A_1035, %mul3A_1036 : vector<16xf32>
      %mul3A_1038 = arith.mulf %get3A_1024, %sub3A_1037 : vector<16xf32>
      %add3A_1039 = arith.addf %mul3A_1034, %mul3A_1038 : vector<16xf32>
      %get3A_1040 = arith.index_cast %add3A_1012 : i32 to index
      %get3A_1041 = arith.constant 16 : index
      %get3A_1042 = tpu.vector_load %arg11[%get3A_1040, %get3A_1041] {strides = array<i32>} : memref<512x64xf32, #tpu.memory_space<vmem>>, vector<16xf32>,
      %get3A_1043 = arith.index_cast %add3A_1012 : i32 to index
      %get3A_1044 = arith.constant 48 : index
      %get3A_1045 = tpu.vector_load %arg11[%get3A_1043, %get3A_1044] {strides = array<i32>} : memref<512x64xf32, #tpu.memory_space<vmem>>, vector<16xf32>,
      %get3A_1046 = arith.index_cast %add3A_1012 : i32 to index
      %get3A_1047 = arith.constant 16 : index
      %get3A_1048 = tpu.vector_load %arg12[%get3A_1046, %get3A_1047] {strides = array<i32>} : memref<512x64xf32, #tpu.memory_space<vmem>>, vector<16xf32>,
      %get3A_1049 = arith.index_cast %add3A_1012 : i32 to index
      %get3A_1050 = arith.constant 48 : index
      %get3A_1051 = tpu.vector_load %arg12[%get3A_1049, %get3A_1050] {strides = array<i32>} : memref<512x64xf32, #tpu.memory_space<vmem>>, vector<16xf32>,
      %get3A_1052 = arith.index_cast %add3A_1012 : i32 to index
      %get3A_1053 = arith.constant 16 : index
      %get3A_1054 = tpu.vector_load %arg13[%get3A_1052, %get3A_1053] {strides = array<i32>} : memref<512x64xf32, #tpu.memory_space<vmem>>, vector<16xf32>,
      %get3A_1055 = arith.index_cast %add3A_1012 : i32 to index
      %get3A_1056 = arith.constant 48 : index
      %get3A_1057 = tpu.vector_load %arg13[%get3A_1055, %get3A_1056] {strides = array<i32>} : memref<512x64xf32, #tpu.memory_space<vmem>>, vector<16xf32>,
      %mul3A_1058 = arith.mulf %get3A_1042, %get3A_1054 : vector<16xf32>
      %mul3A_1059 = arith.mulf %get3A_1045, %get3A_1057 : vector<16xf32>
      %add3A_1060 = arith.addf %mul3A_1058, %mul3A_1059 : vector<16xf32>
      %mul3A_1061 = arith.mulf %get3A_1048, %add3A_1060 : vector<16xf32>
      %mul3A_1062 = arith.mulf %get3A_1042, %get3A_1057 : vector<16xf32>
      %mul3A_1063 = arith.mulf %get3A_1045, %get3A_1054 : vector<16xf32>
      %sub3A_1064 = arith.subf %mul3A_1062, %mul3A_1063 : vector<16xf32>
      %mul3A_1065 = arith.mulf %get3A_1051, %sub3A_1064 : vector<16xf32>
      %add3A_1066 = arith.addf %mul3A_1061, %mul3A_1065 : vector<16xf32>
      %add3A_1067 = arith.addf %add3A_1039, %add3A_1066 : vector<16xf32>
      %swap3A_1068 = arith.constant 13 : i32
      %swap3A_1069 = arith.index_cast %swap3A_1068 : i32 to index
      %swap3A_1070 = arith.constant 0 : index
      %swap3A_1071 = tpu.vector_load %arg15[%swap3A_1069, %swap3A_1070] {strides = array<i32>} : memref<16x16xf32, #tpu.memory_space<vmem>>, vector<16xf32>,
      tpu.vector_store %arg15[%swap3A_1069, %swap3A_1070], %add3A_1067 {strides = array<i32>} : memref<16x16xf32, #tpu.memory_space<vmem>>, vector<16xf32>,
      %add3A_1072 = arith.constant 14 : i32
      %add3A_1073 = arith.addi %add3A_220, %add3A_1072 : i32
      %get3A_1074 = arith.index_cast %add3A_1073 : i32 to index
      %get3A_1075 = arith.constant 0 : index
      %get3A_1076 = tpu.vector_load %arg11[%get3A_1074, %get3A_1075] {strides = array<i32>} : memref<512x64xf32, #tpu.memory_space<vmem>>, vector<16xf32>,
      %get3A_1077 = arith.index_cast %add3A_1073 : i32 to index
      %get3A_1078 = arith.constant 32 : index
      %get3A_1079 = tpu.vector_load %arg11[%get3A_1077, %get3A_1078] {strides = array<i32>} : memref<512x64xf32, #tpu.memory_space<vmem>>, vector<16xf32>,
      %get3A_1080 = arith.index_cast %add3A_1073 : i32 to index
      %get3A_1081 = arith.constant 0 : index
      %get3A_1082 = tpu.vector_load %arg12[%get3A_1080, %get3A_1081] {strides = array<i32>} : memref<512x64xf32, #tpu.memory_space<vmem>>, vector<16xf32>,
      %get3A_1083 = arith.index_cast %add3A_1073 : i32 to index
      %get3A_1084 = arith.constant 32 : index
      %get3A_1085 = tpu.vector_load %arg12[%get3A_1083, %get3A_1084] {strides = array<i32>} : memref<512x64xf32, #tpu.memory_space<vmem>>, vector<16xf32>,
      %get3A_1086 = arith.index_cast %add3A_1073 : i32 to index
      %get3A_1087 = arith.constant 0 : index
      %get3A_1088 = tpu.vector_load %arg13[%get3A_1086, %get3A_1087] {strides = array<i32>} : memref<512x64xf32, #tpu.memory_space<vmem>>, vector<16xf32>,
      %get3A_1089 = arith.index_cast %add3A_1073 : i32 to index
      %get3A_1090 = arith.constant 32 : index
      %get3A_1091 = tpu.vector_load %arg13[%get3A_1089, %get3A_1090] {strides = array<i32>} : memref<512x64xf32, #tpu.memory_space<vmem>>, vector<16xf32>,
      %mul3A_1092 = arith.mulf %get3A_1076, %get3A_1088 : vector<16xf32>
      %mul3A_1093 = arith.mulf %get3A_1079, %get3A_1091 : vector<16xf32>
      %add3A_1094 = arith.addf %mul3A_1092, %mul3A_1093 : vector<16xf32>
      %mul3A_1095 = arith.mulf %get3A_1082, %add3A_1094 : vector<16xf32>
      %mul3A_1096 = arith.mulf %get3A_1076, %get3A_1091 : vector<16xf32>
      %mul3A_1097 = arith.mulf %get3A_1079, %get3A_1088 : vector<16xf32>
      %sub3A_1098 = arith.subf %mul3A_1096, %mul3A_1097 : vector<16xf32>
      %mul3A_1099 = arith.mulf %get3A_1085, %sub3A_1098 : vector<16xf32>
      %add3A_1100 = arith.addf %mul3A_1095, %mul3A_1099 : vector<16xf32>
      %get3A_1101 = arith.index_cast %add3A_1073 : i32 to index
      %get3A_1102 = arith.constant 16 : index
      %get3A_1103 = tpu.vector_load %arg11[%get3A_1101, %get3A_1102] {strides = array<i32>} : memref<512x64xf32, #tpu.memory_space<vmem>>, vector<16xf32>,
      %get3A_1104 = arith.index_cast %add3A_1073 : i32 to index
      %get3A_1105 = arith.constant 48 : index
      %get3A_1106 = tpu.vector_load %arg11[%get3A_1104, %get3A_1105] {strides = array<i32>} : memref<512x64xf32, #tpu.memory_space<vmem>>, vector<16xf32>,
      %get3A_1107 = arith.index_cast %add3A_1073 : i32 to index
      %get3A_1108 = arith.constant 16 : index
      %get3A_1109 = tpu.vector_load %arg12[%get3A_1107, %get3A_1108] {strides = array<i32>} : memref<512x64xf32, #tpu.memory_space<vmem>>, vector<16xf32>,
      %get3A_1110 = arith.index_cast %add3A_1073 : i32 to index
      %get3A_1111 = arith.constant 48 : index
      %get3A_1112 = tpu.vector_load %arg12[%get3A_1110, %get3A_1111] {strides = array<i32>} : memref<512x64xf32, #tpu.memory_space<vmem>>, vector<16xf32>,
      %get3A_1113 = arith.index_cast %add3A_1073 : i32 to index
      %get3A_1114 = arith.constant 16 : index
      %get3A_1115 = tpu.vector_load %arg13[%get3A_1113, %get3A_1114] {strides = array<i32>} : memref<512x64xf32, #tpu.memory_space<vmem>>, vector<16xf32>,
      %get3A_1116 = arith.index_cast %add3A_1073 : i32 to index
      %get3A_1117 = arith.constant 48 : index
      %get3A_1118 = tpu.vector_load %arg13[%get3A_1116, %get3A_1117] {strides = array<i32>} : memref<512x64xf32, #tpu.memory_space<vmem>>, vector<16xf32>,
      %mul3A_1119 = arith.mulf %get3A_1103, %get3A_1115 : vector<16xf32>
      %mul3A_1120 = arith.mulf %get3A_1106, %get3A_1118 : vector<16xf32>
      %add3A_1121 = arith.addf %mul3A_1119, %mul3A_1120 : vector<16xf32>
      %mul3A_1122 = arith.mulf %get3A_1109, %add3A_1121 : vector<16xf32>
      %mul3A_1123 = arith.mulf %get3A_1103, %get3A_1118 : vector<16xf32>
      %mul3A_1124 = arith.mulf %get3A_1106, %get3A_1115 : vector<16xf32>
      %sub3A_1125 = arith.subf %mul3A_1123, %mul3A_1124 : vector<16xf32>
      %mul3A_1126 = arith.mulf %get3A_1112, %sub3A_1125 : vector<16xf32>
      %add3A_1127 = arith.addf %mul3A_1122, %mul3A_1126 : vector<16xf32>
      %add3A_1128 = arith.addf %add3A_1100, %add3A_1127 : vector<16xf32>
      %swap3A_1129 = arith.constant 14 : i32
      %swap3A_1130 = arith.index_cast %swap3A_1129 : i32 to index
      %swap3A_1131 = arith.constant 0 : index
      %swap3A_1132 = tpu.vector_load %arg15[%swap3A_1130, %swap3A_1131] {strides = array<i32>} : memref<16x16xf32, #tpu.memory_space<vmem>>, vector<16xf32>,
      tpu.vector_store %arg15[%swap3A_1130, %swap3A_1131], %add3A_1128 {strides = array<i32>} : memref<16x16xf32, #tpu.memory_space<vmem>>, vector<16xf32>,
      %add3A_1133 = arith.constant 15 : i32
      %add3A_1134 = arith.addi %add3A_220, %add3A_1133 : i32
      %get3A_1135 = arith.index_cast %add3A_1134 : i32 to index
      %get3A_1136 = arith.constant 0 : index
      %get3A_1137 = tpu.vector_load %arg11[%get3A_1135, %get3A_1136] {strides = array<i32>} : memref<512x64xf32, #tpu.memory_space<vmem>>, vector<16xf32>,
      %get3A_1138 = arith.index_cast %add3A_1134 : i32 to index
      %get3A_1139 = arith.constant 32 : index
      %get3A_1140 = tpu.vector_load %arg11[%get3A_1138, %get3A_1139] {strides = array<i32>} : memref<512x64xf32, #tpu.memory_space<vmem>>, vector<16xf32>,
      %get3A_1141 = arith.index_cast %add3A_1134 : i32 to index
      %get3A_1142 = arith.constant 0 : index
      %get3A_1143 = tpu.vector_load %arg12[%get3A_1141, %get3A_1142] {strides = array<i32>} : memref<512x64xf32, #tpu.memory_space<vmem>>, vector<16xf32>,
      %get3A_1144 = arith.index_cast %add3A_1134 : i32 to index
      %get3A_1145 = arith.constant 32 : index
      %get3A_1146 = tpu.vector_load %arg12[%get3A_1144, %get3A_1145] {strides = array<i32>} : memref<512x64xf32, #tpu.memory_space<vmem>>, vector<16xf32>,
      %get3A_1147 = arith.index_cast %add3A_1134 : i32 to index
      %get3A_1148 = arith.constant 0 : index
      %get3A_1149 = tpu.vector_load %arg13[%get3A_1147, %get3A_1148] {strides = array<i32>} : memref<512x64xf32, #tpu.memory_space<vmem>>, vector<16xf32>,
      %get3A_1150 = arith.index_cast %add3A_1134 : i32 to index
      %get3A_1151 = arith.constant 32 : index
      %get3A_1152 = tpu.vector_load %arg13[%get3A_1150, %get3A_1151] {strides = array<i32>} : memref<512x64xf32, #tpu.memory_space<vmem>>, vector<16xf32>,
      %mul3A_1153 = arith.mulf %get3A_1137, %get3A_1149 : vector<16xf32>
      %mul3A_1154 = arith.mulf %get3A_1140, %get3A_1152 : vector<16xf32>
      %add3A_1155 = arith.addf %mul3A_1153, %mul3A_1154 : vector<16xf32>
      %mul3A_1156 = arith.mulf %get3A_1143, %add3A_1155 : vector<16xf32>
      %mul3A_1157 = arith.mulf %get3A_1137, %get3A_1152 : vector<16xf32>
      %mul3A_1158 = arith.mulf %get3A_1140, %get3A_1149 : vector<16xf32>
      %sub3A_1159 = arith.subf %mul3A_1157, %mul3A_1158 : vector<16xf32>
      %mul3A_1160 = arith.mulf %get3A_1146, %sub3A_1159 : vector<16xf32>
      %add3A_1161 = arith.addf %mul3A_1156, %mul3A_1160 : vector<16xf32>
      %get3A_1162 = arith.index_cast %add3A_1134 : i32 to index
      %get3A_1163 = arith.constant 16 : index
      %get3A_1164 = tpu.vector_load %arg11[%get3A_1162, %get3A_1163] {strides = array<i32>} : memref<512x64xf32, #tpu.memory_space<vmem>>, vector<16xf32>,
      %get3A_1165 = arith.index_cast %add3A_1134 : i32 to index
      %get3A_1166 = arith.constant 48 : index
      %get3A_1167 = tpu.vector_load %arg11[%get3A_1165, %get3A_1166] {strides = array<i32>} : memref<512x64xf32, #tpu.memory_space<vmem>>, vector<16xf32>,
      %get3A_1168 = arith.index_cast %add3A_1134 : i32 to index
      %get3A_1169 = arith.constant 16 : index
      %get3A_1170 = tpu.vector_load %arg12[%get3A_1168, %get3A_1169] {strides = array<i32>} : memref<512x64xf32, #tpu.memory_space<vmem>>, vector<16xf32>,
      %get3A_1171 = arith.index_cast %add3A_1134 : i32 to index
      %get3A_1172 = arith.constant 48 : index
      %get3A_1173 = tpu.vector_load %arg12[%get3A_1171, %get3A_1172] {strides = array<i32>} : memref<512x64xf32, #tpu.memory_space<vmem>>, vector<16xf32>,
      %get3A_1174 = arith.index_cast %add3A_1134 : i32 to index
      %get3A_1175 = arith.constant 16 : index
      %get3A_1176 = tpu.vector_load %arg13[%get3A_1174, %get3A_1175] {strides = array<i32>} : memref<512x64xf32, #tpu.memory_space<vmem>>, vector<16xf32>,
      %get3A_1177 = arith.index_cast %add3A_1134 : i32 to index
      %get3A_1178 = arith.constant 48 : index
      %get3A_1179 = tpu.vector_load %arg13[%get3A_1177, %get3A_1178] {strides = array<i32>} : memref<512x64xf32, #tpu.memory_space<vmem>>, vector<16xf32>,
      %mul3A_1180 = arith.mulf %get3A_1164, %get3A_1176 : vector<16xf32>
      %mul3A_1181 = arith.mulf %get3A_1167, %get3A_1179 : vector<16xf32>
      %add3A_1182 = arith.addf %mul3A_1180, %mul3A_1181 : vector<16xf32>
      %mul3A_1183 = arith.mulf %get3A_1170, %add3A_1182 : vector<16xf32>
      %mul3A_1184 = arith.mulf %get3A_1164, %get3A_1179 : vector<16xf32>
      %mul3A_1185 = arith.mulf %get3A_1167, %get3A_1176 : vector<16xf32>
      %sub3A_1186 = arith.subf %mul3A_1184, %mul3A_1185 : vector<16xf32>
      %mul3A_1187 = arith.mulf %get3A_1173, %sub3A_1186 : vector<16xf32>
      %add3A_1188 = arith.addf %mul3A_1183, %mul3A_1187 : vector<16xf32>
      %add3A_1189 = arith.addf %add3A_1161, %add3A_1188 : vector<16xf32>
      %swap3A_1190 = arith.constant 15 : i32
      %swap3A_1191 = arith.index_cast %swap3A_1190 : i32 to index
      %swap3A_1192 = arith.constant 0 : index
      %swap3A_1193 = tpu.vector_load %arg15[%swap3A_1191, %swap3A_1192] {strides = array<i32>} : memref<16x16xf32, #tpu.memory_space<vmem>>, vector<16xf32>,
      tpu.vector_store %arg15[%swap3A_1191, %swap3A_1192], %add3A_1189 {strides = array<i32>} : memref<16x16xf32, #tpu.memory_space<vmem>>, vector<16xf32>,
      %broadcast_in_dim3A = arith.constant 0 : i32
      %broadcast_in_dim3A_1194 = vector.broadcast %broadcast_in_dim3A : i32 to vector<16xi32>
      %gather3A = tpu.vector_load_idx %arg15[%iota3A, %broadcast_in_dim3A_1194] : memref<16x16xf32, #tpu.memory_space<vmem>>[vector<16xi32>, vector<16xi32>], vector<16xf32>,
      %broadcast_in_dim3A_1195 = arith.constant 1 : i32
      %broadcast_in_dim3A_1196 = vector.broadcast %broadcast_in_dim3A_1195 : i32 to vector<16xi32>
      %gather3A_1197 = tpu.vector_load_idx %arg15[%iota3A, %broadcast_in_dim3A_1196] : memref<16x16xf32, #tpu.memory_space<vmem>>[vector<16xi32>, vector<16xi32>], vector<16xf32>,
      %broadcast_in_dim3A_1198 = arith.constant 2 : i32
      %broadcast_in_dim3A_1199 = vector.broadcast %broadcast_in_dim3A_1198 : i32 to vector<16xi32>
      %gather3A_1200 = tpu.vector_load_idx %arg15[%iota3A, %broadcast_in_dim3A_1199] : memref<16x16xf32, #tpu.memory_space<vmem>>[vector<16xi32>, vector<16xi32>], vector<16xf32>,
      %broadcast_in_dim3A_1201 = arith.constant 3 : i32
      %broadcast_in_dim3A_1202 = vector.broadcast %broadcast_in_dim3A_1201 : i32 to vector<16xi32>
      %gather3A_1203 = tpu.vector_load_idx %arg15[%iota3A, %broadcast_in_dim3A_1202] : memref<16x16xf32, #tpu.memory_space<vmem>>[vector<16xi32>, vector<16xi32>], vector<16xf32>,
      %broadcast_in_dim3A_1204 = arith.constant 4 : i32
      %broadcast_in_dim3A_1205 = vector.broadcast %broadcast_in_dim3A_1204 : i32 to vector<16xi32>
      %gather3A_1206 = tpu.vector_load_idx %arg15[%iota3A, %broadcast_in_dim3A_1205] : memref<16x16xf32, #tpu.memory_space<vmem>>[vector<16xi32>, vector<16xi32>], vector<16xf32>,
      %broadcast_in_dim3A_1207 = arith.constant 5 : i32
      %broadcast_in_dim3A_1208 = vector.broadcast %broadcast_in_dim3A_1207 : i32 to vector<16xi32>
      %gather3A_1209 = tpu.vector_load_idx %arg15[%iota3A, %broadcast_in_dim3A_1208] : memref<16x16xf32, #tpu.memory_space<vmem>>[vector<16xi32>, vector<16xi32>], vector<16xf32>,
      %broadcast_in_dim3A_1210 = arith.constant 6 : i32
      %broadcast_in_dim3A_1211 = vector.broadcast %broadcast_in_dim3A_1210 : i32 to vector<16xi32>
      %gather3A_1212 = tpu.vector_load_idx %arg15[%iota3A, %broadcast_in_dim3A_1211] : memref<16x16xf32, #tpu.memory_space<vmem>>[vector<16xi32>, vector<16xi32>], vector<16xf32>,
      %broadcast_in_dim3A_1213 = arith.constant 7 : i32
      %broadcast_in_dim3A_1214 = vector.broadcast %broadcast_in_dim3A_1213 : i32 to vector<16xi32>
      %gather3A_1215 = tpu.vector_load_idx %arg15[%iota3A, %broadcast_in_dim3A_1214] : memref<16x16xf32, #tpu.memory_space<vmem>>[vector<16xi32>, vector<16xi32>], vector<16xf32>,
      %broadcast_in_dim3A_1216 = arith.constant 8 : i32
      %broadcast_in_dim3A_1217 = vector.broadcast %broadcast_in_dim3A_1216 : i32 to vector<16xi32>
      %gather3A_1218 = tpu.vector_load_idx %arg15[%iota3A, %broadcast_in_dim3A_1217] : memref<16x16xf32, #tpu.memory_space<vmem>>[vector<16xi32>, vector<16xi32>], vector<16xf32>,
      %broadcast_in_dim3A_1219 = arith.constant 9 : i32
      %broadcast_in_dim3A_1220 = vector.broadcast %broadcast_in_dim3A_1219 : i32 to vector<16xi32>
      %gather3A_1221 = tpu.vector_load_idx %arg15[%iota3A, %broadcast_in_dim3A_1220] : memref<16x16xf32, #tpu.memory_space<vmem>>[vector<16xi32>, vector<16xi32>], vector<16xf32>,
      %broadcast_in_dim3A_1222 = arith.constant 10 : i32
      %broadcast_in_dim3A_1223 = vector.broadcast %broadcast_in_dim3A_1222 : i32 to vector<16xi32>
      %gather3A_1224 = tpu.vector_load_idx %arg15[%iota3A, %broadcast_in_dim3A_1223] : memref<16x16xf32, #tpu.memory_space<vmem>>[vector<16xi32>, vector<16xi32>], vector<16xf32>,
      %broadcast_in_dim3A_1225 = arith.constant 11 : i32
      %broadcast_in_dim3A_1226 = vector.broadcast %broadcast_in_dim3A_1225 : i32 to vector<16xi32>
      %gather3A_1227 = tpu.vector_load_idx %arg15[%iota3A, %broadcast_in_dim3A_1226] : memref<16x16xf32, #tpu.memory_space<vmem>>[vector<16xi32>, vector<16xi32>], vector<16xf32>,
      %broadcast_in_dim3A_1228 = arith.constant 12 : i32
      %broadcast_in_dim3A_1229 = vector.broadcast %broadcast_in_dim3A_1228 : i32 to vector<16xi32>
      %gather3A_1230 = tpu.vector_load_idx %arg15[%iota3A, %broadcast_in_dim3A_1229] : memref<16x16xf32, #tpu.memory_space<vmem>>[vector<16xi32>, vector<16xi32>], vector<16xf32>,
      %broadcast_in_dim3A_1231 = arith.constant 13 : i32
      %broadcast_in_dim3A_1232 = vector.broadcast %broadcast_in_dim3A_1231 : i32 to vector<16xi32>
      %gather3A_1233 = tpu.vector_load_idx %arg15[%iota3A, %broadcast_in_dim3A_1232] : memref<16x16xf32, #tpu.memory_space<vmem>>[vector<16xi32>, vector<16xi32>], vector<16xf32>,
      %broadcast_in_dim3A_1234 = arith.constant 14 : i32
      %broadcast_in_dim3A_1235 = vector.broadcast %broadcast_in_dim3A_1234 : i32 to vector<16xi32>
      %gather3A_1236 = tpu.vector_load_idx %arg15[%iota3A, %broadcast_in_dim3A_1235] : memref<16x16xf32, #tpu.memory_space<vmem>>[vector<16xi32>, vector<16xi32>], vector<16xf32>,
      %broadcast_in_dim3A_1237 = arith.constant 15 : i32
      %broadcast_in_dim3A_1238 = vector.broadcast %broadcast_in_dim3A_1237 : i32 to vector<16xi32>
      %gather3A_1239 = tpu.vector_load_idx %arg15[%iota3A, %broadcast_in_dim3A_1238] : memref<16x16xf32, #tpu.memory_space<vmem>>[vector<16xi32>, vector<16xi32>], vector<16xf32>,
      %add3A_1240 = arith.addf %gather3A, %gather3A_1197 : vector<16xf32>
      %add3A_1241 = arith.addf %gather3A_1200, %gather3A_1203 : vector<16xf32>
      %add3A_1242 = arith.addf %gather3A_1206, %gather3A_1209 : vector<16xf32>
      %add3A_1243 = arith.addf %gather3A_1212, %gather3A_1215 : vector<16xf32>
      %add3A_1244 = arith.addf %gather3A_1218, %gather3A_1221 : vector<16xf32>
      %add3A_1245 = arith.addf %gather3A_1224, %gather3A_1227 : vector<16xf32>
      %add3A_1246 = arith.addf %gather3A_1230, %gather3A_1233 : vector<16xf32>
      %add3A_1247 = arith.addf %gather3A_1236, %gather3A_1239 : vector<16xf32>
      %add3A_1248 = arith.addf %add3A_1240, %add3A_1241 : vector<16xf32>
      %add3A_1249 = arith.addf %add3A_1242, %add3A_1243 : vector<16xf32>
      %add3A_1250 = arith.addf %add3A_1244, %add3A_1245 : vector<16xf32>
      %add3A_1251 = arith.addf %add3A_1246, %add3A_1247 : vector<16xf32>
      %add3A_1252 = arith.addf %add3A_1248, %add3A_1249 : vector<16xf32>
      %add3A_1253 = arith.addf %add3A_1250, %add3A_1251 : vector<16xf32>
      %add3A_1254 = arith.addf %add3A_1252, %add3A_1253 : vector<16xf32>
      %swap3A_1255 = arith.index_cast %add3A_220 : i32 to index
      %swap3A_1256 = tpu.vector_load %arg14[%swap3A_1255] {strides = array<i32>} : memref<512xf32, #tpu.memory_space<vmem>>, vector<16xf32>,
      tpu.vector_store %arg14[%swap3A_1255], %add3A_1254 {strides = array<i32>} : memref<512xf32, #tpu.memory_space<vmem>>, vector<16xf32>,
    }
    %scan3A_125 = arith.constant 8 : i32
    %dma_wait3A_126 = arith.constant 128 : i32
    %dma_wait3A_127 = arith.constant 0 : i32
    %dma_wait3A_128 = tpu.memref_slice %arg11[%dma_wait3A_126, %dma_wait3A_127] : memref<512x64xf32, #tpu.memory_space<vmem>> -> memref<128x64xf32, #tpu.memory_space<vmem>>
    %dma_wait3A_129 = arith.constant 128 : i32
    %dma_wait3A_130 = tpu.memref_slice %arg8[%dma_wait3A_129] : memref<512xi32, #tpu.memory_space<vmem>> -> memref<128xi32, #tpu.memory_space<vmem>>
    %dma_wait3A_131 = arith.constant 0 : i32
    %dma_wait3A_132 = arith.constant 0 : i32
    %dma_wait3A_133 = tpu.memref_slice %arg5[%dma_wait3A_131, %dma_wait3A_132] : memref<1000000x64xf32, #tpu.memory_space<hbm>> -> memref<1000000x64xf32, #tpu.memory_space<hbm>>
    tpu.wait_indirect_dma semaphore(%arg17 : memref<!tpu.dma_semaphore, #tpu.memory_space<semaphore_mem>>) src(%dma_wait3A_133 : memref<1000000x64xf32, #tpu.memory_space<hbm>>) dst(%dma_wait3A_128 : memref<128x64xf32, #tpu.memory_space<vmem>>)
    %dma_wait3A_134 = arith.constant 128 : i32
    %dma_wait3A_135 = arith.constant 0 : i32
    %dma_wait3A_136 = tpu.memref_slice %arg12[%dma_wait3A_134, %dma_wait3A_135] : memref<512x64xf32, #tpu.memory_space<vmem>> -> memref<128x64xf32, #tpu.memory_space<vmem>>
    %dma_wait3A_137 = arith.constant 128 : i32
    %dma_wait3A_138 = tpu.memref_slice %arg9[%dma_wait3A_137] : memref<512xi32, #tpu.memory_space<vmem>> -> memref<128xi32, #tpu.memory_space<vmem>>
    %dma_wait3A_139 = arith.constant 0 : i32
    %dma_wait3A_140 = arith.constant 0 : i32
    %dma_wait3A_141 = tpu.memref_slice %arg6[%dma_wait3A_139, %dma_wait3A_140] : memref<1000x64xf32, #tpu.memory_space<hbm>> -> memref<1000x64xf32, #tpu.memory_space<hbm>>
    tpu.wait_indirect_dma semaphore(%arg17 : memref<!tpu.dma_semaphore, #tpu.memory_space<semaphore_mem>>) src(%dma_wait3A_141 : memref<1000x64xf32, #tpu.memory_space<hbm>>) dst(%dma_wait3A_136 : memref<128x64xf32, #tpu.memory_space<vmem>>)
    %dma_wait3A_142 = arith.constant 128 : i32
    %dma_wait3A_143 = arith.constant 0 : i32
    %dma_wait3A_144 = tpu.memref_slice %arg13[%dma_wait3A_142, %dma_wait3A_143] : memref<512x64xf32, #tpu.memory_space<vmem>> -> memref<128x64xf32, #tpu.memory_space<vmem>>
    %dma_wait3A_145 = arith.constant 128 : i32
    %dma_wait3A_146 = tpu.memref_slice %arg10[%dma_wait3A_145] : memref<512xi32, #tpu.memory_space<vmem>> -> memref<128xi32, #tpu.memory_space<vmem>>
    %dma_wait3A_147 = arith.constant 0 : i32
    %dma_wait3A_148 = arith.constant 0 : i32
    %dma_wait3A_149 = tpu.memref_slice %arg5[%dma_wait3A_147, %dma_wait3A_148] : memref<1000000x64xf32, #tpu.memory_space<hbm>> -> memref<1000000x64xf32, #tpu.memory_space<hbm>>
    tpu.wait_indirect_dma semaphore(%arg17 : memref<!tpu.dma_semaphore, #tpu.memory_space<semaphore_mem>>) src(%dma_wait3A_149 : memref<1000000x64xf32, #tpu.memory_space<hbm>>) dst(%dma_wait3A_144 : memref<128x64xf32, #tpu.memory_space<vmem>>)
    %scan3A_150 = arith.constant 0 : i32
    %scan3A_151 = arith.constant 0 : i32
    %scan3A_152 = arith.constant 8 : i32
    %scan3A_153 = arith.addi %scan3A_151, %scan3A_152 : i32
    %scan3A_154 = arith.constant 1 : i32
    scf.for %scan3A_216 = %scan3A_151 to %scan3A_153 step %scan3A_154  : i32 {
      %mul3A_217 = arith.constant 16 : i32
      %mul3A_218 = arith.muli %scan3A_216, %mul3A_217 : i32
      %add3A_219 = arith.constant 128 : i32
      %add3A_220 = arith.addi %add3A_219, %mul3A_218 : i32
      %add3A_221 = arith.constant 0 : i32
      %add3A_222 = arith.addi %add3A_220, %add3A_221 : i32
      %get3A = arith.index_cast %add3A_222 : i32 to index
      %get3A_223 = arith.constant 0 : index
      %get3A_224 = tpu.vector_load %arg11[%get3A, %get3A_223] {strides = array<i32>} : memref<512x64xf32, #tpu.memory_space<vmem>>, vector<16xf32>,
      %get3A_225 = arith.index_cast %add3A_222 : i32 to index
      %get3A_226 = arith.constant 32 : index
      %get3A_227 = tpu.vector_load %arg11[%get3A_225, %get3A_226] {strides = array<i32>} : memref<512x64xf32, #tpu.memory_space<vmem>>, vector<16xf32>,
      %get3A_228 = arith.index_cast %add3A_222 : i32 to index
      %get3A_229 = arith.constant 0 : index
      %get3A_230 = tpu.vector_load %arg12[%get3A_228, %get3A_229] {strides = array<i32>} : memref<512x64xf32, #tpu.memory_space<vmem>>, vector<16xf32>,
      %get3A_231 = arith.index_cast %add3A_222 : i32 to index
      %get3A_232 = arith.constant 32 : index
      %get3A_233 = tpu.vector_load %arg12[%get3A_231, %get3A_232] {strides = array<i32>} : memref<512x64xf32, #tpu.memory_space<vmem>>, vector<16xf32>,
      %get3A_234 = arith.index_cast %add3A_222 : i32 to index
      %get3A_235 = arith.constant 0 : index
      %get3A_236 = tpu.vector_load %arg13[%get3A_234, %get3A_235] {strides = array<i32>} : memref<512x64xf32, #tpu.memory_space<vmem>>, vector<16xf32>,
      %get3A_237 = arith.index_cast %add3A_222 : i32 to index
      %get3A_238 = arith.constant 32 : index
      %get3A_239 = tpu.vector_load %arg13[%get3A_237, %get3A_238] {strides = array<i32>} : memref<512x64xf32, #tpu.memory_space<vmem>>, vector<16xf32>,
      %mul3A_240 = arith.mulf %get3A_224, %get3A_236 : vector<16xf32>
      %mul3A_241 = arith.mulf %get3A_227, %get3A_239 : vector<16xf32>
      %add3A_242 = arith.addf %mul3A_240, %mul3A_241 : vector<16xf32>
      %mul3A_243 = arith.mulf %get3A_230, %add3A_242 : vector<16xf32>
      %mul3A_244 = arith.mulf %get3A_224, %get3A_239 : vector<16xf32>
      %mul3A_245 = arith.mulf %get3A_227, %get3A_236 : vector<16xf32>
      %sub3A = arith.subf %mul3A_244, %mul3A_245 : vector<16xf32>
      %mul3A_246 = arith.mulf %get3A_233, %sub3A : vector<16xf32>
      %add3A_247 = arith.addf %mul3A_243, %mul3A_246 : vector<16xf32>
      %get3A_248 = arith.index_cast %add3A_222 : i32 to index
      %get3A_249 = arith.constant 16 : index
      %get3A_250 = tpu.vector_load %arg11[%get3A_248, %get3A_249] {strides = array<i32>} : memref<512x64xf32, #tpu.memory_space<vmem>>, vector<16xf32>,
      %get3A_251 = arith.index_cast %add3A_222 : i32 to index
      %get3A_252 = arith.constant 48 : index
      %get3A_253 = tpu.vector_load %arg11[%get3A_251, %get3A_252] {strides = array<i32>} : memref<512x64xf32, #tpu.memory_space<vmem>>, vector<16xf32>,
      %get3A_254 = arith.index_cast %add3A_222 : i32 to index
      %get3A_255 = arith.constant 16 : index
      %get3A_256 = tpu.vector_load %arg12[%get3A_254, %get3A_255] {strides = array<i32>} : memref<512x64xf32, #tpu.memory_space<vmem>>, vector<16xf32>,
      %get3A_257 = arith.index_cast %add3A_222 : i32 to index
      %get3A_258 = arith.constant 48 : index
      %get3A_259 = tpu.vector_load %arg12[%get3A_257, %get3A_258] {strides = array<i32>} : memref<512x64xf32, #tpu.memory_space<vmem>>, vector<16xf32>,
      %get3A_260 = arith.index_cast %add3A_222 : i32 to index
      %get3A_261 = arith.constant 16 : index
      %get3A_262 = tpu.vector_load %arg13[%get3A_260, %get3A_261] {strides = array<i32>} : memref<512x64xf32, #tpu.memory_space<vmem>>, vector<16xf32>,
      %get3A_263 = arith.index_cast %add3A_222 : i32 to index
      %get3A_264 = arith.constant 48 : index
      %get3A_265 = tpu.vector_load %arg13[%get3A_263, %get3A_264] {strides = array<i32>} : memref<512x64xf32, #tpu.memory_space<vmem>>, vector<16xf32>,
      %mul3A_266 = arith.mulf %get3A_250, %get3A_262 : vector<16xf32>
      %mul3A_267 = arith.mulf %get3A_253, %get3A_265 : vector<16xf32>
      %add3A_268 = arith.addf %mul3A_266, %mul3A_267 : vector<16xf32>
      %mul3A_269 = arith.mulf %get3A_256, %add3A_268 : vector<16xf32>
      %mul3A_270 = arith.mulf %get3A_250, %get3A_265 : vector<16xf32>
      %mul3A_271 = arith.mulf %get3A_253, %get3A_262 : vector<16xf32>
      %sub3A_272 = arith.subf %mul3A_270, %mul3A_271 : vector<16xf32>
      %mul3A_273 = arith.mulf %get3A_259, %sub3A_272 : vector<16xf32>
      %add3A_274 = arith.addf %mul3A_269, %mul3A_273 : vector<16xf32>
      %add3A_275 = arith.addf %add3A_247, %add3A_274 : vector<16xf32>
      %swap3A = arith.constant 0 : i32
      %swap3A_276 = arith.index_cast %swap3A : i32 to index
      %swap3A_277 = arith.constant 0 : index
      %swap3A_278 = tpu.vector_load %arg15[%swap3A_276, %swap3A_277] {strides = array<i32>} : memref<16x16xf32, #tpu.memory_space<vmem>>, vector<16xf32>,
      tpu.vector_store %arg15[%swap3A_276, %swap3A_277], %add3A_275 {strides = array<i32>} : memref<16x16xf32, #tpu.memory_space<vmem>>, vector<16xf32>,
      %add3A_279 = arith.constant 1 : i32
      %add3A_280 = arith.addi %add3A_220, %add3A_279 : i32
      %get3A_281 = arith.index_cast %add3A_280 : i32 to index
      %get3A_282 = arith.constant 0 : index
      %get3A_283 = tpu.vector_load %arg11[%get3A_281, %get3A_282] {strides = array<i32>} : memref<512x64xf32, #tpu.memory_space<vmem>>, vector<16xf32>,
      %get3A_284 = arith.index_cast %add3A_280 : i32 to index
      %get3A_285 = arith.constant 32 : index
      %get3A_286 = tpu.vector_load %arg11[%get3A_284, %get3A_285] {strides = array<i32>} : memref<512x64xf32, #tpu.memory_space<vmem>>, vector<16xf32>,
      %get3A_287 = arith.index_cast %add3A_280 : i32 to index
      %get3A_288 = arith.constant 0 : index
      %get3A_289 = tpu.vector_load %arg12[%get3A_287, %get3A_288] {strides = array<i32>} : memref<512x64xf32, #tpu.memory_space<vmem>>, vector<16xf32>,
      %get3A_290 = arith.index_cast %add3A_280 : i32 to index
      %get3A_291 = arith.constant 32 : index
      %get3A_292 = tpu.vector_load %arg12[%get3A_290, %get3A_291] {strides = array<i32>} : memref<512x64xf32, #tpu.memory_space<vmem>>, vector<16xf32>,
      %get3A_293 = arith.index_cast %add3A_280 : i32 to index
      %get3A_294 = arith.constant 0 : index
      %get3A_295 = tpu.vector_load %arg13[%get3A_293, %get3A_294] {strides = array<i32>} : memref<512x64xf32, #tpu.memory_space<vmem>>, vector<16xf32>,
      %get3A_296 = arith.index_cast %add3A_280 : i32 to index
      %get3A_297 = arith.constant 32 : index
      %get3A_298 = tpu.vector_load %arg13[%get3A_296, %get3A_297] {strides = array<i32>} : memref<512x64xf32, #tpu.memory_space<vmem>>, vector<16xf32>,
      %mul3A_299 = arith.mulf %get3A_283, %get3A_295 : vector<16xf32>
      %mul3A_300 = arith.mulf %get3A_286, %get3A_298 : vector<16xf32>
      %add3A_301 = arith.addf %mul3A_299, %mul3A_300 : vector<16xf32>
      %mul3A_302 = arith.mulf %get3A_289, %add3A_301 : vector<16xf32>
      %mul3A_303 = arith.mulf %get3A_283, %get3A_298 : vector<16xf32>
      %mul3A_304 = arith.mulf %get3A_286, %get3A_295 : vector<16xf32>
      %sub3A_305 = arith.subf %mul3A_303, %mul3A_304 : vector<16xf32>
      %mul3A_306 = arith.mulf %get3A_292, %sub3A_305 : vector<16xf32>
      %add3A_307 = arith.addf %mul3A_302, %mul3A_306 : vector<16xf32>
      %get3A_308 = arith.index_cast %add3A_280 : i32 to index
      %get3A_309 = arith.constant 16 : index
      %get3A_310 = tpu.vector_load %arg11[%get3A_308, %get3A_309] {strides = array<i32>} : memref<512x64xf32, #tpu.memory_space<vmem>>, vector<16xf32>,
      %get3A_311 = arith.index_cast %add3A_280 : i32 to index
      %get3A_312 = arith.constant 48 : index
      %get3A_313 = tpu.vector_load %arg11[%get3A_311, %get3A_312] {strides = array<i32>} : memref<512x64xf32, #tpu.memory_space<vmem>>, vector<16xf32>,
      %get3A_314 = arith.index_cast %add3A_280 : i32 to index
      %get3A_315 = arith.constant 16 : index
      %get3A_316 = tpu.vector_load %arg12[%get3A_314, %get3A_315] {strides = array<i32>} : memref<512x64xf32, #tpu.memory_space<vmem>>, vector<16xf32>,
      %get3A_317 = arith.index_cast %add3A_280 : i32 to index
      %get3A_318 = arith.constant 48 : index
      %get3A_319 = tpu.vector_load %arg12[%get3A_317, %get3A_318] {strides = array<i32>} : memref<512x64xf32, #tpu.memory_space<vmem>>, vector<16xf32>,
      %get3A_320 = arith.index_cast %add3A_280 : i32 to index
      %get3A_321 = arith.constant 16 : index
      %get3A_322 = tpu.vector_load %arg13[%get3A_320, %get3A_321] {strides = array<i32>} : memref<512x64xf32, #tpu.memory_space<vmem>>, vector<16xf32>,
      %get3A_323 = arith.index_cast %add3A_280 : i32 to index
      %get3A_324 = arith.constant 48 : index
      %get3A_325 = tpu.vector_load %arg13[%get3A_323, %get3A_324] {strides = array<i32>} : memref<512x64xf32, #tpu.memory_space<vmem>>, vector<16xf32>,
      %mul3A_326 = arith.mulf %get3A_310, %get3A_322 : vector<16xf32>
      %mul3A_327 = arith.mulf %get3A_313, %get3A_325 : vector<16xf32>
      %add3A_328 = arith.addf %mul3A_326, %mul3A_327 : vector<16xf32>
      %mul3A_329 = arith.mulf %get3A_316, %add3A_328 : vector<16xf32>
      %mul3A_330 = arith.mulf %get3A_310, %get3A_325 : vector<16xf32>
      %mul3A_331 = arith.mulf %get3A_313, %get3A_322 : vector<16xf32>
      %sub3A_332 = arith.subf %mul3A_330, %mul3A_331 : vector<16xf32>
      %mul3A_333 = arith.mulf %get3A_319, %sub3A_332 : vector<16xf32>
      %add3A_334 = arith.addf %mul3A_329, %mul3A_333 : vector<16xf32>
      %add3A_335 = arith.addf %add3A_307, %add3A_334 : vector<16xf32>
      %swap3A_336 = arith.constant 1 : i32
      %swap3A_337 = arith.index_cast %swap3A_336 : i32 to index
      %swap3A_338 = arith.constant 0 : index
      %swap3A_339 = tpu.vector_load %arg15[%swap3A_337, %swap3A_338] {strides = array<i32>} : memref<16x16xf32, #tpu.memory_space<vmem>>, vector<16xf32>,
      tpu.vector_store %arg15[%swap3A_337, %swap3A_338], %add3A_335 {strides = array<i32>} : memref<16x16xf32, #tpu.memory_space<vmem>>, vector<16xf32>,
      %add3A_340 = arith.constant 2 : i32
      %add3A_341 = arith.addi %add3A_220, %add3A_340 : i32
      %get3A_342 = arith.index_cast %add3A_341 : i32 to index
      %get3A_343 = arith.constant 0 : index
      %get3A_344 = tpu.vector_load %arg11[%get3A_342, %get3A_343] {strides = array<i32>} : memref<512x64xf32, #tpu.memory_space<vmem>>, vector<16xf32>,
      %get3A_345 = arith.index_cast %add3A_341 : i32 to index
      %get3A_346 = arith.constant 32 : index
      %get3A_347 = tpu.vector_load %arg11[%get3A_345, %get3A_346] {strides = array<i32>} : memref<512x64xf32, #tpu.memory_space<vmem>>, vector<16xf32>,
      %get3A_348 = arith.index_cast %add3A_341 : i32 to index
      %get3A_349 = arith.constant 0 : index
      %get3A_350 = tpu.vector_load %arg12[%get3A_348, %get3A_349] {strides = array<i32>} : memref<512x64xf32, #tpu.memory_space<vmem>>, vector<16xf32>,
      %get3A_351 = arith.index_cast %add3A_341 : i32 to index
      %get3A_352 = arith.constant 32 : index
      %get3A_353 = tpu.vector_load %arg12[%get3A_351, %get3A_352] {strides = array<i32>} : memref<512x64xf32, #tpu.memory_space<vmem>>, vector<16xf32>,
      %get3A_354 = arith.index_cast %add3A_341 : i32 to index
      %get3A_355 = arith.constant 0 : index
      %get3A_356 = tpu.vector_load %arg13[%get3A_354, %get3A_355] {strides = array<i32>} : memref<512x64xf32, #tpu.memory_space<vmem>>, vector<16xf32>,
      %get3A_357 = arith.index_cast %add3A_341 : i32 to index
      %get3A_358 = arith.constant 32 : index
      %get3A_359 = tpu.vector_load %arg13[%get3A_357, %get3A_358] {strides = array<i32>} : memref<512x64xf32, #tpu.memory_space<vmem>>, vector<16xf32>,
      %mul3A_360 = arith.mulf %get3A_344, %get3A_356 : vector<16xf32>
      %mul3A_361 = arith.mulf %get3A_347, %get3A_359 : vector<16xf32>
      %add3A_362 = arith.addf %mul3A_360, %mul3A_361 : vector<16xf32>
      %mul3A_363 = arith.mulf %get3A_350, %add3A_362 : vector<16xf32>
      %mul3A_364 = arith.mulf %get3A_344, %get3A_359 : vector<16xf32>
      %mul3A_365 = arith.mulf %get3A_347, %get3A_356 : vector<16xf32>
      %sub3A_366 = arith.subf %mul3A_364, %mul3A_365 : vector<16xf32>
      %mul3A_367 = arith.mulf %get3A_353, %sub3A_366 : vector<16xf32>
      %add3A_368 = arith.addf %mul3A_363, %mul3A_367 : vector<16xf32>
      %get3A_369 = arith.index_cast %add3A_341 : i32 to index
      %get3A_370 = arith.constant 16 : index
      %get3A_371 = tpu.vector_load %arg11[%get3A_369, %get3A_370] {strides = array<i32>} : memref<512x64xf32, #tpu.memory_space<vmem>>, vector<16xf32>,
      %get3A_372 = arith.index_cast %add3A_341 : i32 to index
      %get3A_373 = arith.constant 48 : index
      %get3A_374 = tpu.vector_load %arg11[%get3A_372, %get3A_373] {strides = array<i32>} : memref<512x64xf32, #tpu.memory_space<vmem>>, vector<16xf32>,
      %get3A_375 = arith.index_cast %add3A_341 : i32 to index
      %get3A_376 = arith.constant 16 : index
      %get3A_377 = tpu.vector_load %arg12[%get3A_375, %get3A_376] {strides = array<i32>} : memref<512x64xf32, #tpu.memory_space<vmem>>, vector<16xf32>,
      %get3A_378 = arith.index_cast %add3A_341 : i32 to index
      %get3A_379 = arith.constant 48 : index
      %get3A_380 = tpu.vector_load %arg12[%get3A_378, %get3A_379] {strides = array<i32>} : memref<512x64xf32, #tpu.memory_space<vmem>>, vector<16xf32>,
      %get3A_381 = arith.index_cast %add3A_341 : i32 to index
      %get3A_382 = arith.constant 16 : index
      %get3A_383 = tpu.vector_load %arg13[%get3A_381, %get3A_382] {strides = array<i32>} : memref<512x64xf32, #tpu.memory_space<vmem>>, vector<16xf32>,
      %get3A_384 = arith.index_cast %add3A_341 : i32 to index
      %get3A_385 = arith.constant 48 : index
      %get3A_386 = tpu.vector_load %arg13[%get3A_384, %get3A_385] {strides = array<i32>} : memref<512x64xf32, #tpu.memory_space<vmem>>, vector<16xf32>,
      %mul3A_387 = arith.mulf %get3A_371, %get3A_383 : vector<16xf32>
      %mul3A_388 = arith.mulf %get3A_374, %get3A_386 : vector<16xf32>
      %add3A_389 = arith.addf %mul3A_387, %mul3A_388 : vector<16xf32>
      %mul3A_390 = arith.mulf %get3A_377, %add3A_389 : vector<16xf32>
      %mul3A_391 = arith.mulf %get3A_371, %get3A_386 : vector<16xf32>
      %mul3A_392 = arith.mulf %get3A_374, %get3A_383 : vector<16xf32>
      %sub3A_393 = arith.subf %mul3A_391, %mul3A_392 : vector<16xf32>
      %mul3A_394 = arith.mulf %get3A_380, %sub3A_393 : vector<16xf32>
      %add3A_395 = arith.addf %mul3A_390, %mul3A_394 : vector<16xf32>
      %add3A_396 = arith.addf %add3A_368, %add3A_395 : vector<16xf32>
      %swap3A_397 = arith.constant 2 : i32
      %swap3A_398 = arith.index_cast %swap3A_397 : i32 to index
      %swap3A_399 = arith.constant 0 : index
      %swap3A_400 = tpu.vector_load %arg15[%swap3A_398, %swap3A_399] {strides = array<i32>} : memref<16x16xf32, #tpu.memory_space<vmem>>, vector<16xf32>,
      tpu.vector_store %arg15[%swap3A_398, %swap3A_399], %add3A_396 {strides = array<i32>} : memref<16x16xf32, #tpu.memory_space<vmem>>, vector<16xf32>,
      %add3A_401 = arith.constant 3 : i32
      %add3A_402 = arith.addi %add3A_220, %add3A_401 : i32
      %get3A_403 = arith.index_cast %add3A_402 : i32 to index
      %get3A_404 = arith.constant 0 : index
      %get3A_405 = tpu.vector_load %arg11[%get3A_403, %get3A_404] {strides = array<i32>} : memref<512x64xf32, #tpu.memory_space<vmem>>, vector<16xf32>,
      %get3A_406 = arith.index_cast %add3A_402 : i32 to index
      %get3A_407 = arith.constant 32 : index
      %get3A_408 = tpu.vector_load %arg11[%get3A_406, %get3A_407] {strides = array<i32>} : memref<512x64xf32, #tpu.memory_space<vmem>>, vector<16xf32>,
      %get3A_409 = arith.index_cast %add3A_402 : i32 to index
      %get3A_410 = arith.constant 0 : index
      %get3A_411 = tpu.vector_load %arg12[%get3A_409, %get3A_410] {strides = array<i32>} : memref<512x64xf32, #tpu.memory_space<vmem>>, vector<16xf32>,
      %get3A_412 = arith.index_cast %add3A_402 : i32 to index
      %get3A_413 = arith.constant 32 : index
      %get3A_414 = tpu.vector_load %arg12[%get3A_412, %get3A_413] {strides = array<i32>} : memref<512x64xf32, #tpu.memory_space<vmem>>, vector<16xf32>,
      %get3A_415 = arith.index_cast %add3A_402 : i32 to index
      %get3A_416 = arith.constant 0 : index
      %get3A_417 = tpu.vector_load %arg13[%get3A_415, %get3A_416] {strides = array<i32>} : memref<512x64xf32, #tpu.memory_space<vmem>>, vector<16xf32>,
      %get3A_418 = arith.index_cast %add3A_402 : i32 to index
      %get3A_419 = arith.constant 32 : index
      %get3A_420 = tpu.vector_load %arg13[%get3A_418, %get3A_419] {strides = array<i32>} : memref<512x64xf32, #tpu.memory_space<vmem>>, vector<16xf32>,
      %mul3A_421 = arith.mulf %get3A_405, %get3A_417 : vector<16xf32>
      %mul3A_422 = arith.mulf %get3A_408, %get3A_420 : vector<16xf32>
      %add3A_423 = arith.addf %mul3A_421, %mul3A_422 : vector<16xf32>
      %mul3A_424 = arith.mulf %get3A_411, %add3A_423 : vector<16xf32>
      %mul3A_425 = arith.mulf %get3A_405, %get3A_420 : vector<16xf32>
      %mul3A_426 = arith.mulf %get3A_408, %get3A_417 : vector<16xf32>
      %sub3A_427 = arith.subf %mul3A_425, %mul3A_426 : vector<16xf32>
      %mul3A_428 = arith.mulf %get3A_414, %sub3A_427 : vector<16xf32>
      %add3A_429 = arith.addf %mul3A_424, %mul3A_428 : vector<16xf32>
      %get3A_430 = arith.index_cast %add3A_402 : i32 to index
      %get3A_431 = arith.constant 16 : index
      %get3A_432 = tpu.vector_load %arg11[%get3A_430, %get3A_431] {strides = array<i32>} : memref<512x64xf32, #tpu.memory_space<vmem>>, vector<16xf32>,
      %get3A_433 = arith.index_cast %add3A_402 : i32 to index
      %get3A_434 = arith.constant 48 : index
      %get3A_435 = tpu.vector_load %arg11[%get3A_433, %get3A_434] {strides = array<i32>} : memref<512x64xf32, #tpu.memory_space<vmem>>, vector<16xf32>,
      %get3A_436 = arith.index_cast %add3A_402 : i32 to index
      %get3A_437 = arith.constant 16 : index
      %get3A_438 = tpu.vector_load %arg12[%get3A_436, %get3A_437] {strides = array<i32>} : memref<512x64xf32, #tpu.memory_space<vmem>>, vector<16xf32>,
      %get3A_439 = arith.index_cast %add3A_402 : i32 to index
      %get3A_440 = arith.constant 48 : index
      %get3A_441 = tpu.vector_load %arg12[%get3A_439, %get3A_440] {strides = array<i32>} : memref<512x64xf32, #tpu.memory_space<vmem>>, vector<16xf32>,
      %get3A_442 = arith.index_cast %add3A_402 : i32 to index
      %get3A_443 = arith.constant 16 : index
      %get3A_444 = tpu.vector_load %arg13[%get3A_442, %get3A_443] {strides = array<i32>} : memref<512x64xf32, #tpu.memory_space<vmem>>, vector<16xf32>,
      %get3A_445 = arith.index_cast %add3A_402 : i32 to index
      %get3A_446 = arith.constant 48 : index
      %get3A_447 = tpu.vector_load %arg13[%get3A_445, %get3A_446] {strides = array<i32>} : memref<512x64xf32, #tpu.memory_space<vmem>>, vector<16xf32>,
      %mul3A_448 = arith.mulf %get3A_432, %get3A_444 : vector<16xf32>
      %mul3A_449 = arith.mulf %get3A_435, %get3A_447 : vector<16xf32>
      %add3A_450 = arith.addf %mul3A_448, %mul3A_449 : vector<16xf32>
      %mul3A_451 = arith.mulf %get3A_438, %add3A_450 : vector<16xf32>
      %mul3A_452 = arith.mulf %get3A_432, %get3A_447 : vector<16xf32>
      %mul3A_453 = arith.mulf %get3A_435, %get3A_444 : vector<16xf32>
      %sub3A_454 = arith.subf %mul3A_452, %mul3A_453 : vector<16xf32>
      %mul3A_455 = arith.mulf %get3A_441, %sub3A_454 : vector<16xf32>
      %add3A_456 = arith.addf %mul3A_451, %mul3A_455 : vector<16xf32>
      %add3A_457 = arith.addf %add3A_429, %add3A_456 : vector<16xf32>
      %swap3A_458 = arith.constant 3 : i32
      %swap3A_459 = arith.index_cast %swap3A_458 : i32 to index
      %swap3A_460 = arith.constant 0 : index
      %swap3A_461 = tpu.vector_load %arg15[%swap3A_459, %swap3A_460] {strides = array<i32>} : memref<16x16xf32, #tpu.memory_space<vmem>>, vector<16xf32>,
      tpu.vector_store %arg15[%swap3A_459, %swap3A_460], %add3A_457 {strides = array<i32>} : memref<16x16xf32, #tpu.memory_space<vmem>>, vector<16xf32>,
      %add3A_462 = arith.constant 4 : i32
      %add3A_463 = arith.addi %add3A_220, %add3A_462 : i32
      %get3A_464 = arith.index_cast %add3A_463 : i32 to index
      %get3A_465 = arith.constant 0 : index
      %get3A_466 = tpu.vector_load %arg11[%get3A_464, %get3A_465] {strides = array<i32>} : memref<512x64xf32, #tpu.memory_space<vmem>>, vector<16xf32>,
      %get3A_467 = arith.index_cast %add3A_463 : i32 to index
      %get3A_468 = arith.constant 32 : index
      %get3A_469 = tpu.vector_load %arg11[%get3A_467, %get3A_468] {strides = array<i32>} : memref<512x64xf32, #tpu.memory_space<vmem>>, vector<16xf32>,
      %get3A_470 = arith.index_cast %add3A_463 : i32 to index
      %get3A_471 = arith.constant 0 : index
      %get3A_472 = tpu.vector_load %arg12[%get3A_470, %get3A_471] {strides = array<i32>} : memref<512x64xf32, #tpu.memory_space<vmem>>, vector<16xf32>,
      %get3A_473 = arith.index_cast %add3A_463 : i32 to index
      %get3A_474 = arith.constant 32 : index
      %get3A_475 = tpu.vector_load %arg12[%get3A_473, %get3A_474] {strides = array<i32>} : memref<512x64xf32, #tpu.memory_space<vmem>>, vector<16xf32>,
      %get3A_476 = arith.index_cast %add3A_463 : i32 to index
      %get3A_477 = arith.constant 0 : index
      %get3A_478 = tpu.vector_load %arg13[%get3A_476, %get3A_477] {strides = array<i32>} : memref<512x64xf32, #tpu.memory_space<vmem>>, vector<16xf32>,
      %get3A_479 = arith.index_cast %add3A_463 : i32 to index
      %get3A_480 = arith.constant 32 : index
      %get3A_481 = tpu.vector_load %arg13[%get3A_479, %get3A_480] {strides = array<i32>} : memref<512x64xf32, #tpu.memory_space<vmem>>, vector<16xf32>,
      %mul3A_482 = arith.mulf %get3A_466, %get3A_478 : vector<16xf32>
      %mul3A_483 = arith.mulf %get3A_469, %get3A_481 : vector<16xf32>
      %add3A_484 = arith.addf %mul3A_482, %mul3A_483 : vector<16xf32>
      %mul3A_485 = arith.mulf %get3A_472, %add3A_484 : vector<16xf32>
      %mul3A_486 = arith.mulf %get3A_466, %get3A_481 : vector<16xf32>
      %mul3A_487 = arith.mulf %get3A_469, %get3A_478 : vector<16xf32>
      %sub3A_488 = arith.subf %mul3A_486, %mul3A_487 : vector<16xf32>
      %mul3A_489 = arith.mulf %get3A_475, %sub3A_488 : vector<16xf32>
      %add3A_490 = arith.addf %mul3A_485, %mul3A_489 : vector<16xf32>
      %get3A_491 = arith.index_cast %add3A_463 : i32 to index
      %get3A_492 = arith.constant 16 : index
      %get3A_493 = tpu.vector_load %arg11[%get3A_491, %get3A_492] {strides = array<i32>} : memref<512x64xf32, #tpu.memory_space<vmem>>, vector<16xf32>,
      %get3A_494 = arith.index_cast %add3A_463 : i32 to index
      %get3A_495 = arith.constant 48 : index
      %get3A_496 = tpu.vector_load %arg11[%get3A_494, %get3A_495] {strides = array<i32>} : memref<512x64xf32, #tpu.memory_space<vmem>>, vector<16xf32>,
      %get3A_497 = arith.index_cast %add3A_463 : i32 to index
      %get3A_498 = arith.constant 16 : index
      %get3A_499 = tpu.vector_load %arg12[%get3A_497, %get3A_498] {strides = array<i32>} : memref<512x64xf32, #tpu.memory_space<vmem>>, vector<16xf32>,
      %get3A_500 = arith.index_cast %add3A_463 : i32 to index
      %get3A_501 = arith.constant 48 : index
      %get3A_502 = tpu.vector_load %arg12[%get3A_500, %get3A_501] {strides = array<i32>} : memref<512x64xf32, #tpu.memory_space<vmem>>, vector<16xf32>,
      %get3A_503 = arith.index_cast %add3A_463 : i32 to index
      %get3A_504 = arith.constant 16 : index
      %get3A_505 = tpu.vector_load %arg13[%get3A_503, %get3A_504] {strides = array<i32>} : memref<512x64xf32, #tpu.memory_space<vmem>>, vector<16xf32>,
      %get3A_506 = arith.index_cast %add3A_463 : i32 to index
      %get3A_507 = arith.constant 48 : index
      %get3A_508 = tpu.vector_load %arg13[%get3A_506, %get3A_507] {strides = array<i32>} : memref<512x64xf32, #tpu.memory_space<vmem>>, vector<16xf32>,
      %mul3A_509 = arith.mulf %get3A_493, %get3A_505 : vector<16xf32>
      %mul3A_510 = arith.mulf %get3A_496, %get3A_508 : vector<16xf32>
      %add3A_511 = arith.addf %mul3A_509, %mul3A_510 : vector<16xf32>
      %mul3A_512 = arith.mulf %get3A_499, %add3A_511 : vector<16xf32>
      %mul3A_513 = arith.mulf %get3A_493, %get3A_508 : vector<16xf32>
      %mul3A_514 = arith.mulf %get3A_496, %get3A_505 : vector<16xf32>
      %sub3A_515 = arith.subf %mul3A_513, %mul3A_514 : vector<16xf32>
      %mul3A_516 = arith.mulf %get3A_502, %sub3A_515 : vector<16xf32>
      %add3A_517 = arith.addf %mul3A_512, %mul3A_516 : vector<16xf32>
      %add3A_518 = arith.addf %add3A_490, %add3A_517 : vector<16xf32>
      %swap3A_519 = arith.constant 4 : i32
      %swap3A_520 = arith.index_cast %swap3A_519 : i32 to index
      %swap3A_521 = arith.constant 0 : index
      %swap3A_522 = tpu.vector_load %arg15[%swap3A_520, %swap3A_521] {strides = array<i32>} : memref<16x16xf32, #tpu.memory_space<vmem>>, vector<16xf32>,
      tpu.vector_store %arg15[%swap3A_520, %swap3A_521], %add3A_518 {strides = array<i32>} : memref<16x16xf32, #tpu.memory_space<vmem>>, vector<16xf32>,
      %add3A_523 = arith.constant 5 : i32
      %add3A_524 = arith.addi %add3A_220, %add3A_523 : i32
      %get3A_525 = arith.index_cast %add3A_524 : i32 to index
      %get3A_526 = arith.constant 0 : index
      %get3A_527 = tpu.vector_load %arg11[%get3A_525, %get3A_526] {strides = array<i32>} : memref<512x64xf32, #tpu.memory_space<vmem>>, vector<16xf32>,
      %get3A_528 = arith.index_cast %add3A_524 : i32 to index
      %get3A_529 = arith.constant 32 : index
      %get3A_530 = tpu.vector_load %arg11[%get3A_528, %get3A_529] {strides = array<i32>} : memref<512x64xf32, #tpu.memory_space<vmem>>, vector<16xf32>,
      %get3A_531 = arith.index_cast %add3A_524 : i32 to index
      %get3A_532 = arith.constant 0 : index
      %get3A_533 = tpu.vector_load %arg12[%get3A_531, %get3A_532] {strides = array<i32>} : memref<512x64xf32, #tpu.memory_space<vmem>>, vector<16xf32>,
      %get3A_534 = arith.index_cast %add3A_524 : i32 to index
      %get3A_535 = arith.constant 32 : index
      %get3A_536 = tpu.vector_load %arg12[%get3A_534, %get3A_535] {strides = array<i32>} : memref<512x64xf32, #tpu.memory_space<vmem>>, vector<16xf32>,
      %get3A_537 = arith.index_cast %add3A_524 : i32 to index
      %get3A_538 = arith.constant 0 : index
      %get3A_539 = tpu.vector_load %arg13[%get3A_537, %get3A_538] {strides = array<i32>} : memref<512x64xf32, #tpu.memory_space<vmem>>, vector<16xf32>,
      %get3A_540 = arith.index_cast %add3A_524 : i32 to index
      %get3A_541 = arith.constant 32 : index
      %get3A_542 = tpu.vector_load %arg13[%get3A_540, %get3A_541] {strides = array<i32>} : memref<512x64xf32, #tpu.memory_space<vmem>>, vector<16xf32>,
      %mul3A_543 = arith.mulf %get3A_527, %get3A_539 : vector<16xf32>
      %mul3A_544 = arith.mulf %get3A_530, %get3A_542 : vector<16xf32>
      %add3A_545 = arith.addf %mul3A_543, %mul3A_544 : vector<16xf32>
      %mul3A_546 = arith.mulf %get3A_533, %add3A_545 : vector<16xf32>
      %mul3A_547 = arith.mulf %get3A_527, %get3A_542 : vector<16xf32>
      %mul3A_548 = arith.mulf %get3A_530, %get3A_539 : vector<16xf32>
      %sub3A_549 = arith.subf %mul3A_547, %mul3A_548 : vector<16xf32>
      %mul3A_550 = arith.mulf %get3A_536, %sub3A_549 : vector<16xf32>
      %add3A_551 = arith.addf %mul3A_546, %mul3A_550 : vector<16xf32>
      %get3A_552 = arith.index_cast %add3A_524 : i32 to index
      %get3A_553 = arith.constant 16 : index
      %get3A_554 = tpu.vector_load %arg11[%get3A_552, %get3A_553] {strides = array<i32>} : memref<512x64xf32, #tpu.memory_space<vmem>>, vector<16xf32>,
      %get3A_555 = arith.index_cast %add3A_524 : i32 to index
      %get3A_556 = arith.constant 48 : index
      %get3A_557 = tpu.vector_load %arg11[%get3A_555, %get3A_556] {strides = array<i32>} : memref<512x64xf32, #tpu.memory_space<vmem>>, vector<16xf32>,
      %get3A_558 = arith.index_cast %add3A_524 : i32 to index
      %get3A_559 = arith.constant 16 : index
      %get3A_560 = tpu.vector_load %arg12[%get3A_558, %get3A_559] {strides = array<i32>} : memref<512x64xf32, #tpu.memory_space<vmem>>, vector<16xf32>,
      %get3A_561 = arith.index_cast %add3A_524 : i32 to index
      %get3A_562 = arith.constant 48 : index
      %get3A_563 = tpu.vector_load %arg12[%get3A_561, %get3A_562] {strides = array<i32>} : memref<512x64xf32, #tpu.memory_space<vmem>>, vector<16xf32>,
      %get3A_564 = arith.index_cast %add3A_524 : i32 to index
      %get3A_565 = arith.constant 16 : index
      %get3A_566 = tpu.vector_load %arg13[%get3A_564, %get3A_565] {strides = array<i32>} : memref<512x64xf32, #tpu.memory_space<vmem>>, vector<16xf32>,
      %get3A_567 = arith.index_cast %add3A_524 : i32 to index
      %get3A_568 = arith.constant 48 : index
      %get3A_569 = tpu.vector_load %arg13[%get3A_567, %get3A_568] {strides = array<i32>} : memref<512x64xf32, #tpu.memory_space<vmem>>, vector<16xf32>,
      %mul3A_570 = arith.mulf %get3A_554, %get3A_566 : vector<16xf32>
      %mul3A_571 = arith.mulf %get3A_557, %get3A_569 : vector<16xf32>
      %add3A_572 = arith.addf %mul3A_570, %mul3A_571 : vector<16xf32>
      %mul3A_573 = arith.mulf %get3A_560, %add3A_572 : vector<16xf32>
      %mul3A_574 = arith.mulf %get3A_554, %get3A_569 : vector<16xf32>
      %mul3A_575 = arith.mulf %get3A_557, %get3A_566 : vector<16xf32>
      %sub3A_576 = arith.subf %mul3A_574, %mul3A_575 : vector<16xf32>
      %mul3A_577 = arith.mulf %get3A_563, %sub3A_576 : vector<16xf32>
      %add3A_578 = arith.addf %mul3A_573, %mul3A_577 : vector<16xf32>
      %add3A_579 = arith.addf %add3A_551, %add3A_578 : vector<16xf32>
      %swap3A_580 = arith.constant 5 : i32
      %swap3A_581 = arith.index_cast %swap3A_580 : i32 to index
      %swap3A_582 = arith.constant 0 : index
      %swap3A_583 = tpu.vector_load %arg15[%swap3A_581, %swap3A_582] {strides = array<i32>} : memref<16x16xf32, #tpu.memory_space<vmem>>, vector<16xf32>,
      tpu.vector_store %arg15[%swap3A_581, %swap3A_582], %add3A_579 {strides = array<i32>} : memref<16x16xf32, #tpu.memory_space<vmem>>, vector<16xf32>,
      %add3A_584 = arith.constant 6 : i32
      %add3A_585 = arith.addi %add3A_220, %add3A_584 : i32
      %get3A_586 = arith.index_cast %add3A_585 : i32 to index
      %get3A_587 = arith.constant 0 : index
      %get3A_588 = tpu.vector_load %arg11[%get3A_586, %get3A_587] {strides = array<i32>} : memref<512x64xf32, #tpu.memory_space<vmem>>, vector<16xf32>,
      %get3A_589 = arith.index_cast %add3A_585 : i32 to index
      %get3A_590 = arith.constant 32 : index
      %get3A_591 = tpu.vector_load %arg11[%get3A_589, %get3A_590] {strides = array<i32>} : memref<512x64xf32, #tpu.memory_space<vmem>>, vector<16xf32>,
      %get3A_592 = arith.index_cast %add3A_585 : i32 to index
      %get3A_593 = arith.constant 0 : index
      %get3A_594 = tpu.vector_load %arg12[%get3A_592, %get3A_593] {strides = array<i32>} : memref<512x64xf32, #tpu.memory_space<vmem>>, vector<16xf32>,
      %get3A_595 = arith.index_cast %add3A_585 : i32 to index
      %get3A_596 = arith.constant 32 : index
      %get3A_597 = tpu.vector_load %arg12[%get3A_595, %get3A_596] {strides = array<i32>} : memref<512x64xf32, #tpu.memory_space<vmem>>, vector<16xf32>,
      %get3A_598 = arith.index_cast %add3A_585 : i32 to index
      %get3A_599 = arith.constant 0 : index
      %get3A_600 = tpu.vector_load %arg13[%get3A_598, %get3A_599] {strides = array<i32>} : memref<512x64xf32, #tpu.memory_space<vmem>>, vector<16xf32>,
      %get3A_601 = arith.index_cast %add3A_585 : i32 to index
      %get3A_602 = arith.constant 32 : index
      %get3A_603 = tpu.vector_load %arg13[%get3A_601, %get3A_602] {strides = array<i32>} : memref<512x64xf32, #tpu.memory_space<vmem>>, vector<16xf32>,
      %mul3A_604 = arith.mulf %get3A_588, %get3A_600 : vector<16xf32>
      %mul3A_605 = arith.mulf %get3A_591, %get3A_603 : vector<16xf32>
      %add3A_606 = arith.addf %mul3A_604, %mul3A_605 : vector<16xf32>
      %mul3A_607 = arith.mulf %get3A_594, %add3A_606 : vector<16xf32>
      %mul3A_608 = arith.mulf %get3A_588, %get3A_603 : vector<16xf32>
      %mul3A_609 = arith.mulf %get3A_591, %get3A_600 : vector<16xf32>
      %sub3A_610 = arith.subf %mul3A_608, %mul3A_609 : vector<16xf32>
      %mul3A_611 = arith.mulf %get3A_597, %sub3A_610 : vector<16xf32>
      %add3A_612 = arith.addf %mul3A_607, %mul3A_611 : vector<16xf32>
      %get3A_613 = arith.index_cast %add3A_585 : i32 to index
      %get3A_614 = arith.constant 16 : index
      %get3A_615 = tpu.vector_load %arg11[%get3A_613, %get3A_614] {strides = array<i32>} : memref<512x64xf32, #tpu.memory_space<vmem>>, vector<16xf32>,
      %get3A_616 = arith.index_cast %add3A_585 : i32 to index
      %get3A_617 = arith.constant 48 : index
      %get3A_618 = tpu.vector_load %arg11[%get3A_616, %get3A_617] {strides = array<i32>} : memref<512x64xf32, #tpu.memory_space<vmem>>, vector<16xf32>,
      %get3A_619 = arith.index_cast %add3A_585 : i32 to index
      %get3A_620 = arith.constant 16 : index
      %get3A_621 = tpu.vector_load %arg12[%get3A_619, %get3A_620] {strides = array<i32>} : memref<512x64xf32, #tpu.memory_space<vmem>>, vector<16xf32>,
      %get3A_622 = arith.index_cast %add3A_585 : i32 to index
      %get3A_623 = arith.constant 48 : index
      %get3A_624 = tpu.vector_load %arg12[%get3A_622, %get3A_623] {strides = array<i32>} : memref<512x64xf32, #tpu.memory_space<vmem>>, vector<16xf32>,
      %get3A_625 = arith.index_cast %add3A_585 : i32 to index
      %get3A_626 = arith.constant 16 : index
      %get3A_627 = tpu.vector_load %arg13[%get3A_625, %get3A_626] {strides = array<i32>} : memref<512x64xf32, #tpu.memory_space<vmem>>, vector<16xf32>,
      %get3A_628 = arith.index_cast %add3A_585 : i32 to index
      %get3A_629 = arith.constant 48 : index
      %get3A_630 = tpu.vector_load %arg13[%get3A_628, %get3A_629] {strides = array<i32>} : memref<512x64xf32, #tpu.memory_space<vmem>>, vector<16xf32>,
      %mul3A_631 = arith.mulf %get3A_615, %get3A_627 : vector<16xf32>
      %mul3A_632 = arith.mulf %get3A_618, %get3A_630 : vector<16xf32>
      %add3A_633 = arith.addf %mul3A_631, %mul3A_632 : vector<16xf32>
      %mul3A_634 = arith.mulf %get3A_621, %add3A_633 : vector<16xf32>
      %mul3A_635 = arith.mulf %get3A_615, %get3A_630 : vector<16xf32>
      %mul3A_636 = arith.mulf %get3A_618, %get3A_627 : vector<16xf32>
      %sub3A_637 = arith.subf %mul3A_635, %mul3A_636 : vector<16xf32>
      %mul3A_638 = arith.mulf %get3A_624, %sub3A_637 : vector<16xf32>
      %add3A_639 = arith.addf %mul3A_634, %mul3A_638 : vector<16xf32>
      %add3A_640 = arith.addf %add3A_612, %add3A_639 : vector<16xf32>
      %swap3A_641 = arith.constant 6 : i32
      %swap3A_642 = arith.index_cast %swap3A_641 : i32 to index
      %swap3A_643 = arith.constant 0 : index
      %swap3A_644 = tpu.vector_load %arg15[%swap3A_642, %swap3A_643] {strides = array<i32>} : memref<16x16xf32, #tpu.memory_space<vmem>>, vector<16xf32>,
      tpu.vector_store %arg15[%swap3A_642, %swap3A_643], %add3A_640 {strides = array<i32>} : memref<16x16xf32, #tpu.memory_space<vmem>>, vector<16xf32>,
      %add3A_645 = arith.constant 7 : i32
      %add3A_646 = arith.addi %add3A_220, %add3A_645 : i32
      %get3A_647 = arith.index_cast %add3A_646 : i32 to index
      %get3A_648 = arith.constant 0 : index
      %get3A_649 = tpu.vector_load %arg11[%get3A_647, %get3A_648] {strides = array<i32>} : memref<512x64xf32, #tpu.memory_space<vmem>>, vector<16xf32>,
      %get3A_650 = arith.index_cast %add3A_646 : i32 to index
      %get3A_651 = arith.constant 32 : index
      %get3A_652 = tpu.vector_load %arg11[%get3A_650, %get3A_651] {strides = array<i32>} : memref<512x64xf32, #tpu.memory_space<vmem>>, vector<16xf32>,
      %get3A_653 = arith.index_cast %add3A_646 : i32 to index
      %get3A_654 = arith.constant 0 : index
      %get3A_655 = tpu.vector_load %arg12[%get3A_653, %get3A_654] {strides = array<i32>} : memref<512x64xf32, #tpu.memory_space<vmem>>, vector<16xf32>,
      %get3A_656 = arith.index_cast %add3A_646 : i32 to index
      %get3A_657 = arith.constant 32 : index
      %get3A_658 = tpu.vector_load %arg12[%get3A_656, %get3A_657] {strides = array<i32>} : memref<512x64xf32, #tpu.memory_space<vmem>>, vector<16xf32>,
      %get3A_659 = arith.index_cast %add3A_646 : i32 to index
      %get3A_660 = arith.constant 0 : index
      %get3A_661 = tpu.vector_load %arg13[%get3A_659, %get3A_660] {strides = array<i32>} : memref<512x64xf32, #tpu.memory_space<vmem>>, vector<16xf32>,
      %get3A_662 = arith.index_cast %add3A_646 : i32 to index
      %get3A_663 = arith.constant 32 : index
      %get3A_664 = tpu.vector_load %arg13[%get3A_662, %get3A_663] {strides = array<i32>} : memref<512x64xf32, #tpu.memory_space<vmem>>, vector<16xf32>,
      %mul3A_665 = arith.mulf %get3A_649, %get3A_661 : vector<16xf32>
      %mul3A_666 = arith.mulf %get3A_652, %get3A_664 : vector<16xf32>
      %add3A_667 = arith.addf %mul3A_665, %mul3A_666 : vector<16xf32>
      %mul3A_668 = arith.mulf %get3A_655, %add3A_667 : vector<16xf32>
      %mul3A_669 = arith.mulf %get3A_649, %get3A_664 : vector<16xf32>
      %mul3A_670 = arith.mulf %get3A_652, %get3A_661 : vector<16xf32>
      %sub3A_671 = arith.subf %mul3A_669, %mul3A_670 : vector<16xf32>
      %mul3A_672 = arith.mulf %get3A_658, %sub3A_671 : vector<16xf32>
      %add3A_673 = arith.addf %mul3A_668, %mul3A_672 : vector<16xf32>
      %get3A_674 = arith.index_cast %add3A_646 : i32 to index
      %get3A_675 = arith.constant 16 : index
      %get3A_676 = tpu.vector_load %arg11[%get3A_674, %get3A_675] {strides = array<i32>} : memref<512x64xf32, #tpu.memory_space<vmem>>, vector<16xf32>,
      %get3A_677 = arith.index_cast %add3A_646 : i32 to index
      %get3A_678 = arith.constant 48 : index
      %get3A_679 = tpu.vector_load %arg11[%get3A_677, %get3A_678] {strides = array<i32>} : memref<512x64xf32, #tpu.memory_space<vmem>>, vector<16xf32>,
      %get3A_680 = arith.index_cast %add3A_646 : i32 to index
      %get3A_681 = arith.constant 16 : index
      %get3A_682 = tpu.vector_load %arg12[%get3A_680, %get3A_681] {strides = array<i32>} : memref<512x64xf32, #tpu.memory_space<vmem>>, vector<16xf32>,
      %get3A_683 = arith.index_cast %add3A_646 : i32 to index
      %get3A_684 = arith.constant 48 : index
      %get3A_685 = tpu.vector_load %arg12[%get3A_683, %get3A_684] {strides = array<i32>} : memref<512x64xf32, #tpu.memory_space<vmem>>, vector<16xf32>,
      %get3A_686 = arith.index_cast %add3A_646 : i32 to index
      %get3A_687 = arith.constant 16 : index
      %get3A_688 = tpu.vector_load %arg13[%get3A_686, %get3A_687] {strides = array<i32>} : memref<512x64xf32, #tpu.memory_space<vmem>>, vector<16xf32>,
      %get3A_689 = arith.index_cast %add3A_646 : i32 to index
      %get3A_690 = arith.constant 48 : index
      %get3A_691 = tpu.vector_load %arg13[%get3A_689, %get3A_690] {strides = array<i32>} : memref<512x64xf32, #tpu.memory_space<vmem>>, vector<16xf32>,
      %mul3A_692 = arith.mulf %get3A_676, %get3A_688 : vector<16xf32>
      %mul3A_693 = arith.mulf %get3A_679, %get3A_691 : vector<16xf32>
      %add3A_694 = arith.addf %mul3A_692, %mul3A_693 : vector<16xf32>
      %mul3A_695 = arith.mulf %get3A_682, %add3A_694 : vector<16xf32>
      %mul3A_696 = arith.mulf %get3A_676, %get3A_691 : vector<16xf32>
      %mul3A_697 = arith.mulf %get3A_679, %get3A_688 : vector<16xf32>
      %sub3A_698 = arith.subf %mul3A_696, %mul3A_697 : vector<16xf32>
      %mul3A_699 = arith.mulf %get3A_685, %sub3A_698 : vector<16xf32>
      %add3A_700 = arith.addf %mul3A_695, %mul3A_699 : vector<16xf32>
      %add3A_701 = arith.addf %add3A_673, %add3A_700 : vector<16xf32>
      %swap3A_702 = arith.constant 7 : i32
      %swap3A_703 = arith.index_cast %swap3A_702 : i32 to index
      %swap3A_704 = arith.constant 0 : index
      %swap3A_705 = tpu.vector_load %arg15[%swap3A_703, %swap3A_704] {strides = array<i32>} : memref<16x16xf32, #tpu.memory_space<vmem>>, vector<16xf32>,
      tpu.vector_store %arg15[%swap3A_703, %swap3A_704], %add3A_701 {strides = array<i32>} : memref<16x16xf32, #tpu.memory_space<vmem>>, vector<16xf32>,
      %add3A_706 = arith.constant 8 : i32
      %add3A_707 = arith.addi %add3A_220, %add3A_706 : i32
      %get3A_708 = arith.index_cast %add3A_707 : i32 to index
      %get3A_709 = arith.constant 0 : index
      %get3A_710 = tpu.vector_load %arg11[%get3A_708, %get3A_709] {strides = array<i32>} : memref<512x64xf32, #tpu.memory_space<vmem>>, vector<16xf32>,
      %get3A_711 = arith.index_cast %add3A_707 : i32 to index
      %get3A_712 = arith.constant 32 : index
      %get3A_713 = tpu.vector_load %arg11[%get3A_711, %get3A_712] {strides = array<i32>} : memref<512x64xf32, #tpu.memory_space<vmem>>, vector<16xf32>,
      %get3A_714 = arith.index_cast %add3A_707 : i32 to index
      %get3A_715 = arith.constant 0 : index
      %get3A_716 = tpu.vector_load %arg12[%get3A_714, %get3A_715] {strides = array<i32>} : memref<512x64xf32, #tpu.memory_space<vmem>>, vector<16xf32>,
      %get3A_717 = arith.index_cast %add3A_707 : i32 to index
      %get3A_718 = arith.constant 32 : index
      %get3A_719 = tpu.vector_load %arg12[%get3A_717, %get3A_718] {strides = array<i32>} : memref<512x64xf32, #tpu.memory_space<vmem>>, vector<16xf32>,
      %get3A_720 = arith.index_cast %add3A_707 : i32 to index
      %get3A_721 = arith.constant 0 : index
      %get3A_722 = tpu.vector_load %arg13[%get3A_720, %get3A_721] {strides = array<i32>} : memref<512x64xf32, #tpu.memory_space<vmem>>, vector<16xf32>,
      %get3A_723 = arith.index_cast %add3A_707 : i32 to index
      %get3A_724 = arith.constant 32 : index
      %get3A_725 = tpu.vector_load %arg13[%get3A_723, %get3A_724] {strides = array<i32>} : memref<512x64xf32, #tpu.memory_space<vmem>>, vector<16xf32>,
      %mul3A_726 = arith.mulf %get3A_710, %get3A_722 : vector<16xf32>
      %mul3A_727 = arith.mulf %get3A_713, %get3A_725 : vector<16xf32>
      %add3A_728 = arith.addf %mul3A_726, %mul3A_727 : vector<16xf32>
      %mul3A_729 = arith.mulf %get3A_716, %add3A_728 : vector<16xf32>
      %mul3A_730 = arith.mulf %get3A_710, %get3A_725 : vector<16xf32>
      %mul3A_731 = arith.mulf %get3A_713, %get3A_722 : vector<16xf32>
      %sub3A_732 = arith.subf %mul3A_730, %mul3A_731 : vector<16xf32>
      %mul3A_733 = arith.mulf %get3A_719, %sub3A_732 : vector<16xf32>
      %add3A_734 = arith.addf %mul3A_729, %mul3A_733 : vector<16xf32>
      %get3A_735 = arith.index_cast %add3A_707 : i32 to index
      %get3A_736 = arith.constant 16 : index
      %get3A_737 = tpu.vector_load %arg11[%get3A_735, %get3A_736] {strides = array<i32>} : memref<512x64xf32, #tpu.memory_space<vmem>>, vector<16xf32>,
      %get3A_738 = arith.index_cast %add3A_707 : i32 to index
      %get3A_739 = arith.constant 48 : index
      %get3A_740 = tpu.vector_load %arg11[%get3A_738, %get3A_739] {strides = array<i32>} : memref<512x64xf32, #tpu.memory_space<vmem>>, vector<16xf32>,
      %get3A_741 = arith.index_cast %add3A_707 : i32 to index
      %get3A_742 = arith.constant 16 : index
      %get3A_743 = tpu.vector_load %arg12[%get3A_741, %get3A_742] {strides = array<i32>} : memref<512x64xf32, #tpu.memory_space<vmem>>, vector<16xf32>,
      %get3A_744 = arith.index_cast %add3A_707 : i32 to index
      %get3A_745 = arith.constant 48 : index
      %get3A_746 = tpu.vector_load %arg12[%get3A_744, %get3A_745] {strides = array<i32>} : memref<512x64xf32, #tpu.memory_space<vmem>>, vector<16xf32>,
      %get3A_747 = arith.index_cast %add3A_707 : i32 to index
      %get3A_748 = arith.constant 16 : index
      %get3A_749 = tpu.vector_load %arg13[%get3A_747, %get3A_748] {strides = array<i32>} : memref<512x64xf32, #tpu.memory_space<vmem>>, vector<16xf32>,
      %get3A_750 = arith.index_cast %add3A_707 : i32 to index
      %get3A_751 = arith.constant 48 : index
      %get3A_752 = tpu.vector_load %arg13[%get3A_750, %get3A_751] {strides = array<i32>} : memref<512x64xf32, #tpu.memory_space<vmem>>, vector<16xf32>,
      %mul3A_753 = arith.mulf %get3A_737, %get3A_749 : vector<16xf32>
      %mul3A_754 = arith.mulf %get3A_740, %get3A_752 : vector<16xf32>
      %add3A_755 = arith.addf %mul3A_753, %mul3A_754 : vector<16xf32>
      %mul3A_756 = arith.mulf %get3A_743, %add3A_755 : vector<16xf32>
      %mul3A_757 = arith.mulf %get3A_737, %get3A_752 : vector<16xf32>
      %mul3A_758 = arith.mulf %get3A_740, %get3A_749 : vector<16xf32>
      %sub3A_759 = arith.subf %mul3A_757, %mul3A_758 : vector<16xf32>
      %mul3A_760 = arith.mulf %get3A_746, %sub3A_759 : vector<16xf32>
      %add3A_761 = arith.addf %mul3A_756, %mul3A_760 : vector<16xf32>
      %add3A_762 = arith.addf %add3A_734, %add3A_761 : vector<16xf32>
      %swap3A_763 = arith.constant 8 : i32
      %swap3A_764 = arith.index_cast %swap3A_763 : i32 to index
      %swap3A_765 = arith.constant 0 : index
      %swap3A_766 = tpu.vector_load %arg15[%swap3A_764, %swap3A_765] {strides = array<i32>} : memref<16x16xf32, #tpu.memory_space<vmem>>, vector<16xf32>,
      tpu.vector_store %arg15[%swap3A_764, %swap3A_765], %add3A_762 {strides = array<i32>} : memref<16x16xf32, #tpu.memory_space<vmem>>, vector<16xf32>,
      %add3A_767 = arith.constant 9 : i32
      %add3A_768 = arith.addi %add3A_220, %add3A_767 : i32
      %get3A_769 = arith.index_cast %add3A_768 : i32 to index
      %get3A_770 = arith.constant 0 : index
      %get3A_771 = tpu.vector_load %arg11[%get3A_769, %get3A_770] {strides = array<i32>} : memref<512x64xf32, #tpu.memory_space<vmem>>, vector<16xf32>,
      %get3A_772 = arith.index_cast %add3A_768 : i32 to index
      %get3A_773 = arith.constant 32 : index
      %get3A_774 = tpu.vector_load %arg11[%get3A_772, %get3A_773] {strides = array<i32>} : memref<512x64xf32, #tpu.memory_space<vmem>>, vector<16xf32>,
      %get3A_775 = arith.index_cast %add3A_768 : i32 to index
      %get3A_776 = arith.constant 0 : index
      %get3A_777 = tpu.vector_load %arg12[%get3A_775, %get3A_776] {strides = array<i32>} : memref<512x64xf32, #tpu.memory_space<vmem>>, vector<16xf32>,
      %get3A_778 = arith.index_cast %add3A_768 : i32 to index
      %get3A_779 = arith.constant 32 : index
      %get3A_780 = tpu.vector_load %arg12[%get3A_778, %get3A_779] {strides = array<i32>} : memref<512x64xf32, #tpu.memory_space<vmem>>, vector<16xf32>,
      %get3A_781 = arith.index_cast %add3A_768 : i32 to index
      %get3A_782 = arith.constant 0 : index
      %get3A_783 = tpu.vector_load %arg13[%get3A_781, %get3A_782] {strides = array<i32>} : memref<512x64xf32, #tpu.memory_space<vmem>>, vector<16xf32>,
      %get3A_784 = arith.index_cast %add3A_768 : i32 to index
      %get3A_785 = arith.constant 32 : index
      %get3A_786 = tpu.vector_load %arg13[%get3A_784, %get3A_785] {strides = array<i32>} : memref<512x64xf32, #tpu.memory_space<vmem>>, vector<16xf32>,
      %mul3A_787 = arith.mulf %get3A_771, %get3A_783 : vector<16xf32>
      %mul3A_788 = arith.mulf %get3A_774, %get3A_786 : vector<16xf32>
      %add3A_789 = arith.addf %mul3A_787, %mul3A_788 : vector<16xf32>
      %mul3A_790 = arith.mulf %get3A_777, %add3A_789 : vector<16xf32>
      %mul3A_791 = arith.mulf %get3A_771, %get3A_786 : vector<16xf32>
      %mul3A_792 = arith.mulf %get3A_774, %get3A_783 : vector<16xf32>
      %sub3A_793 = arith.subf %mul3A_791, %mul3A_792 : vector<16xf32>
      %mul3A_794 = arith.mulf %get3A_780, %sub3A_793 : vector<16xf32>
      %add3A_795 = arith.addf %mul3A_790, %mul3A_794 : vector<16xf32>
      %get3A_796 = arith.index_cast %add3A_768 : i32 to index
      %get3A_797 = arith.constant 16 : index
      %get3A_798 = tpu.vector_load %arg11[%get3A_796, %get3A_797] {strides = array<i32>} : memref<512x64xf32, #tpu.memory_space<vmem>>, vector<16xf32>,
      %get3A_799 = arith.index_cast %add3A_768 : i32 to index
      %get3A_800 = arith.constant 48 : index
      %get3A_801 = tpu.vector_load %arg11[%get3A_799, %get3A_800] {strides = array<i32>} : memref<512x64xf32, #tpu.memory_space<vmem>>, vector<16xf32>,
      %get3A_802 = arith.index_cast %add3A_768 : i32 to index
      %get3A_803 = arith.constant 16 : index
      %get3A_804 = tpu.vector_load %arg12[%get3A_802, %get3A_803] {strides = array<i32>} : memref<512x64xf32, #tpu.memory_space<vmem>>, vector<16xf32>,
      %get3A_805 = arith.index_cast %add3A_768 : i32 to index
      %get3A_806 = arith.constant 48 : index
      %get3A_807 = tpu.vector_load %arg12[%get3A_805, %get3A_806] {strides = array<i32>} : memref<512x64xf32, #tpu.memory_space<vmem>>, vector<16xf32>,
      %get3A_808 = arith.index_cast %add3A_768 : i32 to index
      %get3A_809 = arith.constant 16 : index
      %get3A_810 = tpu.vector_load %arg13[%get3A_808, %get3A_809] {strides = array<i32>} : memref<512x64xf32, #tpu.memory_space<vmem>>, vector<16xf32>,
      %get3A_811 = arith.index_cast %add3A_768 : i32 to index
      %get3A_812 = arith.constant 48 : index
      %get3A_813 = tpu.vector_load %arg13[%get3A_811, %get3A_812] {strides = array<i32>} : memref<512x64xf32, #tpu.memory_space<vmem>>, vector<16xf32>,
      %mul3A_814 = arith.mulf %get3A_798, %get3A_810 : vector<16xf32>
      %mul3A_815 = arith.mulf %get3A_801, %get3A_813 : vector<16xf32>
      %add3A_816 = arith.addf %mul3A_814, %mul3A_815 : vector<16xf32>
      %mul3A_817 = arith.mulf %get3A_804, %add3A_816 : vector<16xf32>
      %mul3A_818 = arith.mulf %get3A_798, %get3A_813 : vector<16xf32>
      %mul3A_819 = arith.mulf %get3A_801, %get3A_810 : vector<16xf32>
      %sub3A_820 = arith.subf %mul3A_818, %mul3A_819 : vector<16xf32>
      %mul3A_821 = arith.mulf %get3A_807, %sub3A_820 : vector<16xf32>
      %add3A_822 = arith.addf %mul3A_817, %mul3A_821 : vector<16xf32>
      %add3A_823 = arith.addf %add3A_795, %add3A_822 : vector<16xf32>
      %swap3A_824 = arith.constant 9 : i32
      %swap3A_825 = arith.index_cast %swap3A_824 : i32 to index
      %swap3A_826 = arith.constant 0 : index
      %swap3A_827 = tpu.vector_load %arg15[%swap3A_825, %swap3A_826] {strides = array<i32>} : memref<16x16xf32, #tpu.memory_space<vmem>>, vector<16xf32>,
      tpu.vector_store %arg15[%swap3A_825, %swap3A_826], %add3A_823 {strides = array<i32>} : memref<16x16xf32, #tpu.memory_space<vmem>>, vector<16xf32>,
      %add3A_828 = arith.constant 10 : i32
      %add3A_829 = arith.addi %add3A_220, %add3A_828 : i32
      %get3A_830 = arith.index_cast %add3A_829 : i32 to index
      %get3A_831 = arith.constant 0 : index
      %get3A_832 = tpu.vector_load %arg11[%get3A_830, %get3A_831] {strides = array<i32>} : memref<512x64xf32, #tpu.memory_space<vmem>>, vector<16xf32>,
      %get3A_833 = arith.index_cast %add3A_829 : i32 to index
      %get3A_834 = arith.constant 32 : index
      %get3A_835 = tpu.vector_load %arg11[%get3A_833, %get3A_834] {strides = array<i32>} : memref<512x64xf32, #tpu.memory_space<vmem>>, vector<16xf32>,
      %get3A_836 = arith.index_cast %add3A_829 : i32 to index
      %get3A_837 = arith.constant 0 : index
      %get3A_838 = tpu.vector_load %arg12[%get3A_836, %get3A_837] {strides = array<i32>} : memref<512x64xf32, #tpu.memory_space<vmem>>, vector<16xf32>,
      %get3A_839 = arith.index_cast %add3A_829 : i32 to index
      %get3A_840 = arith.constant 32 : index
      %get3A_841 = tpu.vector_load %arg12[%get3A_839, %get3A_840] {strides = array<i32>} : memref<512x64xf32, #tpu.memory_space<vmem>>, vector<16xf32>,
      %get3A_842 = arith.index_cast %add3A_829 : i32 to index
      %get3A_843 = arith.constant 0 : index
      %get3A_844 = tpu.vector_load %arg13[%get3A_842, %get3A_843] {strides = array<i32>} : memref<512x64xf32, #tpu.memory_space<vmem>>, vector<16xf32>,
      %get3A_845 = arith.index_cast %add3A_829 : i32 to index
      %get3A_846 = arith.constant 32 : index
      %get3A_847 = tpu.vector_load %arg13[%get3A_845, %get3A_846] {strides = array<i32>} : memref<512x64xf32, #tpu.memory_space<vmem>>, vector<16xf32>,
      %mul3A_848 = arith.mulf %get3A_832, %get3A_844 : vector<16xf32>
      %mul3A_849 = arith.mulf %get3A_835, %get3A_847 : vector<16xf32>
      %add3A_850 = arith.addf %mul3A_848, %mul3A_849 : vector<16xf32>
      %mul3A_851 = arith.mulf %get3A_838, %add3A_850 : vector<16xf32>
      %mul3A_852 = arith.mulf %get3A_832, %get3A_847 : vector<16xf32>
      %mul3A_853 = arith.mulf %get3A_835, %get3A_844 : vector<16xf32>
      %sub3A_854 = arith.subf %mul3A_852, %mul3A_853 : vector<16xf32>
      %mul3A_855 = arith.mulf %get3A_841, %sub3A_854 : vector<16xf32>
      %add3A_856 = arith.addf %mul3A_851, %mul3A_855 : vector<16xf32>
      %get3A_857 = arith.index_cast %add3A_829 : i32 to index
      %get3A_858 = arith.constant 16 : index
      %get3A_859 = tpu.vector_load %arg11[%get3A_857, %get3A_858] {strides = array<i32>} : memref<512x64xf32, #tpu.memory_space<vmem>>, vector<16xf32>,
      %get3A_860 = arith.index_cast %add3A_829 : i32 to index
      %get3A_861 = arith.constant 48 : index
      %get3A_862 = tpu.vector_load %arg11[%get3A_860, %get3A_861] {strides = array<i32>} : memref<512x64xf32, #tpu.memory_space<vmem>>, vector<16xf32>,
      %get3A_863 = arith.index_cast %add3A_829 : i32 to index
      %get3A_864 = arith.constant 16 : index
      %get3A_865 = tpu.vector_load %arg12[%get3A_863, %get3A_864] {strides = array<i32>} : memref<512x64xf32, #tpu.memory_space<vmem>>, vector<16xf32>,
      %get3A_866 = arith.index_cast %add3A_829 : i32 to index
      %get3A_867 = arith.constant 48 : index
      %get3A_868 = tpu.vector_load %arg12[%get3A_866, %get3A_867] {strides = array<i32>} : memref<512x64xf32, #tpu.memory_space<vmem>>, vector<16xf32>,
      %get3A_869 = arith.index_cast %add3A_829 : i32 to index
      %get3A_870 = arith.constant 16 : index
      %get3A_871 = tpu.vector_load %arg13[%get3A_869, %get3A_870] {strides = array<i32>} : memref<512x64xf32, #tpu.memory_space<vmem>>, vector<16xf32>,
      %get3A_872 = arith.index_cast %add3A_829 : i32 to index
      %get3A_873 = arith.constant 48 : index
      %get3A_874 = tpu.vector_load %arg13[%get3A_872, %get3A_873] {strides = array<i32>} : memref<512x64xf32, #tpu.memory_space<vmem>>, vector<16xf32>,
      %mul3A_875 = arith.mulf %get3A_859, %get3A_871 : vector<16xf32>
      %mul3A_876 = arith.mulf %get3A_862, %get3A_874 : vector<16xf32>
      %add3A_877 = arith.addf %mul3A_875, %mul3A_876 : vector<16xf32>
      %mul3A_878 = arith.mulf %get3A_865, %add3A_877 : vector<16xf32>
      %mul3A_879 = arith.mulf %get3A_859, %get3A_874 : vector<16xf32>
      %mul3A_880 = arith.mulf %get3A_862, %get3A_871 : vector<16xf32>
      %sub3A_881 = arith.subf %mul3A_879, %mul3A_880 : vector<16xf32>
      %mul3A_882 = arith.mulf %get3A_868, %sub3A_881 : vector<16xf32>
      %add3A_883 = arith.addf %mul3A_878, %mul3A_882 : vector<16xf32>
      %add3A_884 = arith.addf %add3A_856, %add3A_883 : vector<16xf32>
      %swap3A_885 = arith.constant 10 : i32
      %swap3A_886 = arith.index_cast %swap3A_885 : i32 to index
      %swap3A_887 = arith.constant 0 : index
      %swap3A_888 = tpu.vector_load %arg15[%swap3A_886, %swap3A_887] {strides = array<i32>} : memref<16x16xf32, #tpu.memory_space<vmem>>, vector<16xf32>,
      tpu.vector_store %arg15[%swap3A_886, %swap3A_887], %add3A_884 {strides = array<i32>} : memref<16x16xf32, #tpu.memory_space<vmem>>, vector<16xf32>,
      %add3A_889 = arith.constant 11 : i32
      %add3A_890 = arith.addi %add3A_220, %add3A_889 : i32
      %get3A_891 = arith.index_cast %add3A_890 : i32 to index
      %get3A_892 = arith.constant 0 : index
      %get3A_893 = tpu.vector_load %arg11[%get3A_891, %get3A_892] {strides = array<i32>} : memref<512x64xf32, #tpu.memory_space<vmem>>, vector<16xf32>,
      %get3A_894 = arith.index_cast %add3A_890 : i32 to index
      %get3A_895 = arith.constant 32 : index
      %get3A_896 = tpu.vector_load %arg11[%get3A_894, %get3A_895] {strides = array<i32>} : memref<512x64xf32, #tpu.memory_space<vmem>>, vector<16xf32>,
      %get3A_897 = arith.index_cast %add3A_890 : i32 to index
      %get3A_898 = arith.constant 0 : index
      %get3A_899 = tpu.vector_load %arg12[%get3A_897, %get3A_898] {strides = array<i32>} : memref<512x64xf32, #tpu.memory_space<vmem>>, vector<16xf32>,
      %get3A_900 = arith.index_cast %add3A_890 : i32 to index
      %get3A_901 = arith.constant 32 : index
      %get3A_902 = tpu.vector_load %arg12[%get3A_900, %get3A_901] {strides = array<i32>} : memref<512x64xf32, #tpu.memory_space<vmem>>, vector<16xf32>,
      %get3A_903 = arith.index_cast %add3A_890 : i32 to index
      %get3A_904 = arith.constant 0 : index
      %get3A_905 = tpu.vector_load %arg13[%get3A_903, %get3A_904] {strides = array<i32>} : memref<512x64xf32, #tpu.memory_space<vmem>>, vector<16xf32>,
      %get3A_906 = arith.index_cast %add3A_890 : i32 to index
      %get3A_907 = arith.constant 32 : index
      %get3A_908 = tpu.vector_load %arg13[%get3A_906, %get3A_907] {strides = array<i32>} : memref<512x64xf32, #tpu.memory_space<vmem>>, vector<16xf32>,
      %mul3A_909 = arith.mulf %get3A_893, %get3A_905 : vector<16xf32>
      %mul3A_910 = arith.mulf %get3A_896, %get3A_908 : vector<16xf32>
      %add3A_911 = arith.addf %mul3A_909, %mul3A_910 : vector<16xf32>
      %mul3A_912 = arith.mulf %get3A_899, %add3A_911 : vector<16xf32>
      %mul3A_913 = arith.mulf %get3A_893, %get3A_908 : vector<16xf32>
      %mul3A_914 = arith.mulf %get3A_896, %get3A_905 : vector<16xf32>
      %sub3A_915 = arith.subf %mul3A_913, %mul3A_914 : vector<16xf32>
      %mul3A_916 = arith.mulf %get3A_902, %sub3A_915 : vector<16xf32>
      %add3A_917 = arith.addf %mul3A_912, %mul3A_916 : vector<16xf32>
      %get3A_918 = arith.index_cast %add3A_890 : i32 to index
      %get3A_919 = arith.constant 16 : index
      %get3A_920 = tpu.vector_load %arg11[%get3A_918, %get3A_919] {strides = array<i32>} : memref<512x64xf32, #tpu.memory_space<vmem>>, vector<16xf32>,
      %get3A_921 = arith.index_cast %add3A_890 : i32 to index
      %get3A_922 = arith.constant 48 : index
      %get3A_923 = tpu.vector_load %arg11[%get3A_921, %get3A_922] {strides = array<i32>} : memref<512x64xf32, #tpu.memory_space<vmem>>, vector<16xf32>,
      %get3A_924 = arith.index_cast %add3A_890 : i32 to index
      %get3A_925 = arith.constant 16 : index
      %get3A_926 = tpu.vector_load %arg12[%get3A_924, %get3A_925] {strides = array<i32>} : memref<512x64xf32, #tpu.memory_space<vmem>>, vector<16xf32>,
      %get3A_927 = arith.index_cast %add3A_890 : i32 to index
      %get3A_928 = arith.constant 48 : index
      %get3A_929 = tpu.vector_load %arg12[%get3A_927, %get3A_928] {strides = array<i32>} : memref<512x64xf32, #tpu.memory_space<vmem>>, vector<16xf32>,
      %get3A_930 = arith.index_cast %add3A_890 : i32 to index
      %get3A_931 = arith.constant 16 : index
      %get3A_932 = tpu.vector_load %arg13[%get3A_930, %get3A_931] {strides = array<i32>} : memref<512x64xf32, #tpu.memory_space<vmem>>, vector<16xf32>,
      %get3A_933 = arith.index_cast %add3A_890 : i32 to index
      %get3A_934 = arith.constant 48 : index
      %get3A_935 = tpu.vector_load %arg13[%get3A_933, %get3A_934] {strides = array<i32>} : memref<512x64xf32, #tpu.memory_space<vmem>>, vector<16xf32>,
      %mul3A_936 = arith.mulf %get3A_920, %get3A_932 : vector<16xf32>
      %mul3A_937 = arith.mulf %get3A_923, %get3A_935 : vector<16xf32>
      %add3A_938 = arith.addf %mul3A_936, %mul3A_937 : vector<16xf32>
      %mul3A_939 = arith.mulf %get3A_926, %add3A_938 : vector<16xf32>
      %mul3A_940 = arith.mulf %get3A_920, %get3A_935 : vector<16xf32>
      %mul3A_941 = arith.mulf %get3A_923, %get3A_932 : vector<16xf32>
      %sub3A_942 = arith.subf %mul3A_940, %mul3A_941 : vector<16xf32>
      %mul3A_943 = arith.mulf %get3A_929, %sub3A_942 : vector<16xf32>
      %add3A_944 = arith.addf %mul3A_939, %mul3A_943 : vector<16xf32>
      %add3A_945 = arith.addf %add3A_917, %add3A_944 : vector<16xf32>
      %swap3A_946 = arith.constant 11 : i32
      %swap3A_947 = arith.index_cast %swap3A_946 : i32 to index
      %swap3A_948 = arith.constant 0 : index
      %swap3A_949 = tpu.vector_load %arg15[%swap3A_947, %swap3A_948] {strides = array<i32>} : memref<16x16xf32, #tpu.memory_space<vmem>>, vector<16xf32>,
      tpu.vector_store %arg15[%swap3A_947, %swap3A_948], %add3A_945 {strides = array<i32>} : memref<16x16xf32, #tpu.memory_space<vmem>>, vector<16xf32>,
      %add3A_950 = arith.constant 12 : i32
      %add3A_951 = arith.addi %add3A_220, %add3A_950 : i32
      %get3A_952 = arith.index_cast %add3A_951 : i32 to index
      %get3A_953 = arith.constant 0 : index
      %get3A_954 = tpu.vector_load %arg11[%get3A_952, %get3A_953] {strides = array<i32>} : memref<512x64xf32, #tpu.memory_space<vmem>>, vector<16xf32>,
      %get3A_955 = arith.index_cast %add3A_951 : i32 to index
      %get3A_956 = arith.constant 32 : index
      %get3A_957 = tpu.vector_load %arg11[%get3A_955, %get3A_956] {strides = array<i32>} : memref<512x64xf32, #tpu.memory_space<vmem>>, vector<16xf32>,
      %get3A_958 = arith.index_cast %add3A_951 : i32 to index
      %get3A_959 = arith.constant 0 : index
      %get3A_960 = tpu.vector_load %arg12[%get3A_958, %get3A_959] {strides = array<i32>} : memref<512x64xf32, #tpu.memory_space<vmem>>, vector<16xf32>,
      %get3A_961 = arith.index_cast %add3A_951 : i32 to index
      %get3A_962 = arith.constant 32 : index
      %get3A_963 = tpu.vector_load %arg12[%get3A_961, %get3A_962] {strides = array<i32>} : memref<512x64xf32, #tpu.memory_space<vmem>>, vector<16xf32>,
      %get3A_964 = arith.index_cast %add3A_951 : i32 to index
      %get3A_965 = arith.constant 0 : index
      %get3A_966 = tpu.vector_load %arg13[%get3A_964, %get3A_965] {strides = array<i32>} : memref<512x64xf32, #tpu.memory_space<vmem>>, vector<16xf32>,
      %get3A_967 = arith.index_cast %add3A_951 : i32 to index
      %get3A_968 = arith.constant 32 : index
      %get3A_969 = tpu.vector_load %arg13[%get3A_967, %get3A_968] {strides = array<i32>} : memref<512x64xf32, #tpu.memory_space<vmem>>, vector<16xf32>,
      %mul3A_970 = arith.mulf %get3A_954, %get3A_966 : vector<16xf32>
      %mul3A_971 = arith.mulf %get3A_957, %get3A_969 : vector<16xf32>
      %add3A_972 = arith.addf %mul3A_970, %mul3A_971 : vector<16xf32>
      %mul3A_973 = arith.mulf %get3A_960, %add3A_972 : vector<16xf32>
      %mul3A_974 = arith.mulf %get3A_954, %get3A_969 : vector<16xf32>
      %mul3A_975 = arith.mulf %get3A_957, %get3A_966 : vector<16xf32>
      %sub3A_976 = arith.subf %mul3A_974, %mul3A_975 : vector<16xf32>
      %mul3A_977 = arith.mulf %get3A_963, %sub3A_976 : vector<16xf32>
      %add3A_978 = arith.addf %mul3A_973, %mul3A_977 : vector<16xf32>
      %get3A_979 = arith.index_cast %add3A_951 : i32 to index
      %get3A_980 = arith.constant 16 : index
      %get3A_981 = tpu.vector_load %arg11[%get3A_979, %get3A_980] {strides = array<i32>} : memref<512x64xf32, #tpu.memory_space<vmem>>, vector<16xf32>,
      %get3A_982 = arith.index_cast %add3A_951 : i32 to index
      %get3A_983 = arith.constant 48 : index
      %get3A_984 = tpu.vector_load %arg11[%get3A_982, %get3A_983] {strides = array<i32>} : memref<512x64xf32, #tpu.memory_space<vmem>>, vector<16xf32>,
      %get3A_985 = arith.index_cast %add3A_951 : i32 to index
      %get3A_986 = arith.constant 16 : index
      %get3A_987 = tpu.vector_load %arg12[%get3A_985, %get3A_986] {strides = array<i32>} : memref<512x64xf32, #tpu.memory_space<vmem>>, vector<16xf32>,
      %get3A_988 = arith.index_cast %add3A_951 : i32 to index
      %get3A_989 = arith.constant 48 : index
      %get3A_990 = tpu.vector_load %arg12[%get3A_988, %get3A_989] {strides = array<i32>} : memref<512x64xf32, #tpu.memory_space<vmem>>, vector<16xf32>,
      %get3A_991 = arith.index_cast %add3A_951 : i32 to index
      %get3A_992 = arith.constant 16 : index
      %get3A_993 = tpu.vector_load %arg13[%get3A_991, %get3A_992] {strides = array<i32>} : memref<512x64xf32, #tpu.memory_space<vmem>>, vector<16xf32>,
      %get3A_994 = arith.index_cast %add3A_951 : i32 to index
      %get3A_995 = arith.constant 48 : index
      %get3A_996 = tpu.vector_load %arg13[%get3A_994, %get3A_995] {strides = array<i32>} : memref<512x64xf32, #tpu.memory_space<vmem>>, vector<16xf32>,
      %mul3A_997 = arith.mulf %get3A_981, %get3A_993 : vector<16xf32>
      %mul3A_998 = arith.mulf %get3A_984, %get3A_996 : vector<16xf32>
      %add3A_999 = arith.addf %mul3A_997, %mul3A_998 : vector<16xf32>
      %mul3A_1000 = arith.mulf %get3A_987, %add3A_999 : vector<16xf32>
      %mul3A_1001 = arith.mulf %get3A_981, %get3A_996 : vector<16xf32>
      %mul3A_1002 = arith.mulf %get3A_984, %get3A_993 : vector<16xf32>
      %sub3A_1003 = arith.subf %mul3A_1001, %mul3A_1002 : vector<16xf32>
      %mul3A_1004 = arith.mulf %get3A_990, %sub3A_1003 : vector<16xf32>
      %add3A_1005 = arith.addf %mul3A_1000, %mul3A_1004 : vector<16xf32>
      %add3A_1006 = arith.addf %add3A_978, %add3A_1005 : vector<16xf32>
      %swap3A_1007 = arith.constant 12 : i32
      %swap3A_1008 = arith.index_cast %swap3A_1007 : i32 to index
      %swap3A_1009 = arith.constant 0 : index
      %swap3A_1010 = tpu.vector_load %arg15[%swap3A_1008, %swap3A_1009] {strides = array<i32>} : memref<16x16xf32, #tpu.memory_space<vmem>>, vector<16xf32>,
      tpu.vector_store %arg15[%swap3A_1008, %swap3A_1009], %add3A_1006 {strides = array<i32>} : memref<16x16xf32, #tpu.memory_space<vmem>>, vector<16xf32>,
      %add3A_1011 = arith.constant 13 : i32
      %add3A_1012 = arith.addi %add3A_220, %add3A_1011 : i32
      %get3A_1013 = arith.index_cast %add3A_1012 : i32 to index
      %get3A_1014 = arith.constant 0 : index
      %get3A_1015 = tpu.vector_load %arg11[%get3A_1013, %get3A_1014] {strides = array<i32>} : memref<512x64xf32, #tpu.memory_space<vmem>>, vector<16xf32>,
      %get3A_1016 = arith.index_cast %add3A_1012 : i32 to index
      %get3A_1017 = arith.constant 32 : index
      %get3A_1018 = tpu.vector_load %arg11[%get3A_1016, %get3A_1017] {strides = array<i32>} : memref<512x64xf32, #tpu.memory_space<vmem>>, vector<16xf32>,
      %get3A_1019 = arith.index_cast %add3A_1012 : i32 to index
      %get3A_1020 = arith.constant 0 : index
      %get3A_1021 = tpu.vector_load %arg12[%get3A_1019, %get3A_1020] {strides = array<i32>} : memref<512x64xf32, #tpu.memory_space<vmem>>, vector<16xf32>,
      %get3A_1022 = arith.index_cast %add3A_1012 : i32 to index
      %get3A_1023 = arith.constant 32 : index
      %get3A_1024 = tpu.vector_load %arg12[%get3A_1022, %get3A_1023] {strides = array<i32>} : memref<512x64xf32, #tpu.memory_space<vmem>>, vector<16xf32>,
      %get3A_1025 = arith.index_cast %add3A_1012 : i32 to index
      %get3A_1026 = arith.constant 0 : index
      %get3A_1027 = tpu.vector_load %arg13[%get3A_1025, %get3A_1026] {strides = array<i32>} : memref<512x64xf32, #tpu.memory_space<vmem>>, vector<16xf32>,
      %get3A_1028 = arith.index_cast %add3A_1012 : i32 to index
      %get3A_1029 = arith.constant 32 : index
      %get3A_1030 = tpu.vector_load %arg13[%get3A_1028, %get3A_1029] {strides = array<i32>} : memref<512x64xf32, #tpu.memory_space<vmem>>, vector<16xf32>,
      %mul3A_1031 = arith.mulf %get3A_1015, %get3A_1027 : vector<16xf32>
      %mul3A_1032 = arith.mulf %get3A_1018, %get3A_1030 : vector<16xf32>
      %add3A_1033 = arith.addf %mul3A_1031, %mul3A_1032 : vector<16xf32>
      %mul3A_1034 = arith.mulf %get3A_1021, %add3A_1033 : vector<16xf32>
      %mul3A_1035 = arith.mulf %get3A_1015, %get3A_1030 : vector<16xf32>
      %mul3A_1036 = arith.mulf %get3A_1018, %get3A_1027 : vector<16xf32>
      %sub3A_1037 = arith.subf %mul3A_1035, %mul3A_1036 : vector<16xf32>
      %mul3A_1038 = arith.mulf %get3A_1024, %sub3A_1037 : vector<16xf32>
      %add3A_1039 = arith.addf %mul3A_1034, %mul3A_1038 : vector<16xf32>
      %get3A_1040 = arith.index_cast %add3A_1012 : i32 to index
      %get3A_1041 = arith.constant 16 : index
      %get3A_1042 = tpu.vector_load %arg11[%get3A_1040, %get3A_1041] {strides = array<i32>} : memref<512x64xf32, #tpu.memory_space<vmem>>, vector<16xf32>,
      %get3A_1043 = arith.index_cast %add3A_1012 : i32 to index
      %get3A_1044 = arith.constant 48 : index
      %get3A_1045 = tpu.vector_load %arg11[%get3A_1043, %get3A_1044] {strides = array<i32>} : memref<512x64xf32, #tpu.memory_space<vmem>>, vector<16xf32>,
      %get3A_1046 = arith.index_cast %add3A_1012 : i32 to index
      %get3A_1047 = arith.constant 16 : index
      %get3A_1048 = tpu.vector_load %arg12[%get3A_1046, %get3A_1047] {strides = array<i32>} : memref<512x64xf32, #tpu.memory_space<vmem>>, vector<16xf32>,
      %get3A_1049 = arith.index_cast %add3A_1012 : i32 to index
      %get3A_1050 = arith.constant 48 : index
      %get3A_1051 = tpu.vector_load %arg12[%get3A_1049, %get3A_1050] {strides = array<i32>} : memref<512x64xf32, #tpu.memory_space<vmem>>, vector<16xf32>,
      %get3A_1052 = arith.index_cast %add3A_1012 : i32 to index
      %get3A_1053 = arith.constant 16 : index
      %get3A_1054 = tpu.vector_load %arg13[%get3A_1052, %get3A_1053] {strides = array<i32>} : memref<512x64xf32, #tpu.memory_space<vmem>>, vector<16xf32>,
      %get3A_1055 = arith.index_cast %add3A_1012 : i32 to index
      %get3A_1056 = arith.constant 48 : index
      %get3A_1057 = tpu.vector_load %arg13[%get3A_1055, %get3A_1056] {strides = array<i32>} : memref<512x64xf32, #tpu.memory_space<vmem>>, vector<16xf32>,
      %mul3A_1058 = arith.mulf %get3A_1042, %get3A_1054 : vector<16xf32>
      %mul3A_1059 = arith.mulf %get3A_1045, %get3A_1057 : vector<16xf32>
      %add3A_1060 = arith.addf %mul3A_1058, %mul3A_1059 : vector<16xf32>
      %mul3A_1061 = arith.mulf %get3A_1048, %add3A_1060 : vector<16xf32>
      %mul3A_1062 = arith.mulf %get3A_1042, %get3A_1057 : vector<16xf32>
      %mul3A_1063 = arith.mulf %get3A_1045, %get3A_1054 : vector<16xf32>
      %sub3A_1064 = arith.subf %mul3A_1062, %mul3A_1063 : vector<16xf32>
      %mul3A_1065 = arith.mulf %get3A_1051, %sub3A_1064 : vector<16xf32>
      %add3A_1066 = arith.addf %mul3A_1061, %mul3A_1065 : vector<16xf32>
      %add3A_1067 = arith.addf %add3A_1039, %add3A_1066 : vector<16xf32>
      %swap3A_1068 = arith.constant 13 : i32
      %swap3A_1069 = arith.index_cast %swap3A_1068 : i32 to index
      %swap3A_1070 = arith.constant 0 : index
      %swap3A_1071 = tpu.vector_load %arg15[%swap3A_1069, %swap3A_1070] {strides = array<i32>} : memref<16x16xf32, #tpu.memory_space<vmem>>, vector<16xf32>,
      tpu.vector_store %arg15[%swap3A_1069, %swap3A_1070], %add3A_1067 {strides = array<i32>} : memref<16x16xf32, #tpu.memory_space<vmem>>, vector<16xf32>,
      %add3A_1072 = arith.constant 14 : i32
      %add3A_1073 = arith.addi %add3A_220, %add3A_1072 : i32
      %get3A_1074 = arith.index_cast %add3A_1073 : i32 to index
      %get3A_1075 = arith.constant 0 : index
      %get3A_1076 = tpu.vector_load %arg11[%get3A_1074, %get3A_1075] {strides = array<i32>} : memref<512x64xf32, #tpu.memory_space<vmem>>, vector<16xf32>,
      %get3A_1077 = arith.index_cast %add3A_1073 : i32 to index
      %get3A_1078 = arith.constant 32 : index
      %get3A_1079 = tpu.vector_load %arg11[%get3A_1077, %get3A_1078] {strides = array<i32>} : memref<512x64xf32, #tpu.memory_space<vmem>>, vector<16xf32>,
      %get3A_1080 = arith.index_cast %add3A_1073 : i32 to index
      %get3A_1081 = arith.constant 0 : index
      %get3A_1082 = tpu.vector_load %arg12[%get3A_1080, %get3A_1081] {strides = array<i32>} : memref<512x64xf32, #tpu.memory_space<vmem>>, vector<16xf32>,
      %get3A_1083 = arith.index_cast %add3A_1073 : i32 to index
      %get3A_1084 = arith.constant 32 : index
      %get3A_1085 = tpu.vector_load %arg12[%get3A_1083, %get3A_1084] {strides = array<i32>} : memref<512x64xf32, #tpu.memory_space<vmem>>, vector<16xf32>,
      %get3A_1086 = arith.index_cast %add3A_1073 : i32 to index
      %get3A_1087 = arith.constant 0 : index
      %get3A_1088 = tpu.vector_load %arg13[%get3A_1086, %get3A_1087] {strides = array<i32>} : memref<512x64xf32, #tpu.memory_space<vmem>>, vector<16xf32>,
      %get3A_1089 = arith.index_cast %add3A_1073 : i32 to index
      %get3A_1090 = arith.constant 32 : index
      %get3A_1091 = tpu.vector_load %arg13[%get3A_1089, %get3A_1090] {strides = array<i32>} : memref<512x64xf32, #tpu.memory_space<vmem>>, vector<16xf32>,
      %mul3A_1092 = arith.mulf %get3A_1076, %get3A_1088 : vector<16xf32>
      %mul3A_1093 = arith.mulf %get3A_1079, %get3A_1091 : vector<16xf32>
      %add3A_1094 = arith.addf %mul3A_1092, %mul3A_1093 : vector<16xf32>
      %mul3A_1095 = arith.mulf %get3A_1082, %add3A_1094 : vector<16xf32>
      %mul3A_1096 = arith.mulf %get3A_1076, %get3A_1091 : vector<16xf32>
      %mul3A_1097 = arith.mulf %get3A_1079, %get3A_1088 : vector<16xf32>
      %sub3A_1098 = arith.subf %mul3A_1096, %mul3A_1097 : vector<16xf32>
      %mul3A_1099 = arith.mulf %get3A_1085, %sub3A_1098 : vector<16xf32>
      %add3A_1100 = arith.addf %mul3A_1095, %mul3A_1099 : vector<16xf32>
      %get3A_1101 = arith.index_cast %add3A_1073 : i32 to index
      %get3A_1102 = arith.constant 16 : index
      %get3A_1103 = tpu.vector_load %arg11[%get3A_1101, %get3A_1102] {strides = array<i32>} : memref<512x64xf32, #tpu.memory_space<vmem>>, vector<16xf32>,
      %get3A_1104 = arith.index_cast %add3A_1073 : i32 to index
      %get3A_1105 = arith.constant 48 : index
      %get3A_1106 = tpu.vector_load %arg11[%get3A_1104, %get3A_1105] {strides = array<i32>} : memref<512x64xf32, #tpu.memory_space<vmem>>, vector<16xf32>,
      %get3A_1107 = arith.index_cast %add3A_1073 : i32 to index
      %get3A_1108 = arith.constant 16 : index
      %get3A_1109 = tpu.vector_load %arg12[%get3A_1107, %get3A_1108] {strides = array<i32>} : memref<512x64xf32, #tpu.memory_space<vmem>>, vector<16xf32>,
      %get3A_1110 = arith.index_cast %add3A_1073 : i32 to index
      %get3A_1111 = arith.constant 48 : index
      %get3A_1112 = tpu.vector_load %arg12[%get3A_1110, %get3A_1111] {strides = array<i32>} : memref<512x64xf32, #tpu.memory_space<vmem>>, vector<16xf32>,
      %get3A_1113 = arith.index_cast %add3A_1073 : i32 to index
      %get3A_1114 = arith.constant 16 : index
      %get3A_1115 = tpu.vector_load %arg13[%get3A_1113, %get3A_1114] {strides = array<i32>} : memref<512x64xf32, #tpu.memory_space<vmem>>, vector<16xf32>,
      %get3A_1116 = arith.index_cast %add3A_1073 : i32 to index
      %get3A_1117 = arith.constant 48 : index
      %get3A_1118 = tpu.vector_load %arg13[%get3A_1116, %get3A_1117] {strides = array<i32>} : memref<512x64xf32, #tpu.memory_space<vmem>>, vector<16xf32>,
      %mul3A_1119 = arith.mulf %get3A_1103, %get3A_1115 : vector<16xf32>
      %mul3A_1120 = arith.mulf %get3A_1106, %get3A_1118 : vector<16xf32>
      %add3A_1121 = arith.addf %mul3A_1119, %mul3A_1120 : vector<16xf32>
      %mul3A_1122 = arith.mulf %get3A_1109, %add3A_1121 : vector<16xf32>
      %mul3A_1123 = arith.mulf %get3A_1103, %get3A_1118 : vector<16xf32>
      %mul3A_1124 = arith.mulf %get3A_1106, %get3A_1115 : vector<16xf32>
      %sub3A_1125 = arith.subf %mul3A_1123, %mul3A_1124 : vector<16xf32>
      %mul3A_1126 = arith.mulf %get3A_1112, %sub3A_1125 : vector<16xf32>
      %add3A_1127 = arith.addf %mul3A_1122, %mul3A_1126 : vector<16xf32>
      %add3A_1128 = arith.addf %add3A_1100, %add3A_1127 : vector<16xf32>
      %swap3A_1129 = arith.constant 14 : i32
      %swap3A_1130 = arith.index_cast %swap3A_1129 : i32 to index
      %swap3A_1131 = arith.constant 0 : index
      %swap3A_1132 = tpu.vector_load %arg15[%swap3A_1130, %swap3A_1131] {strides = array<i32>} : memref<16x16xf32, #tpu.memory_space<vmem>>, vector<16xf32>,
      tpu.vector_store %arg15[%swap3A_1130, %swap3A_1131], %add3A_1128 {strides = array<i32>} : memref<16x16xf32, #tpu.memory_space<vmem>>, vector<16xf32>,
      %add3A_1133 = arith.constant 15 : i32
      %add3A_1134 = arith.addi %add3A_220, %add3A_1133 : i32
      %get3A_1135 = arith.index_cast %add3A_1134 : i32 to index
      %get3A_1136 = arith.constant 0 : index
      %get3A_1137 = tpu.vector_load %arg11[%get3A_1135, %get3A_1136] {strides = array<i32>} : memref<512x64xf32, #tpu.memory_space<vmem>>, vector<16xf32>,
      %get3A_1138 = arith.index_cast %add3A_1134 : i32 to index
      %get3A_1139 = arith.constant 32 : index
      %get3A_1140 = tpu.vector_load %arg11[%get3A_1138, %get3A_1139] {strides = array<i32>} : memref<512x64xf32, #tpu.memory_space<vmem>>, vector<16xf32>,
      %get3A_1141 = arith.index_cast %add3A_1134 : i32 to index
      %get3A_1142 = arith.constant 0 : index
      %get3A_1143 = tpu.vector_load %arg12[%get3A_1141, %get3A_1142] {strides = array<i32>} : memref<512x64xf32, #tpu.memory_space<vmem>>, vector<16xf32>,
      %get3A_1144 = arith.index_cast %add3A_1134 : i32 to index
      %get3A_1145 = arith.constant 32 : index
      %get3A_1146 = tpu.vector_load %arg12[%get3A_1144, %get3A_1145] {strides = array<i32>} : memref<512x64xf32, #tpu.memory_space<vmem>>, vector<16xf32>,
      %get3A_1147 = arith.index_cast %add3A_1134 : i32 to index
      %get3A_1148 = arith.constant 0 : index
      %get3A_1149 = tpu.vector_load %arg13[%get3A_1147, %get3A_1148] {strides = array<i32>} : memref<512x64xf32, #tpu.memory_space<vmem>>, vector<16xf32>,
      %get3A_1150 = arith.index_cast %add3A_1134 : i32 to index
      %get3A_1151 = arith.constant 32 : index
      %get3A_1152 = tpu.vector_load %arg13[%get3A_1150, %get3A_1151] {strides = array<i32>} : memref<512x64xf32, #tpu.memory_space<vmem>>, vector<16xf32>,
      %mul3A_1153 = arith.mulf %get3A_1137, %get3A_1149 : vector<16xf32>
      %mul3A_1154 = arith.mulf %get3A_1140, %get3A_1152 : vector<16xf32>
      %add3A_1155 = arith.addf %mul3A_1153, %mul3A_1154 : vector<16xf32>
      %mul3A_1156 = arith.mulf %get3A_1143, %add3A_1155 : vector<16xf32>
      %mul3A_1157 = arith.mulf %get3A_1137, %get3A_1152 : vector<16xf32>
      %mul3A_1158 = arith.mulf %get3A_1140, %get3A_1149 : vector<16xf32>
      %sub3A_1159 = arith.subf %mul3A_1157, %mul3A_1158 : vector<16xf32>
      %mul3A_1160 = arith.mulf %get3A_1146, %sub3A_1159 : vector<16xf32>
      %add3A_1161 = arith.addf %mul3A_1156, %mul3A_1160 : vector<16xf32>
      %get3A_1162 = arith.index_cast %add3A_1134 : i32 to index
      %get3A_1163 = arith.constant 16 : index
      %get3A_1164 = tpu.vector_load %arg11[%get3A_1162, %get3A_1163] {strides = array<i32>} : memref<512x64xf32, #tpu.memory_space<vmem>>, vector<16xf32>,
      %get3A_1165 = arith.index_cast %add3A_1134 : i32 to index
      %get3A_1166 = arith.constant 48 : index
      %get3A_1167 = tpu.vector_load %arg11[%get3A_1165, %get3A_1166] {strides = array<i32>} : memref<512x64xf32, #tpu.memory_space<vmem>>, vector<16xf32>,
      %get3A_1168 = arith.index_cast %add3A_1134 : i32 to index
      %get3A_1169 = arith.constant 16 : index
      %get3A_1170 = tpu.vector_load %arg12[%get3A_1168, %get3A_1169] {strides = array<i32>} : memref<512x64xf32, #tpu.memory_space<vmem>>, vector<16xf32>,
      %get3A_1171 = arith.index_cast %add3A_1134 : i32 to index
      %get3A_1172 = arith.constant 48 : index
      %get3A_1173 = tpu.vector_load %arg12[%get3A_1171, %get3A_1172] {strides = array<i32>} : memref<512x64xf32, #tpu.memory_space<vmem>>, vector<16xf32>,
      %get3A_1174 = arith.index_cast %add3A_1134 : i32 to index
      %get3A_1175 = arith.constant 16 : index
      %get3A_1176 = tpu.vector_load %arg13[%get3A_1174, %get3A_1175] {strides = array<i32>} : memref<512x64xf32, #tpu.memory_space<vmem>>, vector<16xf32>,
      %get3A_1177 = arith.index_cast %add3A_1134 : i32 to index
      %get3A_1178 = arith.constant 48 : index
      %get3A_1179 = tpu.vector_load %arg13[%get3A_1177, %get3A_1178] {strides = array<i32>} : memref<512x64xf32, #tpu.memory_space<vmem>>, vector<16xf32>,
      %mul3A_1180 = arith.mulf %get3A_1164, %get3A_1176 : vector<16xf32>
      %mul3A_1181 = arith.mulf %get3A_1167, %get3A_1179 : vector<16xf32>
      %add3A_1182 = arith.addf %mul3A_1180, %mul3A_1181 : vector<16xf32>
      %mul3A_1183 = arith.mulf %get3A_1170, %add3A_1182 : vector<16xf32>
      %mul3A_1184 = arith.mulf %get3A_1164, %get3A_1179 : vector<16xf32>
      %mul3A_1185 = arith.mulf %get3A_1167, %get3A_1176 : vector<16xf32>
      %sub3A_1186 = arith.subf %mul3A_1184, %mul3A_1185 : vector<16xf32>
      %mul3A_1187 = arith.mulf %get3A_1173, %sub3A_1186 : vector<16xf32>
      %add3A_1188 = arith.addf %mul3A_1183, %mul3A_1187 : vector<16xf32>
      %add3A_1189 = arith.addf %add3A_1161, %add3A_1188 : vector<16xf32>
      %swap3A_1190 = arith.constant 15 : i32
      %swap3A_1191 = arith.index_cast %swap3A_1190 : i32 to index
      %swap3A_1192 = arith.constant 0 : index
      %swap3A_1193 = tpu.vector_load %arg15[%swap3A_1191, %swap3A_1192] {strides = array<i32>} : memref<16x16xf32, #tpu.memory_space<vmem>>, vector<16xf32>,
      tpu.vector_store %arg15[%swap3A_1191, %swap3A_1192], %add3A_1189 {strides = array<i32>} : memref<16x16xf32, #tpu.memory_space<vmem>>, vector<16xf32>,
      %broadcast_in_dim3A = arith.constant 0 : i32
      %broadcast_in_dim3A_1194 = vector.broadcast %broadcast_in_dim3A : i32 to vector<16xi32>
      %gather3A = tpu.vector_load_idx %arg15[%iota3A, %broadcast_in_dim3A_1194] : memref<16x16xf32, #tpu.memory_space<vmem>>[vector<16xi32>, vector<16xi32>], vector<16xf32>,
      %broadcast_in_dim3A_1195 = arith.constant 1 : i32
      %broadcast_in_dim3A_1196 = vector.broadcast %broadcast_in_dim3A_1195 : i32 to vector<16xi32>
      %gather3A_1197 = tpu.vector_load_idx %arg15[%iota3A, %broadcast_in_dim3A_1196] : memref<16x16xf32, #tpu.memory_space<vmem>>[vector<16xi32>, vector<16xi32>], vector<16xf32>,
      %broadcast_in_dim3A_1198 = arith.constant 2 : i32
      %broadcast_in_dim3A_1199 = vector.broadcast %broadcast_in_dim3A_1198 : i32 to vector<16xi32>
      %gather3A_1200 = tpu.vector_load_idx %arg15[%iota3A, %broadcast_in_dim3A_1199] : memref<16x16xf32, #tpu.memory_space<vmem>>[vector<16xi32>, vector<16xi32>], vector<16xf32>,
      %broadcast_in_dim3A_1201 = arith.constant 3 : i32
      %broadcast_in_dim3A_1202 = vector.broadcast %broadcast_in_dim3A_1201 : i32 to vector<16xi32>
      %gather3A_1203 = tpu.vector_load_idx %arg15[%iota3A, %broadcast_in_dim3A_1202] : memref<16x16xf32, #tpu.memory_space<vmem>>[vector<16xi32>, vector<16xi32>], vector<16xf32>,
      %broadcast_in_dim3A_1204 = arith.constant 4 : i32
      %broadcast_in_dim3A_1205 = vector.broadcast %broadcast_in_dim3A_1204 : i32 to vector<16xi32>
      %gather3A_1206 = tpu.vector_load_idx %arg15[%iota3A, %broadcast_in_dim3A_1205] : memref<16x16xf32, #tpu.memory_space<vmem>>[vector<16xi32>, vector<16xi32>], vector<16xf32>,
      %broadcast_in_dim3A_1207 = arith.constant 5 : i32
      %broadcast_in_dim3A_1208 = vector.broadcast %broadcast_in_dim3A_1207 : i32 to vector<16xi32>
      %gather3A_1209 = tpu.vector_load_idx %arg15[%iota3A, %broadcast_in_dim3A_1208] : memref<16x16xf32, #tpu.memory_space<vmem>>[vector<16xi32>, vector<16xi32>], vector<16xf32>,
      %broadcast_in_dim3A_1210 = arith.constant 6 : i32
      %broadcast_in_dim3A_1211 = vector.broadcast %broadcast_in_dim3A_1210 : i32 to vector<16xi32>
      %gather3A_1212 = tpu.vector_load_idx %arg15[%iota3A, %broadcast_in_dim3A_1211] : memref<16x16xf32, #tpu.memory_space<vmem>>[vector<16xi32>, vector<16xi32>], vector<16xf32>,
      %broadcast_in_dim3A_1213 = arith.constant 7 : i32
      %broadcast_in_dim3A_1214 = vector.broadcast %broadcast_in_dim3A_1213 : i32 to vector<16xi32>
      %gather3A_1215 = tpu.vector_load_idx %arg15[%iota3A, %broadcast_in_dim3A_1214] : memref<16x16xf32, #tpu.memory_space<vmem>>[vector<16xi32>, vector<16xi32>], vector<16xf32>,
      %broadcast_in_dim3A_1216 = arith.constant 8 : i32
      %broadcast_in_dim3A_1217 = vector.broadcast %broadcast_in_dim3A_1216 : i32 to vector<16xi32>
      %gather3A_1218 = tpu.vector_load_idx %arg15[%iota3A, %broadcast_in_dim3A_1217] : memref<16x16xf32, #tpu.memory_space<vmem>>[vector<16xi32>, vector<16xi32>], vector<16xf32>,
      %broadcast_in_dim3A_1219 = arith.constant 9 : i32
      %broadcast_in_dim3A_1220 = vector.broadcast %broadcast_in_dim3A_1219 : i32 to vector<16xi32>
      %gather3A_1221 = tpu.vector_load_idx %arg15[%iota3A, %broadcast_in_dim3A_1220] : memref<16x16xf32, #tpu.memory_space<vmem>>[vector<16xi32>, vector<16xi32>], vector<16xf32>,
      %broadcast_in_dim3A_1222 = arith.constant 10 : i32
      %broadcast_in_dim3A_1223 = vector.broadcast %broadcast_in_dim3A_1222 : i32 to vector<16xi32>
      %gather3A_1224 = tpu.vector_load_idx %arg15[%iota3A, %broadcast_in_dim3A_1223] : memref<16x16xf32, #tpu.memory_space<vmem>>[vector<16xi32>, vector<16xi32>], vector<16xf32>,
      %broadcast_in_dim3A_1225 = arith.constant 11 : i32
      %broadcast_in_dim3A_1226 = vector.broadcast %broadcast_in_dim3A_1225 : i32 to vector<16xi32>
      %gather3A_1227 = tpu.vector_load_idx %arg15[%iota3A, %broadcast_in_dim3A_1226] : memref<16x16xf32, #tpu.memory_space<vmem>>[vector<16xi32>, vector<16xi32>], vector<16xf32>,
      %broadcast_in_dim3A_1228 = arith.constant 12 : i32
      %broadcast_in_dim3A_1229 = vector.broadcast %broadcast_in_dim3A_1228 : i32 to vector<16xi32>
      %gather3A_1230 = tpu.vector_load_idx %arg15[%iota3A, %broadcast_in_dim3A_1229] : memref<16x16xf32, #tpu.memory_space<vmem>>[vector<16xi32>, vector<16xi32>], vector<16xf32>,
      %broadcast_in_dim3A_1231 = arith.constant 13 : i32
      %broadcast_in_dim3A_1232 = vector.broadcast %broadcast_in_dim3A_1231 : i32 to vector<16xi32>
      %gather3A_1233 = tpu.vector_load_idx %arg15[%iota3A, %broadcast_in_dim3A_1232] : memref<16x16xf32, #tpu.memory_space<vmem>>[vector<16xi32>, vector<16xi32>], vector<16xf32>,
      %broadcast_in_dim3A_1234 = arith.constant 14 : i32
      %broadcast_in_dim3A_1235 = vector.broadcast %broadcast_in_dim3A_1234 : i32 to vector<16xi32>
      %gather3A_1236 = tpu.vector_load_idx %arg15[%iota3A, %broadcast_in_dim3A_1235] : memref<16x16xf32, #tpu.memory_space<vmem>>[vector<16xi32>, vector<16xi32>], vector<16xf32>,
      %broadcast_in_dim3A_1237 = arith.constant 15 : i32
      %broadcast_in_dim3A_1238 = vector.broadcast %broadcast_in_dim3A_1237 : i32 to vector<16xi32>
      %gather3A_1239 = tpu.vector_load_idx %arg15[%iota3A, %broadcast_in_dim3A_1238] : memref<16x16xf32, #tpu.memory_space<vmem>>[vector<16xi32>, vector<16xi32>], vector<16xf32>,
      %add3A_1240 = arith.addf %gather3A, %gather3A_1197 : vector<16xf32>
      %add3A_1241 = arith.addf %gather3A_1200, %gather3A_1203 : vector<16xf32>
      %add3A_1242 = arith.addf %gather3A_1206, %gather3A_1209 : vector<16xf32>
      %add3A_1243 = arith.addf %gather3A_1212, %gather3A_1215 : vector<16xf32>
      %add3A_1244 = arith.addf %gather3A_1218, %gather3A_1221 : vector<16xf32>
      %add3A_1245 = arith.addf %gather3A_1224, %gather3A_1227 : vector<16xf32>
      %add3A_1246 = arith.addf %gather3A_1230, %gather3A_1233 : vector<16xf32>
      %add3A_1247 = arith.addf %gather3A_1236, %gather3A_1239 : vector<16xf32>
      %add3A_1248 = arith.addf %add3A_1240, %add3A_1241 : vector<16xf32>
      %add3A_1249 = arith.addf %add3A_1242, %add3A_1243 : vector<16xf32>
      %add3A_1250 = arith.addf %add3A_1244, %add3A_1245 : vector<16xf32>
      %add3A_1251 = arith.addf %add3A_1246, %add3A_1247 : vector<16xf32>
      %add3A_1252 = arith.addf %add3A_1248, %add3A_1249 : vector<16xf32>
      %add3A_1253 = arith.addf %add3A_1250, %add3A_1251 : vector<16xf32>
      %add3A_1254 = arith.addf %add3A_1252, %add3A_1253 : vector<16xf32>
      %swap3A_1255 = arith.index_cast %add3A_220 : i32 to index
      %swap3A_1256 = tpu.vector_load %arg14[%swap3A_1255] {strides = array<i32>} : memref<512xf32, #tpu.memory_space<vmem>>, vector<16xf32>,
      tpu.vector_store %arg14[%swap3A_1255], %add3A_1254 {strides = array<i32>} : memref<512xf32, #tpu.memory_space<vmem>>, vector<16xf32>,
    }
    %scan3A_155 = arith.constant 8 : i32
    %dma_wait3A_156 = arith.constant 256 : i32
    %dma_wait3A_157 = arith.constant 0 : i32
    %dma_wait3A_158 = tpu.memref_slice %arg11[%dma_wait3A_156, %dma_wait3A_157] : memref<512x64xf32, #tpu.memory_space<vmem>> -> memref<128x64xf32, #tpu.memory_space<vmem>>
    %dma_wait3A_159 = arith.constant 256 : i32
    %dma_wait3A_160 = tpu.memref_slice %arg8[%dma_wait3A_159] : memref<512xi32, #tpu.memory_space<vmem>> -> memref<128xi32, #tpu.memory_space<vmem>>
    %dma_wait3A_161 = arith.constant 0 : i32
    %dma_wait3A_162 = arith.constant 0 : i32
    %dma_wait3A_163 = tpu.memref_slice %arg5[%dma_wait3A_161, %dma_wait3A_162] : memref<1000000x64xf32, #tpu.memory_space<hbm>> -> memref<1000000x64xf32, #tpu.memory_space<hbm>>
    tpu.wait_indirect_dma semaphore(%arg18 : memref<!tpu.dma_semaphore, #tpu.memory_space<semaphore_mem>>) src(%dma_wait3A_163 : memref<1000000x64xf32, #tpu.memory_space<hbm>>) dst(%dma_wait3A_158 : memref<128x64xf32, #tpu.memory_space<vmem>>)
    %dma_wait3A_164 = arith.constant 256 : i32
    %dma_wait3A_165 = arith.constant 0 : i32
    %dma_wait3A_166 = tpu.memref_slice %arg12[%dma_wait3A_164, %dma_wait3A_165] : memref<512x64xf32, #tpu.memory_space<vmem>> -> memref<128x64xf32, #tpu.memory_space<vmem>>
    %dma_wait3A_167 = arith.constant 256 : i32
    %dma_wait3A_168 = tpu.memref_slice %arg9[%dma_wait3A_167] : memref<512xi32, #tpu.memory_space<vmem>> -> memref<128xi32, #tpu.memory_space<vmem>>
    %dma_wait3A_169 = arith.constant 0 : i32
    %dma_wait3A_170 = arith.constant 0 : i32
    %dma_wait3A_171 = tpu.memref_slice %arg6[%dma_wait3A_169, %dma_wait3A_170] : memref<1000x64xf32, #tpu.memory_space<hbm>> -> memref<1000x64xf32, #tpu.memory_space<hbm>>
    tpu.wait_indirect_dma semaphore(%arg18 : memref<!tpu.dma_semaphore, #tpu.memory_space<semaphore_mem>>) src(%dma_wait3A_171 : memref<1000x64xf32, #tpu.memory_space<hbm>>) dst(%dma_wait3A_166 : memref<128x64xf32, #tpu.memory_space<vmem>>)
    %dma_wait3A_172 = arith.constant 256 : i32
    %dma_wait3A_173 = arith.constant 0 : i32
    %dma_wait3A_174 = tpu.memref_slice %arg13[%dma_wait3A_172, %dma_wait3A_173] : memref<512x64xf32, #tpu.memory_space<vmem>> -> memref<128x64xf32, #tpu.memory_space<vmem>>
    %dma_wait3A_175 = arith.constant 256 : i32
    %dma_wait3A_176 = tpu.memref_slice %arg10[%dma_wait3A_175] : memref<512xi32, #tpu.memory_space<vmem>> -> memref<128xi32, #tpu.memory_space<vmem>>
    %dma_wait3A_177 = arith.constant 0 : i32
    %dma_wait3A_178 = arith.constant 0 : i32
    %dma_wait3A_179 = tpu.memref_slice %arg5[%dma_wait3A_177, %dma_wait3A_178] : memref<1000000x64xf32, #tpu.memory_space<hbm>> -> memref<1000000x64xf32, #tpu.memory_space<hbm>>
    tpu.wait_indirect_dma semaphore(%arg18 : memref<!tpu.dma_semaphore, #tpu.memory_space<semaphore_mem>>) src(%dma_wait3A_179 : memref<1000000x64xf32, #tpu.memory_space<hbm>>) dst(%dma_wait3A_174 : memref<128x64xf32, #tpu.memory_space<vmem>>)
    %scan3A_180 = arith.constant 0 : i32
    %scan3A_181 = arith.constant 0 : i32
    %scan3A_182 = arith.constant 8 : i32
    %scan3A_183 = arith.addi %scan3A_181, %scan3A_182 : i32
    %scan3A_184 = arith.constant 1 : i32
    scf.for %scan3A_216 = %scan3A_181 to %scan3A_183 step %scan3A_184  : i32 {
      %mul3A_217 = arith.constant 16 : i32
      %mul3A_218 = arith.muli %scan3A_216, %mul3A_217 : i32
      %add3A_219 = arith.constant 256 : i32
      %add3A_220 = arith.addi %add3A_219, %mul3A_218 : i32
      %add3A_221 = arith.constant 0 : i32
      %add3A_222 = arith.addi %add3A_220, %add3A_221 : i32
      %get3A = arith.index_cast %add3A_222 : i32 to index
      %get3A_223 = arith.constant 0 : index
      %get3A_224 = tpu.vector_load %arg11[%get3A, %get3A_223] {strides = array<i32>} : memref<512x64xf32, #tpu.memory_space<vmem>>, vector<16xf32>,
      %get3A_225 = arith.index_cast %add3A_222 : i32 to index
      %get3A_226 = arith.constant 32 : index
      %get3A_227 = tpu.vector_load %arg11[%get3A_225, %get3A_226] {strides = array<i32>} : memref<512x64xf32, #tpu.memory_space<vmem>>, vector<16xf32>,
      %get3A_228 = arith.index_cast %add3A_222 : i32 to index
      %get3A_229 = arith.constant 0 : index
      %get3A_230 = tpu.vector_load %arg12[%get3A_228, %get3A_229] {strides = array<i32>} : memref<512x64xf32, #tpu.memory_space<vmem>>, vector<16xf32>,
      %get3A_231 = arith.index_cast %add3A_222 : i32 to index
      %get3A_232 = arith.constant 32 : index
      %get3A_233 = tpu.vector_load %arg12[%get3A_231, %get3A_232] {strides = array<i32>} : memref<512x64xf32, #tpu.memory_space<vmem>>, vector<16xf32>,
      %get3A_234 = arith.index_cast %add3A_222 : i32 to index
      %get3A_235 = arith.constant 0 : index
      %get3A_236 = tpu.vector_load %arg13[%get3A_234, %get3A_235] {strides = array<i32>} : memref<512x64xf32, #tpu.memory_space<vmem>>, vector<16xf32>,
      %get3A_237 = arith.index_cast %add3A_222 : i32 to index
      %get3A_238 = arith.constant 32 : index
      %get3A_239 = tpu.vector_load %arg13[%get3A_237, %get3A_238] {strides = array<i32>} : memref<512x64xf32, #tpu.memory_space<vmem>>, vector<16xf32>,
      %mul3A_240 = arith.mulf %get3A_224, %get3A_236 : vector<16xf32>
      %mul3A_241 = arith.mulf %get3A_227, %get3A_239 : vector<16xf32>
      %add3A_242 = arith.addf %mul3A_240, %mul3A_241 : vector<16xf32>
      %mul3A_243 = arith.mulf %get3A_230, %add3A_242 : vector<16xf32>
      %mul3A_244 = arith.mulf %get3A_224, %get3A_239 : vector<16xf32>
      %mul3A_245 = arith.mulf %get3A_227, %get3A_236 : vector<16xf32>
      %sub3A = arith.subf %mul3A_244, %mul3A_245 : vector<16xf32>
      %mul3A_246 = arith.mulf %get3A_233, %sub3A : vector<16xf32>
      %add3A_247 = arith.addf %mul3A_243, %mul3A_246 : vector<16xf32>
      %get3A_248 = arith.index_cast %add3A_222 : i32 to index
      %get3A_249 = arith.constant 16 : index
      %get3A_250 = tpu.vector_load %arg11[%get3A_248, %get3A_249] {strides = array<i32>} : memref<512x64xf32, #tpu.memory_space<vmem>>, vector<16xf32>,
      %get3A_251 = arith.index_cast %add3A_222 : i32 to index
      %get3A_252 = arith.constant 48 : index
      %get3A_253 = tpu.vector_load %arg11[%get3A_251, %get3A_252] {strides = array<i32>} : memref<512x64xf32, #tpu.memory_space<vmem>>, vector<16xf32>,
      %get3A_254 = arith.index_cast %add3A_222 : i32 to index
      %get3A_255 = arith.constant 16 : index
      %get3A_256 = tpu.vector_load %arg12[%get3A_254, %get3A_255] {strides = array<i32>} : memref<512x64xf32, #tpu.memory_space<vmem>>, vector<16xf32>,
      %get3A_257 = arith.index_cast %add3A_222 : i32 to index
      %get3A_258 = arith.constant 48 : index
      %get3A_259 = tpu.vector_load %arg12[%get3A_257, %get3A_258] {strides = array<i32>} : memref<512x64xf32, #tpu.memory_space<vmem>>, vector<16xf32>,
      %get3A_260 = arith.index_cast %add3A_222 : i32 to index
      %get3A_261 = arith.constant 16 : index
      %get3A_262 = tpu.vector_load %arg13[%get3A_260, %get3A_261] {strides = array<i32>} : memref<512x64xf32, #tpu.memory_space<vmem>>, vector<16xf32>,
      %get3A_263 = arith.index_cast %add3A_222 : i32 to index
      %get3A_264 = arith.constant 48 : index
      %get3A_265 = tpu.vector_load %arg13[%get3A_263, %get3A_264] {strides = array<i32>} : memref<512x64xf32, #tpu.memory_space<vmem>>, vector<16xf32>,
      %mul3A_266 = arith.mulf %get3A_250, %get3A_262 : vector<16xf32>
      %mul3A_267 = arith.mulf %get3A_253, %get3A_265 : vector<16xf32>
      %add3A_268 = arith.addf %mul3A_266, %mul3A_267 : vector<16xf32>
      %mul3A_269 = arith.mulf %get3A_256, %add3A_268 : vector<16xf32>
      %mul3A_270 = arith.mulf %get3A_250, %get3A_265 : vector<16xf32>
      %mul3A_271 = arith.mulf %get3A_253, %get3A_262 : vector<16xf32>
      %sub3A_272 = arith.subf %mul3A_270, %mul3A_271 : vector<16xf32>
      %mul3A_273 = arith.mulf %get3A_259, %sub3A_272 : vector<16xf32>
      %add3A_274 = arith.addf %mul3A_269, %mul3A_273 : vector<16xf32>
      %add3A_275 = arith.addf %add3A_247, %add3A_274 : vector<16xf32>
      %swap3A = arith.constant 0 : i32
      %swap3A_276 = arith.index_cast %swap3A : i32 to index
      %swap3A_277 = arith.constant 0 : index
      %swap3A_278 = tpu.vector_load %arg15[%swap3A_276, %swap3A_277] {strides = array<i32>} : memref<16x16xf32, #tpu.memory_space<vmem>>, vector<16xf32>,
      tpu.vector_store %arg15[%swap3A_276, %swap3A_277], %add3A_275 {strides = array<i32>} : memref<16x16xf32, #tpu.memory_space<vmem>>, vector<16xf32>,
      %add3A_279 = arith.constant 1 : i32
      %add3A_280 = arith.addi %add3A_220, %add3A_279 : i32
      %get3A_281 = arith.index_cast %add3A_280 : i32 to index
      %get3A_282 = arith.constant 0 : index
      %get3A_283 = tpu.vector_load %arg11[%get3A_281, %get3A_282] {strides = array<i32>} : memref<512x64xf32, #tpu.memory_space<vmem>>, vector<16xf32>,
      %get3A_284 = arith.index_cast %add3A_280 : i32 to index
      %get3A_285 = arith.constant 32 : index
      %get3A_286 = tpu.vector_load %arg11[%get3A_284, %get3A_285] {strides = array<i32>} : memref<512x64xf32, #tpu.memory_space<vmem>>, vector<16xf32>,
      %get3A_287 = arith.index_cast %add3A_280 : i32 to index
      %get3A_288 = arith.constant 0 : index
      %get3A_289 = tpu.vector_load %arg12[%get3A_287, %get3A_288] {strides = array<i32>} : memref<512x64xf32, #tpu.memory_space<vmem>>, vector<16xf32>,
      %get3A_290 = arith.index_cast %add3A_280 : i32 to index
      %get3A_291 = arith.constant 32 : index
      %get3A_292 = tpu.vector_load %arg12[%get3A_290, %get3A_291] {strides = array<i32>} : memref<512x64xf32, #tpu.memory_space<vmem>>, vector<16xf32>,
      %get3A_293 = arith.index_cast %add3A_280 : i32 to index
      %get3A_294 = arith.constant 0 : index
      %get3A_295 = tpu.vector_load %arg13[%get3A_293, %get3A_294] {strides = array<i32>} : memref<512x64xf32, #tpu.memory_space<vmem>>, vector<16xf32>,
      %get3A_296 = arith.index_cast %add3A_280 : i32 to index
      %get3A_297 = arith.constant 32 : index
      %get3A_298 = tpu.vector_load %arg13[%get3A_296, %get3A_297] {strides = array<i32>} : memref<512x64xf32, #tpu.memory_space<vmem>>, vector<16xf32>,
      %mul3A_299 = arith.mulf %get3A_283, %get3A_295 : vector<16xf32>
      %mul3A_300 = arith.mulf %get3A_286, %get3A_298 : vector<16xf32>
      %add3A_301 = arith.addf %mul3A_299, %mul3A_300 : vector<16xf32>
      %mul3A_302 = arith.mulf %get3A_289, %add3A_301 : vector<16xf32>
      %mul3A_303 = arith.mulf %get3A_283, %get3A_298 : vector<16xf32>
      %mul3A_304 = arith.mulf %get3A_286, %get3A_295 : vector<16xf32>
      %sub3A_305 = arith.subf %mul3A_303, %mul3A_304 : vector<16xf32>
      %mul3A_306 = arith.mulf %get3A_292, %sub3A_305 : vector<16xf32>
      %add3A_307 = arith.addf %mul3A_302, %mul3A_306 : vector<16xf32>
      %get3A_308 = arith.index_cast %add3A_280 : i32 to index
      %get3A_309 = arith.constant 16 : index
      %get3A_310 = tpu.vector_load %arg11[%get3A_308, %get3A_309] {strides = array<i32>} : memref<512x64xf32, #tpu.memory_space<vmem>>, vector<16xf32>,
      %get3A_311 = arith.index_cast %add3A_280 : i32 to index
      %get3A_312 = arith.constant 48 : index
      %get3A_313 = tpu.vector_load %arg11[%get3A_311, %get3A_312] {strides = array<i32>} : memref<512x64xf32, #tpu.memory_space<vmem>>, vector<16xf32>,
      %get3A_314 = arith.index_cast %add3A_280 : i32 to index
      %get3A_315 = arith.constant 16 : index
      %get3A_316 = tpu.vector_load %arg12[%get3A_314, %get3A_315] {strides = array<i32>} : memref<512x64xf32, #tpu.memory_space<vmem>>, vector<16xf32>,
      %get3A_317 = arith.index_cast %add3A_280 : i32 to index
      %get3A_318 = arith.constant 48 : index
      %get3A_319 = tpu.vector_load %arg12[%get3A_317, %get3A_318] {strides = array<i32>} : memref<512x64xf32, #tpu.memory_space<vmem>>, vector<16xf32>,
      %get3A_320 = arith.index_cast %add3A_280 : i32 to index
      %get3A_321 = arith.constant 16 : index
      %get3A_322 = tpu.vector_load %arg13[%get3A_320, %get3A_321] {strides = array<i32>} : memref<512x64xf32, #tpu.memory_space<vmem>>, vector<16xf32>,
      %get3A_323 = arith.index_cast %add3A_280 : i32 to index
      %get3A_324 = arith.constant 48 : index
      %get3A_325 = tpu.vector_load %arg13[%get3A_323, %get3A_324] {strides = array<i32>} : memref<512x64xf32, #tpu.memory_space<vmem>>, vector<16xf32>,
      %mul3A_326 = arith.mulf %get3A_310, %get3A_322 : vector<16xf32>
      %mul3A_327 = arith.mulf %get3A_313, %get3A_325 : vector<16xf32>
      %add3A_328 = arith.addf %mul3A_326, %mul3A_327 : vector<16xf32>
      %mul3A_329 = arith.mulf %get3A_316, %add3A_328 : vector<16xf32>
      %mul3A_330 = arith.mulf %get3A_310, %get3A_325 : vector<16xf32>
      %mul3A_331 = arith.mulf %get3A_313, %get3A_322 : vector<16xf32>
      %sub3A_332 = arith.subf %mul3A_330, %mul3A_331 : vector<16xf32>
      %mul3A_333 = arith.mulf %get3A_319, %sub3A_332 : vector<16xf32>
      %add3A_334 = arith.addf %mul3A_329, %mul3A_333 : vector<16xf32>
      %add3A_335 = arith.addf %add3A_307, %add3A_334 : vector<16xf32>
      %swap3A_336 = arith.constant 1 : i32
      %swap3A_337 = arith.index_cast %swap3A_336 : i32 to index
      %swap3A_338 = arith.constant 0 : index
      %swap3A_339 = tpu.vector_load %arg15[%swap3A_337, %swap3A_338] {strides = array<i32>} : memref<16x16xf32, #tpu.memory_space<vmem>>, vector<16xf32>,
      tpu.vector_store %arg15[%swap3A_337, %swap3A_338], %add3A_335 {strides = array<i32>} : memref<16x16xf32, #tpu.memory_space<vmem>>, vector<16xf32>,
      %add3A_340 = arith.constant 2 : i32
      %add3A_341 = arith.addi %add3A_220, %add3A_340 : i32
      %get3A_342 = arith.index_cast %add3A_341 : i32 to index
      %get3A_343 = arith.constant 0 : index
      %get3A_344 = tpu.vector_load %arg11[%get3A_342, %get3A_343] {strides = array<i32>} : memref<512x64xf32, #tpu.memory_space<vmem>>, vector<16xf32>,
      %get3A_345 = arith.index_cast %add3A_341 : i32 to index
      %get3A_346 = arith.constant 32 : index
      %get3A_347 = tpu.vector_load %arg11[%get3A_345, %get3A_346] {strides = array<i32>} : memref<512x64xf32, #tpu.memory_space<vmem>>, vector<16xf32>,
      %get3A_348 = arith.index_cast %add3A_341 : i32 to index
      %get3A_349 = arith.constant 0 : index
      %get3A_350 = tpu.vector_load %arg12[%get3A_348, %get3A_349] {strides = array<i32>} : memref<512x64xf32, #tpu.memory_space<vmem>>, vector<16xf32>,
      %get3A_351 = arith.index_cast %add3A_341 : i32 to index
      %get3A_352 = arith.constant 32 : index
      %get3A_353 = tpu.vector_load %arg12[%get3A_351, %get3A_352] {strides = array<i32>} : memref<512x64xf32, #tpu.memory_space<vmem>>, vector<16xf32>,
      %get3A_354 = arith.index_cast %add3A_341 : i32 to index
      %get3A_355 = arith.constant 0 : index
      %get3A_356 = tpu.vector_load %arg13[%get3A_354, %get3A_355] {strides = array<i32>} : memref<512x64xf32, #tpu.memory_space<vmem>>, vector<16xf32>,
      %get3A_357 = arith.index_cast %add3A_341 : i32 to index
      %get3A_358 = arith.constant 32 : index
      %get3A_359 = tpu.vector_load %arg13[%get3A_357, %get3A_358] {strides = array<i32>} : memref<512x64xf32, #tpu.memory_space<vmem>>, vector<16xf32>,
      %mul3A_360 = arith.mulf %get3A_344, %get3A_356 : vector<16xf32>
      %mul3A_361 = arith.mulf %get3A_347, %get3A_359 : vector<16xf32>
      %add3A_362 = arith.addf %mul3A_360, %mul3A_361 : vector<16xf32>
      %mul3A_363 = arith.mulf %get3A_350, %add3A_362 : vector<16xf32>
      %mul3A_364 = arith.mulf %get3A_344, %get3A_359 : vector<16xf32>
      %mul3A_365 = arith.mulf %get3A_347, %get3A_356 : vector<16xf32>
      %sub3A_366 = arith.subf %mul3A_364, %mul3A_365 : vector<16xf32>
      %mul3A_367 = arith.mulf %get3A_353, %sub3A_366 : vector<16xf32>
      %add3A_368 = arith.addf %mul3A_363, %mul3A_367 : vector<16xf32>
      %get3A_369 = arith.index_cast %add3A_341 : i32 to index
      %get3A_370 = arith.constant 16 : index
      %get3A_371 = tpu.vector_load %arg11[%get3A_369, %get3A_370] {strides = array<i32>} : memref<512x64xf32, #tpu.memory_space<vmem>>, vector<16xf32>,
      %get3A_372 = arith.index_cast %add3A_341 : i32 to index
      %get3A_373 = arith.constant 48 : index
      %get3A_374 = tpu.vector_load %arg11[%get3A_372, %get3A_373] {strides = array<i32>} : memref<512x64xf32, #tpu.memory_space<vmem>>, vector<16xf32>,
      %get3A_375 = arith.index_cast %add3A_341 : i32 to index
      %get3A_376 = arith.constant 16 : index
      %get3A_377 = tpu.vector_load %arg12[%get3A_375, %get3A_376] {strides = array<i32>} : memref<512x64xf32, #tpu.memory_space<vmem>>, vector<16xf32>,
      %get3A_378 = arith.index_cast %add3A_341 : i32 to index
      %get3A_379 = arith.constant 48 : index
      %get3A_380 = tpu.vector_load %arg12[%get3A_378, %get3A_379] {strides = array<i32>} : memref<512x64xf32, #tpu.memory_space<vmem>>, vector<16xf32>,
      %get3A_381 = arith.index_cast %add3A_341 : i32 to index
      %get3A_382 = arith.constant 16 : index
      %get3A_383 = tpu.vector_load %arg13[%get3A_381, %get3A_382] {strides = array<i32>} : memref<512x64xf32, #tpu.memory_space<vmem>>, vector<16xf32>,
      %get3A_384 = arith.index_cast %add3A_341 : i32 to index
      %get3A_385 = arith.constant 48 : index
      %get3A_386 = tpu.vector_load %arg13[%get3A_384, %get3A_385] {strides = array<i32>} : memref<512x64xf32, #tpu.memory_space<vmem>>, vector<16xf32>,
      %mul3A_387 = arith.mulf %get3A_371, %get3A_383 : vector<16xf32>
      %mul3A_388 = arith.mulf %get3A_374, %get3A_386 : vector<16xf32>
      %add3A_389 = arith.addf %mul3A_387, %mul3A_388 : vector<16xf32>
      %mul3A_390 = arith.mulf %get3A_377, %add3A_389 : vector<16xf32>
      %mul3A_391 = arith.mulf %get3A_371, %get3A_386 : vector<16xf32>
      %mul3A_392 = arith.mulf %get3A_374, %get3A_383 : vector<16xf32>
      %sub3A_393 = arith.subf %mul3A_391, %mul3A_392 : vector<16xf32>
      %mul3A_394 = arith.mulf %get3A_380, %sub3A_393 : vector<16xf32>
      %add3A_395 = arith.addf %mul3A_390, %mul3A_394 : vector<16xf32>
      %add3A_396 = arith.addf %add3A_368, %add3A_395 : vector<16xf32>
      %swap3A_397 = arith.constant 2 : i32
      %swap3A_398 = arith.index_cast %swap3A_397 : i32 to index
      %swap3A_399 = arith.constant 0 : index
      %swap3A_400 = tpu.vector_load %arg15[%swap3A_398, %swap3A_399] {strides = array<i32>} : memref<16x16xf32, #tpu.memory_space<vmem>>, vector<16xf32>,
      tpu.vector_store %arg15[%swap3A_398, %swap3A_399], %add3A_396 {strides = array<i32>} : memref<16x16xf32, #tpu.memory_space<vmem>>, vector<16xf32>,
      %add3A_401 = arith.constant 3 : i32
      %add3A_402 = arith.addi %add3A_220, %add3A_401 : i32
      %get3A_403 = arith.index_cast %add3A_402 : i32 to index
      %get3A_404 = arith.constant 0 : index
      %get3A_405 = tpu.vector_load %arg11[%get3A_403, %get3A_404] {strides = array<i32>} : memref<512x64xf32, #tpu.memory_space<vmem>>, vector<16xf32>,
      %get3A_406 = arith.index_cast %add3A_402 : i32 to index
      %get3A_407 = arith.constant 32 : index
      %get3A_408 = tpu.vector_load %arg11[%get3A_406, %get3A_407] {strides = array<i32>} : memref<512x64xf32, #tpu.memory_space<vmem>>, vector<16xf32>,
      %get3A_409 = arith.index_cast %add3A_402 : i32 to index
      %get3A_410 = arith.constant 0 : index
      %get3A_411 = tpu.vector_load %arg12[%get3A_409, %get3A_410] {strides = array<i32>} : memref<512x64xf32, #tpu.memory_space<vmem>>, vector<16xf32>,
      %get3A_412 = arith.index_cast %add3A_402 : i32 to index
      %get3A_413 = arith.constant 32 : index
      %get3A_414 = tpu.vector_load %arg12[%get3A_412, %get3A_413] {strides = array<i32>} : memref<512x64xf32, #tpu.memory_space<vmem>>, vector<16xf32>,
      %get3A_415 = arith.index_cast %add3A_402 : i32 to index
      %get3A_416 = arith.constant 0 : index
      %get3A_417 = tpu.vector_load %arg13[%get3A_415, %get3A_416] {strides = array<i32>} : memref<512x64xf32, #tpu.memory_space<vmem>>, vector<16xf32>,
      %get3A_418 = arith.index_cast %add3A_402 : i32 to index
      %get3A_419 = arith.constant 32 : index
      %get3A_420 = tpu.vector_load %arg13[%get3A_418, %get3A_419] {strides = array<i32>} : memref<512x64xf32, #tpu.memory_space<vmem>>, vector<16xf32>,
      %mul3A_421 = arith.mulf %get3A_405, %get3A_417 : vector<16xf32>
      %mul3A_422 = arith.mulf %get3A_408, %get3A_420 : vector<16xf32>
      %add3A_423 = arith.addf %mul3A_421, %mul3A_422 : vector<16xf32>
      %mul3A_424 = arith.mulf %get3A_411, %add3A_423 : vector<16xf32>
      %mul3A_425 = arith.mulf %get3A_405, %get3A_420 : vector<16xf32>
      %mul3A_426 = arith.mulf %get3A_408, %get3A_417 : vector<16xf32>
      %sub3A_427 = arith.subf %mul3A_425, %mul3A_426 : vector<16xf32>
      %mul3A_428 = arith.mulf %get3A_414, %sub3A_427 : vector<16xf32>
      %add3A_429 = arith.addf %mul3A_424, %mul3A_428 : vector<16xf32>
      %get3A_430 = arith.index_cast %add3A_402 : i32 to index
      %get3A_431 = arith.constant 16 : index
      %get3A_432 = tpu.vector_load %arg11[%get3A_430, %get3A_431] {strides = array<i32>} : memref<512x64xf32, #tpu.memory_space<vmem>>, vector<16xf32>,
      %get3A_433 = arith.index_cast %add3A_402 : i32 to index
      %get3A_434 = arith.constant 48 : index
      %get3A_435 = tpu.vector_load %arg11[%get3A_433, %get3A_434] {strides = array<i32>} : memref<512x64xf32, #tpu.memory_space<vmem>>, vector<16xf32>,
      %get3A_436 = arith.index_cast %add3A_402 : i32 to index
      %get3A_437 = arith.constant 16 : index
      %get3A_438 = tpu.vector_load %arg12[%get3A_436, %get3A_437] {strides = array<i32>} : memref<512x64xf32, #tpu.memory_space<vmem>>, vector<16xf32>,
      %get3A_439 = arith.index_cast %add3A_402 : i32 to index
      %get3A_440 = arith.constant 48 : index
      %get3A_441 = tpu.vector_load %arg12[%get3A_439, %get3A_440] {strides = array<i32>} : memref<512x64xf32, #tpu.memory_space<vmem>>, vector<16xf32>,
      %get3A_442 = arith.index_cast %add3A_402 : i32 to index
      %get3A_443 = arith.constant 16 : index
      %get3A_444 = tpu.vector_load %arg13[%get3A_442, %get3A_443] {strides = array<i32>} : memref<512x64xf32, #tpu.memory_space<vmem>>, vector<16xf32>,
      %get3A_445 = arith.index_cast %add3A_402 : i32 to index
      %get3A_446 = arith.constant 48 : index
      %get3A_447 = tpu.vector_load %arg13[%get3A_445, %get3A_446] {strides = array<i32>} : memref<512x64xf32, #tpu.memory_space<vmem>>, vector<16xf32>,
      %mul3A_448 = arith.mulf %get3A_432, %get3A_444 : vector<16xf32>
      %mul3A_449 = arith.mulf %get3A_435, %get3A_447 : vector<16xf32>
      %add3A_450 = arith.addf %mul3A_448, %mul3A_449 : vector<16xf32>
      %mul3A_451 = arith.mulf %get3A_438, %add3A_450 : vector<16xf32>
      %mul3A_452 = arith.mulf %get3A_432, %get3A_447 : vector<16xf32>
      %mul3A_453 = arith.mulf %get3A_435, %get3A_444 : vector<16xf32>
      %sub3A_454 = arith.subf %mul3A_452, %mul3A_453 : vector<16xf32>
      %mul3A_455 = arith.mulf %get3A_441, %sub3A_454 : vector<16xf32>
      %add3A_456 = arith.addf %mul3A_451, %mul3A_455 : vector<16xf32>
      %add3A_457 = arith.addf %add3A_429, %add3A_456 : vector<16xf32>
      %swap3A_458 = arith.constant 3 : i32
      %swap3A_459 = arith.index_cast %swap3A_458 : i32 to index
      %swap3A_460 = arith.constant 0 : index
      %swap3A_461 = tpu.vector_load %arg15[%swap3A_459, %swap3A_460] {strides = array<i32>} : memref<16x16xf32, #tpu.memory_space<vmem>>, vector<16xf32>,
      tpu.vector_store %arg15[%swap3A_459, %swap3A_460], %add3A_457 {strides = array<i32>} : memref<16x16xf32, #tpu.memory_space<vmem>>, vector<16xf32>,
      %add3A_462 = arith.constant 4 : i32
      %add3A_463 = arith.addi %add3A_220, %add3A_462 : i32
      %get3A_464 = arith.index_cast %add3A_463 : i32 to index
      %get3A_465 = arith.constant 0 : index
      %get3A_466 = tpu.vector_load %arg11[%get3A_464, %get3A_465] {strides = array<i32>} : memref<512x64xf32, #tpu.memory_space<vmem>>, vector<16xf32>,
      %get3A_467 = arith.index_cast %add3A_463 : i32 to index
      %get3A_468 = arith.constant 32 : index
      %get3A_469 = tpu.vector_load %arg11[%get3A_467, %get3A_468] {strides = array<i32>} : memref<512x64xf32, #tpu.memory_space<vmem>>, vector<16xf32>,
      %get3A_470 = arith.index_cast %add3A_463 : i32 to index
      %get3A_471 = arith.constant 0 : index
      %get3A_472 = tpu.vector_load %arg12[%get3A_470, %get3A_471] {strides = array<i32>} : memref<512x64xf32, #tpu.memory_space<vmem>>, vector<16xf32>,
      %get3A_473 = arith.index_cast %add3A_463 : i32 to index
      %get3A_474 = arith.constant 32 : index
      %get3A_475 = tpu.vector_load %arg12[%get3A_473, %get3A_474] {strides = array<i32>} : memref<512x64xf32, #tpu.memory_space<vmem>>, vector<16xf32>,
      %get3A_476 = arith.index_cast %add3A_463 : i32 to index
      %get3A_477 = arith.constant 0 : index
      %get3A_478 = tpu.vector_load %arg13[%get3A_476, %get3A_477] {strides = array<i32>} : memref<512x64xf32, #tpu.memory_space<vmem>>, vector<16xf32>,
      %get3A_479 = arith.index_cast %add3A_463 : i32 to index
      %get3A_480 = arith.constant 32 : index
      %get3A_481 = tpu.vector_load %arg13[%get3A_479, %get3A_480] {strides = array<i32>} : memref<512x64xf32, #tpu.memory_space<vmem>>, vector<16xf32>,
      %mul3A_482 = arith.mulf %get3A_466, %get3A_478 : vector<16xf32>
      %mul3A_483 = arith.mulf %get3A_469, %get3A_481 : vector<16xf32>
      %add3A_484 = arith.addf %mul3A_482, %mul3A_483 : vector<16xf32>
      %mul3A_485 = arith.mulf %get3A_472, %add3A_484 : vector<16xf32>
      %mul3A_486 = arith.mulf %get3A_466, %get3A_481 : vector<16xf32>
      %mul3A_487 = arith.mulf %get3A_469, %get3A_478 : vector<16xf32>
      %sub3A_488 = arith.subf %mul3A_486, %mul3A_487 : vector<16xf32>
      %mul3A_489 = arith.mulf %get3A_475, %sub3A_488 : vector<16xf32>
      %add3A_490 = arith.addf %mul3A_485, %mul3A_489 : vector<16xf32>
      %get3A_491 = arith.index_cast %add3A_463 : i32 to index
      %get3A_492 = arith.constant 16 : index
      %get3A_493 = tpu.vector_load %arg11[%get3A_491, %get3A_492] {strides = array<i32>} : memref<512x64xf32, #tpu.memory_space<vmem>>, vector<16xf32>,
      %get3A_494 = arith.index_cast %add3A_463 : i32 to index
      %get3A_495 = arith.constant 48 : index
      %get3A_496 = tpu.vector_load %arg11[%get3A_494, %get3A_495] {strides = array<i32>} : memref<512x64xf32, #tpu.memory_space<vmem>>, vector<16xf32>,
      %get3A_497 = arith.index_cast %add3A_463 : i32 to index
      %get3A_498 = arith.constant 16 : index
      %get3A_499 = tpu.vector_load %arg12[%get3A_497, %get3A_498] {strides = array<i32>} : memref<512x64xf32, #tpu.memory_space<vmem>>, vector<16xf32>,
      %get3A_500 = arith.index_cast %add3A_463 : i32 to index
      %get3A_501 = arith.constant 48 : index
      %get3A_502 = tpu.vector_load %arg12[%get3A_500, %get3A_501] {strides = array<i32>} : memref<512x64xf32, #tpu.memory_space<vmem>>, vector<16xf32>,
      %get3A_503 = arith.index_cast %add3A_463 : i32 to index
      %get3A_504 = arith.constant 16 : index
      %get3A_505 = tpu.vector_load %arg13[%get3A_503, %get3A_504] {strides = array<i32>} : memref<512x64xf32, #tpu.memory_space<vmem>>, vector<16xf32>,
      %get3A_506 = arith.index_cast %add3A_463 : i32 to index
      %get3A_507 = arith.constant 48 : index
      %get3A_508 = tpu.vector_load %arg13[%get3A_506, %get3A_507] {strides = array<i32>} : memref<512x64xf32, #tpu.memory_space<vmem>>, vector<16xf32>,
      %mul3A_509 = arith.mulf %get3A_493, %get3A_505 : vector<16xf32>
      %mul3A_510 = arith.mulf %get3A_496, %get3A_508 : vector<16xf32>
      %add3A_511 = arith.addf %mul3A_509, %mul3A_510 : vector<16xf32>
      %mul3A_512 = arith.mulf %get3A_499, %add3A_511 : vector<16xf32>
      %mul3A_513 = arith.mulf %get3A_493, %get3A_508 : vector<16xf32>
      %mul3A_514 = arith.mulf %get3A_496, %get3A_505 : vector<16xf32>
      %sub3A_515 = arith.subf %mul3A_513, %mul3A_514 : vector<16xf32>
      %mul3A_516 = arith.mulf %get3A_502, %sub3A_515 : vector<16xf32>
      %add3A_517 = arith.addf %mul3A_512, %mul3A_516 : vector<16xf32>
      %add3A_518 = arith.addf %add3A_490, %add3A_517 : vector<16xf32>
      %swap3A_519 = arith.constant 4 : i32
      %swap3A_520 = arith.index_cast %swap3A_519 : i32 to index
      %swap3A_521 = arith.constant 0 : index
      %swap3A_522 = tpu.vector_load %arg15[%swap3A_520, %swap3A_521] {strides = array<i32>} : memref<16x16xf32, #tpu.memory_space<vmem>>, vector<16xf32>,
      tpu.vector_store %arg15[%swap3A_520, %swap3A_521], %add3A_518 {strides = array<i32>} : memref<16x16xf32, #tpu.memory_space<vmem>>, vector<16xf32>,
      %add3A_523 = arith.constant 5 : i32
      %add3A_524 = arith.addi %add3A_220, %add3A_523 : i32
      %get3A_525 = arith.index_cast %add3A_524 : i32 to index
      %get3A_526 = arith.constant 0 : index
      %get3A_527 = tpu.vector_load %arg11[%get3A_525, %get3A_526] {strides = array<i32>} : memref<512x64xf32, #tpu.memory_space<vmem>>, vector<16xf32>,
      %get3A_528 = arith.index_cast %add3A_524 : i32 to index
      %get3A_529 = arith.constant 32 : index
      %get3A_530 = tpu.vector_load %arg11[%get3A_528, %get3A_529] {strides = array<i32>} : memref<512x64xf32, #tpu.memory_space<vmem>>, vector<16xf32>,
      %get3A_531 = arith.index_cast %add3A_524 : i32 to index
      %get3A_532 = arith.constant 0 : index
      %get3A_533 = tpu.vector_load %arg12[%get3A_531, %get3A_532] {strides = array<i32>} : memref<512x64xf32, #tpu.memory_space<vmem>>, vector<16xf32>,
      %get3A_534 = arith.index_cast %add3A_524 : i32 to index
      %get3A_535 = arith.constant 32 : index
      %get3A_536 = tpu.vector_load %arg12[%get3A_534, %get3A_535] {strides = array<i32>} : memref<512x64xf32, #tpu.memory_space<vmem>>, vector<16xf32>,
      %get3A_537 = arith.index_cast %add3A_524 : i32 to index
      %get3A_538 = arith.constant 0 : index
      %get3A_539 = tpu.vector_load %arg13[%get3A_537, %get3A_538] {strides = array<i32>} : memref<512x64xf32, #tpu.memory_space<vmem>>, vector<16xf32>,
      %get3A_540 = arith.index_cast %add3A_524 : i32 to index
      %get3A_541 = arith.constant 32 : index
      %get3A_542 = tpu.vector_load %arg13[%get3A_540, %get3A_541] {strides = array<i32>} : memref<512x64xf32, #tpu.memory_space<vmem>>, vector<16xf32>,
      %mul3A_543 = arith.mulf %get3A_527, %get3A_539 : vector<16xf32>
      %mul3A_544 = arith.mulf %get3A_530, %get3A_542 : vector<16xf32>
      %add3A_545 = arith.addf %mul3A_543, %mul3A_544 : vector<16xf32>
      %mul3A_546 = arith.mulf %get3A_533, %add3A_545 : vector<16xf32>
      %mul3A_547 = arith.mulf %get3A_527, %get3A_542 : vector<16xf32>
      %mul3A_548 = arith.mulf %get3A_530, %get3A_539 : vector<16xf32>
      %sub3A_549 = arith.subf %mul3A_547, %mul3A_548 : vector<16xf32>
      %mul3A_550 = arith.mulf %get3A_536, %sub3A_549 : vector<16xf32>
      %add3A_551 = arith.addf %mul3A_546, %mul3A_550 : vector<16xf32>
      %get3A_552 = arith.index_cast %add3A_524 : i32 to index
      %get3A_553 = arith.constant 16 : index
      %get3A_554 = tpu.vector_load %arg11[%get3A_552, %get3A_553] {strides = array<i32>} : memref<512x64xf32, #tpu.memory_space<vmem>>, vector<16xf32>,
      %get3A_555 = arith.index_cast %add3A_524 : i32 to index
      %get3A_556 = arith.constant 48 : index
      %get3A_557 = tpu.vector_load %arg11[%get3A_555, %get3A_556] {strides = array<i32>} : memref<512x64xf32, #tpu.memory_space<vmem>>, vector<16xf32>,
      %get3A_558 = arith.index_cast %add3A_524 : i32 to index
      %get3A_559 = arith.constant 16 : index
      %get3A_560 = tpu.vector_load %arg12[%get3A_558, %get3A_559] {strides = array<i32>} : memref<512x64xf32, #tpu.memory_space<vmem>>, vector<16xf32>,
      %get3A_561 = arith.index_cast %add3A_524 : i32 to index
      %get3A_562 = arith.constant 48 : index
      %get3A_563 = tpu.vector_load %arg12[%get3A_561, %get3A_562] {strides = array<i32>} : memref<512x64xf32, #tpu.memory_space<vmem>>, vector<16xf32>,
      %get3A_564 = arith.index_cast %add3A_524 : i32 to index
      %get3A_565 = arith.constant 16 : index
      %get3A_566 = tpu.vector_load %arg13[%get3A_564, %get3A_565] {strides = array<i32>} : memref<512x64xf32, #tpu.memory_space<vmem>>, vector<16xf32>,
      %get3A_567 = arith.index_cast %add3A_524 : i32 to index
      %get3A_568 = arith.constant 48 : index
      %get3A_569 = tpu.vector_load %arg13[%get3A_567, %get3A_568] {strides = array<i32>} : memref<512x64xf32, #tpu.memory_space<vmem>>, vector<16xf32>,
      %mul3A_570 = arith.mulf %get3A_554, %get3A_566 : vector<16xf32>
      %mul3A_571 = arith.mulf %get3A_557, %get3A_569 : vector<16xf32>
      %add3A_572 = arith.addf %mul3A_570, %mul3A_571 : vector<16xf32>
      %mul3A_573 = arith.mulf %get3A_560, %add3A_572 : vector<16xf32>
      %mul3A_574 = arith.mulf %get3A_554, %get3A_569 : vector<16xf32>
      %mul3A_575 = arith.mulf %get3A_557, %get3A_566 : vector<16xf32>
      %sub3A_576 = arith.subf %mul3A_574, %mul3A_575 : vector<16xf32>
      %mul3A_577 = arith.mulf %get3A_563, %sub3A_576 : vector<16xf32>
      %add3A_578 = arith.addf %mul3A_573, %mul3A_577 : vector<16xf32>
      %add3A_579 = arith.addf %add3A_551, %add3A_578 : vector<16xf32>
      %swap3A_580 = arith.constant 5 : i32
      %swap3A_581 = arith.index_cast %swap3A_580 : i32 to index
      %swap3A_582 = arith.constant 0 : index
      %swap3A_583 = tpu.vector_load %arg15[%swap3A_581, %swap3A_582] {strides = array<i32>} : memref<16x16xf32, #tpu.memory_space<vmem>>, vector<16xf32>,
      tpu.vector_store %arg15[%swap3A_581, %swap3A_582], %add3A_579 {strides = array<i32>} : memref<16x16xf32, #tpu.memory_space<vmem>>, vector<16xf32>,
      %add3A_584 = arith.constant 6 : i32
      %add3A_585 = arith.addi %add3A_220, %add3A_584 : i32
      %get3A_586 = arith.index_cast %add3A_585 : i32 to index
      %get3A_587 = arith.constant 0 : index
      %get3A_588 = tpu.vector_load %arg11[%get3A_586, %get3A_587] {strides = array<i32>} : memref<512x64xf32, #tpu.memory_space<vmem>>, vector<16xf32>,
      %get3A_589 = arith.index_cast %add3A_585 : i32 to index
      %get3A_590 = arith.constant 32 : index
      %get3A_591 = tpu.vector_load %arg11[%get3A_589, %get3A_590] {strides = array<i32>} : memref<512x64xf32, #tpu.memory_space<vmem>>, vector<16xf32>,
      %get3A_592 = arith.index_cast %add3A_585 : i32 to index
      %get3A_593 = arith.constant 0 : index
      %get3A_594 = tpu.vector_load %arg12[%get3A_592, %get3A_593] {strides = array<i32>} : memref<512x64xf32, #tpu.memory_space<vmem>>, vector<16xf32>,
      %get3A_595 = arith.index_cast %add3A_585 : i32 to index
      %get3A_596 = arith.constant 32 : index
      %get3A_597 = tpu.vector_load %arg12[%get3A_595, %get3A_596] {strides = array<i32>} : memref<512x64xf32, #tpu.memory_space<vmem>>, vector<16xf32>,
      %get3A_598 = arith.index_cast %add3A_585 : i32 to index
      %get3A_599 = arith.constant 0 : index
      %get3A_600 = tpu.vector_load %arg13[%get3A_598, %get3A_599] {strides = array<i32>} : memref<512x64xf32, #tpu.memory_space<vmem>>, vector<16xf32>,
      %get3A_601 = arith.index_cast %add3A_585 : i32 to index
      %get3A_602 = arith.constant 32 : index
      %get3A_603 = tpu.vector_load %arg13[%get3A_601, %get3A_602] {strides = array<i32>} : memref<512x64xf32, #tpu.memory_space<vmem>>, vector<16xf32>,
      %mul3A_604 = arith.mulf %get3A_588, %get3A_600 : vector<16xf32>
      %mul3A_605 = arith.mulf %get3A_591, %get3A_603 : vector<16xf32>
      %add3A_606 = arith.addf %mul3A_604, %mul3A_605 : vector<16xf32>
      %mul3A_607 = arith.mulf %get3A_594, %add3A_606 : vector<16xf32>
      %mul3A_608 = arith.mulf %get3A_588, %get3A_603 : vector<16xf32>
      %mul3A_609 = arith.mulf %get3A_591, %get3A_600 : vector<16xf32>
      %sub3A_610 = arith.subf %mul3A_608, %mul3A_609 : vector<16xf32>
      %mul3A_611 = arith.mulf %get3A_597, %sub3A_610 : vector<16xf32>
      %add3A_612 = arith.addf %mul3A_607, %mul3A_611 : vector<16xf32>
      %get3A_613 = arith.index_cast %add3A_585 : i32 to index
      %get3A_614 = arith.constant 16 : index
      %get3A_615 = tpu.vector_load %arg11[%get3A_613, %get3A_614] {strides = array<i32>} : memref<512x64xf32, #tpu.memory_space<vmem>>, vector<16xf32>,
      %get3A_616 = arith.index_cast %add3A_585 : i32 to index
      %get3A_617 = arith.constant 48 : index
      %get3A_618 = tpu.vector_load %arg11[%get3A_616, %get3A_617] {strides = array<i32>} : memref<512x64xf32, #tpu.memory_space<vmem>>, vector<16xf32>,
      %get3A_619 = arith.index_cast %add3A_585 : i32 to index
      %get3A_620 = arith.constant 16 : index
      %get3A_621 = tpu.vector_load %arg12[%get3A_619, %get3A_620] {strides = array<i32>} : memref<512x64xf32, #tpu.memory_space<vmem>>, vector<16xf32>,
      %get3A_622 = arith.index_cast %add3A_585 : i32 to index
      %get3A_623 = arith.constant 48 : index
      %get3A_624 = tpu.vector_load %arg12[%get3A_622, %get3A_623] {strides = array<i32>} : memref<512x64xf32, #tpu.memory_space<vmem>>, vector<16xf32>,
      %get3A_625 = arith.index_cast %add3A_585 : i32 to index
      %get3A_626 = arith.constant 16 : index
      %get3A_627 = tpu.vector_load %arg13[%get3A_625, %get3A_626] {strides = array<i32>} : memref<512x64xf32, #tpu.memory_space<vmem>>, vector<16xf32>,
      %get3A_628 = arith.index_cast %add3A_585 : i32 to index
      %get3A_629 = arith.constant 48 : index
      %get3A_630 = tpu.vector_load %arg13[%get3A_628, %get3A_629] {strides = array<i32>} : memref<512x64xf32, #tpu.memory_space<vmem>>, vector<16xf32>,
      %mul3A_631 = arith.mulf %get3A_615, %get3A_627 : vector<16xf32>
      %mul3A_632 = arith.mulf %get3A_618, %get3A_630 : vector<16xf32>
      %add3A_633 = arith.addf %mul3A_631, %mul3A_632 : vector<16xf32>
      %mul3A_634 = arith.mulf %get3A_621, %add3A_633 : vector<16xf32>
      %mul3A_635 = arith.mulf %get3A_615, %get3A_630 : vector<16xf32>
      %mul3A_636 = arith.mulf %get3A_618, %get3A_627 : vector<16xf32>
      %sub3A_637 = arith.subf %mul3A_635, %mul3A_636 : vector<16xf32>
      %mul3A_638 = arith.mulf %get3A_624, %sub3A_637 : vector<16xf32>
      %add3A_639 = arith.addf %mul3A_634, %mul3A_638 : vector<16xf32>
      %add3A_640 = arith.addf %add3A_612, %add3A_639 : vector<16xf32>
      %swap3A_641 = arith.constant 6 : i32
      %swap3A_642 = arith.index_cast %swap3A_641 : i32 to index
      %swap3A_643 = arith.constant 0 : index
      %swap3A_644 = tpu.vector_load %arg15[%swap3A_642, %swap3A_643] {strides = array<i32>} : memref<16x16xf32, #tpu.memory_space<vmem>>, vector<16xf32>,
      tpu.vector_store %arg15[%swap3A_642, %swap3A_643], %add3A_640 {strides = array<i32>} : memref<16x16xf32, #tpu.memory_space<vmem>>, vector<16xf32>,
      %add3A_645 = arith.constant 7 : i32
      %add3A_646 = arith.addi %add3A_220, %add3A_645 : i32
      %get3A_647 = arith.index_cast %add3A_646 : i32 to index
      %get3A_648 = arith.constant 0 : index
      %get3A_649 = tpu.vector_load %arg11[%get3A_647, %get3A_648] {strides = array<i32>} : memref<512x64xf32, #tpu.memory_space<vmem>>, vector<16xf32>,
      %get3A_650 = arith.index_cast %add3A_646 : i32 to index
      %get3A_651 = arith.constant 32 : index
      %get3A_652 = tpu.vector_load %arg11[%get3A_650, %get3A_651] {strides = array<i32>} : memref<512x64xf32, #tpu.memory_space<vmem>>, vector<16xf32>,
      %get3A_653 = arith.index_cast %add3A_646 : i32 to index
      %get3A_654 = arith.constant 0 : index
      %get3A_655 = tpu.vector_load %arg12[%get3A_653, %get3A_654] {strides = array<i32>} : memref<512x64xf32, #tpu.memory_space<vmem>>, vector<16xf32>,
      %get3A_656 = arith.index_cast %add3A_646 : i32 to index
      %get3A_657 = arith.constant 32 : index
      %get3A_658 = tpu.vector_load %arg12[%get3A_656, %get3A_657] {strides = array<i32>} : memref<512x64xf32, #tpu.memory_space<vmem>>, vector<16xf32>,
      %get3A_659 = arith.index_cast %add3A_646 : i32 to index
      %get3A_660 = arith.constant 0 : index
      %get3A_661 = tpu.vector_load %arg13[%get3A_659, %get3A_660] {strides = array<i32>} : memref<512x64xf32, #tpu.memory_space<vmem>>, vector<16xf32>,
      %get3A_662 = arith.index_cast %add3A_646 : i32 to index
      %get3A_663 = arith.constant 32 : index
      %get3A_664 = tpu.vector_load %arg13[%get3A_662, %get3A_663] {strides = array<i32>} : memref<512x64xf32, #tpu.memory_space<vmem>>, vector<16xf32>,
      %mul3A_665 = arith.mulf %get3A_649, %get3A_661 : vector<16xf32>
      %mul3A_666 = arith.mulf %get3A_652, %get3A_664 : vector<16xf32>
      %add3A_667 = arith.addf %mul3A_665, %mul3A_666 : vector<16xf32>
      %mul3A_668 = arith.mulf %get3A_655, %add3A_667 : vector<16xf32>
      %mul3A_669 = arith.mulf %get3A_649, %get3A_664 : vector<16xf32>
      %mul3A_670 = arith.mulf %get3A_652, %get3A_661 : vector<16xf32>
      %sub3A_671 = arith.subf %mul3A_669, %mul3A_670 : vector<16xf32>
      %mul3A_672 = arith.mulf %get3A_658, %sub3A_671 : vector<16xf32>
      %add3A_673 = arith.addf %mul3A_668, %mul3A_672 : vector<16xf32>
      %get3A_674 = arith.index_cast %add3A_646 : i32 to index
      %get3A_675 = arith.constant 16 : index
      %get3A_676 = tpu.vector_load %arg11[%get3A_674, %get3A_675] {strides = array<i32>} : memref<512x64xf32, #tpu.memory_space<vmem>>, vector<16xf32>,
      %get3A_677 = arith.index_cast %add3A_646 : i32 to index
      %get3A_678 = arith.constant 48 : index
      %get3A_679 = tpu.vector_load %arg11[%get3A_677, %get3A_678] {strides = array<i32>} : memref<512x64xf32, #tpu.memory_space<vmem>>, vector<16xf32>,
      %get3A_680 = arith.index_cast %add3A_646 : i32 to index
      %get3A_681 = arith.constant 16 : index
      %get3A_682 = tpu.vector_load %arg12[%get3A_680, %get3A_681] {strides = array<i32>} : memref<512x64xf32, #tpu.memory_space<vmem>>, vector<16xf32>,
      %get3A_683 = arith.index_cast %add3A_646 : i32 to index
      %get3A_684 = arith.constant 48 : index
      %get3A_685 = tpu.vector_load %arg12[%get3A_683, %get3A_684] {strides = array<i32>} : memref<512x64xf32, #tpu.memory_space<vmem>>, vector<16xf32>,
      %get3A_686 = arith.index_cast %add3A_646 : i32 to index
      %get3A_687 = arith.constant 16 : index
      %get3A_688 = tpu.vector_load %arg13[%get3A_686, %get3A_687] {strides = array<i32>} : memref<512x64xf32, #tpu.memory_space<vmem>>, vector<16xf32>,
      %get3A_689 = arith.index_cast %add3A_646 : i32 to index
      %get3A_690 = arith.constant 48 : index
      %get3A_691 = tpu.vector_load %arg13[%get3A_689, %get3A_690] {strides = array<i32>} : memref<512x64xf32, #tpu.memory_space<vmem>>, vector<16xf32>,
      %mul3A_692 = arith.mulf %get3A_676, %get3A_688 : vector<16xf32>
      %mul3A_693 = arith.mulf %get3A_679, %get3A_691 : vector<16xf32>
      %add3A_694 = arith.addf %mul3A_692, %mul3A_693 : vector<16xf32>
      %mul3A_695 = arith.mulf %get3A_682, %add3A_694 : vector<16xf32>
      %mul3A_696 = arith.mulf %get3A_676, %get3A_691 : vector<16xf32>
      %mul3A_697 = arith.mulf %get3A_679, %get3A_688 : vector<16xf32>
      %sub3A_698 = arith.subf %mul3A_696, %mul3A_697 : vector<16xf32>
      %mul3A_699 = arith.mulf %get3A_685, %sub3A_698 : vector<16xf32>
      %add3A_700 = arith.addf %mul3A_695, %mul3A_699 : vector<16xf32>
      %add3A_701 = arith.addf %add3A_673, %add3A_700 : vector<16xf32>
      %swap3A_702 = arith.constant 7 : i32
      %swap3A_703 = arith.index_cast %swap3A_702 : i32 to index
      %swap3A_704 = arith.constant 0 : index
      %swap3A_705 = tpu.vector_load %arg15[%swap3A_703, %swap3A_704] {strides = array<i32>} : memref<16x16xf32, #tpu.memory_space<vmem>>, vector<16xf32>,
      tpu.vector_store %arg15[%swap3A_703, %swap3A_704], %add3A_701 {strides = array<i32>} : memref<16x16xf32, #tpu.memory_space<vmem>>, vector<16xf32>,
      %add3A_706 = arith.constant 8 : i32
      %add3A_707 = arith.addi %add3A_220, %add3A_706 : i32
      %get3A_708 = arith.index_cast %add3A_707 : i32 to index
      %get3A_709 = arith.constant 0 : index
      %get3A_710 = tpu.vector_load %arg11[%get3A_708, %get3A_709] {strides = array<i32>} : memref<512x64xf32, #tpu.memory_space<vmem>>, vector<16xf32>,
      %get3A_711 = arith.index_cast %add3A_707 : i32 to index
      %get3A_712 = arith.constant 32 : index
      %get3A_713 = tpu.vector_load %arg11[%get3A_711, %get3A_712] {strides = array<i32>} : memref<512x64xf32, #tpu.memory_space<vmem>>, vector<16xf32>,
      %get3A_714 = arith.index_cast %add3A_707 : i32 to index
      %get3A_715 = arith.constant 0 : index
      %get3A_716 = tpu.vector_load %arg12[%get3A_714, %get3A_715] {strides = array<i32>} : memref<512x64xf32, #tpu.memory_space<vmem>>, vector<16xf32>,
      %get3A_717 = arith.index_cast %add3A_707 : i32 to index
      %get3A_718 = arith.constant 32 : index
      %get3A_719 = tpu.vector_load %arg12[%get3A_717, %get3A_718] {strides = array<i32>} : memref<512x64xf32, #tpu.memory_space<vmem>>, vector<16xf32>,
      %get3A_720 = arith.index_cast %add3A_707 : i32 to index
      %get3A_721 = arith.constant 0 : index
      %get3A_722 = tpu.vector_load %arg13[%get3A_720, %get3A_721] {strides = array<i32>} : memref<512x64xf32, #tpu.memory_space<vmem>>, vector<16xf32>,
      %get3A_723 = arith.index_cast %add3A_707 : i32 to index
      %get3A_724 = arith.constant 32 : index
      %get3A_725 = tpu.vector_load %arg13[%get3A_723, %get3A_724] {strides = array<i32>} : memref<512x64xf32, #tpu.memory_space<vmem>>, vector<16xf32>,
      %mul3A_726 = arith.mulf %get3A_710, %get3A_722 : vector<16xf32>
      %mul3A_727 = arith.mulf %get3A_713, %get3A_725 : vector<16xf32>
      %add3A_728 = arith.addf %mul3A_726, %mul3A_727 : vector<16xf32>
      %mul3A_729 = arith.mulf %get3A_716, %add3A_728 : vector<16xf32>
      %mul3A_730 = arith.mulf %get3A_710, %get3A_725 : vector<16xf32>
      %mul3A_731 = arith.mulf %get3A_713, %get3A_722 : vector<16xf32>
      %sub3A_732 = arith.subf %mul3A_730, %mul3A_731 : vector<16xf32>
      %mul3A_733 = arith.mulf %get3A_719, %sub3A_732 : vector<16xf32>
      %add3A_734 = arith.addf %mul3A_729, %mul3A_733 : vector<16xf32>
      %get3A_735 = arith.index_cast %add3A_707 : i32 to index
      %get3A_736 = arith.constant 16 : index
      %get3A_737 = tpu.vector_load %arg11[%get3A_735, %get3A_736] {strides = array<i32>} : memref<512x64xf32, #tpu.memory_space<vmem>>, vector<16xf32>,
      %get3A_738 = arith.index_cast %add3A_707 : i32 to index
      %get3A_739 = arith.constant 48 : index
      %get3A_740 = tpu.vector_load %arg11[%get3A_738, %get3A_739] {strides = array<i32>} : memref<512x64xf32, #tpu.memory_space<vmem>>, vector<16xf32>,
      %get3A_741 = arith.index_cast %add3A_707 : i32 to index
      %get3A_742 = arith.constant 16 : index
      %get3A_743 = tpu.vector_load %arg12[%get3A_741, %get3A_742] {strides = array<i32>} : memref<512x64xf32, #tpu.memory_space<vmem>>, vector<16xf32>,
      %get3A_744 = arith.index_cast %add3A_707 : i32 to index
      %get3A_745 = arith.constant 48 : index
      %get3A_746 = tpu.vector_load %arg12[%get3A_744, %get3A_745] {strides = array<i32>} : memref<512x64xf32, #tpu.memory_space<vmem>>, vector<16xf32>,
      %get3A_747 = arith.index_cast %add3A_707 : i32 to index
      %get3A_748 = arith.constant 16 : index
      %get3A_749 = tpu.vector_load %arg13[%get3A_747, %get3A_748] {strides = array<i32>} : memref<512x64xf32, #tpu.memory_space<vmem>>, vector<16xf32>,
      %get3A_750 = arith.index_cast %add3A_707 : i32 to index
      %get3A_751 = arith.constant 48 : index
      %get3A_752 = tpu.vector_load %arg13[%get3A_750, %get3A_751] {strides = array<i32>} : memref<512x64xf32, #tpu.memory_space<vmem>>, vector<16xf32>,
      %mul3A_753 = arith.mulf %get3A_737, %get3A_749 : vector<16xf32>
      %mul3A_754 = arith.mulf %get3A_740, %get3A_752 : vector<16xf32>
      %add3A_755 = arith.addf %mul3A_753, %mul3A_754 : vector<16xf32>
      %mul3A_756 = arith.mulf %get3A_743, %add3A_755 : vector<16xf32>
      %mul3A_757 = arith.mulf %get3A_737, %get3A_752 : vector<16xf32>
      %mul3A_758 = arith.mulf %get3A_740, %get3A_749 : vector<16xf32>
      %sub3A_759 = arith.subf %mul3A_757, %mul3A_758 : vector<16xf32>
      %mul3A_760 = arith.mulf %get3A_746, %sub3A_759 : vector<16xf32>
      %add3A_761 = arith.addf %mul3A_756, %mul3A_760 : vector<16xf32>
      %add3A_762 = arith.addf %add3A_734, %add3A_761 : vector<16xf32>
      %swap3A_763 = arith.constant 8 : i32
      %swap3A_764 = arith.index_cast %swap3A_763 : i32 to index
      %swap3A_765 = arith.constant 0 : index
      %swap3A_766 = tpu.vector_load %arg15[%swap3A_764, %swap3A_765] {strides = array<i32>} : memref<16x16xf32, #tpu.memory_space<vmem>>, vector<16xf32>,
      tpu.vector_store %arg15[%swap3A_764, %swap3A_765], %add3A_762 {strides = array<i32>} : memref<16x16xf32, #tpu.memory_space<vmem>>, vector<16xf32>,
      %add3A_767 = arith.constant 9 : i32
      %add3A_768 = arith.addi %add3A_220, %add3A_767 : i32
      %get3A_769 = arith.index_cast %add3A_768 : i32 to index
      %get3A_770 = arith.constant 0 : index
      %get3A_771 = tpu.vector_load %arg11[%get3A_769, %get3A_770] {strides = array<i32>} : memref<512x64xf32, #tpu.memory_space<vmem>>, vector<16xf32>,
      %get3A_772 = arith.index_cast %add3A_768 : i32 to index
      %get3A_773 = arith.constant 32 : index
      %get3A_774 = tpu.vector_load %arg11[%get3A_772, %get3A_773] {strides = array<i32>} : memref<512x64xf32, #tpu.memory_space<vmem>>, vector<16xf32>,
      %get3A_775 = arith.index_cast %add3A_768 : i32 to index
      %get3A_776 = arith.constant 0 : index
      %get3A_777 = tpu.vector_load %arg12[%get3A_775, %get3A_776] {strides = array<i32>} : memref<512x64xf32, #tpu.memory_space<vmem>>, vector<16xf32>,
      %get3A_778 = arith.index_cast %add3A_768 : i32 to index
      %get3A_779 = arith.constant 32 : index
      %get3A_780 = tpu.vector_load %arg12[%get3A_778, %get3A_779] {strides = array<i32>} : memref<512x64xf32, #tpu.memory_space<vmem>>, vector<16xf32>,
      %get3A_781 = arith.index_cast %add3A_768 : i32 to index
      %get3A_782 = arith.constant 0 : index
      %get3A_783 = tpu.vector_load %arg13[%get3A_781, %get3A_782] {strides = array<i32>} : memref<512x64xf32, #tpu.memory_space<vmem>>, vector<16xf32>,
      %get3A_784 = arith.index_cast %add3A_768 : i32 to index
      %get3A_785 = arith.constant 32 : index
      %get3A_786 = tpu.vector_load %arg13[%get3A_784, %get3A_785] {strides = array<i32>} : memref<512x64xf32, #tpu.memory_space<vmem>>, vector<16xf32>,
      %mul3A_787 = arith.mulf %get3A_771, %get3A_783 : vector<16xf32>
      %mul3A_788 = arith.mulf %get3A_774, %get3A_786 : vector<16xf32>
      %add3A_789 = arith.addf %mul3A_787, %mul3A_788 : vector<16xf32>
      %mul3A_790 = arith.mulf %get3A_777, %add3A_789 : vector<16xf32>
      %mul3A_791 = arith.mulf %get3A_771, %get3A_786 : vector<16xf32>
      %mul3A_792 = arith.mulf %get3A_774, %get3A_783 : vector<16xf32>
      %sub3A_793 = arith.subf %mul3A_791, %mul3A_792 : vector<16xf32>
      %mul3A_794 = arith.mulf %get3A_780, %sub3A_793 : vector<16xf32>
      %add3A_795 = arith.addf %mul3A_790, %mul3A_794 : vector<16xf32>
      %get3A_796 = arith.index_cast %add3A_768 : i32 to index
      %get3A_797 = arith.constant 16 : index
      %get3A_798 = tpu.vector_load %arg11[%get3A_796, %get3A_797] {strides = array<i32>} : memref<512x64xf32, #tpu.memory_space<vmem>>, vector<16xf32>,
      %get3A_799 = arith.index_cast %add3A_768 : i32 to index
      %get3A_800 = arith.constant 48 : index
      %get3A_801 = tpu.vector_load %arg11[%get3A_799, %get3A_800] {strides = array<i32>} : memref<512x64xf32, #tpu.memory_space<vmem>>, vector<16xf32>,
      %get3A_802 = arith.index_cast %add3A_768 : i32 to index
      %get3A_803 = arith.constant 16 : index
      %get3A_804 = tpu.vector_load %arg12[%get3A_802, %get3A_803] {strides = array<i32>} : memref<512x64xf32, #tpu.memory_space<vmem>>, vector<16xf32>,
      %get3A_805 = arith.index_cast %add3A_768 : i32 to index
      %get3A_806 = arith.constant 48 : index
      %get3A_807 = tpu.vector_load %arg12[%get3A_805, %get3A_806] {strides = array<i32>} : memref<512x64xf32, #tpu.memory_space<vmem>>, vector<16xf32>,
      %get3A_808 = arith.index_cast %add3A_768 : i32 to index
      %get3A_809 = arith.constant 16 : index
      %get3A_810 = tpu.vector_load %arg13[%get3A_808, %get3A_809] {strides = array<i32>} : memref<512x64xf32, #tpu.memory_space<vmem>>, vector<16xf32>,
      %get3A_811 = arith.index_cast %add3A_768 : i32 to index
      %get3A_812 = arith.constant 48 : index
      %get3A_813 = tpu.vector_load %arg13[%get3A_811, %get3A_812] {strides = array<i32>} : memref<512x64xf32, #tpu.memory_space<vmem>>, vector<16xf32>,
      %mul3A_814 = arith.mulf %get3A_798, %get3A_810 : vector<16xf32>
      %mul3A_815 = arith.mulf %get3A_801, %get3A_813 : vector<16xf32>
      %add3A_816 = arith.addf %mul3A_814, %mul3A_815 : vector<16xf32>
      %mul3A_817 = arith.mulf %get3A_804, %add3A_816 : vector<16xf32>
      %mul3A_818 = arith.mulf %get3A_798, %get3A_813 : vector<16xf32>
      %mul3A_819 = arith.mulf %get3A_801, %get3A_810 : vector<16xf32>
      %sub3A_820 = arith.subf %mul3A_818, %mul3A_819 : vector<16xf32>
      %mul3A_821 = arith.mulf %get3A_807, %sub3A_820 : vector<16xf32>
      %add3A_822 = arith.addf %mul3A_817, %mul3A_821 : vector<16xf32>
      %add3A_823 = arith.addf %add3A_795, %add3A_822 : vector<16xf32>
      %swap3A_824 = arith.constant 9 : i32
      %swap3A_825 = arith.index_cast %swap3A_824 : i32 to index
      %swap3A_826 = arith.constant 0 : index
      %swap3A_827 = tpu.vector_load %arg15[%swap3A_825, %swap3A_826] {strides = array<i32>} : memref<16x16xf32, #tpu.memory_space<vmem>>, vector<16xf32>,
      tpu.vector_store %arg15[%swap3A_825, %swap3A_826], %add3A_823 {strides = array<i32>} : memref<16x16xf32, #tpu.memory_space<vmem>>, vector<16xf32>,
      %add3A_828 = arith.constant 10 : i32
      %add3A_829 = arith.addi %add3A_220, %add3A_828 : i32
      %get3A_830 = arith.index_cast %add3A_829 : i32 to index
      %get3A_831 = arith.constant 0 : index
      %get3A_832 = tpu.vector_load %arg11[%get3A_830, %get3A_831] {strides = array<i32>} : memref<512x64xf32, #tpu.memory_space<vmem>>, vector<16xf32>,
      %get3A_833 = arith.index_cast %add3A_829 : i32 to index
      %get3A_834 = arith.constant 32 : index
      %get3A_835 = tpu.vector_load %arg11[%get3A_833, %get3A_834] {strides = array<i32>} : memref<512x64xf32, #tpu.memory_space<vmem>>, vector<16xf32>,
      %get3A_836 = arith.index_cast %add3A_829 : i32 to index
      %get3A_837 = arith.constant 0 : index
      %get3A_838 = tpu.vector_load %arg12[%get3A_836, %get3A_837] {strides = array<i32>} : memref<512x64xf32, #tpu.memory_space<vmem>>, vector<16xf32>,
      %get3A_839 = arith.index_cast %add3A_829 : i32 to index
      %get3A_840 = arith.constant 32 : index
      %get3A_841 = tpu.vector_load %arg12[%get3A_839, %get3A_840] {strides = array<i32>} : memref<512x64xf32, #tpu.memory_space<vmem>>, vector<16xf32>,
      %get3A_842 = arith.index_cast %add3A_829 : i32 to index
      %get3A_843 = arith.constant 0 : index
      %get3A_844 = tpu.vector_load %arg13[%get3A_842, %get3A_843] {strides = array<i32>} : memref<512x64xf32, #tpu.memory_space<vmem>>, vector<16xf32>,
      %get3A_845 = arith.index_cast %add3A_829 : i32 to index
      %get3A_846 = arith.constant 32 : index
      %get3A_847 = tpu.vector_load %arg13[%get3A_845, %get3A_846] {strides = array<i32>} : memref<512x64xf32, #tpu.memory_space<vmem>>, vector<16xf32>,
      %mul3A_848 = arith.mulf %get3A_832, %get3A_844 : vector<16xf32>
      %mul3A_849 = arith.mulf %get3A_835, %get3A_847 : vector<16xf32>
      %add3A_850 = arith.addf %mul3A_848, %mul3A_849 : vector<16xf32>
      %mul3A_851 = arith.mulf %get3A_838, %add3A_850 : vector<16xf32>
      %mul3A_852 = arith.mulf %get3A_832, %get3A_847 : vector<16xf32>
      %mul3A_853 = arith.mulf %get3A_835, %get3A_844 : vector<16xf32>
      %sub3A_854 = arith.subf %mul3A_852, %mul3A_853 : vector<16xf32>
      %mul3A_855 = arith.mulf %get3A_841, %sub3A_854 : vector<16xf32>
      %add3A_856 = arith.addf %mul3A_851, %mul3A_855 : vector<16xf32>
      %get3A_857 = arith.index_cast %add3A_829 : i32 to index
      %get3A_858 = arith.constant 16 : index
      %get3A_859 = tpu.vector_load %arg11[%get3A_857, %get3A_858] {strides = array<i32>} : memref<512x64xf32, #tpu.memory_space<vmem>>, vector<16xf32>,
      %get3A_860 = arith.index_cast %add3A_829 : i32 to index
      %get3A_861 = arith.constant 48 : index
      %get3A_862 = tpu.vector_load %arg11[%get3A_860, %get3A_861] {strides = array<i32>} : memref<512x64xf32, #tpu.memory_space<vmem>>, vector<16xf32>,
      %get3A_863 = arith.index_cast %add3A_829 : i32 to index
      %get3A_864 = arith.constant 16 : index
      %get3A_865 = tpu.vector_load %arg12[%get3A_863, %get3A_864] {strides = array<i32>} : memref<512x64xf32, #tpu.memory_space<vmem>>, vector<16xf32>,
      %get3A_866 = arith.index_cast %add3A_829 : i32 to index
      %get3A_867 = arith.constant 48 : index
      %get3A_868 = tpu.vector_load %arg12[%get3A_866, %get3A_867] {strides = array<i32>} : memref<512x64xf32, #tpu.memory_space<vmem>>, vector<16xf32>,
      %get3A_869 = arith.index_cast %add3A_829 : i32 to index
      %get3A_870 = arith.constant 16 : index
      %get3A_871 = tpu.vector_load %arg13[%get3A_869, %get3A_870] {strides = array<i32>} : memref<512x64xf32, #tpu.memory_space<vmem>>, vector<16xf32>,
      %get3A_872 = arith.index_cast %add3A_829 : i32 to index
      %get3A_873 = arith.constant 48 : index
      %get3A_874 = tpu.vector_load %arg13[%get3A_872, %get3A_873] {strides = array<i32>} : memref<512x64xf32, #tpu.memory_space<vmem>>, vector<16xf32>,
      %mul3A_875 = arith.mulf %get3A_859, %get3A_871 : vector<16xf32>
      %mul3A_876 = arith.mulf %get3A_862, %get3A_874 : vector<16xf32>
      %add3A_877 = arith.addf %mul3A_875, %mul3A_876 : vector<16xf32>
      %mul3A_878 = arith.mulf %get3A_865, %add3A_877 : vector<16xf32>
      %mul3A_879 = arith.mulf %get3A_859, %get3A_874 : vector<16xf32>
      %mul3A_880 = arith.mulf %get3A_862, %get3A_871 : vector<16xf32>
      %sub3A_881 = arith.subf %mul3A_879, %mul3A_880 : vector<16xf32>
      %mul3A_882 = arith.mulf %get3A_868, %sub3A_881 : vector<16xf32>
      %add3A_883 = arith.addf %mul3A_878, %mul3A_882 : vector<16xf32>
      %add3A_884 = arith.addf %add3A_856, %add3A_883 : vector<16xf32>
      %swap3A_885 = arith.constant 10 : i32
      %swap3A_886 = arith.index_cast %swap3A_885 : i32 to index
      %swap3A_887 = arith.constant 0 : index
      %swap3A_888 = tpu.vector_load %arg15[%swap3A_886, %swap3A_887] {strides = array<i32>} : memref<16x16xf32, #tpu.memory_space<vmem>>, vector<16xf32>,
      tpu.vector_store %arg15[%swap3A_886, %swap3A_887], %add3A_884 {strides = array<i32>} : memref<16x16xf32, #tpu.memory_space<vmem>>, vector<16xf32>,
      %add3A_889 = arith.constant 11 : i32
      %add3A_890 = arith.addi %add3A_220, %add3A_889 : i32
      %get3A_891 = arith.index_cast %add3A_890 : i32 to index
      %get3A_892 = arith.constant 0 : index
      %get3A_893 = tpu.vector_load %arg11[%get3A_891, %get3A_892] {strides = array<i32>} : memref<512x64xf32, #tpu.memory_space<vmem>>, vector<16xf32>,
      %get3A_894 = arith.index_cast %add3A_890 : i32 to index
      %get3A_895 = arith.constant 32 : index
      %get3A_896 = tpu.vector_load %arg11[%get3A_894, %get3A_895] {strides = array<i32>} : memref<512x64xf32, #tpu.memory_space<vmem>>, vector<16xf32>,
      %get3A_897 = arith.index_cast %add3A_890 : i32 to index
      %get3A_898 = arith.constant 0 : index
      %get3A_899 = tpu.vector_load %arg12[%get3A_897, %get3A_898] {strides = array<i32>} : memref<512x64xf32, #tpu.memory_space<vmem>>, vector<16xf32>,
      %get3A_900 = arith.index_cast %add3A_890 : i32 to index
      %get3A_901 = arith.constant 32 : index
      %get3A_902 = tpu.vector_load %arg12[%get3A_900, %get3A_901] {strides = array<i32>} : memref<512x64xf32, #tpu.memory_space<vmem>>, vector<16xf32>,
      %get3A_903 = arith.index_cast %add3A_890 : i32 to index
      %get3A_904 = arith.constant 0 : index
      %get3A_905 = tpu.vector_load %arg13[%get3A_903, %get3A_904] {strides = array<i32>} : memref<512x64xf32, #tpu.memory_space<vmem>>, vector<16xf32>,
      %get3A_906 = arith.index_cast %add3A_890 : i32 to index
      %get3A_907 = arith.constant 32 : index
      %get3A_908 = tpu.vector_load %arg13[%get3A_906, %get3A_907] {strides = array<i32>} : memref<512x64xf32, #tpu.memory_space<vmem>>, vector<16xf32>,
      %mul3A_909 = arith.mulf %get3A_893, %get3A_905 : vector<16xf32>
      %mul3A_910 = arith.mulf %get3A_896, %get3A_908 : vector<16xf32>
      %add3A_911 = arith.addf %mul3A_909, %mul3A_910 : vector<16xf32>
      %mul3A_912 = arith.mulf %get3A_899, %add3A_911 : vector<16xf32>
      %mul3A_913 = arith.mulf %get3A_893, %get3A_908 : vector<16xf32>
      %mul3A_914 = arith.mulf %get3A_896, %get3A_905 : vector<16xf32>
      %sub3A_915 = arith.subf %mul3A_913, %mul3A_914 : vector<16xf32>
      %mul3A_916 = arith.mulf %get3A_902, %sub3A_915 : vector<16xf32>
      %add3A_917 = arith.addf %mul3A_912, %mul3A_916 : vector<16xf32>
      %get3A_918 = arith.index_cast %add3A_890 : i32 to index
      %get3A_919 = arith.constant 16 : index
      %get3A_920 = tpu.vector_load %arg11[%get3A_918, %get3A_919] {strides = array<i32>} : memref<512x64xf32, #tpu.memory_space<vmem>>, vector<16xf32>,
      %get3A_921 = arith.index_cast %add3A_890 : i32 to index
      %get3A_922 = arith.constant 48 : index
      %get3A_923 = tpu.vector_load %arg11[%get3A_921, %get3A_922] {strides = array<i32>} : memref<512x64xf32, #tpu.memory_space<vmem>>, vector<16xf32>,
      %get3A_924 = arith.index_cast %add3A_890 : i32 to index
      %get3A_925 = arith.constant 16 : index
      %get3A_926 = tpu.vector_load %arg12[%get3A_924, %get3A_925] {strides = array<i32>} : memref<512x64xf32, #tpu.memory_space<vmem>>, vector<16xf32>,
      %get3A_927 = arith.index_cast %add3A_890 : i32 to index
      %get3A_928 = arith.constant 48 : index
      %get3A_929 = tpu.vector_load %arg12[%get3A_927, %get3A_928] {strides = array<i32>} : memref<512x64xf32, #tpu.memory_space<vmem>>, vector<16xf32>,
      %get3A_930 = arith.index_cast %add3A_890 : i32 to index
      %get3A_931 = arith.constant 16 : index
      %get3A_932 = tpu.vector_load %arg13[%get3A_930, %get3A_931] {strides = array<i32>} : memref<512x64xf32, #tpu.memory_space<vmem>>, vector<16xf32>,
      %get3A_933 = arith.index_cast %add3A_890 : i32 to index
      %get3A_934 = arith.constant 48 : index
      %get3A_935 = tpu.vector_load %arg13[%get3A_933, %get3A_934] {strides = array<i32>} : memref<512x64xf32, #tpu.memory_space<vmem>>, vector<16xf32>,
      %mul3A_936 = arith.mulf %get3A_920, %get3A_932 : vector<16xf32>
      %mul3A_937 = arith.mulf %get3A_923, %get3A_935 : vector<16xf32>
      %add3A_938 = arith.addf %mul3A_936, %mul3A_937 : vector<16xf32>
      %mul3A_939 = arith.mulf %get3A_926, %add3A_938 : vector<16xf32>
      %mul3A_940 = arith.mulf %get3A_920, %get3A_935 : vector<16xf32>
      %mul3A_941 = arith.mulf %get3A_923, %get3A_932 : vector<16xf32>
      %sub3A_942 = arith.subf %mul3A_940, %mul3A_941 : vector<16xf32>
      %mul3A_943 = arith.mulf %get3A_929, %sub3A_942 : vector<16xf32>
      %add3A_944 = arith.addf %mul3A_939, %mul3A_943 : vector<16xf32>
      %add3A_945 = arith.addf %add3A_917, %add3A_944 : vector<16xf32>
      %swap3A_946 = arith.constant 11 : i32
      %swap3A_947 = arith.index_cast %swap3A_946 : i32 to index
      %swap3A_948 = arith.constant 0 : index
      %swap3A_949 = tpu.vector_load %arg15[%swap3A_947, %swap3A_948] {strides = array<i32>} : memref<16x16xf32, #tpu.memory_space<vmem>>, vector<16xf32>,
      tpu.vector_store %arg15[%swap3A_947, %swap3A_948], %add3A_945 {strides = array<i32>} : memref<16x16xf32, #tpu.memory_space<vmem>>, vector<16xf32>,
      %add3A_950 = arith.constant 12 : i32
      %add3A_951 = arith.addi %add3A_220, %add3A_950 : i32
      %get3A_952 = arith.index_cast %add3A_951 : i32 to index
      %get3A_953 = arith.constant 0 : index
      %get3A_954 = tpu.vector_load %arg11[%get3A_952, %get3A_953] {strides = array<i32>} : memref<512x64xf32, #tpu.memory_space<vmem>>, vector<16xf32>,
      %get3A_955 = arith.index_cast %add3A_951 : i32 to index
      %get3A_956 = arith.constant 32 : index
      %get3A_957 = tpu.vector_load %arg11[%get3A_955, %get3A_956] {strides = array<i32>} : memref<512x64xf32, #tpu.memory_space<vmem>>, vector<16xf32>,
      %get3A_958 = arith.index_cast %add3A_951 : i32 to index
      %get3A_959 = arith.constant 0 : index
      %get3A_960 = tpu.vector_load %arg12[%get3A_958, %get3A_959] {strides = array<i32>} : memref<512x64xf32, #tpu.memory_space<vmem>>, vector<16xf32>,
      %get3A_961 = arith.index_cast %add3A_951 : i32 to index
      %get3A_962 = arith.constant 32 : index
      %get3A_963 = tpu.vector_load %arg12[%get3A_961, %get3A_962] {strides = array<i32>} : memref<512x64xf32, #tpu.memory_space<vmem>>, vector<16xf32>,
      %get3A_964 = arith.index_cast %add3A_951 : i32 to index
      %get3A_965 = arith.constant 0 : index
      %get3A_966 = tpu.vector_load %arg13[%get3A_964, %get3A_965] {strides = array<i32>} : memref<512x64xf32, #tpu.memory_space<vmem>>, vector<16xf32>,
      %get3A_967 = arith.index_cast %add3A_951 : i32 to index
      %get3A_968 = arith.constant 32 : index
      %get3A_969 = tpu.vector_load %arg13[%get3A_967, %get3A_968] {strides = array<i32>} : memref<512x64xf32, #tpu.memory_space<vmem>>, vector<16xf32>,
      %mul3A_970 = arith.mulf %get3A_954, %get3A_966 : vector<16xf32>
      %mul3A_971 = arith.mulf %get3A_957, %get3A_969 : vector<16xf32>
      %add3A_972 = arith.addf %mul3A_970, %mul3A_971 : vector<16xf32>
      %mul3A_973 = arith.mulf %get3A_960, %add3A_972 : vector<16xf32>
      %mul3A_974 = arith.mulf %get3A_954, %get3A_969 : vector<16xf32>
      %mul3A_975 = arith.mulf %get3A_957, %get3A_966 : vector<16xf32>
      %sub3A_976 = arith.subf %mul3A_974, %mul3A_975 : vector<16xf32>
      %mul3A_977 = arith.mulf %get3A_963, %sub3A_976 : vector<16xf32>
      %add3A_978 = arith.addf %mul3A_973, %mul3A_977 : vector<16xf32>
      %get3A_979 = arith.index_cast %add3A_951 : i32 to index
      %get3A_980 = arith.constant 16 : index
      %get3A_981 = tpu.vector_load %arg11[%get3A_979, %get3A_980] {strides = array<i32>} : memref<512x64xf32, #tpu.memory_space<vmem>>, vector<16xf32>,
      %get3A_982 = arith.index_cast %add3A_951 : i32 to index
      %get3A_983 = arith.constant 48 : index
      %get3A_984 = tpu.vector_load %arg11[%get3A_982, %get3A_983] {strides = array<i32>} : memref<512x64xf32, #tpu.memory_space<vmem>>, vector<16xf32>,
      %get3A_985 = arith.index_cast %add3A_951 : i32 to index
      %get3A_986 = arith.constant 16 : index
      %get3A_987 = tpu.vector_load %arg12[%get3A_985, %get3A_986] {strides = array<i32>} : memref<512x64xf32, #tpu.memory_space<vmem>>, vector<16xf32>,
      %get3A_988 = arith.index_cast %add3A_951 : i32 to index
      %get3A_989 = arith.constant 48 : index
      %get3A_990 = tpu.vector_load %arg12[%get3A_988, %get3A_989] {strides = array<i32>} : memref<512x64xf32, #tpu.memory_space<vmem>>, vector<16xf32>,
      %get3A_991 = arith.index_cast %add3A_951 : i32 to index
      %get3A_992 = arith.constant 16 : index
      %get3A_993 = tpu.vector_load %arg13[%get3A_991, %get3A_992] {strides = array<i32>} : memref<512x64xf32, #tpu.memory_space<vmem>>, vector<16xf32>,
      %get3A_994 = arith.index_cast %add3A_951 : i32 to index
      %get3A_995 = arith.constant 48 : index
      %get3A_996 = tpu.vector_load %arg13[%get3A_994, %get3A_995] {strides = array<i32>} : memref<512x64xf32, #tpu.memory_space<vmem>>, vector<16xf32>,
      %mul3A_997 = arith.mulf %get3A_981, %get3A_993 : vector<16xf32>
      %mul3A_998 = arith.mulf %get3A_984, %get3A_996 : vector<16xf32>
      %add3A_999 = arith.addf %mul3A_997, %mul3A_998 : vector<16xf32>
      %mul3A_1000 = arith.mulf %get3A_987, %add3A_999 : vector<16xf32>
      %mul3A_1001 = arith.mulf %get3A_981, %get3A_996 : vector<16xf32>
      %mul3A_1002 = arith.mulf %get3A_984, %get3A_993 : vector<16xf32>
      %sub3A_1003 = arith.subf %mul3A_1001, %mul3A_1002 : vector<16xf32>
      %mul3A_1004 = arith.mulf %get3A_990, %sub3A_1003 : vector<16xf32>
      %add3A_1005 = arith.addf %mul3A_1000, %mul3A_1004 : vector<16xf32>
      %add3A_1006 = arith.addf %add3A_978, %add3A_1005 : vector<16xf32>
      %swap3A_1007 = arith.constant 12 : i32
      %swap3A_1008 = arith.index_cast %swap3A_1007 : i32 to index
      %swap3A_1009 = arith.constant 0 : index
      %swap3A_1010 = tpu.vector_load %arg15[%swap3A_1008, %swap3A_1009] {strides = array<i32>} : memref<16x16xf32, #tpu.memory_space<vmem>>, vector<16xf32>,
      tpu.vector_store %arg15[%swap3A_1008, %swap3A_1009], %add3A_1006 {strides = array<i32>} : memref<16x16xf32, #tpu.memory_space<vmem>>, vector<16xf32>,
      %add3A_1011 = arith.constant 13 : i32
      %add3A_1012 = arith.addi %add3A_220, %add3A_1011 : i32
      %get3A_1013 = arith.index_cast %add3A_1012 : i32 to index
      %get3A_1014 = arith.constant 0 : index
      %get3A_1015 = tpu.vector_load %arg11[%get3A_1013, %get3A_1014] {strides = array<i32>} : memref<512x64xf32, #tpu.memory_space<vmem>>, vector<16xf32>,
      %get3A_1016 = arith.index_cast %add3A_1012 : i32 to index
      %get3A_1017 = arith.constant 32 : index
      %get3A_1018 = tpu.vector_load %arg11[%get3A_1016, %get3A_1017] {strides = array<i32>} : memref<512x64xf32, #tpu.memory_space<vmem>>, vector<16xf32>,
      %get3A_1019 = arith.index_cast %add3A_1012 : i32 to index
      %get3A_1020 = arith.constant 0 : index
      %get3A_1021 = tpu.vector_load %arg12[%get3A_1019, %get3A_1020] {strides = array<i32>} : memref<512x64xf32, #tpu.memory_space<vmem>>, vector<16xf32>,
      %get3A_1022 = arith.index_cast %add3A_1012 : i32 to index
      %get3A_1023 = arith.constant 32 : index
      %get3A_1024 = tpu.vector_load %arg12[%get3A_1022, %get3A_1023] {strides = array<i32>} : memref<512x64xf32, #tpu.memory_space<vmem>>, vector<16xf32>,
      %get3A_1025 = arith.index_cast %add3A_1012 : i32 to index
      %get3A_1026 = arith.constant 0 : index
      %get3A_1027 = tpu.vector_load %arg13[%get3A_1025, %get3A_1026] {strides = array<i32>} : memref<512x64xf32, #tpu.memory_space<vmem>>, vector<16xf32>,
      %get3A_1028 = arith.index_cast %add3A_1012 : i32 to index
      %get3A_1029 = arith.constant 32 : index
      %get3A_1030 = tpu.vector_load %arg13[%get3A_1028, %get3A_1029] {strides = array<i32>} : memref<512x64xf32, #tpu.memory_space<vmem>>, vector<16xf32>,
      %mul3A_1031 = arith.mulf %get3A_1015, %get3A_1027 : vector<16xf32>
      %mul3A_1032 = arith.mulf %get3A_1018, %get3A_1030 : vector<16xf32>
      %add3A_1033 = arith.addf %mul3A_1031, %mul3A_1032 : vector<16xf32>
      %mul3A_1034 = arith.mulf %get3A_1021, %add3A_1033 : vector<16xf32>
      %mul3A_1035 = arith.mulf %get3A_1015, %get3A_1030 : vector<16xf32>
      %mul3A_1036 = arith.mulf %get3A_1018, %get3A_1027 : vector<16xf32>
      %sub3A_1037 = arith.subf %mul3A_1035, %mul3A_1036 : vector<16xf32>
      %mul3A_1038 = arith.mulf %get3A_1024, %sub3A_1037 : vector<16xf32>
      %add3A_1039 = arith.addf %mul3A_1034, %mul3A_1038 : vector<16xf32>
      %get3A_1040 = arith.index_cast %add3A_1012 : i32 to index
      %get3A_1041 = arith.constant 16 : index
      %get3A_1042 = tpu.vector_load %arg11[%get3A_1040, %get3A_1041] {strides = array<i32>} : memref<512x64xf32, #tpu.memory_space<vmem>>, vector<16xf32>,
      %get3A_1043 = arith.index_cast %add3A_1012 : i32 to index
      %get3A_1044 = arith.constant 48 : index
      %get3A_1045 = tpu.vector_load %arg11[%get3A_1043, %get3A_1044] {strides = array<i32>} : memref<512x64xf32, #tpu.memory_space<vmem>>, vector<16xf32>,
      %get3A_1046 = arith.index_cast %add3A_1012 : i32 to index
      %get3A_1047 = arith.constant 16 : index
      %get3A_1048 = tpu.vector_load %arg12[%get3A_1046, %get3A_1047] {strides = array<i32>} : memref<512x64xf32, #tpu.memory_space<vmem>>, vector<16xf32>,
      %get3A_1049 = arith.index_cast %add3A_1012 : i32 to index
      %get3A_1050 = arith.constant 48 : index
      %get3A_1051 = tpu.vector_load %arg12[%get3A_1049, %get3A_1050] {strides = array<i32>} : memref<512x64xf32, #tpu.memory_space<vmem>>, vector<16xf32>,
      %get3A_1052 = arith.index_cast %add3A_1012 : i32 to index
      %get3A_1053 = arith.constant 16 : index
      %get3A_1054 = tpu.vector_load %arg13[%get3A_1052, %get3A_1053] {strides = array<i32>} : memref<512x64xf32, #tpu.memory_space<vmem>>, vector<16xf32>,
      %get3A_1055 = arith.index_cast %add3A_1012 : i32 to index
      %get3A_1056 = arith.constant 48 : index
      %get3A_1057 = tpu.vector_load %arg13[%get3A_1055, %get3A_1056] {strides = array<i32>} : memref<512x64xf32, #tpu.memory_space<vmem>>, vector<16xf32>,
      %mul3A_1058 = arith.mulf %get3A_1042, %get3A_1054 : vector<16xf32>
      %mul3A_1059 = arith.mulf %get3A_1045, %get3A_1057 : vector<16xf32>
      %add3A_1060 = arith.addf %mul3A_1058, %mul3A_1059 : vector<16xf32>
      %mul3A_1061 = arith.mulf %get3A_1048, %add3A_1060 : vector<16xf32>
      %mul3A_1062 = arith.mulf %get3A_1042, %get3A_1057 : vector<16xf32>
      %mul3A_1063 = arith.mulf %get3A_1045, %get3A_1054 : vector<16xf32>
      %sub3A_1064 = arith.subf %mul3A_1062, %mul3A_1063 : vector<16xf32>
      %mul3A_1065 = arith.mulf %get3A_1051, %sub3A_1064 : vector<16xf32>
      %add3A_1066 = arith.addf %mul3A_1061, %mul3A_1065 : vector<16xf32>
      %add3A_1067 = arith.addf %add3A_1039, %add3A_1066 : vector<16xf32>
      %swap3A_1068 = arith.constant 13 : i32
      %swap3A_1069 = arith.index_cast %swap3A_1068 : i32 to index
      %swap3A_1070 = arith.constant 0 : index
      %swap3A_1071 = tpu.vector_load %arg15[%swap3A_1069, %swap3A_1070] {strides = array<i32>} : memref<16x16xf32, #tpu.memory_space<vmem>>, vector<16xf32>,
      tpu.vector_store %arg15[%swap3A_1069, %swap3A_1070], %add3A_1067 {strides = array<i32>} : memref<16x16xf32, #tpu.memory_space<vmem>>, vector<16xf32>,
      %add3A_1072 = arith.constant 14 : i32
      %add3A_1073 = arith.addi %add3A_220, %add3A_1072 : i32
      %get3A_1074 = arith.index_cast %add3A_1073 : i32 to index
      %get3A_1075 = arith.constant 0 : index
      %get3A_1076 = tpu.vector_load %arg11[%get3A_1074, %get3A_1075] {strides = array<i32>} : memref<512x64xf32, #tpu.memory_space<vmem>>, vector<16xf32>,
      %get3A_1077 = arith.index_cast %add3A_1073 : i32 to index
      %get3A_1078 = arith.constant 32 : index
      %get3A_1079 = tpu.vector_load %arg11[%get3A_1077, %get3A_1078] {strides = array<i32>} : memref<512x64xf32, #tpu.memory_space<vmem>>, vector<16xf32>,
      %get3A_1080 = arith.index_cast %add3A_1073 : i32 to index
      %get3A_1081 = arith.constant 0 : index
      %get3A_1082 = tpu.vector_load %arg12[%get3A_1080, %get3A_1081] {strides = array<i32>} : memref<512x64xf32, #tpu.memory_space<vmem>>, vector<16xf32>,
      %get3A_1083 = arith.index_cast %add3A_1073 : i32 to index
      %get3A_1084 = arith.constant 32 : index
      %get3A_1085 = tpu.vector_load %arg12[%get3A_1083, %get3A_1084] {strides = array<i32>} : memref<512x64xf32, #tpu.memory_space<vmem>>, vector<16xf32>,
      %get3A_1086 = arith.index_cast %add3A_1073 : i32 to index
      %get3A_1087 = arith.constant 0 : index
      %get3A_1088 = tpu.vector_load %arg13[%get3A_1086, %get3A_1087] {strides = array<i32>} : memref<512x64xf32, #tpu.memory_space<vmem>>, vector<16xf32>,
      %get3A_1089 = arith.index_cast %add3A_1073 : i32 to index
      %get3A_1090 = arith.constant 32 : index
      %get3A_1091 = tpu.vector_load %arg13[%get3A_1089, %get3A_1090] {strides = array<i32>} : memref<512x64xf32, #tpu.memory_space<vmem>>, vector<16xf32>,
      %mul3A_1092 = arith.mulf %get3A_1076, %get3A_1088 : vector<16xf32>
      %mul3A_1093 = arith.mulf %get3A_1079, %get3A_1091 : vector<16xf32>
      %add3A_1094 = arith.addf %mul3A_1092, %mul3A_1093 : vector<16xf32>
      %mul3A_1095 = arith.mulf %get3A_1082, %add3A_1094 : vector<16xf32>
      %mul3A_1096 = arith.mulf %get3A_1076, %get3A_1091 : vector<16xf32>
      %mul3A_1097 = arith.mulf %get3A_1079, %get3A_1088 : vector<16xf32>
      %sub3A_1098 = arith.subf %mul3A_1096, %mul3A_1097 : vector<16xf32>
      %mul3A_1099 = arith.mulf %get3A_1085, %sub3A_1098 : vector<16xf32>
      %add3A_1100 = arith.addf %mul3A_1095, %mul3A_1099 : vector<16xf32>
      %get3A_1101 = arith.index_cast %add3A_1073 : i32 to index
      %get3A_1102 = arith.constant 16 : index
      %get3A_1103 = tpu.vector_load %arg11[%get3A_1101, %get3A_1102] {strides = array<i32>} : memref<512x64xf32, #tpu.memory_space<vmem>>, vector<16xf32>,
      %get3A_1104 = arith.index_cast %add3A_1073 : i32 to index
      %get3A_1105 = arith.constant 48 : index
      %get3A_1106 = tpu.vector_load %arg11[%get3A_1104, %get3A_1105] {strides = array<i32>} : memref<512x64xf32, #tpu.memory_space<vmem>>, vector<16xf32>,
      %get3A_1107 = arith.index_cast %add3A_1073 : i32 to index
      %get3A_1108 = arith.constant 16 : index
      %get3A_1109 = tpu.vector_load %arg12[%get3A_1107, %get3A_1108] {strides = array<i32>} : memref<512x64xf32, #tpu.memory_space<vmem>>, vector<16xf32>,
      %get3A_1110 = arith.index_cast %add3A_1073 : i32 to index
      %get3A_1111 = arith.constant 48 : index
      %get3A_1112 = tpu.vector_load %arg12[%get3A_1110, %get3A_1111] {strides = array<i32>} : memref<512x64xf32, #tpu.memory_space<vmem>>, vector<16xf32>,
      %get3A_1113 = arith.index_cast %add3A_1073 : i32 to index
      %get3A_1114 = arith.constant 16 : index
      %get3A_1115 = tpu.vector_load %arg13[%get3A_1113, %get3A_1114] {strides = array<i32>} : memref<512x64xf32, #tpu.memory_space<vmem>>, vector<16xf32>,
      %get3A_1116 = arith.index_cast %add3A_1073 : i32 to index
      %get3A_1117 = arith.constant 48 : index
      %get3A_1118 = tpu.vector_load %arg13[%get3A_1116, %get3A_1117] {strides = array<i32>} : memref<512x64xf32, #tpu.memory_space<vmem>>, vector<16xf32>,
      %mul3A_1119 = arith.mulf %get3A_1103, %get3A_1115 : vector<16xf32>
      %mul3A_1120 = arith.mulf %get3A_1106, %get3A_1118 : vector<16xf32>
      %add3A_1121 = arith.addf %mul3A_1119, %mul3A_1120 : vector<16xf32>
      %mul3A_1122 = arith.mulf %get3A_1109, %add3A_1121 : vector<16xf32>
      %mul3A_1123 = arith.mulf %get3A_1103, %get3A_1118 : vector<16xf32>
      %mul3A_1124 = arith.mulf %get3A_1106, %get3A_1115 : vector<16xf32>
      %sub3A_1125 = arith.subf %mul3A_1123, %mul3A_1124 : vector<16xf32>
      %mul3A_1126 = arith.mulf %get3A_1112, %sub3A_1125 : vector<16xf32>
      %add3A_1127 = arith.addf %mul3A_1122, %mul3A_1126 : vector<16xf32>
      %add3A_1128 = arith.addf %add3A_1100, %add3A_1127 : vector<16xf32>
      %swap3A_1129 = arith.constant 14 : i32
      %swap3A_1130 = arith.index_cast %swap3A_1129 : i32 to index
      %swap3A_1131 = arith.constant 0 : index
      %swap3A_1132 = tpu.vector_load %arg15[%swap3A_1130, %swap3A_1131] {strides = array<i32>} : memref<16x16xf32, #tpu.memory_space<vmem>>, vector<16xf32>,
      tpu.vector_store %arg15[%swap3A_1130, %swap3A_1131], %add3A_1128 {strides = array<i32>} : memref<16x16xf32, #tpu.memory_space<vmem>>, vector<16xf32>,
      %add3A_1133 = arith.constant 15 : i32
      %add3A_1134 = arith.addi %add3A_220, %add3A_1133 : i32
      %get3A_1135 = arith.index_cast %add3A_1134 : i32 to index
      %get3A_1136 = arith.constant 0 : index
      %get3A_1137 = tpu.vector_load %arg11[%get3A_1135, %get3A_1136] {strides = array<i32>} : memref<512x64xf32, #tpu.memory_space<vmem>>, vector<16xf32>,
      %get3A_1138 = arith.index_cast %add3A_1134 : i32 to index
      %get3A_1139 = arith.constant 32 : index
      %get3A_1140 = tpu.vector_load %arg11[%get3A_1138, %get3A_1139] {strides = array<i32>} : memref<512x64xf32, #tpu.memory_space<vmem>>, vector<16xf32>,
      %get3A_1141 = arith.index_cast %add3A_1134 : i32 to index
      %get3A_1142 = arith.constant 0 : index
      %get3A_1143 = tpu.vector_load %arg12[%get3A_1141, %get3A_1142] {strides = array<i32>} : memref<512x64xf32, #tpu.memory_space<vmem>>, vector<16xf32>,
      %get3A_1144 = arith.index_cast %add3A_1134 : i32 to index
      %get3A_1145 = arith.constant 32 : index
      %get3A_1146 = tpu.vector_load %arg12[%get3A_1144, %get3A_1145] {strides = array<i32>} : memref<512x64xf32, #tpu.memory_space<vmem>>, vector<16xf32>,
      %get3A_1147 = arith.index_cast %add3A_1134 : i32 to index
      %get3A_1148 = arith.constant 0 : index
      %get3A_1149 = tpu.vector_load %arg13[%get3A_1147, %get3A_1148] {strides = array<i32>} : memref<512x64xf32, #tpu.memory_space<vmem>>, vector<16xf32>,
      %get3A_1150 = arith.index_cast %add3A_1134 : i32 to index
      %get3A_1151 = arith.constant 32 : index
      %get3A_1152 = tpu.vector_load %arg13[%get3A_1150, %get3A_1151] {strides = array<i32>} : memref<512x64xf32, #tpu.memory_space<vmem>>, vector<16xf32>,
      %mul3A_1153 = arith.mulf %get3A_1137, %get3A_1149 : vector<16xf32>
      %mul3A_1154 = arith.mulf %get3A_1140, %get3A_1152 : vector<16xf32>
      %add3A_1155 = arith.addf %mul3A_1153, %mul3A_1154 : vector<16xf32>
      %mul3A_1156 = arith.mulf %get3A_1143, %add3A_1155 : vector<16xf32>
      %mul3A_1157 = arith.mulf %get3A_1137, %get3A_1152 : vector<16xf32>
      %mul3A_1158 = arith.mulf %get3A_1140, %get3A_1149 : vector<16xf32>
      %sub3A_1159 = arith.subf %mul3A_1157, %mul3A_1158 : vector<16xf32>
      %mul3A_1160 = arith.mulf %get3A_1146, %sub3A_1159 : vector<16xf32>
      %add3A_1161 = arith.addf %mul3A_1156, %mul3A_1160 : vector<16xf32>
      %get3A_1162 = arith.index_cast %add3A_1134 : i32 to index
      %get3A_1163 = arith.constant 16 : index
      %get3A_1164 = tpu.vector_load %arg11[%get3A_1162, %get3A_1163] {strides = array<i32>} : memref<512x64xf32, #tpu.memory_space<vmem>>, vector<16xf32>,
      %get3A_1165 = arith.index_cast %add3A_1134 : i32 to index
      %get3A_1166 = arith.constant 48 : index
      %get3A_1167 = tpu.vector_load %arg11[%get3A_1165, %get3A_1166] {strides = array<i32>} : memref<512x64xf32, #tpu.memory_space<vmem>>, vector<16xf32>,
      %get3A_1168 = arith.index_cast %add3A_1134 : i32 to index
      %get3A_1169 = arith.constant 16 : index
      %get3A_1170 = tpu.vector_load %arg12[%get3A_1168, %get3A_1169] {strides = array<i32>} : memref<512x64xf32, #tpu.memory_space<vmem>>, vector<16xf32>,
      %get3A_1171 = arith.index_cast %add3A_1134 : i32 to index
      %get3A_1172 = arith.constant 48 : index
      %get3A_1173 = tpu.vector_load %arg12[%get3A_1171, %get3A_1172] {strides = array<i32>} : memref<512x64xf32, #tpu.memory_space<vmem>>, vector<16xf32>,
      %get3A_1174 = arith.index_cast %add3A_1134 : i32 to index
      %get3A_1175 = arith.constant 16 : index
      %get3A_1176 = tpu.vector_load %arg13[%get3A_1174, %get3A_1175] {strides = array<i32>} : memref<512x64xf32, #tpu.memory_space<vmem>>, vector<16xf32>,
      %get3A_1177 = arith.index_cast %add3A_1134 : i32 to index
      %get3A_1178 = arith.constant 48 : index
      %get3A_1179 = tpu.vector_load %arg13[%get3A_1177, %get3A_1178] {strides = array<i32>} : memref<512x64xf32, #tpu.memory_space<vmem>>, vector<16xf32>,
      %mul3A_1180 = arith.mulf %get3A_1164, %get3A_1176 : vector<16xf32>
      %mul3A_1181 = arith.mulf %get3A_1167, %get3A_1179 : vector<16xf32>
      %add3A_1182 = arith.addf %mul3A_1180, %mul3A_1181 : vector<16xf32>
      %mul3A_1183 = arith.mulf %get3A_1170, %add3A_1182 : vector<16xf32>
      %mul3A_1184 = arith.mulf %get3A_1164, %get3A_1179 : vector<16xf32>
      %mul3A_1185 = arith.mulf %get3A_1167, %get3A_1176 : vector<16xf32>
      %sub3A_1186 = arith.subf %mul3A_1184, %mul3A_1185 : vector<16xf32>
      %mul3A_1187 = arith.mulf %get3A_1173, %sub3A_1186 : vector<16xf32>
      %add3A_1188 = arith.addf %mul3A_1183, %mul3A_1187 : vector<16xf32>
      %add3A_1189 = arith.addf %add3A_1161, %add3A_1188 : vector<16xf32>
      %swap3A_1190 = arith.constant 15 : i32
      %swap3A_1191 = arith.index_cast %swap3A_1190 : i32 to index
      %swap3A_1192 = arith.constant 0 : index
      %swap3A_1193 = tpu.vector_load %arg15[%swap3A_1191, %swap3A_1192] {strides = array<i32>} : memref<16x16xf32, #tpu.memory_space<vmem>>, vector<16xf32>,
      tpu.vector_store %arg15[%swap3A_1191, %swap3A_1192], %add3A_1189 {strides = array<i32>} : memref<16x16xf32, #tpu.memory_space<vmem>>, vector<16xf32>,
      %broadcast_in_dim3A = arith.constant 0 : i32
      %broadcast_in_dim3A_1194 = vector.broadcast %broadcast_in_dim3A : i32 to vector<16xi32>
      %gather3A = tpu.vector_load_idx %arg15[%iota3A, %broadcast_in_dim3A_1194] : memref<16x16xf32, #tpu.memory_space<vmem>>[vector<16xi32>, vector<16xi32>], vector<16xf32>,
      %broadcast_in_dim3A_1195 = arith.constant 1 : i32
      %broadcast_in_dim3A_1196 = vector.broadcast %broadcast_in_dim3A_1195 : i32 to vector<16xi32>
      %gather3A_1197 = tpu.vector_load_idx %arg15[%iota3A, %broadcast_in_dim3A_1196] : memref<16x16xf32, #tpu.memory_space<vmem>>[vector<16xi32>, vector<16xi32>], vector<16xf32>,
      %broadcast_in_dim3A_1198 = arith.constant 2 : i32
      %broadcast_in_dim3A_1199 = vector.broadcast %broadcast_in_dim3A_1198 : i32 to vector<16xi32>
      %gather3A_1200 = tpu.vector_load_idx %arg15[%iota3A, %broadcast_in_dim3A_1199] : memref<16x16xf32, #tpu.memory_space<vmem>>[vector<16xi32>, vector<16xi32>], vector<16xf32>,
      %broadcast_in_dim3A_1201 = arith.constant 3 : i32
      %broadcast_in_dim3A_1202 = vector.broadcast %broadcast_in_dim3A_1201 : i32 to vector<16xi32>
      %gather3A_1203 = tpu.vector_load_idx %arg15[%iota3A, %broadcast_in_dim3A_1202] : memref<16x16xf32, #tpu.memory_space<vmem>>[vector<16xi32>, vector<16xi32>], vector<16xf32>,
      %broadcast_in_dim3A_1204 = arith.constant 4 : i32
      %broadcast_in_dim3A_1205 = vector.broadcast %broadcast_in_dim3A_1204 : i32 to vector<16xi32>
      %gather3A_1206 = tpu.vector_load_idx %arg15[%iota3A, %broadcast_in_dim3A_1205] : memref<16x16xf32, #tpu.memory_space<vmem>>[vector<16xi32>, vector<16xi32>], vector<16xf32>,
      %broadcast_in_dim3A_1207 = arith.constant 5 : i32
      %broadcast_in_dim3A_1208 = vector.broadcast %broadcast_in_dim3A_1207 : i32 to vector<16xi32>
      %gather3A_1209 = tpu.vector_load_idx %arg15[%iota3A, %broadcast_in_dim3A_1208] : memref<16x16xf32, #tpu.memory_space<vmem>>[vector<16xi32>, vector<16xi32>], vector<16xf32>,
      %broadcast_in_dim3A_1210 = arith.constant 6 : i32
      %broadcast_in_dim3A_1211 = vector.broadcast %broadcast_in_dim3A_1210 : i32 to vector<16xi32>
      %gather3A_1212 = tpu.vector_load_idx %arg15[%iota3A, %broadcast_in_dim3A_1211] : memref<16x16xf32, #tpu.memory_space<vmem>>[vector<16xi32>, vector<16xi32>], vector<16xf32>,
      %broadcast_in_dim3A_1213 = arith.constant 7 : i32
      %broadcast_in_dim3A_1214 = vector.broadcast %broadcast_in_dim3A_1213 : i32 to vector<16xi32>
      %gather3A_1215 = tpu.vector_load_idx %arg15[%iota3A, %broadcast_in_dim3A_1214] : memref<16x16xf32, #tpu.memory_space<vmem>>[vector<16xi32>, vector<16xi32>], vector<16xf32>,
      %broadcast_in_dim3A_1216 = arith.constant 8 : i32
      %broadcast_in_dim3A_1217 = vector.broadcast %broadcast_in_dim3A_1216 : i32 to vector<16xi32>
      %gather3A_1218 = tpu.vector_load_idx %arg15[%iota3A, %broadcast_in_dim3A_1217] : memref<16x16xf32, #tpu.memory_space<vmem>>[vector<16xi32>, vector<16xi32>], vector<16xf32>,
      %broadcast_in_dim3A_1219 = arith.constant 9 : i32
      %broadcast_in_dim3A_1220 = vector.broadcast %broadcast_in_dim3A_1219 : i32 to vector<16xi32>
      %gather3A_1221 = tpu.vector_load_idx %arg15[%iota3A, %broadcast_in_dim3A_1220] : memref<16x16xf32, #tpu.memory_space<vmem>>[vector<16xi32>, vector<16xi32>], vector<16xf32>,
      %broadcast_in_dim3A_1222 = arith.constant 10 : i32
      %broadcast_in_dim3A_1223 = vector.broadcast %broadcast_in_dim3A_1222 : i32 to vector<16xi32>
      %gather3A_1224 = tpu.vector_load_idx %arg15[%iota3A, %broadcast_in_dim3A_1223] : memref<16x16xf32, #tpu.memory_space<vmem>>[vector<16xi32>, vector<16xi32>], vector<16xf32>,
      %broadcast_in_dim3A_1225 = arith.constant 11 : i32
      %broadcast_in_dim3A_1226 = vector.broadcast %broadcast_in_dim3A_1225 : i32 to vector<16xi32>
      %gather3A_1227 = tpu.vector_load_idx %arg15[%iota3A, %broadcast_in_dim3A_1226] : memref<16x16xf32, #tpu.memory_space<vmem>>[vector<16xi32>, vector<16xi32>], vector<16xf32>,
      %broadcast_in_dim3A_1228 = arith.constant 12 : i32
      %broadcast_in_dim3A_1229 = vector.broadcast %broadcast_in_dim3A_1228 : i32 to vector<16xi32>
      %gather3A_1230 = tpu.vector_load_idx %arg15[%iota3A, %broadcast_in_dim3A_1229] : memref<16x16xf32, #tpu.memory_space<vmem>>[vector<16xi32>, vector<16xi32>], vector<16xf32>,
      %broadcast_in_dim3A_1231 = arith.constant 13 : i32
      %broadcast_in_dim3A_1232 = vector.broadcast %broadcast_in_dim3A_1231 : i32 to vector<16xi32>
      %gather3A_1233 = tpu.vector_load_idx %arg15[%iota3A, %broadcast_in_dim3A_1232] : memref<16x16xf32, #tpu.memory_space<vmem>>[vector<16xi32>, vector<16xi32>], vector<16xf32>,
      %broadcast_in_dim3A_1234 = arith.constant 14 : i32
      %broadcast_in_dim3A_1235 = vector.broadcast %broadcast_in_dim3A_1234 : i32 to vector<16xi32>
      %gather3A_1236 = tpu.vector_load_idx %arg15[%iota3A, %broadcast_in_dim3A_1235] : memref<16x16xf32, #tpu.memory_space<vmem>>[vector<16xi32>, vector<16xi32>], vector<16xf32>,
      %broadcast_in_dim3A_1237 = arith.constant 15 : i32
      %broadcast_in_dim3A_1238 = vector.broadcast %broadcast_in_dim3A_1237 : i32 to vector<16xi32>
      %gather3A_1239 = tpu.vector_load_idx %arg15[%iota3A, %broadcast_in_dim3A_1238] : memref<16x16xf32, #tpu.memory_space<vmem>>[vector<16xi32>, vector<16xi32>], vector<16xf32>,
      %add3A_1240 = arith.addf %gather3A, %gather3A_1197 : vector<16xf32>
      %add3A_1241 = arith.addf %gather3A_1200, %gather3A_1203 : vector<16xf32>
      %add3A_1242 = arith.addf %gather3A_1206, %gather3A_1209 : vector<16xf32>
      %add3A_1243 = arith.addf %gather3A_1212, %gather3A_1215 : vector<16xf32>
      %add3A_1244 = arith.addf %gather3A_1218, %gather3A_1221 : vector<16xf32>
      %add3A_1245 = arith.addf %gather3A_1224, %gather3A_1227 : vector<16xf32>
      %add3A_1246 = arith.addf %gather3A_1230, %gather3A_1233 : vector<16xf32>
      %add3A_1247 = arith.addf %gather3A_1236, %gather3A_1239 : vector<16xf32>
      %add3A_1248 = arith.addf %add3A_1240, %add3A_1241 : vector<16xf32>
      %add3A_1249 = arith.addf %add3A_1242, %add3A_1243 : vector<16xf32>
      %add3A_1250 = arith.addf %add3A_1244, %add3A_1245 : vector<16xf32>
      %add3A_1251 = arith.addf %add3A_1246, %add3A_1247 : vector<16xf32>
      %add3A_1252 = arith.addf %add3A_1248, %add3A_1249 : vector<16xf32>
      %add3A_1253 = arith.addf %add3A_1250, %add3A_1251 : vector<16xf32>
      %add3A_1254 = arith.addf %add3A_1252, %add3A_1253 : vector<16xf32>
      %swap3A_1255 = arith.index_cast %add3A_220 : i32 to index
      %swap3A_1256 = tpu.vector_load %arg14[%swap3A_1255] {strides = array<i32>} : memref<512xf32, #tpu.memory_space<vmem>>, vector<16xf32>,
      tpu.vector_store %arg14[%swap3A_1255], %add3A_1254 {strides = array<i32>} : memref<512xf32, #tpu.memory_space<vmem>>, vector<16xf32>,
    }
    %scan3A_185 = arith.constant 8 : i32
    %dma_wait3A_186 = arith.constant 384 : i32
    %dma_wait3A_187 = arith.constant 0 : i32
    %dma_wait3A_188 = tpu.memref_slice %arg11[%dma_wait3A_186, %dma_wait3A_187] : memref<512x64xf32, #tpu.memory_space<vmem>> -> memref<128x64xf32, #tpu.memory_space<vmem>>
    %dma_wait3A_189 = arith.constant 384 : i32
    %dma_wait3A_190 = tpu.memref_slice %arg8[%dma_wait3A_189] : memref<512xi32, #tpu.memory_space<vmem>> -> memref<128xi32, #tpu.memory_space<vmem>>
    %dma_wait3A_191 = arith.constant 0 : i32
    %dma_wait3A_192 = arith.constant 0 : i32
    %dma_wait3A_193 = tpu.memref_slice %arg5[%dma_wait3A_191, %dma_wait3A_192] : memref<1000000x64xf32, #tpu.memory_space<hbm>> -> memref<1000000x64xf32, #tpu.memory_space<hbm>>
    tpu.wait_indirect_dma semaphore(%arg19 : memref<!tpu.dma_semaphore, #tpu.memory_space<semaphore_mem>>) src(%dma_wait3A_193 : memref<1000000x64xf32, #tpu.memory_space<hbm>>) dst(%dma_wait3A_188 : memref<128x64xf32, #tpu.memory_space<vmem>>)
    %dma_wait3A_194 = arith.constant 384 : i32
    %dma_wait3A_195 = arith.constant 0 : i32
    %dma_wait3A_196 = tpu.memref_slice %arg12[%dma_wait3A_194, %dma_wait3A_195] : memref<512x64xf32, #tpu.memory_space<vmem>> -> memref<128x64xf32, #tpu.memory_space<vmem>>
    %dma_wait3A_197 = arith.constant 384 : i32
    %dma_wait3A_198 = tpu.memref_slice %arg9[%dma_wait3A_197] : memref<512xi32, #tpu.memory_space<vmem>> -> memref<128xi32, #tpu.memory_space<vmem>>
    %dma_wait3A_199 = arith.constant 0 : i32
    %dma_wait3A_200 = arith.constant 0 : i32
    %dma_wait3A_201 = tpu.memref_slice %arg6[%dma_wait3A_199, %dma_wait3A_200] : memref<1000x64xf32, #tpu.memory_space<hbm>> -> memref<1000x64xf32, #tpu.memory_space<hbm>>
    tpu.wait_indirect_dma semaphore(%arg19 : memref<!tpu.dma_semaphore, #tpu.memory_space<semaphore_mem>>) src(%dma_wait3A_201 : memref<1000x64xf32, #tpu.memory_space<hbm>>) dst(%dma_wait3A_196 : memref<128x64xf32, #tpu.memory_space<vmem>>)
    %dma_wait3A_202 = arith.constant 384 : i32
    %dma_wait3A_203 = arith.constant 0 : i32
    %dma_wait3A_204 = tpu.memref_slice %arg13[%dma_wait3A_202, %dma_wait3A_203] : memref<512x64xf32, #tpu.memory_space<vmem>> -> memref<128x64xf32, #tpu.memory_space<vmem>>
    %dma_wait3A_205 = arith.constant 384 : i32
    %dma_wait3A_206 = tpu.memref_slice %arg10[%dma_wait3A_205] : memref<512xi32, #tpu.memory_space<vmem>> -> memref<128xi32, #tpu.memory_space<vmem>>
    %dma_wait3A_207 = arith.constant 0 : i32
    %dma_wait3A_208 = arith.constant 0 : i32
    %dma_wait3A_209 = tpu.memref_slice %arg5[%dma_wait3A_207, %dma_wait3A_208] : memref<1000000x64xf32, #tpu.memory_space<hbm>> -> memref<1000000x64xf32, #tpu.memory_space<hbm>>
    tpu.wait_indirect_dma semaphore(%arg19 : memref<!tpu.dma_semaphore, #tpu.memory_space<semaphore_mem>>) src(%dma_wait3A_209 : memref<1000000x64xf32, #tpu.memory_space<hbm>>) dst(%dma_wait3A_204 : memref<128x64xf32, #tpu.memory_space<vmem>>)
    %scan3A_210 = arith.constant 0 : i32
    %scan3A_211 = arith.constant 0 : i32
    %scan3A_212 = arith.constant 8 : i32
    %scan3A_213 = arith.addi %scan3A_211, %scan3A_212 : i32
    %scan3A_214 = arith.constant 1 : i32
    scf.for %scan3A_216 = %scan3A_211 to %scan3A_213 step %scan3A_214  : i32 {
      %mul3A_217 = arith.constant 16 : i32
      %mul3A_218 = arith.muli %scan3A_216, %mul3A_217 : i32
      %add3A_219 = arith.constant 384 : i32
      %add3A_220 = arith.addi %add3A_219, %mul3A_218 : i32
      %add3A_221 = arith.constant 0 : i32
      %add3A_222 = arith.addi %add3A_220, %add3A_221 : i32
      %get3A = arith.index_cast %add3A_222 : i32 to index
      %get3A_223 = arith.constant 0 : index
      %get3A_224 = tpu.vector_load %arg11[%get3A, %get3A_223] {strides = array<i32>} : memref<512x64xf32, #tpu.memory_space<vmem>>, vector<16xf32>,
      %get3A_225 = arith.index_cast %add3A_222 : i32 to index
      %get3A_226 = arith.constant 32 : index
      %get3A_227 = tpu.vector_load %arg11[%get3A_225, %get3A_226] {strides = array<i32>} : memref<512x64xf32, #tpu.memory_space<vmem>>, vector<16xf32>,
      %get3A_228 = arith.index_cast %add3A_222 : i32 to index
      %get3A_229 = arith.constant 0 : index
      %get3A_230 = tpu.vector_load %arg12[%get3A_228, %get3A_229] {strides = array<i32>} : memref<512x64xf32, #tpu.memory_space<vmem>>, vector<16xf32>,
      %get3A_231 = arith.index_cast %add3A_222 : i32 to index
      %get3A_232 = arith.constant 32 : index
      %get3A_233 = tpu.vector_load %arg12[%get3A_231, %get3A_232] {strides = array<i32>} : memref<512x64xf32, #tpu.memory_space<vmem>>, vector<16xf32>,
      %get3A_234 = arith.index_cast %add3A_222 : i32 to index
      %get3A_235 = arith.constant 0 : index
      %get3A_236 = tpu.vector_load %arg13[%get3A_234, %get3A_235] {strides = array<i32>} : memref<512x64xf32, #tpu.memory_space<vmem>>, vector<16xf32>,
      %get3A_237 = arith.index_cast %add3A_222 : i32 to index
      %get3A_238 = arith.constant 32 : index
      %get3A_239 = tpu.vector_load %arg13[%get3A_237, %get3A_238] {strides = array<i32>} : memref<512x64xf32, #tpu.memory_space<vmem>>, vector<16xf32>,
      %mul3A_240 = arith.mulf %get3A_224, %get3A_236 : vector<16xf32>
      %mul3A_241 = arith.mulf %get3A_227, %get3A_239 : vector<16xf32>
      %add3A_242 = arith.addf %mul3A_240, %mul3A_241 : vector<16xf32>
      %mul3A_243 = arith.mulf %get3A_230, %add3A_242 : vector<16xf32>
      %mul3A_244 = arith.mulf %get3A_224, %get3A_239 : vector<16xf32>
      %mul3A_245 = arith.mulf %get3A_227, %get3A_236 : vector<16xf32>
      %sub3A = arith.subf %mul3A_244, %mul3A_245 : vector<16xf32>
      %mul3A_246 = arith.mulf %get3A_233, %sub3A : vector<16xf32>
      %add3A_247 = arith.addf %mul3A_243, %mul3A_246 : vector<16xf32>
      %get3A_248 = arith.index_cast %add3A_222 : i32 to index
      %get3A_249 = arith.constant 16 : index
      %get3A_250 = tpu.vector_load %arg11[%get3A_248, %get3A_249] {strides = array<i32>} : memref<512x64xf32, #tpu.memory_space<vmem>>, vector<16xf32>,
      %get3A_251 = arith.index_cast %add3A_222 : i32 to index
      %get3A_252 = arith.constant 48 : index
      %get3A_253 = tpu.vector_load %arg11[%get3A_251, %get3A_252] {strides = array<i32>} : memref<512x64xf32, #tpu.memory_space<vmem>>, vector<16xf32>,
      %get3A_254 = arith.index_cast %add3A_222 : i32 to index
      %get3A_255 = arith.constant 16 : index
      %get3A_256 = tpu.vector_load %arg12[%get3A_254, %get3A_255] {strides = array<i32>} : memref<512x64xf32, #tpu.memory_space<vmem>>, vector<16xf32>,
      %get3A_257 = arith.index_cast %add3A_222 : i32 to index
      %get3A_258 = arith.constant 48 : index
      %get3A_259 = tpu.vector_load %arg12[%get3A_257, %get3A_258] {strides = array<i32>} : memref<512x64xf32, #tpu.memory_space<vmem>>, vector<16xf32>,
      %get3A_260 = arith.index_cast %add3A_222 : i32 to index
      %get3A_261 = arith.constant 16 : index
      %get3A_262 = tpu.vector_load %arg13[%get3A_260, %get3A_261] {strides = array<i32>} : memref<512x64xf32, #tpu.memory_space<vmem>>, vector<16xf32>,
      %get3A_263 = arith.index_cast %add3A_222 : i32 to index
      %get3A_264 = arith.constant 48 : index
      %get3A_265 = tpu.vector_load %arg13[%get3A_263, %get3A_264] {strides = array<i32>} : memref<512x64xf32, #tpu.memory_space<vmem>>, vector<16xf32>,
      %mul3A_266 = arith.mulf %get3A_250, %get3A_262 : vector<16xf32>
      %mul3A_267 = arith.mulf %get3A_253, %get3A_265 : vector<16xf32>
      %add3A_268 = arith.addf %mul3A_266, %mul3A_267 : vector<16xf32>
      %mul3A_269 = arith.mulf %get3A_256, %add3A_268 : vector<16xf32>
      %mul3A_270 = arith.mulf %get3A_250, %get3A_265 : vector<16xf32>
      %mul3A_271 = arith.mulf %get3A_253, %get3A_262 : vector<16xf32>
      %sub3A_272 = arith.subf %mul3A_270, %mul3A_271 : vector<16xf32>
      %mul3A_273 = arith.mulf %get3A_259, %sub3A_272 : vector<16xf32>
      %add3A_274 = arith.addf %mul3A_269, %mul3A_273 : vector<16xf32>
      %add3A_275 = arith.addf %add3A_247, %add3A_274 : vector<16xf32>
      %swap3A = arith.constant 0 : i32
      %swap3A_276 = arith.index_cast %swap3A : i32 to index
      %swap3A_277 = arith.constant 0 : index
      %swap3A_278 = tpu.vector_load %arg15[%swap3A_276, %swap3A_277] {strides = array<i32>} : memref<16x16xf32, #tpu.memory_space<vmem>>, vector<16xf32>,
      tpu.vector_store %arg15[%swap3A_276, %swap3A_277], %add3A_275 {strides = array<i32>} : memref<16x16xf32, #tpu.memory_space<vmem>>, vector<16xf32>,
      %add3A_279 = arith.constant 1 : i32
      %add3A_280 = arith.addi %add3A_220, %add3A_279 : i32
      %get3A_281 = arith.index_cast %add3A_280 : i32 to index
      %get3A_282 = arith.constant 0 : index
      %get3A_283 = tpu.vector_load %arg11[%get3A_281, %get3A_282] {strides = array<i32>} : memref<512x64xf32, #tpu.memory_space<vmem>>, vector<16xf32>,
      %get3A_284 = arith.index_cast %add3A_280 : i32 to index
      %get3A_285 = arith.constant 32 : index
      %get3A_286 = tpu.vector_load %arg11[%get3A_284, %get3A_285] {strides = array<i32>} : memref<512x64xf32, #tpu.memory_space<vmem>>, vector<16xf32>,
      %get3A_287 = arith.index_cast %add3A_280 : i32 to index
      %get3A_288 = arith.constant 0 : index
      %get3A_289 = tpu.vector_load %arg12[%get3A_287, %get3A_288] {strides = array<i32>} : memref<512x64xf32, #tpu.memory_space<vmem>>, vector<16xf32>,
      %get3A_290 = arith.index_cast %add3A_280 : i32 to index
      %get3A_291 = arith.constant 32 : index
      %get3A_292 = tpu.vector_load %arg12[%get3A_290, %get3A_291] {strides = array<i32>} : memref<512x64xf32, #tpu.memory_space<vmem>>, vector<16xf32>,
      %get3A_293 = arith.index_cast %add3A_280 : i32 to index
      %get3A_294 = arith.constant 0 : index
      %get3A_295 = tpu.vector_load %arg13[%get3A_293, %get3A_294] {strides = array<i32>} : memref<512x64xf32, #tpu.memory_space<vmem>>, vector<16xf32>,
      %get3A_296 = arith.index_cast %add3A_280 : i32 to index
      %get3A_297 = arith.constant 32 : index
      %get3A_298 = tpu.vector_load %arg13[%get3A_296, %get3A_297] {strides = array<i32>} : memref<512x64xf32, #tpu.memory_space<vmem>>, vector<16xf32>,
      %mul3A_299 = arith.mulf %get3A_283, %get3A_295 : vector<16xf32>
      %mul3A_300 = arith.mulf %get3A_286, %get3A_298 : vector<16xf32>
      %add3A_301 = arith.addf %mul3A_299, %mul3A_300 : vector<16xf32>
      %mul3A_302 = arith.mulf %get3A_289, %add3A_301 : vector<16xf32>
      %mul3A_303 = arith.mulf %get3A_283, %get3A_298 : vector<16xf32>
      %mul3A_304 = arith.mulf %get3A_286, %get3A_295 : vector<16xf32>
      %sub3A_305 = arith.subf %mul3A_303, %mul3A_304 : vector<16xf32>
      %mul3A_306 = arith.mulf %get3A_292, %sub3A_305 : vector<16xf32>
      %add3A_307 = arith.addf %mul3A_302, %mul3A_306 : vector<16xf32>
      %get3A_308 = arith.index_cast %add3A_280 : i32 to index
      %get3A_309 = arith.constant 16 : index
      %get3A_310 = tpu.vector_load %arg11[%get3A_308, %get3A_309] {strides = array<i32>} : memref<512x64xf32, #tpu.memory_space<vmem>>, vector<16xf32>,
      %get3A_311 = arith.index_cast %add3A_280 : i32 to index
      %get3A_312 = arith.constant 48 : index
      %get3A_313 = tpu.vector_load %arg11[%get3A_311, %get3A_312] {strides = array<i32>} : memref<512x64xf32, #tpu.memory_space<vmem>>, vector<16xf32>,
      %get3A_314 = arith.index_cast %add3A_280 : i32 to index
      %get3A_315 = arith.constant 16 : index
      %get3A_316 = tpu.vector_load %arg12[%get3A_314, %get3A_315] {strides = array<i32>} : memref<512x64xf32, #tpu.memory_space<vmem>>, vector<16xf32>,
      %get3A_317 = arith.index_cast %add3A_280 : i32 to index
      %get3A_318 = arith.constant 48 : index
      %get3A_319 = tpu.vector_load %arg12[%get3A_317, %get3A_318] {strides = array<i32>} : memref<512x64xf32, #tpu.memory_space<vmem>>, vector<16xf32>,
      %get3A_320 = arith.index_cast %add3A_280 : i32 to index
      %get3A_321 = arith.constant 16 : index
      %get3A_322 = tpu.vector_load %arg13[%get3A_320, %get3A_321] {strides = array<i32>} : memref<512x64xf32, #tpu.memory_space<vmem>>, vector<16xf32>,
      %get3A_323 = arith.index_cast %add3A_280 : i32 to index
      %get3A_324 = arith.constant 48 : index
      %get3A_325 = tpu.vector_load %arg13[%get3A_323, %get3A_324] {strides = array<i32>} : memref<512x64xf32, #tpu.memory_space<vmem>>, vector<16xf32>,
      %mul3A_326 = arith.mulf %get3A_310, %get3A_322 : vector<16xf32>
      %mul3A_327 = arith.mulf %get3A_313, %get3A_325 : vector<16xf32>
      %add3A_328 = arith.addf %mul3A_326, %mul3A_327 : vector<16xf32>
      %mul3A_329 = arith.mulf %get3A_316, %add3A_328 : vector<16xf32>
      %mul3A_330 = arith.mulf %get3A_310, %get3A_325 : vector<16xf32>
      %mul3A_331 = arith.mulf %get3A_313, %get3A_322 : vector<16xf32>
      %sub3A_332 = arith.subf %mul3A_330, %mul3A_331 : vector<16xf32>
      %mul3A_333 = arith.mulf %get3A_319, %sub3A_332 : vector<16xf32>
      %add3A_334 = arith.addf %mul3A_329, %mul3A_333 : vector<16xf32>
      %add3A_335 = arith.addf %add3A_307, %add3A_334 : vector<16xf32>
      %swap3A_336 = arith.constant 1 : i32
      %swap3A_337 = arith.index_cast %swap3A_336 : i32 to index
      %swap3A_338 = arith.constant 0 : index
      %swap3A_339 = tpu.vector_load %arg15[%swap3A_337, %swap3A_338] {strides = array<i32>} : memref<16x16xf32, #tpu.memory_space<vmem>>, vector<16xf32>,
      tpu.vector_store %arg15[%swap3A_337, %swap3A_338], %add3A_335 {strides = array<i32>} : memref<16x16xf32, #tpu.memory_space<vmem>>, vector<16xf32>,
      %add3A_340 = arith.constant 2 : i32
      %add3A_341 = arith.addi %add3A_220, %add3A_340 : i32
      %get3A_342 = arith.index_cast %add3A_341 : i32 to index
      %get3A_343 = arith.constant 0 : index
      %get3A_344 = tpu.vector_load %arg11[%get3A_342, %get3A_343] {strides = array<i32>} : memref<512x64xf32, #tpu.memory_space<vmem>>, vector<16xf32>,
      %get3A_345 = arith.index_cast %add3A_341 : i32 to index
      %get3A_346 = arith.constant 32 : index
      %get3A_347 = tpu.vector_load %arg11[%get3A_345, %get3A_346] {strides = array<i32>} : memref<512x64xf32, #tpu.memory_space<vmem>>, vector<16xf32>,
      %get3A_348 = arith.index_cast %add3A_341 : i32 to index
      %get3A_349 = arith.constant 0 : index
      %get3A_350 = tpu.vector_load %arg12[%get3A_348, %get3A_349] {strides = array<i32>} : memref<512x64xf32, #tpu.memory_space<vmem>>, vector<16xf32>,
      %get3A_351 = arith.index_cast %add3A_341 : i32 to index
      %get3A_352 = arith.constant 32 : index
      %get3A_353 = tpu.vector_load %arg12[%get3A_351, %get3A_352] {strides = array<i32>} : memref<512x64xf32, #tpu.memory_space<vmem>>, vector<16xf32>,
      %get3A_354 = arith.index_cast %add3A_341 : i32 to index
      %get3A_355 = arith.constant 0 : index
      %get3A_356 = tpu.vector_load %arg13[%get3A_354, %get3A_355] {strides = array<i32>} : memref<512x64xf32, #tpu.memory_space<vmem>>, vector<16xf32>,
      %get3A_357 = arith.index_cast %add3A_341 : i32 to index
      %get3A_358 = arith.constant 32 : index
      %get3A_359 = tpu.vector_load %arg13[%get3A_357, %get3A_358] {strides = array<i32>} : memref<512x64xf32, #tpu.memory_space<vmem>>, vector<16xf32>,
      %mul3A_360 = arith.mulf %get3A_344, %get3A_356 : vector<16xf32>
      %mul3A_361 = arith.mulf %get3A_347, %get3A_359 : vector<16xf32>
      %add3A_362 = arith.addf %mul3A_360, %mul3A_361 : vector<16xf32>
      %mul3A_363 = arith.mulf %get3A_350, %add3A_362 : vector<16xf32>
      %mul3A_364 = arith.mulf %get3A_344, %get3A_359 : vector<16xf32>
      %mul3A_365 = arith.mulf %get3A_347, %get3A_356 : vector<16xf32>
      %sub3A_366 = arith.subf %mul3A_364, %mul3A_365 : vector<16xf32>
      %mul3A_367 = arith.mulf %get3A_353, %sub3A_366 : vector<16xf32>
      %add3A_368 = arith.addf %mul3A_363, %mul3A_367 : vector<16xf32>
      %get3A_369 = arith.index_cast %add3A_341 : i32 to index
      %get3A_370 = arith.constant 16 : index
      %get3A_371 = tpu.vector_load %arg11[%get3A_369, %get3A_370] {strides = array<i32>} : memref<512x64xf32, #tpu.memory_space<vmem>>, vector<16xf32>,
      %get3A_372 = arith.index_cast %add3A_341 : i32 to index
      %get3A_373 = arith.constant 48 : index
      %get3A_374 = tpu.vector_load %arg11[%get3A_372, %get3A_373] {strides = array<i32>} : memref<512x64xf32, #tpu.memory_space<vmem>>, vector<16xf32>,
      %get3A_375 = arith.index_cast %add3A_341 : i32 to index
      %get3A_376 = arith.constant 16 : index
      %get3A_377 = tpu.vector_load %arg12[%get3A_375, %get3A_376] {strides = array<i32>} : memref<512x64xf32, #tpu.memory_space<vmem>>, vector<16xf32>,
      %get3A_378 = arith.index_cast %add3A_341 : i32 to index
      %get3A_379 = arith.constant 48 : index
      %get3A_380 = tpu.vector_load %arg12[%get3A_378, %get3A_379] {strides = array<i32>} : memref<512x64xf32, #tpu.memory_space<vmem>>, vector<16xf32>,
      %get3A_381 = arith.index_cast %add3A_341 : i32 to index
      %get3A_382 = arith.constant 16 : index
      %get3A_383 = tpu.vector_load %arg13[%get3A_381, %get3A_382] {strides = array<i32>} : memref<512x64xf32, #tpu.memory_space<vmem>>, vector<16xf32>,
      %get3A_384 = arith.index_cast %add3A_341 : i32 to index
      %get3A_385 = arith.constant 48 : index
      %get3A_386 = tpu.vector_load %arg13[%get3A_384, %get3A_385] {strides = array<i32>} : memref<512x64xf32, #tpu.memory_space<vmem>>, vector<16xf32>,
      %mul3A_387 = arith.mulf %get3A_371, %get3A_383 : vector<16xf32>
      %mul3A_388 = arith.mulf %get3A_374, %get3A_386 : vector<16xf32>
      %add3A_389 = arith.addf %mul3A_387, %mul3A_388 : vector<16xf32>
      %mul3A_390 = arith.mulf %get3A_377, %add3A_389 : vector<16xf32>
      %mul3A_391 = arith.mulf %get3A_371, %get3A_386 : vector<16xf32>
      %mul3A_392 = arith.mulf %get3A_374, %get3A_383 : vector<16xf32>
      %sub3A_393 = arith.subf %mul3A_391, %mul3A_392 : vector<16xf32>
      %mul3A_394 = arith.mulf %get3A_380, %sub3A_393 : vector<16xf32>
      %add3A_395 = arith.addf %mul3A_390, %mul3A_394 : vector<16xf32>
      %add3A_396 = arith.addf %add3A_368, %add3A_395 : vector<16xf32>
      %swap3A_397 = arith.constant 2 : i32
      %swap3A_398 = arith.index_cast %swap3A_397 : i32 to index
      %swap3A_399 = arith.constant 0 : index
      %swap3A_400 = tpu.vector_load %arg15[%swap3A_398, %swap3A_399] {strides = array<i32>} : memref<16x16xf32, #tpu.memory_space<vmem>>, vector<16xf32>,
      tpu.vector_store %arg15[%swap3A_398, %swap3A_399], %add3A_396 {strides = array<i32>} : memref<16x16xf32, #tpu.memory_space<vmem>>, vector<16xf32>,
      %add3A_401 = arith.constant 3 : i32
      %add3A_402 = arith.addi %add3A_220, %add3A_401 : i32
      %get3A_403 = arith.index_cast %add3A_402 : i32 to index
      %get3A_404 = arith.constant 0 : index
      %get3A_405 = tpu.vector_load %arg11[%get3A_403, %get3A_404] {strides = array<i32>} : memref<512x64xf32, #tpu.memory_space<vmem>>, vector<16xf32>,
      %get3A_406 = arith.index_cast %add3A_402 : i32 to index
      %get3A_407 = arith.constant 32 : index
      %get3A_408 = tpu.vector_load %arg11[%get3A_406, %get3A_407] {strides = array<i32>} : memref<512x64xf32, #tpu.memory_space<vmem>>, vector<16xf32>,
      %get3A_409 = arith.index_cast %add3A_402 : i32 to index
      %get3A_410 = arith.constant 0 : index
      %get3A_411 = tpu.vector_load %arg12[%get3A_409, %get3A_410] {strides = array<i32>} : memref<512x64xf32, #tpu.memory_space<vmem>>, vector<16xf32>,
      %get3A_412 = arith.index_cast %add3A_402 : i32 to index
      %get3A_413 = arith.constant 32 : index
      %get3A_414 = tpu.vector_load %arg12[%get3A_412, %get3A_413] {strides = array<i32>} : memref<512x64xf32, #tpu.memory_space<vmem>>, vector<16xf32>,
      %get3A_415 = arith.index_cast %add3A_402 : i32 to index
      %get3A_416 = arith.constant 0 : index
      %get3A_417 = tpu.vector_load %arg13[%get3A_415, %get3A_416] {strides = array<i32>} : memref<512x64xf32, #tpu.memory_space<vmem>>, vector<16xf32>,
      %get3A_418 = arith.index_cast %add3A_402 : i32 to index
      %get3A_419 = arith.constant 32 : index
      %get3A_420 = tpu.vector_load %arg13[%get3A_418, %get3A_419] {strides = array<i32>} : memref<512x64xf32, #tpu.memory_space<vmem>>, vector<16xf32>,
      %mul3A_421 = arith.mulf %get3A_405, %get3A_417 : vector<16xf32>
      %mul3A_422 = arith.mulf %get3A_408, %get3A_420 : vector<16xf32>
      %add3A_423 = arith.addf %mul3A_421, %mul3A_422 : vector<16xf32>
      %mul3A_424 = arith.mulf %get3A_411, %add3A_423 : vector<16xf32>
      %mul3A_425 = arith.mulf %get3A_405, %get3A_420 : vector<16xf32>
      %mul3A_426 = arith.mulf %get3A_408, %get3A_417 : vector<16xf32>
      %sub3A_427 = arith.subf %mul3A_425, %mul3A_426 : vector<16xf32>
      %mul3A_428 = arith.mulf %get3A_414, %sub3A_427 : vector<16xf32>
      %add3A_429 = arith.addf %mul3A_424, %mul3A_428 : vector<16xf32>
      %get3A_430 = arith.index_cast %add3A_402 : i32 to index
      %get3A_431 = arith.constant 16 : index
      %get3A_432 = tpu.vector_load %arg11[%get3A_430, %get3A_431] {strides = array<i32>} : memref<512x64xf32, #tpu.memory_space<vmem>>, vector<16xf32>,
      %get3A_433 = arith.index_cast %add3A_402 : i32 to index
      %get3A_434 = arith.constant 48 : index
      %get3A_435 = tpu.vector_load %arg11[%get3A_433, %get3A_434] {strides = array<i32>} : memref<512x64xf32, #tpu.memory_space<vmem>>, vector<16xf32>,
      %get3A_436 = arith.index_cast %add3A_402 : i32 to index
      %get3A_437 = arith.constant 16 : index
      %get3A_438 = tpu.vector_load %arg12[%get3A_436, %get3A_437] {strides = array<i32>} : memref<512x64xf32, #tpu.memory_space<vmem>>, vector<16xf32>,
      %get3A_439 = arith.index_cast %add3A_402 : i32 to index
      %get3A_440 = arith.constant 48 : index
      %get3A_441 = tpu.vector_load %arg12[%get3A_439, %get3A_440] {strides = array<i32>} : memref<512x64xf32, #tpu.memory_space<vmem>>, vector<16xf32>,
      %get3A_442 = arith.index_cast %add3A_402 : i32 to index
      %get3A_443 = arith.constant 16 : index
      %get3A_444 = tpu.vector_load %arg13[%get3A_442, %get3A_443] {strides = array<i32>} : memref<512x64xf32, #tpu.memory_space<vmem>>, vector<16xf32>,
      %get3A_445 = arith.index_cast %add3A_402 : i32 to index
      %get3A_446 = arith.constant 48 : index
      %get3A_447 = tpu.vector_load %arg13[%get3A_445, %get3A_446] {strides = array<i32>} : memref<512x64xf32, #tpu.memory_space<vmem>>, vector<16xf32>,
      %mul3A_448 = arith.mulf %get3A_432, %get3A_444 : vector<16xf32>
      %mul3A_449 = arith.mulf %get3A_435, %get3A_447 : vector<16xf32>
      %add3A_450 = arith.addf %mul3A_448, %mul3A_449 : vector<16xf32>
      %mul3A_451 = arith.mulf %get3A_438, %add3A_450 : vector<16xf32>
      %mul3A_452 = arith.mulf %get3A_432, %get3A_447 : vector<16xf32>
      %mul3A_453 = arith.mulf %get3A_435, %get3A_444 : vector<16xf32>
      %sub3A_454 = arith.subf %mul3A_452, %mul3A_453 : vector<16xf32>
      %mul3A_455 = arith.mulf %get3A_441, %sub3A_454 : vector<16xf32>
      %add3A_456 = arith.addf %mul3A_451, %mul3A_455 : vector<16xf32>
      %add3A_457 = arith.addf %add3A_429, %add3A_456 : vector<16xf32>
      %swap3A_458 = arith.constant 3 : i32
      %swap3A_459 = arith.index_cast %swap3A_458 : i32 to index
      %swap3A_460 = arith.constant 0 : index
      %swap3A_461 = tpu.vector_load %arg15[%swap3A_459, %swap3A_460] {strides = array<i32>} : memref<16x16xf32, #tpu.memory_space<vmem>>, vector<16xf32>,
      tpu.vector_store %arg15[%swap3A_459, %swap3A_460], %add3A_457 {strides = array<i32>} : memref<16x16xf32, #tpu.memory_space<vmem>>, vector<16xf32>,
      %add3A_462 = arith.constant 4 : i32
      %add3A_463 = arith.addi %add3A_220, %add3A_462 : i32
      %get3A_464 = arith.index_cast %add3A_463 : i32 to index
      %get3A_465 = arith.constant 0 : index
      %get3A_466 = tpu.vector_load %arg11[%get3A_464, %get3A_465] {strides = array<i32>} : memref<512x64xf32, #tpu.memory_space<vmem>>, vector<16xf32>,
      %get3A_467 = arith.index_cast %add3A_463 : i32 to index
      %get3A_468 = arith.constant 32 : index
      %get3A_469 = tpu.vector_load %arg11[%get3A_467, %get3A_468] {strides = array<i32>} : memref<512x64xf32, #tpu.memory_space<vmem>>, vector<16xf32>,
      %get3A_470 = arith.index_cast %add3A_463 : i32 to index
      %get3A_471 = arith.constant 0 : index
      %get3A_472 = tpu.vector_load %arg12[%get3A_470, %get3A_471] {strides = array<i32>} : memref<512x64xf32, #tpu.memory_space<vmem>>, vector<16xf32>,
      %get3A_473 = arith.index_cast %add3A_463 : i32 to index
      %get3A_474 = arith.constant 32 : index
      %get3A_475 = tpu.vector_load %arg12[%get3A_473, %get3A_474] {strides = array<i32>} : memref<512x64xf32, #tpu.memory_space<vmem>>, vector<16xf32>,
      %get3A_476 = arith.index_cast %add3A_463 : i32 to index
      %get3A_477 = arith.constant 0 : index
      %get3A_478 = tpu.vector_load %arg13[%get3A_476, %get3A_477] {strides = array<i32>} : memref<512x64xf32, #tpu.memory_space<vmem>>, vector<16xf32>,
      %get3A_479 = arith.index_cast %add3A_463 : i32 to index
      %get3A_480 = arith.constant 32 : index
      %get3A_481 = tpu.vector_load %arg13[%get3A_479, %get3A_480] {strides = array<i32>} : memref<512x64xf32, #tpu.memory_space<vmem>>, vector<16xf32>,
      %mul3A_482 = arith.mulf %get3A_466, %get3A_478 : vector<16xf32>
      %mul3A_483 = arith.mulf %get3A_469, %get3A_481 : vector<16xf32>
      %add3A_484 = arith.addf %mul3A_482, %mul3A_483 : vector<16xf32>
      %mul3A_485 = arith.mulf %get3A_472, %add3A_484 : vector<16xf32>
      %mul3A_486 = arith.mulf %get3A_466, %get3A_481 : vector<16xf32>
      %mul3A_487 = arith.mulf %get3A_469, %get3A_478 : vector<16xf32>
      %sub3A_488 = arith.subf %mul3A_486, %mul3A_487 : vector<16xf32>
      %mul3A_489 = arith.mulf %get3A_475, %sub3A_488 : vector<16xf32>
      %add3A_490 = arith.addf %mul3A_485, %mul3A_489 : vector<16xf32>
      %get3A_491 = arith.index_cast %add3A_463 : i32 to index
      %get3A_492 = arith.constant 16 : index
      %get3A_493 = tpu.vector_load %arg11[%get3A_491, %get3A_492] {strides = array<i32>} : memref<512x64xf32, #tpu.memory_space<vmem>>, vector<16xf32>,
      %get3A_494 = arith.index_cast %add3A_463 : i32 to index
      %get3A_495 = arith.constant 48 : index
      %get3A_496 = tpu.vector_load %arg11[%get3A_494, %get3A_495] {strides = array<i32>} : memref<512x64xf32, #tpu.memory_space<vmem>>, vector<16xf32>,
      %get3A_497 = arith.index_cast %add3A_463 : i32 to index
      %get3A_498 = arith.constant 16 : index
      %get3A_499 = tpu.vector_load %arg12[%get3A_497, %get3A_498] {strides = array<i32>} : memref<512x64xf32, #tpu.memory_space<vmem>>, vector<16xf32>,
      %get3A_500 = arith.index_cast %add3A_463 : i32 to index
      %get3A_501 = arith.constant 48 : index
      %get3A_502 = tpu.vector_load %arg12[%get3A_500, %get3A_501] {strides = array<i32>} : memref<512x64xf32, #tpu.memory_space<vmem>>, vector<16xf32>,
      %get3A_503 = arith.index_cast %add3A_463 : i32 to index
      %get3A_504 = arith.constant 16 : index
      %get3A_505 = tpu.vector_load %arg13[%get3A_503, %get3A_504] {strides = array<i32>} : memref<512x64xf32, #tpu.memory_space<vmem>>, vector<16xf32>,
      %get3A_506 = arith.index_cast %add3A_463 : i32 to index
      %get3A_507 = arith.constant 48 : index
      %get3A_508 = tpu.vector_load %arg13[%get3A_506, %get3A_507] {strides = array<i32>} : memref<512x64xf32, #tpu.memory_space<vmem>>, vector<16xf32>,
      %mul3A_509 = arith.mulf %get3A_493, %get3A_505 : vector<16xf32>
      %mul3A_510 = arith.mulf %get3A_496, %get3A_508 : vector<16xf32>
      %add3A_511 = arith.addf %mul3A_509, %mul3A_510 : vector<16xf32>
      %mul3A_512 = arith.mulf %get3A_499, %add3A_511 : vector<16xf32>
      %mul3A_513 = arith.mulf %get3A_493, %get3A_508 : vector<16xf32>
      %mul3A_514 = arith.mulf %get3A_496, %get3A_505 : vector<16xf32>
      %sub3A_515 = arith.subf %mul3A_513, %mul3A_514 : vector<16xf32>
      %mul3A_516 = arith.mulf %get3A_502, %sub3A_515 : vector<16xf32>
      %add3A_517 = arith.addf %mul3A_512, %mul3A_516 : vector<16xf32>
      %add3A_518 = arith.addf %add3A_490, %add3A_517 : vector<16xf32>
      %swap3A_519 = arith.constant 4 : i32
      %swap3A_520 = arith.index_cast %swap3A_519 : i32 to index
      %swap3A_521 = arith.constant 0 : index
      %swap3A_522 = tpu.vector_load %arg15[%swap3A_520, %swap3A_521] {strides = array<i32>} : memref<16x16xf32, #tpu.memory_space<vmem>>, vector<16xf32>,
      tpu.vector_store %arg15[%swap3A_520, %swap3A_521], %add3A_518 {strides = array<i32>} : memref<16x16xf32, #tpu.memory_space<vmem>>, vector<16xf32>,
      %add3A_523 = arith.constant 5 : i32
      %add3A_524 = arith.addi %add3A_220, %add3A_523 : i32
      %get3A_525 = arith.index_cast %add3A_524 : i32 to index
      %get3A_526 = arith.constant 0 : index
      %get3A_527 = tpu.vector_load %arg11[%get3A_525, %get3A_526] {strides = array<i32>} : memref<512x64xf32, #tpu.memory_space<vmem>>, vector<16xf32>,
      %get3A_528 = arith.index_cast %add3A_524 : i32 to index
      %get3A_529 = arith.constant 32 : index
      %get3A_530 = tpu.vector_load %arg11[%get3A_528, %get3A_529] {strides = array<i32>} : memref<512x64xf32, #tpu.memory_space<vmem>>, vector<16xf32>,
      %get3A_531 = arith.index_cast %add3A_524 : i32 to index
      %get3A_532 = arith.constant 0 : index
      %get3A_533 = tpu.vector_load %arg12[%get3A_531, %get3A_532] {strides = array<i32>} : memref<512x64xf32, #tpu.memory_space<vmem>>, vector<16xf32>,
      %get3A_534 = arith.index_cast %add3A_524 : i32 to index
      %get3A_535 = arith.constant 32 : index
      %get3A_536 = tpu.vector_load %arg12[%get3A_534, %get3A_535] {strides = array<i32>} : memref<512x64xf32, #tpu.memory_space<vmem>>, vector<16xf32>,
      %get3A_537 = arith.index_cast %add3A_524 : i32 to index
      %get3A_538 = arith.constant 0 : index
      %get3A_539 = tpu.vector_load %arg13[%get3A_537, %get3A_538] {strides = array<i32>} : memref<512x64xf32, #tpu.memory_space<vmem>>, vector<16xf32>,
      %get3A_540 = arith.index_cast %add3A_524 : i32 to index
      %get3A_541 = arith.constant 32 : index
      %get3A_542 = tpu.vector_load %arg13[%get3A_540, %get3A_541] {strides = array<i32>} : memref<512x64xf32, #tpu.memory_space<vmem>>, vector<16xf32>,
      %mul3A_543 = arith.mulf %get3A_527, %get3A_539 : vector<16xf32>
      %mul3A_544 = arith.mulf %get3A_530, %get3A_542 : vector<16xf32>
      %add3A_545 = arith.addf %mul3A_543, %mul3A_544 : vector<16xf32>
      %mul3A_546 = arith.mulf %get3A_533, %add3A_545 : vector<16xf32>
      %mul3A_547 = arith.mulf %get3A_527, %get3A_542 : vector<16xf32>
      %mul3A_548 = arith.mulf %get3A_530, %get3A_539 : vector<16xf32>
      %sub3A_549 = arith.subf %mul3A_547, %mul3A_548 : vector<16xf32>
      %mul3A_550 = arith.mulf %get3A_536, %sub3A_549 : vector<16xf32>
      %add3A_551 = arith.addf %mul3A_546, %mul3A_550 : vector<16xf32>
      %get3A_552 = arith.index_cast %add3A_524 : i32 to index
      %get3A_553 = arith.constant 16 : index
      %get3A_554 = tpu.vector_load %arg11[%get3A_552, %get3A_553] {strides = array<i32>} : memref<512x64xf32, #tpu.memory_space<vmem>>, vector<16xf32>,
      %get3A_555 = arith.index_cast %add3A_524 : i32 to index
      %get3A_556 = arith.constant 48 : index
      %get3A_557 = tpu.vector_load %arg11[%get3A_555, %get3A_556] {strides = array<i32>} : memref<512x64xf32, #tpu.memory_space<vmem>>, vector<16xf32>,
      %get3A_558 = arith.index_cast %add3A_524 : i32 to index
      %get3A_559 = arith.constant 16 : index
      %get3A_560 = tpu.vector_load %arg12[%get3A_558, %get3A_559] {strides = array<i32>} : memref<512x64xf32, #tpu.memory_space<vmem>>, vector<16xf32>,
      %get3A_561 = arith.index_cast %add3A_524 : i32 to index
      %get3A_562 = arith.constant 48 : index
      %get3A_563 = tpu.vector_load %arg12[%get3A_561, %get3A_562] {strides = array<i32>} : memref<512x64xf32, #tpu.memory_space<vmem>>, vector<16xf32>,
      %get3A_564 = arith.index_cast %add3A_524 : i32 to index
      %get3A_565 = arith.constant 16 : index
      %get3A_566 = tpu.vector_load %arg13[%get3A_564, %get3A_565] {strides = array<i32>} : memref<512x64xf32, #tpu.memory_space<vmem>>, vector<16xf32>,
      %get3A_567 = arith.index_cast %add3A_524 : i32 to index
      %get3A_568 = arith.constant 48 : index
      %get3A_569 = tpu.vector_load %arg13[%get3A_567, %get3A_568] {strides = array<i32>} : memref<512x64xf32, #tpu.memory_space<vmem>>, vector<16xf32>,
      %mul3A_570 = arith.mulf %get3A_554, %get3A_566 : vector<16xf32>
      %mul3A_571 = arith.mulf %get3A_557, %get3A_569 : vector<16xf32>
      %add3A_572 = arith.addf %mul3A_570, %mul3A_571 : vector<16xf32>
      %mul3A_573 = arith.mulf %get3A_560, %add3A_572 : vector<16xf32>
      %mul3A_574 = arith.mulf %get3A_554, %get3A_569 : vector<16xf32>
      %mul3A_575 = arith.mulf %get3A_557, %get3A_566 : vector<16xf32>
      %sub3A_576 = arith.subf %mul3A_574, %mul3A_575 : vector<16xf32>
      %mul3A_577 = arith.mulf %get3A_563, %sub3A_576 : vector<16xf32>
      %add3A_578 = arith.addf %mul3A_573, %mul3A_577 : vector<16xf32>
      %add3A_579 = arith.addf %add3A_551, %add3A_578 : vector<16xf32>
      %swap3A_580 = arith.constant 5 : i32
      %swap3A_581 = arith.index_cast %swap3A_580 : i32 to index
      %swap3A_582 = arith.constant 0 : index
      %swap3A_583 = tpu.vector_load %arg15[%swap3A_581, %swap3A_582] {strides = array<i32>} : memref<16x16xf32, #tpu.memory_space<vmem>>, vector<16xf32>,
      tpu.vector_store %arg15[%swap3A_581, %swap3A_582], %add3A_579 {strides = array<i32>} : memref<16x16xf32, #tpu.memory_space<vmem>>, vector<16xf32>,
      %add3A_584 = arith.constant 6 : i32
      %add3A_585 = arith.addi %add3A_220, %add3A_584 : i32
      %get3A_586 = arith.index_cast %add3A_585 : i32 to index
      %get3A_587 = arith.constant 0 : index
      %get3A_588 = tpu.vector_load %arg11[%get3A_586, %get3A_587] {strides = array<i32>} : memref<512x64xf32, #tpu.memory_space<vmem>>, vector<16xf32>,
      %get3A_589 = arith.index_cast %add3A_585 : i32 to index
      %get3A_590 = arith.constant 32 : index
      %get3A_591 = tpu.vector_load %arg11[%get3A_589, %get3A_590] {strides = array<i32>} : memref<512x64xf32, #tpu.memory_space<vmem>>, vector<16xf32>,
      %get3A_592 = arith.index_cast %add3A_585 : i32 to index
      %get3A_593 = arith.constant 0 : index
      %get3A_594 = tpu.vector_load %arg12[%get3A_592, %get3A_593] {strides = array<i32>} : memref<512x64xf32, #tpu.memory_space<vmem>>, vector<16xf32>,
      %get3A_595 = arith.index_cast %add3A_585 : i32 to index
      %get3A_596 = arith.constant 32 : index
      %get3A_597 = tpu.vector_load %arg12[%get3A_595, %get3A_596] {strides = array<i32>} : memref<512x64xf32, #tpu.memory_space<vmem>>, vector<16xf32>,
      %get3A_598 = arith.index_cast %add3A_585 : i32 to index
      %get3A_599 = arith.constant 0 : index
      %get3A_600 = tpu.vector_load %arg13[%get3A_598, %get3A_599] {strides = array<i32>} : memref<512x64xf32, #tpu.memory_space<vmem>>, vector<16xf32>,
      %get3A_601 = arith.index_cast %add3A_585 : i32 to index
      %get3A_602 = arith.constant 32 : index
      %get3A_603 = tpu.vector_load %arg13[%get3A_601, %get3A_602] {strides = array<i32>} : memref<512x64xf32, #tpu.memory_space<vmem>>, vector<16xf32>,
      %mul3A_604 = arith.mulf %get3A_588, %get3A_600 : vector<16xf32>
      %mul3A_605 = arith.mulf %get3A_591, %get3A_603 : vector<16xf32>
      %add3A_606 = arith.addf %mul3A_604, %mul3A_605 : vector<16xf32>
      %mul3A_607 = arith.mulf %get3A_594, %add3A_606 : vector<16xf32>
      %mul3A_608 = arith.mulf %get3A_588, %get3A_603 : vector<16xf32>
      %mul3A_609 = arith.mulf %get3A_591, %get3A_600 : vector<16xf32>
      %sub3A_610 = arith.subf %mul3A_608, %mul3A_609 : vector<16xf32>
      %mul3A_611 = arith.mulf %get3A_597, %sub3A_610 : vector<16xf32>
      %add3A_612 = arith.addf %mul3A_607, %mul3A_611 : vector<16xf32>
      %get3A_613 = arith.index_cast %add3A_585 : i32 to index
      %get3A_614 = arith.constant 16 : index
      %get3A_615 = tpu.vector_load %arg11[%get3A_613, %get3A_614] {strides = array<i32>} : memref<512x64xf32, #tpu.memory_space<vmem>>, vector<16xf32>,
      %get3A_616 = arith.index_cast %add3A_585 : i32 to index
      %get3A_617 = arith.constant 48 : index
      %get3A_618 = tpu.vector_load %arg11[%get3A_616, %get3A_617] {strides = array<i32>} : memref<512x64xf32, #tpu.memory_space<vmem>>, vector<16xf32>,
      %get3A_619 = arith.index_cast %add3A_585 : i32 to index
      %get3A_620 = arith.constant 16 : index
      %get3A_621 = tpu.vector_load %arg12[%get3A_619, %get3A_620] {strides = array<i32>} : memref<512x64xf32, #tpu.memory_space<vmem>>, vector<16xf32>,
      %get3A_622 = arith.index_cast %add3A_585 : i32 to index
      %get3A_623 = arith.constant 48 : index
      %get3A_624 = tpu.vector_load %arg12[%get3A_622, %get3A_623] {strides = array<i32>} : memref<512x64xf32, #tpu.memory_space<vmem>>, vector<16xf32>,
      %get3A_625 = arith.index_cast %add3A_585 : i32 to index
      %get3A_626 = arith.constant 16 : index
      %get3A_627 = tpu.vector_load %arg13[%get3A_625, %get3A_626] {strides = array<i32>} : memref<512x64xf32, #tpu.memory_space<vmem>>, vector<16xf32>,
      %get3A_628 = arith.index_cast %add3A_585 : i32 to index
      %get3A_629 = arith.constant 48 : index
      %get3A_630 = tpu.vector_load %arg13[%get3A_628, %get3A_629] {strides = array<i32>} : memref<512x64xf32, #tpu.memory_space<vmem>>, vector<16xf32>,
      %mul3A_631 = arith.mulf %get3A_615, %get3A_627 : vector<16xf32>
      %mul3A_632 = arith.mulf %get3A_618, %get3A_630 : vector<16xf32>
      %add3A_633 = arith.addf %mul3A_631, %mul3A_632 : vector<16xf32>
      %mul3A_634 = arith.mulf %get3A_621, %add3A_633 : vector<16xf32>
      %mul3A_635 = arith.mulf %get3A_615, %get3A_630 : vector<16xf32>
      %mul3A_636 = arith.mulf %get3A_618, %get3A_627 : vector<16xf32>
      %sub3A_637 = arith.subf %mul3A_635, %mul3A_636 : vector<16xf32>
      %mul3A_638 = arith.mulf %get3A_624, %sub3A_637 : vector<16xf32>
      %add3A_639 = arith.addf %mul3A_634, %mul3A_638 : vector<16xf32>
      %add3A_640 = arith.addf %add3A_612, %add3A_639 : vector<16xf32>
      %swap3A_641 = arith.constant 6 : i32
      %swap3A_642 = arith.index_cast %swap3A_641 : i32 to index
      %swap3A_643 = arith.constant 0 : index
      %swap3A_644 = tpu.vector_load %arg15[%swap3A_642, %swap3A_643] {strides = array<i32>} : memref<16x16xf32, #tpu.memory_space<vmem>>, vector<16xf32>,
      tpu.vector_store %arg15[%swap3A_642, %swap3A_643], %add3A_640 {strides = array<i32>} : memref<16x16xf32, #tpu.memory_space<vmem>>, vector<16xf32>,
      %add3A_645 = arith.constant 7 : i32
      %add3A_646 = arith.addi %add3A_220, %add3A_645 : i32
      %get3A_647 = arith.index_cast %add3A_646 : i32 to index
      %get3A_648 = arith.constant 0 : index
      %get3A_649 = tpu.vector_load %arg11[%get3A_647, %get3A_648] {strides = array<i32>} : memref<512x64xf32, #tpu.memory_space<vmem>>, vector<16xf32>,
      %get3A_650 = arith.index_cast %add3A_646 : i32 to index
      %get3A_651 = arith.constant 32 : index
      %get3A_652 = tpu.vector_load %arg11[%get3A_650, %get3A_651] {strides = array<i32>} : memref<512x64xf32, #tpu.memory_space<vmem>>, vector<16xf32>,
      %get3A_653 = arith.index_cast %add3A_646 : i32 to index
      %get3A_654 = arith.constant 0 : index
      %get3A_655 = tpu.vector_load %arg12[%get3A_653, %get3A_654] {strides = array<i32>} : memref<512x64xf32, #tpu.memory_space<vmem>>, vector<16xf32>,
      %get3A_656 = arith.index_cast %add3A_646 : i32 to index
      %get3A_657 = arith.constant 32 : index
      %get3A_658 = tpu.vector_load %arg12[%get3A_656, %get3A_657] {strides = array<i32>} : memref<512x64xf32, #tpu.memory_space<vmem>>, vector<16xf32>,
      %get3A_659 = arith.index_cast %add3A_646 : i32 to index
      %get3A_660 = arith.constant 0 : index
      %get3A_661 = tpu.vector_load %arg13[%get3A_659, %get3A_660] {strides = array<i32>} : memref<512x64xf32, #tpu.memory_space<vmem>>, vector<16xf32>,
      %get3A_662 = arith.index_cast %add3A_646 : i32 to index
      %get3A_663 = arith.constant 32 : index
      %get3A_664 = tpu.vector_load %arg13[%get3A_662, %get3A_663] {strides = array<i32>} : memref<512x64xf32, #tpu.memory_space<vmem>>, vector<16xf32>,
      %mul3A_665 = arith.mulf %get3A_649, %get3A_661 : vector<16xf32>
      %mul3A_666 = arith.mulf %get3A_652, %get3A_664 : vector<16xf32>
      %add3A_667 = arith.addf %mul3A_665, %mul3A_666 : vector<16xf32>
      %mul3A_668 = arith.mulf %get3A_655, %add3A_667 : vector<16xf32>
      %mul3A_669 = arith.mulf %get3A_649, %get3A_664 : vector<16xf32>
      %mul3A_670 = arith.mulf %get3A_652, %get3A_661 : vector<16xf32>
      %sub3A_671 = arith.subf %mul3A_669, %mul3A_670 : vector<16xf32>
      %mul3A_672 = arith.mulf %get3A_658, %sub3A_671 : vector<16xf32>
      %add3A_673 = arith.addf %mul3A_668, %mul3A_672 : vector<16xf32>
      %get3A_674 = arith.index_cast %add3A_646 : i32 to index
      %get3A_675 = arith.constant 16 : index
      %get3A_676 = tpu.vector_load %arg11[%get3A_674, %get3A_675] {strides = array<i32>} : memref<512x64xf32, #tpu.memory_space<vmem>>, vector<16xf32>,
      %get3A_677 = arith.index_cast %add3A_646 : i32 to index
      %get3A_678 = arith.constant 48 : index
      %get3A_679 = tpu.vector_load %arg11[%get3A_677, %get3A_678] {strides = array<i32>} : memref<512x64xf32, #tpu.memory_space<vmem>>, vector<16xf32>,
      %get3A_680 = arith.index_cast %add3A_646 : i32 to index
      %get3A_681 = arith.constant 16 : index
      %get3A_682 = tpu.vector_load %arg12[%get3A_680, %get3A_681] {strides = array<i32>} : memref<512x64xf32, #tpu.memory_space<vmem>>, vector<16xf32>,
      %get3A_683 = arith.index_cast %add3A_646 : i32 to index
      %get3A_684 = arith.constant 48 : index
      %get3A_685 = tpu.vector_load %arg12[%get3A_683, %get3A_684] {strides = array<i32>} : memref<512x64xf32, #tpu.memory_space<vmem>>, vector<16xf32>,
      %get3A_686 = arith.index_cast %add3A_646 : i32 to index
      %get3A_687 = arith.constant 16 : index
      %get3A_688 = tpu.vector_load %arg13[%get3A_686, %get3A_687] {strides = array<i32>} : memref<512x64xf32, #tpu.memory_space<vmem>>, vector<16xf32>,
      %get3A_689 = arith.index_cast %add3A_646 : i32 to index
      %get3A_690 = arith.constant 48 : index
      %get3A_691 = tpu.vector_load %arg13[%get3A_689, %get3A_690] {strides = array<i32>} : memref<512x64xf32, #tpu.memory_space<vmem>>, vector<16xf32>,
      %mul3A_692 = arith.mulf %get3A_676, %get3A_688 : vector<16xf32>
      %mul3A_693 = arith.mulf %get3A_679, %get3A_691 : vector<16xf32>
      %add3A_694 = arith.addf %mul3A_692, %mul3A_693 : vector<16xf32>
      %mul3A_695 = arith.mulf %get3A_682, %add3A_694 : vector<16xf32>
      %mul3A_696 = arith.mulf %get3A_676, %get3A_691 : vector<16xf32>
      %mul3A_697 = arith.mulf %get3A_679, %get3A_688 : vector<16xf32>
      %sub3A_698 = arith.subf %mul3A_696, %mul3A_697 : vector<16xf32>
      %mul3A_699 = arith.mulf %get3A_685, %sub3A_698 : vector<16xf32>
      %add3A_700 = arith.addf %mul3A_695, %mul3A_699 : vector<16xf32>
      %add3A_701 = arith.addf %add3A_673, %add3A_700 : vector<16xf32>
      %swap3A_702 = arith.constant 7 : i32
      %swap3A_703 = arith.index_cast %swap3A_702 : i32 to index
      %swap3A_704 = arith.constant 0 : index
      %swap3A_705 = tpu.vector_load %arg15[%swap3A_703, %swap3A_704] {strides = array<i32>} : memref<16x16xf32, #tpu.memory_space<vmem>>, vector<16xf32>,
      tpu.vector_store %arg15[%swap3A_703, %swap3A_704], %add3A_701 {strides = array<i32>} : memref<16x16xf32, #tpu.memory_space<vmem>>, vector<16xf32>,
      %add3A_706 = arith.constant 8 : i32
      %add3A_707 = arith.addi %add3A_220, %add3A_706 : i32
      %get3A_708 = arith.index_cast %add3A_707 : i32 to index
      %get3A_709 = arith.constant 0 : index
      %get3A_710 = tpu.vector_load %arg11[%get3A_708, %get3A_709] {strides = array<i32>} : memref<512x64xf32, #tpu.memory_space<vmem>>, vector<16xf32>,
      %get3A_711 = arith.index_cast %add3A_707 : i32 to index
      %get3A_712 = arith.constant 32 : index
      %get3A_713 = tpu.vector_load %arg11[%get3A_711, %get3A_712] {strides = array<i32>} : memref<512x64xf32, #tpu.memory_space<vmem>>, vector<16xf32>,
      %get3A_714 = arith.index_cast %add3A_707 : i32 to index
      %get3A_715 = arith.constant 0 : index
      %get3A_716 = tpu.vector_load %arg12[%get3A_714, %get3A_715] {strides = array<i32>} : memref<512x64xf32, #tpu.memory_space<vmem>>, vector<16xf32>,
      %get3A_717 = arith.index_cast %add3A_707 : i32 to index
      %get3A_718 = arith.constant 32 : index
      %get3A_719 = tpu.vector_load %arg12[%get3A_717, %get3A_718] {strides = array<i32>} : memref<512x64xf32, #tpu.memory_space<vmem>>, vector<16xf32>,
      %get3A_720 = arith.index_cast %add3A_707 : i32 to index
      %get3A_721 = arith.constant 0 : index
      %get3A_722 = tpu.vector_load %arg13[%get3A_720, %get3A_721] {strides = array<i32>} : memref<512x64xf32, #tpu.memory_space<vmem>>, vector<16xf32>,
      %get3A_723 = arith.index_cast %add3A_707 : i32 to index
      %get3A_724 = arith.constant 32 : index
      %get3A_725 = tpu.vector_load %arg13[%get3A_723, %get3A_724] {strides = array<i32>} : memref<512x64xf32, #tpu.memory_space<vmem>>, vector<16xf32>,
      %mul3A_726 = arith.mulf %get3A_710, %get3A_722 : vector<16xf32>
      %mul3A_727 = arith.mulf %get3A_713, %get3A_725 : vector<16xf32>
      %add3A_728 = arith.addf %mul3A_726, %mul3A_727 : vector<16xf32>
      %mul3A_729 = arith.mulf %get3A_716, %add3A_728 : vector<16xf32>
      %mul3A_730 = arith.mulf %get3A_710, %get3A_725 : vector<16xf32>
      %mul3A_731 = arith.mulf %get3A_713, %get3A_722 : vector<16xf32>
      %sub3A_732 = arith.subf %mul3A_730, %mul3A_731 : vector<16xf32>
      %mul3A_733 = arith.mulf %get3A_719, %sub3A_732 : vector<16xf32>
      %add3A_734 = arith.addf %mul3A_729, %mul3A_733 : vector<16xf32>
      %get3A_735 = arith.index_cast %add3A_707 : i32 to index
      %get3A_736 = arith.constant 16 : index
      %get3A_737 = tpu.vector_load %arg11[%get3A_735, %get3A_736] {strides = array<i32>} : memref<512x64xf32, #tpu.memory_space<vmem>>, vector<16xf32>,
      %get3A_738 = arith.index_cast %add3A_707 : i32 to index
      %get3A_739 = arith.constant 48 : index
      %get3A_740 = tpu.vector_load %arg11[%get3A_738, %get3A_739] {strides = array<i32>} : memref<512x64xf32, #tpu.memory_space<vmem>>, vector<16xf32>,
      %get3A_741 = arith.index_cast %add3A_707 : i32 to index
      %get3A_742 = arith.constant 16 : index
      %get3A_743 = tpu.vector_load %arg12[%get3A_741, %get3A_742] {strides = array<i32>} : memref<512x64xf32, #tpu.memory_space<vmem>>, vector<16xf32>,
      %get3A_744 = arith.index_cast %add3A_707 : i32 to index
      %get3A_745 = arith.constant 48 : index
      %get3A_746 = tpu.vector_load %arg12[%get3A_744, %get3A_745] {strides = array<i32>} : memref<512x64xf32, #tpu.memory_space<vmem>>, vector<16xf32>,
      %get3A_747 = arith.index_cast %add3A_707 : i32 to index
      %get3A_748 = arith.constant 16 : index
      %get3A_749 = tpu.vector_load %arg13[%get3A_747, %get3A_748] {strides = array<i32>} : memref<512x64xf32, #tpu.memory_space<vmem>>, vector<16xf32>,
      %get3A_750 = arith.index_cast %add3A_707 : i32 to index
      %get3A_751 = arith.constant 48 : index
      %get3A_752 = tpu.vector_load %arg13[%get3A_750, %get3A_751] {strides = array<i32>} : memref<512x64xf32, #tpu.memory_space<vmem>>, vector<16xf32>,
      %mul3A_753 = arith.mulf %get3A_737, %get3A_749 : vector<16xf32>
      %mul3A_754 = arith.mulf %get3A_740, %get3A_752 : vector<16xf32>
      %add3A_755 = arith.addf %mul3A_753, %mul3A_754 : vector<16xf32>
      %mul3A_756 = arith.mulf %get3A_743, %add3A_755 : vector<16xf32>
      %mul3A_757 = arith.mulf %get3A_737, %get3A_752 : vector<16xf32>
      %mul3A_758 = arith.mulf %get3A_740, %get3A_749 : vector<16xf32>
      %sub3A_759 = arith.subf %mul3A_757, %mul3A_758 : vector<16xf32>
      %mul3A_760 = arith.mulf %get3A_746, %sub3A_759 : vector<16xf32>
      %add3A_761 = arith.addf %mul3A_756, %mul3A_760 : vector<16xf32>
      %add3A_762 = arith.addf %add3A_734, %add3A_761 : vector<16xf32>
      %swap3A_763 = arith.constant 8 : i32
      %swap3A_764 = arith.index_cast %swap3A_763 : i32 to index
      %swap3A_765 = arith.constant 0 : index
      %swap3A_766 = tpu.vector_load %arg15[%swap3A_764, %swap3A_765] {strides = array<i32>} : memref<16x16xf32, #tpu.memory_space<vmem>>, vector<16xf32>,
      tpu.vector_store %arg15[%swap3A_764, %swap3A_765], %add3A_762 {strides = array<i32>} : memref<16x16xf32, #tpu.memory_space<vmem>>, vector<16xf32>,
      %add3A_767 = arith.constant 9 : i32
      %add3A_768 = arith.addi %add3A_220, %add3A_767 : i32
      %get3A_769 = arith.index_cast %add3A_768 : i32 to index
      %get3A_770 = arith.constant 0 : index
      %get3A_771 = tpu.vector_load %arg11[%get3A_769, %get3A_770] {strides = array<i32>} : memref<512x64xf32, #tpu.memory_space<vmem>>, vector<16xf32>,
      %get3A_772 = arith.index_cast %add3A_768 : i32 to index
      %get3A_773 = arith.constant 32 : index
      %get3A_774 = tpu.vector_load %arg11[%get3A_772, %get3A_773] {strides = array<i32>} : memref<512x64xf32, #tpu.memory_space<vmem>>, vector<16xf32>,
      %get3A_775 = arith.index_cast %add3A_768 : i32 to index
      %get3A_776 = arith.constant 0 : index
      %get3A_777 = tpu.vector_load %arg12[%get3A_775, %get3A_776] {strides = array<i32>} : memref<512x64xf32, #tpu.memory_space<vmem>>, vector<16xf32>,
      %get3A_778 = arith.index_cast %add3A_768 : i32 to index
      %get3A_779 = arith.constant 32 : index
      %get3A_780 = tpu.vector_load %arg12[%get3A_778, %get3A_779] {strides = array<i32>} : memref<512x64xf32, #tpu.memory_space<vmem>>, vector<16xf32>,
      %get3A_781 = arith.index_cast %add3A_768 : i32 to index
      %get3A_782 = arith.constant 0 : index
      %get3A_783 = tpu.vector_load %arg13[%get3A_781, %get3A_782] {strides = array<i32>} : memref<512x64xf32, #tpu.memory_space<vmem>>, vector<16xf32>,
      %get3A_784 = arith.index_cast %add3A_768 : i32 to index
      %get3A_785 = arith.constant 32 : index
      %get3A_786 = tpu.vector_load %arg13[%get3A_784, %get3A_785] {strides = array<i32>} : memref<512x64xf32, #tpu.memory_space<vmem>>, vector<16xf32>,
      %mul3A_787 = arith.mulf %get3A_771, %get3A_783 : vector<16xf32>
      %mul3A_788 = arith.mulf %get3A_774, %get3A_786 : vector<16xf32>
      %add3A_789 = arith.addf %mul3A_787, %mul3A_788 : vector<16xf32>
      %mul3A_790 = arith.mulf %get3A_777, %add3A_789 : vector<16xf32>
      %mul3A_791 = arith.mulf %get3A_771, %get3A_786 : vector<16xf32>
      %mul3A_792 = arith.mulf %get3A_774, %get3A_783 : vector<16xf32>
      %sub3A_793 = arith.subf %mul3A_791, %mul3A_792 : vector<16xf32>
      %mul3A_794 = arith.mulf %get3A_780, %sub3A_793 : vector<16xf32>
      %add3A_795 = arith.addf %mul3A_790, %mul3A_794 : vector<16xf32>
      %get3A_796 = arith.index_cast %add3A_768 : i32 to index
      %get3A_797 = arith.constant 16 : index
      %get3A_798 = tpu.vector_load %arg11[%get3A_796, %get3A_797] {strides = array<i32>} : memref<512x64xf32, #tpu.memory_space<vmem>>, vector<16xf32>,
      %get3A_799 = arith.index_cast %add3A_768 : i32 to index
      %get3A_800 = arith.constant 48 : index
      %get3A_801 = tpu.vector_load %arg11[%get3A_799, %get3A_800] {strides = array<i32>} : memref<512x64xf32, #tpu.memory_space<vmem>>, vector<16xf32>,
      %get3A_802 = arith.index_cast %add3A_768 : i32 to index
      %get3A_803 = arith.constant 16 : index
      %get3A_804 = tpu.vector_load %arg12[%get3A_802, %get3A_803] {strides = array<i32>} : memref<512x64xf32, #tpu.memory_space<vmem>>, vector<16xf32>,
      %get3A_805 = arith.index_cast %add3A_768 : i32 to index
      %get3A_806 = arith.constant 48 : index
      %get3A_807 = tpu.vector_load %arg12[%get3A_805, %get3A_806] {strides = array<i32>} : memref<512x64xf32, #tpu.memory_space<vmem>>, vector<16xf32>,
      %get3A_808 = arith.index_cast %add3A_768 : i32 to index
      %get3A_809 = arith.constant 16 : index
      %get3A_810 = tpu.vector_load %arg13[%get3A_808, %get3A_809] {strides = array<i32>} : memref<512x64xf32, #tpu.memory_space<vmem>>, vector<16xf32>,
      %get3A_811 = arith.index_cast %add3A_768 : i32 to index
      %get3A_812 = arith.constant 48 : index
      %get3A_813 = tpu.vector_load %arg13[%get3A_811, %get3A_812] {strides = array<i32>} : memref<512x64xf32, #tpu.memory_space<vmem>>, vector<16xf32>,
      %mul3A_814 = arith.mulf %get3A_798, %get3A_810 : vector<16xf32>
      %mul3A_815 = arith.mulf %get3A_801, %get3A_813 : vector<16xf32>
      %add3A_816 = arith.addf %mul3A_814, %mul3A_815 : vector<16xf32>
      %mul3A_817 = arith.mulf %get3A_804, %add3A_816 : vector<16xf32>
      %mul3A_818 = arith.mulf %get3A_798, %get3A_813 : vector<16xf32>
      %mul3A_819 = arith.mulf %get3A_801, %get3A_810 : vector<16xf32>
      %sub3A_820 = arith.subf %mul3A_818, %mul3A_819 : vector<16xf32>
      %mul3A_821 = arith.mulf %get3A_807, %sub3A_820 : vector<16xf32>
      %add3A_822 = arith.addf %mul3A_817, %mul3A_821 : vector<16xf32>
      %add3A_823 = arith.addf %add3A_795, %add3A_822 : vector<16xf32>
      %swap3A_824 = arith.constant 9 : i32
      %swap3A_825 = arith.index_cast %swap3A_824 : i32 to index
      %swap3A_826 = arith.constant 0 : index
      %swap3A_827 = tpu.vector_load %arg15[%swap3A_825, %swap3A_826] {strides = array<i32>} : memref<16x16xf32, #tpu.memory_space<vmem>>, vector<16xf32>,
      tpu.vector_store %arg15[%swap3A_825, %swap3A_826], %add3A_823 {strides = array<i32>} : memref<16x16xf32, #tpu.memory_space<vmem>>, vector<16xf32>,
      %add3A_828 = arith.constant 10 : i32
      %add3A_829 = arith.addi %add3A_220, %add3A_828 : i32
      %get3A_830 = arith.index_cast %add3A_829 : i32 to index
      %get3A_831 = arith.constant 0 : index
      %get3A_832 = tpu.vector_load %arg11[%get3A_830, %get3A_831] {strides = array<i32>} : memref<512x64xf32, #tpu.memory_space<vmem>>, vector<16xf32>,
      %get3A_833 = arith.index_cast %add3A_829 : i32 to index
      %get3A_834 = arith.constant 32 : index
      %get3A_835 = tpu.vector_load %arg11[%get3A_833, %get3A_834] {strides = array<i32>} : memref<512x64xf32, #tpu.memory_space<vmem>>, vector<16xf32>,
      %get3A_836 = arith.index_cast %add3A_829 : i32 to index
      %get3A_837 = arith.constant 0 : index
      %get3A_838 = tpu.vector_load %arg12[%get3A_836, %get3A_837] {strides = array<i32>} : memref<512x64xf32, #tpu.memory_space<vmem>>, vector<16xf32>,
      %get3A_839 = arith.index_cast %add3A_829 : i32 to index
      %get3A_840 = arith.constant 32 : index
      %get3A_841 = tpu.vector_load %arg12[%get3A_839, %get3A_840] {strides = array<i32>} : memref<512x64xf32, #tpu.memory_space<vmem>>, vector<16xf32>,
      %get3A_842 = arith.index_cast %add3A_829 : i32 to index
      %get3A_843 = arith.constant 0 : index
      %get3A_844 = tpu.vector_load %arg13[%get3A_842, %get3A_843] {strides = array<i32>} : memref<512x64xf32, #tpu.memory_space<vmem>>, vector<16xf32>,
      %get3A_845 = arith.index_cast %add3A_829 : i32 to index
      %get3A_846 = arith.constant 32 : index
      %get3A_847 = tpu.vector_load %arg13[%get3A_845, %get3A_846] {strides = array<i32>} : memref<512x64xf32, #tpu.memory_space<vmem>>, vector<16xf32>,
      %mul3A_848 = arith.mulf %get3A_832, %get3A_844 : vector<16xf32>
      %mul3A_849 = arith.mulf %get3A_835, %get3A_847 : vector<16xf32>
      %add3A_850 = arith.addf %mul3A_848, %mul3A_849 : vector<16xf32>
      %mul3A_851 = arith.mulf %get3A_838, %add3A_850 : vector<16xf32>
      %mul3A_852 = arith.mulf %get3A_832, %get3A_847 : vector<16xf32>
      %mul3A_853 = arith.mulf %get3A_835, %get3A_844 : vector<16xf32>
      %sub3A_854 = arith.subf %mul3A_852, %mul3A_853 : vector<16xf32>
      %mul3A_855 = arith.mulf %get3A_841, %sub3A_854 : vector<16xf32>
      %add3A_856 = arith.addf %mul3A_851, %mul3A_855 : vector<16xf32>
      %get3A_857 = arith.index_cast %add3A_829 : i32 to index
      %get3A_858 = arith.constant 16 : index
      %get3A_859 = tpu.vector_load %arg11[%get3A_857, %get3A_858] {strides = array<i32>} : memref<512x64xf32, #tpu.memory_space<vmem>>, vector<16xf32>,
      %get3A_860 = arith.index_cast %add3A_829 : i32 to index
      %get3A_861 = arith.constant 48 : index
      %get3A_862 = tpu.vector_load %arg11[%get3A_860, %get3A_861] {strides = array<i32>} : memref<512x64xf32, #tpu.memory_space<vmem>>, vector<16xf32>,
      %get3A_863 = arith.index_cast %add3A_829 : i32 to index
      %get3A_864 = arith.constant 16 : index
      %get3A_865 = tpu.vector_load %arg12[%get3A_863, %get3A_864] {strides = array<i32>} : memref<512x64xf32, #tpu.memory_space<vmem>>, vector<16xf32>,
      %get3A_866 = arith.index_cast %add3A_829 : i32 to index
      %get3A_867 = arith.constant 48 : index
      %get3A_868 = tpu.vector_load %arg12[%get3A_866, %get3A_867] {strides = array<i32>} : memref<512x64xf32, #tpu.memory_space<vmem>>, vector<16xf32>,
      %get3A_869 = arith.index_cast %add3A_829 : i32 to index
      %get3A_870 = arith.constant 16 : index
      %get3A_871 = tpu.vector_load %arg13[%get3A_869, %get3A_870] {strides = array<i32>} : memref<512x64xf32, #tpu.memory_space<vmem>>, vector<16xf32>,
      %get3A_872 = arith.index_cast %add3A_829 : i32 to index
      %get3A_873 = arith.constant 48 : index
      %get3A_874 = tpu.vector_load %arg13[%get3A_872, %get3A_873] {strides = array<i32>} : memref<512x64xf32, #tpu.memory_space<vmem>>, vector<16xf32>,
      %mul3A_875 = arith.mulf %get3A_859, %get3A_871 : vector<16xf32>
      %mul3A_876 = arith.mulf %get3A_862, %get3A_874 : vector<16xf32>
      %add3A_877 = arith.addf %mul3A_875, %mul3A_876 : vector<16xf32>
      %mul3A_878 = arith.mulf %get3A_865, %add3A_877 : vector<16xf32>
      %mul3A_879 = arith.mulf %get3A_859, %get3A_874 : vector<16xf32>
      %mul3A_880 = arith.mulf %get3A_862, %get3A_871 : vector<16xf32>
      %sub3A_881 = arith.subf %mul3A_879, %mul3A_880 : vector<16xf32>
      %mul3A_882 = arith.mulf %get3A_868, %sub3A_881 : vector<16xf32>
      %add3A_883 = arith.addf %mul3A_878, %mul3A_882 : vector<16xf32>
      %add3A_884 = arith.addf %add3A_856, %add3A_883 : vector<16xf32>
      %swap3A_885 = arith.constant 10 : i32
      %swap3A_886 = arith.index_cast %swap3A_885 : i32 to index
      %swap3A_887 = arith.constant 0 : index
      %swap3A_888 = tpu.vector_load %arg15[%swap3A_886, %swap3A_887] {strides = array<i32>} : memref<16x16xf32, #tpu.memory_space<vmem>>, vector<16xf32>,
      tpu.vector_store %arg15[%swap3A_886, %swap3A_887], %add3A_884 {strides = array<i32>} : memref<16x16xf32, #tpu.memory_space<vmem>>, vector<16xf32>,
      %add3A_889 = arith.constant 11 : i32
      %add3A_890 = arith.addi %add3A_220, %add3A_889 : i32
      %get3A_891 = arith.index_cast %add3A_890 : i32 to index
      %get3A_892 = arith.constant 0 : index
      %get3A_893 = tpu.vector_load %arg11[%get3A_891, %get3A_892] {strides = array<i32>} : memref<512x64xf32, #tpu.memory_space<vmem>>, vector<16xf32>,
      %get3A_894 = arith.index_cast %add3A_890 : i32 to index
      %get3A_895 = arith.constant 32 : index
      %get3A_896 = tpu.vector_load %arg11[%get3A_894, %get3A_895] {strides = array<i32>} : memref<512x64xf32, #tpu.memory_space<vmem>>, vector<16xf32>,
      %get3A_897 = arith.index_cast %add3A_890 : i32 to index
      %get3A_898 = arith.constant 0 : index
      %get3A_899 = tpu.vector_load %arg12[%get3A_897, %get3A_898] {strides = array<i32>} : memref<512x64xf32, #tpu.memory_space<vmem>>, vector<16xf32>,
      %get3A_900 = arith.index_cast %add3A_890 : i32 to index
      %get3A_901 = arith.constant 32 : index
      %get3A_902 = tpu.vector_load %arg12[%get3A_900, %get3A_901] {strides = array<i32>} : memref<512x64xf32, #tpu.memory_space<vmem>>, vector<16xf32>,
      %get3A_903 = arith.index_cast %add3A_890 : i32 to index
      %get3A_904 = arith.constant 0 : index
      %get3A_905 = tpu.vector_load %arg13[%get3A_903, %get3A_904] {strides = array<i32>} : memref<512x64xf32, #tpu.memory_space<vmem>>, vector<16xf32>,
      %get3A_906 = arith.index_cast %add3A_890 : i32 to index
      %get3A_907 = arith.constant 32 : index
      %get3A_908 = tpu.vector_load %arg13[%get3A_906, %get3A_907] {strides = array<i32>} : memref<512x64xf32, #tpu.memory_space<vmem>>, vector<16xf32>,
      %mul3A_909 = arith.mulf %get3A_893, %get3A_905 : vector<16xf32>
      %mul3A_910 = arith.mulf %get3A_896, %get3A_908 : vector<16xf32>
      %add3A_911 = arith.addf %mul3A_909, %mul3A_910 : vector<16xf32>
      %mul3A_912 = arith.mulf %get3A_899, %add3A_911 : vector<16xf32>
      %mul3A_913 = arith.mulf %get3A_893, %get3A_908 : vector<16xf32>
      %mul3A_914 = arith.mulf %get3A_896, %get3A_905 : vector<16xf32>
      %sub3A_915 = arith.subf %mul3A_913, %mul3A_914 : vector<16xf32>
      %mul3A_916 = arith.mulf %get3A_902, %sub3A_915 : vector<16xf32>
      %add3A_917 = arith.addf %mul3A_912, %mul3A_916 : vector<16xf32>
      %get3A_918 = arith.index_cast %add3A_890 : i32 to index
      %get3A_919 = arith.constant 16 : index
      %get3A_920 = tpu.vector_load %arg11[%get3A_918, %get3A_919] {strides = array<i32>} : memref<512x64xf32, #tpu.memory_space<vmem>>, vector<16xf32>,
      %get3A_921 = arith.index_cast %add3A_890 : i32 to index
      %get3A_922 = arith.constant 48 : index
      %get3A_923 = tpu.vector_load %arg11[%get3A_921, %get3A_922] {strides = array<i32>} : memref<512x64xf32, #tpu.memory_space<vmem>>, vector<16xf32>,
      %get3A_924 = arith.index_cast %add3A_890 : i32 to index
      %get3A_925 = arith.constant 16 : index
      %get3A_926 = tpu.vector_load %arg12[%get3A_924, %get3A_925] {strides = array<i32>} : memref<512x64xf32, #tpu.memory_space<vmem>>, vector<16xf32>,
      %get3A_927 = arith.index_cast %add3A_890 : i32 to index
      %get3A_928 = arith.constant 48 : index
      %get3A_929 = tpu.vector_load %arg12[%get3A_927, %get3A_928] {strides = array<i32>} : memref<512x64xf32, #tpu.memory_space<vmem>>, vector<16xf32>,
      %get3A_930 = arith.index_cast %add3A_890 : i32 to index
      %get3A_931 = arith.constant 16 : index
      %get3A_932 = tpu.vector_load %arg13[%get3A_930, %get3A_931] {strides = array<i32>} : memref<512x64xf32, #tpu.memory_space<vmem>>, vector<16xf32>,
      %get3A_933 = arith.index_cast %add3A_890 : i32 to index
      %get3A_934 = arith.constant 48 : index
      %get3A_935 = tpu.vector_load %arg13[%get3A_933, %get3A_934] {strides = array<i32>} : memref<512x64xf32, #tpu.memory_space<vmem>>, vector<16xf32>,
      %mul3A_936 = arith.mulf %get3A_920, %get3A_932 : vector<16xf32>
      %mul3A_937 = arith.mulf %get3A_923, %get3A_935 : vector<16xf32>
      %add3A_938 = arith.addf %mul3A_936, %mul3A_937 : vector<16xf32>
      %mul3A_939 = arith.mulf %get3A_926, %add3A_938 : vector<16xf32>
      %mul3A_940 = arith.mulf %get3A_920, %get3A_935 : vector<16xf32>
      %mul3A_941 = arith.mulf %get3A_923, %get3A_932 : vector<16xf32>
      %sub3A_942 = arith.subf %mul3A_940, %mul3A_941 : vector<16xf32>
      %mul3A_943 = arith.mulf %get3A_929, %sub3A_942 : vector<16xf32>
      %add3A_944 = arith.addf %mul3A_939, %mul3A_943 : vector<16xf32>
      %add3A_945 = arith.addf %add3A_917, %add3A_944 : vector<16xf32>
      %swap3A_946 = arith.constant 11 : i32
      %swap3A_947 = arith.index_cast %swap3A_946 : i32 to index
      %swap3A_948 = arith.constant 0 : index
      %swap3A_949 = tpu.vector_load %arg15[%swap3A_947, %swap3A_948] {strides = array<i32>} : memref<16x16xf32, #tpu.memory_space<vmem>>, vector<16xf32>,
      tpu.vector_store %arg15[%swap3A_947, %swap3A_948], %add3A_945 {strides = array<i32>} : memref<16x16xf32, #tpu.memory_space<vmem>>, vector<16xf32>,
      %add3A_950 = arith.constant 12 : i32
      %add3A_951 = arith.addi %add3A_220, %add3A_950 : i32
      %get3A_952 = arith.index_cast %add3A_951 : i32 to index
      %get3A_953 = arith.constant 0 : index
      %get3A_954 = tpu.vector_load %arg11[%get3A_952, %get3A_953] {strides = array<i32>} : memref<512x64xf32, #tpu.memory_space<vmem>>, vector<16xf32>,
      %get3A_955 = arith.index_cast %add3A_951 : i32 to index
      %get3A_956 = arith.constant 32 : index
      %get3A_957 = tpu.vector_load %arg11[%get3A_955, %get3A_956] {strides = array<i32>} : memref<512x64xf32, #tpu.memory_space<vmem>>, vector<16xf32>,
      %get3A_958 = arith.index_cast %add3A_951 : i32 to index
      %get3A_959 = arith.constant 0 : index
      %get3A_960 = tpu.vector_load %arg12[%get3A_958, %get3A_959] {strides = array<i32>} : memref<512x64xf32, #tpu.memory_space<vmem>>, vector<16xf32>,
      %get3A_961 = arith.index_cast %add3A_951 : i32 to index
      %get3A_962 = arith.constant 32 : index
      %get3A_963 = tpu.vector_load %arg12[%get3A_961, %get3A_962] {strides = array<i32>} : memref<512x64xf32, #tpu.memory_space<vmem>>, vector<16xf32>,
      %get3A_964 = arith.index_cast %add3A_951 : i32 to index
      %get3A_965 = arith.constant 0 : index
      %get3A_966 = tpu.vector_load %arg13[%get3A_964, %get3A_965] {strides = array<i32>} : memref<512x64xf32, #tpu.memory_space<vmem>>, vector<16xf32>,
      %get3A_967 = arith.index_cast %add3A_951 : i32 to index
      %get3A_968 = arith.constant 32 : index
      %get3A_969 = tpu.vector_load %arg13[%get3A_967, %get3A_968] {strides = array<i32>} : memref<512x64xf32, #tpu.memory_space<vmem>>, vector<16xf32>,
      %mul3A_970 = arith.mulf %get3A_954, %get3A_966 : vector<16xf32>
      %mul3A_971 = arith.mulf %get3A_957, %get3A_969 : vector<16xf32>
      %add3A_972 = arith.addf %mul3A_970, %mul3A_971 : vector<16xf32>
      %mul3A_973 = arith.mulf %get3A_960, %add3A_972 : vector<16xf32>
      %mul3A_974 = arith.mulf %get3A_954, %get3A_969 : vector<16xf32>
      %mul3A_975 = arith.mulf %get3A_957, %get3A_966 : vector<16xf32>
      %sub3A_976 = arith.subf %mul3A_974, %mul3A_975 : vector<16xf32>
      %mul3A_977 = arith.mulf %get3A_963, %sub3A_976 : vector<16xf32>
      %add3A_978 = arith.addf %mul3A_973, %mul3A_977 : vector<16xf32>
      %get3A_979 = arith.index_cast %add3A_951 : i32 to index
      %get3A_980 = arith.constant 16 : index
      %get3A_981 = tpu.vector_load %arg11[%get3A_979, %get3A_980] {strides = array<i32>} : memref<512x64xf32, #tpu.memory_space<vmem>>, vector<16xf32>,
      %get3A_982 = arith.index_cast %add3A_951 : i32 to index
      %get3A_983 = arith.constant 48 : index
      %get3A_984 = tpu.vector_load %arg11[%get3A_982, %get3A_983] {strides = array<i32>} : memref<512x64xf32, #tpu.memory_space<vmem>>, vector<16xf32>,
      %get3A_985 = arith.index_cast %add3A_951 : i32 to index
      %get3A_986 = arith.constant 16 : index
      %get3A_987 = tpu.vector_load %arg12[%get3A_985, %get3A_986] {strides = array<i32>} : memref<512x64xf32, #tpu.memory_space<vmem>>, vector<16xf32>,
      %get3A_988 = arith.index_cast %add3A_951 : i32 to index
      %get3A_989 = arith.constant 48 : index
      %get3A_990 = tpu.vector_load %arg12[%get3A_988, %get3A_989] {strides = array<i32>} : memref<512x64xf32, #tpu.memory_space<vmem>>, vector<16xf32>,
      %get3A_991 = arith.index_cast %add3A_951 : i32 to index
      %get3A_992 = arith.constant 16 : index
      %get3A_993 = tpu.vector_load %arg13[%get3A_991, %get3A_992] {strides = array<i32>} : memref<512x64xf32, #tpu.memory_space<vmem>>, vector<16xf32>,
      %get3A_994 = arith.index_cast %add3A_951 : i32 to index
      %get3A_995 = arith.constant 48 : index
      %get3A_996 = tpu.vector_load %arg13[%get3A_994, %get3A_995] {strides = array<i32>} : memref<512x64xf32, #tpu.memory_space<vmem>>, vector<16xf32>,
      %mul3A_997 = arith.mulf %get3A_981, %get3A_993 : vector<16xf32>
      %mul3A_998 = arith.mulf %get3A_984, %get3A_996 : vector<16xf32>
      %add3A_999 = arith.addf %mul3A_997, %mul3A_998 : vector<16xf32>
      %mul3A_1000 = arith.mulf %get3A_987, %add3A_999 : vector<16xf32>
      %mul3A_1001 = arith.mulf %get3A_981, %get3A_996 : vector<16xf32>
      %mul3A_1002 = arith.mulf %get3A_984, %get3A_993 : vector<16xf32>
      %sub3A_1003 = arith.subf %mul3A_1001, %mul3A_1002 : vector<16xf32>
      %mul3A_1004 = arith.mulf %get3A_990, %sub3A_1003 : vector<16xf32>
      %add3A_1005 = arith.addf %mul3A_1000, %mul3A_1004 : vector<16xf32>
      %add3A_1006 = arith.addf %add3A_978, %add3A_1005 : vector<16xf32>
      %swap3A_1007 = arith.constant 12 : i32
      %swap3A_1008 = arith.index_cast %swap3A_1007 : i32 to index
      %swap3A_1009 = arith.constant 0 : index
      %swap3A_1010 = tpu.vector_load %arg15[%swap3A_1008, %swap3A_1009] {strides = array<i32>} : memref<16x16xf32, #tpu.memory_space<vmem>>, vector<16xf32>,
      tpu.vector_store %arg15[%swap3A_1008, %swap3A_1009], %add3A_1006 {strides = array<i32>} : memref<16x16xf32, #tpu.memory_space<vmem>>, vector<16xf32>,
      %add3A_1011 = arith.constant 13 : i32
      %add3A_1012 = arith.addi %add3A_220, %add3A_1011 : i32
      %get3A_1013 = arith.index_cast %add3A_1012 : i32 to index
      %get3A_1014 = arith.constant 0 : index
      %get3A_1015 = tpu.vector_load %arg11[%get3A_1013, %get3A_1014] {strides = array<i32>} : memref<512x64xf32, #tpu.memory_space<vmem>>, vector<16xf32>,
      %get3A_1016 = arith.index_cast %add3A_1012 : i32 to index
      %get3A_1017 = arith.constant 32 : index
      %get3A_1018 = tpu.vector_load %arg11[%get3A_1016, %get3A_1017] {strides = array<i32>} : memref<512x64xf32, #tpu.memory_space<vmem>>, vector<16xf32>,
      %get3A_1019 = arith.index_cast %add3A_1012 : i32 to index
      %get3A_1020 = arith.constant 0 : index
      %get3A_1021 = tpu.vector_load %arg12[%get3A_1019, %get3A_1020] {strides = array<i32>} : memref<512x64xf32, #tpu.memory_space<vmem>>, vector<16xf32>,
      %get3A_1022 = arith.index_cast %add3A_1012 : i32 to index
      %get3A_1023 = arith.constant 32 : index
      %get3A_1024 = tpu.vector_load %arg12[%get3A_1022, %get3A_1023] {strides = array<i32>} : memref<512x64xf32, #tpu.memory_space<vmem>>, vector<16xf32>,
      %get3A_1025 = arith.index_cast %add3A_1012 : i32 to index
      %get3A_1026 = arith.constant 0 : index
      %get3A_1027 = tpu.vector_load %arg13[%get3A_1025, %get3A_1026] {strides = array<i32>} : memref<512x64xf32, #tpu.memory_space<vmem>>, vector<16xf32>,
      %get3A_1028 = arith.index_cast %add3A_1012 : i32 to index
      %get3A_1029 = arith.constant 32 : index
      %get3A_1030 = tpu.vector_load %arg13[%get3A_1028, %get3A_1029] {strides = array<i32>} : memref<512x64xf32, #tpu.memory_space<vmem>>, vector<16xf32>,
      %mul3A_1031 = arith.mulf %get3A_1015, %get3A_1027 : vector<16xf32>
      %mul3A_1032 = arith.mulf %get3A_1018, %get3A_1030 : vector<16xf32>
      %add3A_1033 = arith.addf %mul3A_1031, %mul3A_1032 : vector<16xf32>
      %mul3A_1034 = arith.mulf %get3A_1021, %add3A_1033 : vector<16xf32>
      %mul3A_1035 = arith.mulf %get3A_1015, %get3A_1030 : vector<16xf32>
      %mul3A_1036 = arith.mulf %get3A_1018, %get3A_1027 : vector<16xf32>
      %sub3A_1037 = arith.subf %mul3A_1035, %mul3A_1036 : vector<16xf32>
      %mul3A_1038 = arith.mulf %get3A_1024, %sub3A_1037 : vector<16xf32>
      %add3A_1039 = arith.addf %mul3A_1034, %mul3A_1038 : vector<16xf32>
      %get3A_1040 = arith.index_cast %add3A_1012 : i32 to index
      %get3A_1041 = arith.constant 16 : index
      %get3A_1042 = tpu.vector_load %arg11[%get3A_1040, %get3A_1041] {strides = array<i32>} : memref<512x64xf32, #tpu.memory_space<vmem>>, vector<16xf32>,
      %get3A_1043 = arith.index_cast %add3A_1012 : i32 to index
      %get3A_1044 = arith.constant 48 : index
      %get3A_1045 = tpu.vector_load %arg11[%get3A_1043, %get3A_1044] {strides = array<i32>} : memref<512x64xf32, #tpu.memory_space<vmem>>, vector<16xf32>,
      %get3A_1046 = arith.index_cast %add3A_1012 : i32 to index
      %get3A_1047 = arith.constant 16 : index
      %get3A_1048 = tpu.vector_load %arg12[%get3A_1046, %get3A_1047] {strides = array<i32>} : memref<512x64xf32, #tpu.memory_space<vmem>>, vector<16xf32>,
      %get3A_1049 = arith.index_cast %add3A_1012 : i32 to index
      %get3A_1050 = arith.constant 48 : index
      %get3A_1051 = tpu.vector_load %arg12[%get3A_1049, %get3A_1050] {strides = array<i32>} : memref<512x64xf32, #tpu.memory_space<vmem>>, vector<16xf32>,
      %get3A_1052 = arith.index_cast %add3A_1012 : i32 to index
      %get3A_1053 = arith.constant 16 : index
      %get3A_1054 = tpu.vector_load %arg13[%get3A_1052, %get3A_1053] {strides = array<i32>} : memref<512x64xf32, #tpu.memory_space<vmem>>, vector<16xf32>,
      %get3A_1055 = arith.index_cast %add3A_1012 : i32 to index
      %get3A_1056 = arith.constant 48 : index
      %get3A_1057 = tpu.vector_load %arg13[%get3A_1055, %get3A_1056] {strides = array<i32>} : memref<512x64xf32, #tpu.memory_space<vmem>>, vector<16xf32>,
      %mul3A_1058 = arith.mulf %get3A_1042, %get3A_1054 : vector<16xf32>
      %mul3A_1059 = arith.mulf %get3A_1045, %get3A_1057 : vector<16xf32>
      %add3A_1060 = arith.addf %mul3A_1058, %mul3A_1059 : vector<16xf32>
      %mul3A_1061 = arith.mulf %get3A_1048, %add3A_1060 : vector<16xf32>
      %mul3A_1062 = arith.mulf %get3A_1042, %get3A_1057 : vector<16xf32>
      %mul3A_1063 = arith.mulf %get3A_1045, %get3A_1054 : vector<16xf32>
      %sub3A_1064 = arith.subf %mul3A_1062, %mul3A_1063 : vector<16xf32>
      %mul3A_1065 = arith.mulf %get3A_1051, %sub3A_1064 : vector<16xf32>
      %add3A_1066 = arith.addf %mul3A_1061, %mul3A_1065 : vector<16xf32>
      %add3A_1067 = arith.addf %add3A_1039, %add3A_1066 : vector<16xf32>
      %swap3A_1068 = arith.constant 13 : i32
      %swap3A_1069 = arith.index_cast %swap3A_1068 : i32 to index
      %swap3A_1070 = arith.constant 0 : index
      %swap3A_1071 = tpu.vector_load %arg15[%swap3A_1069, %swap3A_1070] {strides = array<i32>} : memref<16x16xf32, #tpu.memory_space<vmem>>, vector<16xf32>,
      tpu.vector_store %arg15[%swap3A_1069, %swap3A_1070], %add3A_1067 {strides = array<i32>} : memref<16x16xf32, #tpu.memory_space<vmem>>, vector<16xf32>,
      %add3A_1072 = arith.constant 14 : i32
      %add3A_1073 = arith.addi %add3A_220, %add3A_1072 : i32
      %get3A_1074 = arith.index_cast %add3A_1073 : i32 to index
      %get3A_1075 = arith.constant 0 : index
      %get3A_1076 = tpu.vector_load %arg11[%get3A_1074, %get3A_1075] {strides = array<i32>} : memref<512x64xf32, #tpu.memory_space<vmem>>, vector<16xf32>,
      %get3A_1077 = arith.index_cast %add3A_1073 : i32 to index
      %get3A_1078 = arith.constant 32 : index
      %get3A_1079 = tpu.vector_load %arg11[%get3A_1077, %get3A_1078] {strides = array<i32>} : memref<512x64xf32, #tpu.memory_space<vmem>>, vector<16xf32>,
      %get3A_1080 = arith.index_cast %add3A_1073 : i32 to index
      %get3A_1081 = arith.constant 0 : index
      %get3A_1082 = tpu.vector_load %arg12[%get3A_1080, %get3A_1081] {strides = array<i32>} : memref<512x64xf32, #tpu.memory_space<vmem>>, vector<16xf32>,
      %get3A_1083 = arith.index_cast %add3A_1073 : i32 to index
      %get3A_1084 = arith.constant 32 : index
      %get3A_1085 = tpu.vector_load %arg12[%get3A_1083, %get3A_1084] {strides = array<i32>} : memref<512x64xf32, #tpu.memory_space<vmem>>, vector<16xf32>,
      %get3A_1086 = arith.index_cast %add3A_1073 : i32 to index
      %get3A_1087 = arith.constant 0 : index
      %get3A_1088 = tpu.vector_load %arg13[%get3A_1086, %get3A_1087] {strides = array<i32>} : memref<512x64xf32, #tpu.memory_space<vmem>>, vector<16xf32>,
      %get3A_1089 = arith.index_cast %add3A_1073 : i32 to index
      %get3A_1090 = arith.constant 32 : index
      %get3A_1091 = tpu.vector_load %arg13[%get3A_1089, %get3A_1090] {strides = array<i32>} : memref<512x64xf32, #tpu.memory_space<vmem>>, vector<16xf32>,
      %mul3A_1092 = arith.mulf %get3A_1076, %get3A_1088 : vector<16xf32>
      %mul3A_1093 = arith.mulf %get3A_1079, %get3A_1091 : vector<16xf32>
      %add3A_1094 = arith.addf %mul3A_1092, %mul3A_1093 : vector<16xf32>
      %mul3A_1095 = arith.mulf %get3A_1082, %add3A_1094 : vector<16xf32>
      %mul3A_1096 = arith.mulf %get3A_1076, %get3A_1091 : vector<16xf32>
      %mul3A_1097 = arith.mulf %get3A_1079, %get3A_1088 : vector<16xf32>
      %sub3A_1098 = arith.subf %mul3A_1096, %mul3A_1097 : vector<16xf32>
      %mul3A_1099 = arith.mulf %get3A_1085, %sub3A_1098 : vector<16xf32>
      %add3A_1100 = arith.addf %mul3A_1095, %mul3A_1099 : vector<16xf32>
      %get3A_1101 = arith.index_cast %add3A_1073 : i32 to index
      %get3A_1102 = arith.constant 16 : index
      %get3A_1103 = tpu.vector_load %arg11[%get3A_1101, %get3A_1102] {strides = array<i32>} : memref<512x64xf32, #tpu.memory_space<vmem>>, vector<16xf32>,
      %get3A_1104 = arith.index_cast %add3A_1073 : i32 to index
      %get3A_1105 = arith.constant 48 : index
      %get3A_1106 = tpu.vector_load %arg11[%get3A_1104, %get3A_1105] {strides = array<i32>} : memref<512x64xf32, #tpu.memory_space<vmem>>, vector<16xf32>,
      %get3A_1107 = arith.index_cast %add3A_1073 : i32 to index
      %get3A_1108 = arith.constant 16 : index
      %get3A_1109 = tpu.vector_load %arg12[%get3A_1107, %get3A_1108] {strides = array<i32>} : memref<512x64xf32, #tpu.memory_space<vmem>>, vector<16xf32>,
      %get3A_1110 = arith.index_cast %add3A_1073 : i32 to index
      %get3A_1111 = arith.constant 48 : index
      %get3A_1112 = tpu.vector_load %arg12[%get3A_1110, %get3A_1111] {strides = array<i32>} : memref<512x64xf32, #tpu.memory_space<vmem>>, vector<16xf32>,
      %get3A_1113 = arith.index_cast %add3A_1073 : i32 to index
      %get3A_1114 = arith.constant 16 : index
      %get3A_1115 = tpu.vector_load %arg13[%get3A_1113, %get3A_1114] {strides = array<i32>} : memref<512x64xf32, #tpu.memory_space<vmem>>, vector<16xf32>,
      %get3A_1116 = arith.index_cast %add3A_1073 : i32 to index
      %get3A_1117 = arith.constant 48 : index
      %get3A_1118 = tpu.vector_load %arg13[%get3A_1116, %get3A_1117] {strides = array<i32>} : memref<512x64xf32, #tpu.memory_space<vmem>>, vector<16xf32>,
      %mul3A_1119 = arith.mulf %get3A_1103, %get3A_1115 : vector<16xf32>
      %mul3A_1120 = arith.mulf %get3A_1106, %get3A_1118 : vector<16xf32>
      %add3A_1121 = arith.addf %mul3A_1119, %mul3A_1120 : vector<16xf32>
      %mul3A_1122 = arith.mulf %get3A_1109, %add3A_1121 : vector<16xf32>
      %mul3A_1123 = arith.mulf %get3A_1103, %get3A_1118 : vector<16xf32>
      %mul3A_1124 = arith.mulf %get3A_1106, %get3A_1115 : vector<16xf32>
      %sub3A_1125 = arith.subf %mul3A_1123, %mul3A_1124 : vector<16xf32>
      %mul3A_1126 = arith.mulf %get3A_1112, %sub3A_1125 : vector<16xf32>
      %add3A_1127 = arith.addf %mul3A_1122, %mul3A_1126 : vector<16xf32>
      %add3A_1128 = arith.addf %add3A_1100, %add3A_1127 : vector<16xf32>
      %swap3A_1129 = arith.constant 14 : i32
      %swap3A_1130 = arith.index_cast %swap3A_1129 : i32 to index
      %swap3A_1131 = arith.constant 0 : index
      %swap3A_1132 = tpu.vector_load %arg15[%swap3A_1130, %swap3A_1131] {strides = array<i32>} : memref<16x16xf32, #tpu.memory_space<vmem>>, vector<16xf32>,
      tpu.vector_store %arg15[%swap3A_1130, %swap3A_1131], %add3A_1128 {strides = array<i32>} : memref<16x16xf32, #tpu.memory_space<vmem>>, vector<16xf32>,
      %add3A_1133 = arith.constant 15 : i32
      %add3A_1134 = arith.addi %add3A_220, %add3A_1133 : i32
      %get3A_1135 = arith.index_cast %add3A_1134 : i32 to index
      %get3A_1136 = arith.constant 0 : index
      %get3A_1137 = tpu.vector_load %arg11[%get3A_1135, %get3A_1136] {strides = array<i32>} : memref<512x64xf32, #tpu.memory_space<vmem>>, vector<16xf32>,
      %get3A_1138 = arith.index_cast %add3A_1134 : i32 to index
      %get3A_1139 = arith.constant 32 : index
      %get3A_1140 = tpu.vector_load %arg11[%get3A_1138, %get3A_1139] {strides = array<i32>} : memref<512x64xf32, #tpu.memory_space<vmem>>, vector<16xf32>,
      %get3A_1141 = arith.index_cast %add3A_1134 : i32 to index
      %get3A_1142 = arith.constant 0 : index
      %get3A_1143 = tpu.vector_load %arg12[%get3A_1141, %get3A_1142] {strides = array<i32>} : memref<512x64xf32, #tpu.memory_space<vmem>>, vector<16xf32>,
      %get3A_1144 = arith.index_cast %add3A_1134 : i32 to index
      %get3A_1145 = arith.constant 32 : index
      %get3A_1146 = tpu.vector_load %arg12[%get3A_1144, %get3A_1145] {strides = array<i32>} : memref<512x64xf32, #tpu.memory_space<vmem>>, vector<16xf32>,
      %get3A_1147 = arith.index_cast %add3A_1134 : i32 to index
      %get3A_1148 = arith.constant 0 : index
      %get3A_1149 = tpu.vector_load %arg13[%get3A_1147, %get3A_1148] {strides = array<i32>} : memref<512x64xf32, #tpu.memory_space<vmem>>, vector<16xf32>,
      %get3A_1150 = arith.index_cast %add3A_1134 : i32 to index
      %get3A_1151 = arith.constant 32 : index
      %get3A_1152 = tpu.vector_load %arg13[%get3A_1150, %get3A_1151] {strides = array<i32>} : memref<512x64xf32, #tpu.memory_space<vmem>>, vector<16xf32>,
      %mul3A_1153 = arith.mulf %get3A_1137, %get3A_1149 : vector<16xf32>
      %mul3A_1154 = arith.mulf %get3A_1140, %get3A_1152 : vector<16xf32>
      %add3A_1155 = arith.addf %mul3A_1153, %mul3A_1154 : vector<16xf32>
      %mul3A_1156 = arith.mulf %get3A_1143, %add3A_1155 : vector<16xf32>
      %mul3A_1157 = arith.mulf %get3A_1137, %get3A_1152 : vector<16xf32>
      %mul3A_1158 = arith.mulf %get3A_1140, %get3A_1149 : vector<16xf32>
      %sub3A_1159 = arith.subf %mul3A_1157, %mul3A_1158 : vector<16xf32>
      %mul3A_1160 = arith.mulf %get3A_1146, %sub3A_1159 : vector<16xf32>
      %add3A_1161 = arith.addf %mul3A_1156, %mul3A_1160 : vector<16xf32>
      %get3A_1162 = arith.index_cast %add3A_1134 : i32 to index
      %get3A_1163 = arith.constant 16 : index
      %get3A_1164 = tpu.vector_load %arg11[%get3A_1162, %get3A_1163] {strides = array<i32>} : memref<512x64xf32, #tpu.memory_space<vmem>>, vector<16xf32>,
      %get3A_1165 = arith.index_cast %add3A_1134 : i32 to index
      %get3A_1166 = arith.constant 48 : index
      %get3A_1167 = tpu.vector_load %arg11[%get3A_1165, %get3A_1166] {strides = array<i32>} : memref<512x64xf32, #tpu.memory_space<vmem>>, vector<16xf32>,
      %get3A_1168 = arith.index_cast %add3A_1134 : i32 to index
      %get3A_1169 = arith.constant 16 : index
      %get3A_1170 = tpu.vector_load %arg12[%get3A_1168, %get3A_1169] {strides = array<i32>} : memref<512x64xf32, #tpu.memory_space<vmem>>, vector<16xf32>,
      %get3A_1171 = arith.index_cast %add3A_1134 : i32 to index
      %get3A_1172 = arith.constant 48 : index
      %get3A_1173 = tpu.vector_load %arg12[%get3A_1171, %get3A_1172] {strides = array<i32>} : memref<512x64xf32, #tpu.memory_space<vmem>>, vector<16xf32>,
      %get3A_1174 = arith.index_cast %add3A_1134 : i32 to index
      %get3A_1175 = arith.constant 16 : index
      %get3A_1176 = tpu.vector_load %arg13[%get3A_1174, %get3A_1175] {strides = array<i32>} : memref<512x64xf32, #tpu.memory_space<vmem>>, vector<16xf32>,
      %get3A_1177 = arith.index_cast %add3A_1134 : i32 to index
      %get3A_1178 = arith.constant 48 : index
      %get3A_1179 = tpu.vector_load %arg13[%get3A_1177, %get3A_1178] {strides = array<i32>} : memref<512x64xf32, #tpu.memory_space<vmem>>, vector<16xf32>,
      %mul3A_1180 = arith.mulf %get3A_1164, %get3A_1176 : vector<16xf32>
      %mul3A_1181 = arith.mulf %get3A_1167, %get3A_1179 : vector<16xf32>
      %add3A_1182 = arith.addf %mul3A_1180, %mul3A_1181 : vector<16xf32>
      %mul3A_1183 = arith.mulf %get3A_1170, %add3A_1182 : vector<16xf32>
      %mul3A_1184 = arith.mulf %get3A_1164, %get3A_1179 : vector<16xf32>
      %mul3A_1185 = arith.mulf %get3A_1167, %get3A_1176 : vector<16xf32>
      %sub3A_1186 = arith.subf %mul3A_1184, %mul3A_1185 : vector<16xf32>
      %mul3A_1187 = arith.mulf %get3A_1173, %sub3A_1186 : vector<16xf32>
      %add3A_1188 = arith.addf %mul3A_1183, %mul3A_1187 : vector<16xf32>
      %add3A_1189 = arith.addf %add3A_1161, %add3A_1188 : vector<16xf32>
      %swap3A_1190 = arith.constant 15 : i32
      %swap3A_1191 = arith.index_cast %swap3A_1190 : i32 to index
      %swap3A_1192 = arith.constant 0 : index
      %swap3A_1193 = tpu.vector_load %arg15[%swap3A_1191, %swap3A_1192] {strides = array<i32>} : memref<16x16xf32, #tpu.memory_space<vmem>>, vector<16xf32>,
      tpu.vector_store %arg15[%swap3A_1191, %swap3A_1192], %add3A_1189 {strides = array<i32>} : memref<16x16xf32, #tpu.memory_space<vmem>>, vector<16xf32>,
      %broadcast_in_dim3A = arith.constant 0 : i32
      %broadcast_in_dim3A_1194 = vector.broadcast %broadcast_in_dim3A : i32 to vector<16xi32>
      %gather3A = tpu.vector_load_idx %arg15[%iota3A, %broadcast_in_dim3A_1194] : memref<16x16xf32, #tpu.memory_space<vmem>>[vector<16xi32>, vector<16xi32>], vector<16xf32>,
      %broadcast_in_dim3A_1195 = arith.constant 1 : i32
      %broadcast_in_dim3A_1196 = vector.broadcast %broadcast_in_dim3A_1195 : i32 to vector<16xi32>
      %gather3A_1197 = tpu.vector_load_idx %arg15[%iota3A, %broadcast_in_dim3A_1196] : memref<16x16xf32, #tpu.memory_space<vmem>>[vector<16xi32>, vector<16xi32>], vector<16xf32>,
      %broadcast_in_dim3A_1198 = arith.constant 2 : i32
      %broadcast_in_dim3A_1199 = vector.broadcast %broadcast_in_dim3A_1198 : i32 to vector<16xi32>
      %gather3A_1200 = tpu.vector_load_idx %arg15[%iota3A, %broadcast_in_dim3A_1199] : memref<16x16xf32, #tpu.memory_space<vmem>>[vector<16xi32>, vector<16xi32>], vector<16xf32>,
      %broadcast_in_dim3A_1201 = arith.constant 3 : i32
      %broadcast_in_dim3A_1202 = vector.broadcast %broadcast_in_dim3A_1201 : i32 to vector<16xi32>
      %gather3A_1203 = tpu.vector_load_idx %arg15[%iota3A, %broadcast_in_dim3A_1202] : memref<16x16xf32, #tpu.memory_space<vmem>>[vector<16xi32>, vector<16xi32>], vector<16xf32>,
      %broadcast_in_dim3A_1204 = arith.constant 4 : i32
      %broadcast_in_dim3A_1205 = vector.broadcast %broadcast_in_dim3A_1204 : i32 to vector<16xi32>
      %gather3A_1206 = tpu.vector_load_idx %arg15[%iota3A, %broadcast_in_dim3A_1205] : memref<16x16xf32, #tpu.memory_space<vmem>>[vector<16xi32>, vector<16xi32>], vector<16xf32>,
      %broadcast_in_dim3A_1207 = arith.constant 5 : i32
      %broadcast_in_dim3A_1208 = vector.broadcast %broadcast_in_dim3A_1207 : i32 to vector<16xi32>
      %gather3A_1209 = tpu.vector_load_idx %arg15[%iota3A, %broadcast_in_dim3A_1208] : memref<16x16xf32, #tpu.memory_space<vmem>>[vector<16xi32>, vector<16xi32>], vector<16xf32>,
      %broadcast_in_dim3A_1210 = arith.constant 6 : i32
      %broadcast_in_dim3A_1211 = vector.broadcast %broadcast_in_dim3A_1210 : i32 to vector<16xi32>
      %gather3A_1212 = tpu.vector_load_idx %arg15[%iota3A, %broadcast_in_dim3A_1211] : memref<16x16xf32, #tpu.memory_space<vmem>>[vector<16xi32>, vector<16xi32>], vector<16xf32>,
      %broadcast_in_dim3A_1213 = arith.constant 7 : i32
      %broadcast_in_dim3A_1214 = vector.broadcast %broadcast_in_dim3A_1213 : i32 to vector<16xi32>
      %gather3A_1215 = tpu.vector_load_idx %arg15[%iota3A, %broadcast_in_dim3A_1214] : memref<16x16xf32, #tpu.memory_space<vmem>>[vector<16xi32>, vector<16xi32>], vector<16xf32>,
      %broadcast_in_dim3A_1216 = arith.constant 8 : i32
      %broadcast_in_dim3A_1217 = vector.broadcast %broadcast_in_dim3A_1216 : i32 to vector<16xi32>
      %gather3A_1218 = tpu.vector_load_idx %arg15[%iota3A, %broadcast_in_dim3A_1217] : memref<16x16xf32, #tpu.memory_space<vmem>>[vector<16xi32>, vector<16xi32>], vector<16xf32>,
      %broadcast_in_dim3A_1219 = arith.constant 9 : i32
      %broadcast_in_dim3A_1220 = vector.broadcast %broadcast_in_dim3A_1219 : i32 to vector<16xi32>
      %gather3A_1221 = tpu.vector_load_idx %arg15[%iota3A, %broadcast_in_dim3A_1220] : memref<16x16xf32, #tpu.memory_space<vmem>>[vector<16xi32>, vector<16xi32>], vector<16xf32>,
      %broadcast_in_dim3A_1222 = arith.constant 10 : i32
      %broadcast_in_dim3A_1223 = vector.broadcast %broadcast_in_dim3A_1222 : i32 to vector<16xi32>
      %gather3A_1224 = tpu.vector_load_idx %arg15[%iota3A, %broadcast_in_dim3A_1223] : memref<16x16xf32, #tpu.memory_space<vmem>>[vector<16xi32>, vector<16xi32>], vector<16xf32>,
      %broadcast_in_dim3A_1225 = arith.constant 11 : i32
      %broadcast_in_dim3A_1226 = vector.broadcast %broadcast_in_dim3A_1225 : i32 to vector<16xi32>
      %gather3A_1227 = tpu.vector_load_idx %arg15[%iota3A, %broadcast_in_dim3A_1226] : memref<16x16xf32, #tpu.memory_space<vmem>>[vector<16xi32>, vector<16xi32>], vector<16xf32>,
      %broadcast_in_dim3A_1228 = arith.constant 12 : i32
      %broadcast_in_dim3A_1229 = vector.broadcast %broadcast_in_dim3A_1228 : i32 to vector<16xi32>
      %gather3A_1230 = tpu.vector_load_idx %arg15[%iota3A, %broadcast_in_dim3A_1229] : memref<16x16xf32, #tpu.memory_space<vmem>>[vector<16xi32>, vector<16xi32>], vector<16xf32>,
      %broadcast_in_dim3A_1231 = arith.constant 13 : i32
      %broadcast_in_dim3A_1232 = vector.broadcast %broadcast_in_dim3A_1231 : i32 to vector<16xi32>
      %gather3A_1233 = tpu.vector_load_idx %arg15[%iota3A, %broadcast_in_dim3A_1232] : memref<16x16xf32, #tpu.memory_space<vmem>>[vector<16xi32>, vector<16xi32>], vector<16xf32>,
      %broadcast_in_dim3A_1234 = arith.constant 14 : i32
      %broadcast_in_dim3A_1235 = vector.broadcast %broadcast_in_dim3A_1234 : i32 to vector<16xi32>
      %gather3A_1236 = tpu.vector_load_idx %arg15[%iota3A, %broadcast_in_dim3A_1235] : memref<16x16xf32, #tpu.memory_space<vmem>>[vector<16xi32>, vector<16xi32>], vector<16xf32>,
      %broadcast_in_dim3A_1237 = arith.constant 15 : i32
      %broadcast_in_dim3A_1238 = vector.broadcast %broadcast_in_dim3A_1237 : i32 to vector<16xi32>
      %gather3A_1239 = tpu.vector_load_idx %arg15[%iota3A, %broadcast_in_dim3A_1238] : memref<16x16xf32, #tpu.memory_space<vmem>>[vector<16xi32>, vector<16xi32>], vector<16xf32>,
      %add3A_1240 = arith.addf %gather3A, %gather3A_1197 : vector<16xf32>
      %add3A_1241 = arith.addf %gather3A_1200, %gather3A_1203 : vector<16xf32>
      %add3A_1242 = arith.addf %gather3A_1206, %gather3A_1209 : vector<16xf32>
      %add3A_1243 = arith.addf %gather3A_1212, %gather3A_1215 : vector<16xf32>
      %add3A_1244 = arith.addf %gather3A_1218, %gather3A_1221 : vector<16xf32>
      %add3A_1245 = arith.addf %gather3A_1224, %gather3A_1227 : vector<16xf32>
      %add3A_1246 = arith.addf %gather3A_1230, %gather3A_1233 : vector<16xf32>
      %add3A_1247 = arith.addf %gather3A_1236, %gather3A_1239 : vector<16xf32>
      %add3A_1248 = arith.addf %add3A_1240, %add3A_1241 : vector<16xf32>
      %add3A_1249 = arith.addf %add3A_1242, %add3A_1243 : vector<16xf32>
      %add3A_1250 = arith.addf %add3A_1244, %add3A_1245 : vector<16xf32>
      %add3A_1251 = arith.addf %add3A_1246, %add3A_1247 : vector<16xf32>
      %add3A_1252 = arith.addf %add3A_1248, %add3A_1249 : vector<16xf32>
      %add3A_1253 = arith.addf %add3A_1250, %add3A_1251 : vector<16xf32>
      %add3A_1254 = arith.addf %add3A_1252, %add3A_1253 : vector<16xf32>
      %swap3A_1255 = arith.index_cast %add3A_220 : i32 to index
      %swap3A_1256 = tpu.vector_load %arg14[%swap3A_1255] {strides = array<i32>} : memref<512xf32, #tpu.memory_space<vmem>>, vector<16xf32>,
      tpu.vector_store %arg14[%swap3A_1255], %add3A_1254 {strides = array<i32>} : memref<512xf32, #tpu.memory_space<vmem>>, vector<16xf32>,
    }
    %scan3A_215 = arith.constant 8 : i32
    "tpu.region"() ({
      %run_scoped3A = tpu.sem_alloc : memref<!tpu.dma_semaphore, #tpu.memory_space<semaphore_mem>>
      %dma_start3A_216 = tpu.memref_slice %arg7[%mul3A_2] : memref<16384xf32, #tpu.memory_space<hbm>> -> memref<512xf32, #tpu.memory_space<hbm>>
      %dma_start3A_217 = tpu.memref_slice %arg7[%mul3A_2] : memref<16384xf32, #tpu.memory_space<hbm>> -> memref<512xf32, #tpu.memory_space<hbm>>
      tpu.enqueue_dma source(%arg14 : memref<512xf32, #tpu.memory_space<vmem>>) target(%dma_start3A_217 : memref<512xf32, #tpu.memory_space<hbm>>) target_semaphore(%run_scoped3A : memref<!tpu.dma_semaphore, #tpu.memory_space<semaphore_mem>>)
      %dma_wait3A_218 = tpu.memref_slice %arg7[%mul3A_2] : memref<16384xf32, #tpu.memory_space<hbm>> -> memref<512xf32, #tpu.memory_space<hbm>>
      %dma_wait3A_219 = tpu.memref_slice %arg7[%mul3A_2] : memref<16384xf32, #tpu.memory_space<hbm>> -> memref<512xf32, #tpu.memory_space<hbm>>
      tpu.wait_dma2 semaphore(%run_scoped3A : memref<!tpu.dma_semaphore, #tpu.memory_space<semaphore_mem>>) src(%arg14 : memref<512xf32, #tpu.memory_space<vmem>>) dst(%dma_wait3A_219 : memref<512xf32, #tpu.memory_space<hbm>>)
      tpu.yield
    }) : () -> ()
    return
  }
}

</mosaic_0001>

<sc_bundles>
// kernel: kernel.3.cloned.1.call-start
scs
__scs_entry_jumppad:
0x0: {  	(pc) =	sbr.rel $0x88, $3  }
0x1: {  	(tag) =	ssettag $0x0;
	lr =	simm.s32 $0x1  }
0x2: {  	[smem:$0x3F9C] =	sst lr;
	_ =	strace $0xD0000000  }
0x3: {  	_ = 	snop  }
0x4: {  	_ = 	snop  }
0x5: {  	_ = 	snop  }
0x6: {  	_ = 	snop  }
0x7: {  	_ = 	snop  }
__scs_overlays_trampoline_lowered:
0x8: {  	[smem:$0x3FAB] =	sst s0  }
0x9: {  	[smem:$0x3FAC] =	sst s1  }
0xa: {  	[smem:$0x3FAD] =	sst s2  }
0xb: {  	[smem:$0x3FAE] =	sst s3  }
0xc: {  	[smem:$0x3FAF] =	sst s4  }
0xd: {  	[smem:$0x3FB0] =	sst s5  }
0xe: {  	[smem:$0x3FB1] =	sst s6  }
0xf: {  	[smem:$0x3FB2] =	sst s7  }
0x10: {  	[smem:$0x3FB3] =	sst s8  }
0x11: {  	[smem:$0x3FB4] =	sst s9;
	s0 =	simm.s32 @!p0 $0x0  }
0x12: {  	s1 =	sld [smem:$0x3F9A];
	s0 =	simm.s32 @p0 $0x1  }
0x13: {  	[smem:$0x3FB5] =	sst s0;
	s0 =	simm.s32 @!p1 $0x0  }
0x14: {  	s2 =	sld [smem:$0x3F99];
	s0 =	simm.s32 @p1 $0x1  }
0x15: {  	[smem:$0x3FB6] =	sst s0;
	s0 =	simm.s32 @!p2 $0x0  }
0x16: {  	s3 =	sld [smem:$0x3FDB];
	s0 =	simm.s32 @p2 $0x1  }
0x17: {  	s4 =	simm.s32 $0x1BF5;
	[smem:$0x3FB8] =	sst s0  }
0x18: {  	s0 =	sld [smem:$0x3F9B];
	_ =	swait.ge [sflag:s4], $0x0  }
0x19: {  	s7 =	sld [smem:$0x3F9C]  }
0x1a: {  	s8 =	sadd.s32 $0xFFFFE003, lr  }
0x1b: {  	s9 =	sadd.s32 $0xFFFFFEF7, lr;
	s5 =	simm.s32 $0xFFFFFFFF;
	p2 =	slt.u32 s8, $0xFFFFF086  }
0x1c: {  	p1 =	slt.u32 s9, $0xF7A;
	s5 =	simm.s32 @!p2 $0x0  }
0x1d: {  	s5 =	simm.s32 @p1 $0x1;
	p0 =	seq.s32 s7, s2  }
0x1e: {  	s7 =	smul.u32 @!p0 $0xF7A, s2;
	p2 =	seq.s32 @!p0 s5, $0x0  }
0x1f: {  	s9 =	smul.u32 $0xF7A, s1;
	s8 =	simm.s32 @!p0 $0x1BF5;
	p2 =	por !p2, p0  }
0x20: {  	[sflag:s8] =	ssyncset.s32 @!p0 $0xFFFFF086;
	s6 =	sadd.s32 @!p0 s3, s7;
	s7 =	simm.s32 @!p0 $0x108  }
0x21: {  	s3 =	sadd.s32 s3, s9;
	s6 =	sadd.s32 @!p0 $0x88, s6;
	s7 =	simm.s32 @p2 $0x1082  }
0x22: {  	[simem:s7], [sflag:s8] =	dma.local @!p0 [hbm:s6], $0xF7A  }
0x23: {  	s9 =	sor.u32 $0xD0000000, s2;
	s6 =	simm.s32 $0x108;
	_ =	swait.ge @!p0 [sflag:s8], $0x0  }
0x24: {  	s3 =	sadd.s32 $0x88, s3;
	s6 =	simm.s32 @!p1 $0x1082;
	[sflag:s4] =	ssyncset.s32 $0xFFFFF086  }
0x25: {  	[simem:s6], [sflag:s4] =	dma.local [hbm:s3], $0xF7A  }
0x26: {  	[smem:$0x3F9C] =	sst s1;
	(tag) =	ssettag s2;
	_ =	strace s9  }
0x27: {  	s1 =	sld [smem:$0x3FAC]  }
0x28: {  	s2 =	sld [smem:$0x3FAD]  }
0x29: {  	s4 =	sld [smem:$0x3FAF]  }
0x2a: {  	p0 =	seq.s32 s5, $0x0;
	s5 =	sld [smem:$0x3FB0]  }
0x2b: {  	s6 =	sld [smem:$0x3FB1]  }
0x2c: {  	s7 =	sld [smem:$0x3FB2]  }
0x2d: {  	s3 =	simm.s32 $0x108;
	s8 =	sld [smem:$0x3FB3]  }
0x2e: {  	s3 =	simm.s32 @!p0 $0x1082;
	s9 =	sld [smem:$0x3FB4]  }
0x2f: {  	lr =	sadd.s32 s0, s3;
	s0 =	sld [smem:$0x3FAB]  }
0x30: {  	s3 =	sld [smem:$0x3FAE]  }
0x31: {  	[smem:$0x3FB7] =	sst s10  }
0x32: {  	s10 =	sld [smem:$0x3FB5];
	_ =	sdelay $0x3  }
0x33: {  	p0 =	seq.s32 s10, $0x1;
	s10 =	sld [smem:$0x3FB7];
	_ =	sdelay $0x3  }
0x34: {  	[smem:$0x3FB7] =	sst s10  }
0x35: {  	s10 =	sld [smem:$0x3FB6];
	_ =	sdelay $0x3  }
0x36: {  	p1 =	seq.s32 s10, $0x1;
	s10 =	sld [smem:$0x3FB7];
	_ =	sdelay $0x3  }
0x37: {  	[smem:$0x3FB7] =	sst s10  }
0x38: {  	s10 =	sld [smem:$0x3FB8]  }
0x39: {  	_ = 	snop;
	(pc) =	sbr.ind lr, $3  }
0x3a: {  	_ = 	snop  }
0x3b: {  	_ = 	snop  }
0x3c: {  	p2 =	seq.s32 s10, $0x1;
	s10 =	sld [smem:$0x3FB7]  }
0x3d: {  	_ =	shalt  }
0x3e: {  	_ =	shalt  }
0x3f: {  	_ =	shalt  }
0x40: {  	_ =	shalt  }
0x41: {  	_ =	shalt  }
0x42: {  	_ =	shalt  }
0x43: {  	_ =	shalt  }
0x44: {  	_ =	shalt  }
0x45: {  	_ =	shalt  }
0x46: {  	_ =	shalt  }
0x47: {  	_ =	shalt  }
0x48: {  	_ =	shalt  }
0x49: {  	_ =	shalt  }
0x4a: {  	_ =	shalt  }
0x4b: {  	_ =	shalt  }
0x4c: {  	_ =	shalt  }
0x4d: {  	_ =	shalt  }
0x4e: {  	_ =	shalt  }
0x4f: {  	_ =	shalt  }
0x50: {  	_ =	shalt  }
0x51: {  	_ =	shalt  }
0x52: {  	_ =	shalt  }
0x53: {  	_ =	shalt  }
0x54: {  	_ =	shalt  }
0x55: {  	_ =	shalt  }
0x56: {  	_ =	shalt  }
0x57: {  	_ =	shalt  }
0x58: {  	_ =	shalt  }
0x59: {  	_ =	shalt  }
0x5a: {  	_ =	shalt  }
0x5b: {  	_ =	shalt  }
0x5c: {  	_ =	shalt  }
0x5d: {  	_ =	shalt  }
0x5e: {  	_ =	shalt  }
0x5f: {  	_ =	shalt  }
0x60: {  	_ =	shalt  }
0x61: {  	_ =	shalt  }
0x62: {  	_ =	shalt  }
0x63: {  	_ =	shalt  }
0x64: {  	_ =	shalt  }
0x65: {  	_ =	shalt  }
0x66: {  	_ =	shalt  }
0x67: {  	_ =	shalt  }
0x68: {  	_ =	shalt  }
0x69: {  	_ =	shalt  }
0x6a: {  	_ =	shalt  }
0x6b: {  	_ =	shalt  }
0x6c: {  	_ =	shalt  }
0x6d: {  	_ =	shalt  }
0x6e: {  	_ =	shalt  }
0x6f: {  	_ =	shalt  }
0x70: {  	_ =	shalt  }
0x71: {  	_ =	shalt  }
0x72: {  	_ =	shalt  }
0x73: {  	_ =	shalt  }
0x74: {  	_ =	shalt  }
0x75: {  	_ =	shalt  }
0x76: {  	_ =	shalt  }
0x77: {  	_ =	shalt  }
0x78: {  	_ =	shalt  }
0x79: {  	_ =	shalt  }
0x7a: {  	_ =	shalt  }
0x7b: {  	_ =	shalt  }
0x7c: {  	_ =	shalt  }
0x7d: {  	_ =	shalt  }
0x7e: {  	_ =	shalt  }
0x7f: {  	_ =	shalt  }
0x80: {  	_ =	shalt  }
0x81: {  	_ =	shalt  }
0x82: {  	_ =	shalt  }
0x83: {  	_ =	shalt  }
0x84: {  	_ =	shalt  }
0x85: {  	_ =	shalt  }
0x86: {  	_ =	shalt  }
0x87: {  	_ =	shalt  }
.Lfunc_end0:
.L_simem_size_0:
called_computation_lowered:
.L_overlay_start_0:
0x88: {  	s2 =	sld [smem:$0x3FD9]  }
0x89: {  	s3 =	sld [smem:$0x3FFE];
	_ =	sdelay $0x1  }
0x8a: {  	s1 =	srdreg.scid  }
0x8b: {  	s0 =	sand.u32 $0x1, s1  }
0x8c: {  	s17 =	sshll.u32 s0, $0xA;
	s2 =	sadd.s32 s3, s2  }
0x8d: {  	s2 =	sadd.s32 s2, s17  }
0x8e: {  	[smem:$0x3FC3] =	sst s2  }
0x8f: {  	_ = 	snop  }
0x90: {  	s2 =	sld [smem:$0x3FC9]  }
0x91: {  	s18 =	sld [smem:$0x3FC8]  }
0x92: {  	s4 =	sld [smem:$0x3FC7]  }
0x93: {  	s5 =	sld [smem:$0x3FD0];
	(tm) =	ssettm $0x1  }
0x94: {  	s6 =	sld [smem:$0x3FFB];
	_ =	sdelay $0x3  }
0x95: {  	_ =	strace s6  }
0x96: {  	s6 =	sld [smem:$0x3FFC];
	_ =	sdelay $0x3  }
0x97: {  	_ =	strace s6  }
0x98: {  	s6 =	sld [smem:$0x3FFD];
	_ =	sdelay $0x3  }
0x99: {  	_ =	strace s6  }
0x9a: {  	_ =	strace $0x8FFFFFFF  }
0x9b: {  	s19 =	sld [smem:$0x3FDB];
	_ =	sdelay $0x1  }
0x9c: {  	s7 =	simm.s32 $_scs_section_size  }
0x9d: {  	s8 =	simm.s32 $_size__tile_overlayer_lowered;
	s9 =	simm.s32 $_tile_overlayer_lowered  }
0x9e: {  	s22 =	simm.s32 $0x1BFF;
	s21 =	sshll.u32 s9, $0x1;
	s6 =	sadd.s32 s7, s19  }
0x9f: {  	s10 =	simm.s32 $0x0;
	s20 =	sshll.u32 s8, $0x1;
	s8 =	sadd.s32 s21, s6  }
0xa0: {  	[timem:s10], [sflag:s22] =	dma.local [hbm:s8], s20  }
0xa1: {  	_ =	swait.ge [sflag:s22], s20  }
0xa2: {  	s7 =	ssub.s32 $0x0, s20;
	[sflag:s22] =	ssyncset.done $0x0  }
0xa3: {  	[sflag:s22] =	ssyncadd.s32 s7;
	_ =	sdelay $0x1  }
0xa4: {  	s23 =	simm.s32 $0x1B8B  }
0xa5: {  	_ =	swait.ge [sflag:s23], $0x1  }
0xa6: {  	[sflag:s23] =	ssyncset.done $0x0  }
0xa7: {  	s25 =	simm.s32 $0x1B8E;
	s24 =	sld [smem:$0x3FFE];
	[sflag:s23] =	ssyncadd.s32 $0xFFFFFFFF  }
0xa8: {  	s26 =	simm.s32 $execute0_lowered;
	[smem:$0x3FD2] =	sst s25  }
0xa9: {  	s8 =	sshll.u32 s26, $0x1;
	_ =	strace $0x80000046;
	[dreg:$0x1] =	wrdreg $0xFFFFFFFF  }
0xaa: {  	s28 =	simm.s32 $_size_execute0_lowered;
	s6 =	sadd.s32 s6, s8;
	[dreg:$0x0] =	wrdreg $0x0  }
0xab: {  	s8 =	sshll.u32 s28, $0x1;
	[dreg:$0x2] =	wrdreg s6  }
0xac: {  	[dreg:$0x3] =	wrdreg s8  }
0xad: {  	[dreg:$0x4] =	wrdreg $0xC0  }
0xae: {  	_ =	task [dreg:s10], $0x5FFFF  }
0xaf: {  	[dreg:$0x1] =	wrdreg $0xFFFFFFFF  }
0xb0: {  	[dreg:$0x0] =	wrdreg $0x60  }
0xb1: {  	[dreg:$0x2] =	wrdreg s2  }
0xb2: {  	[dreg:$0x3] =	wrdreg s18  }
0xb3: {  	[dreg:$0x4] =	wrdreg s4  }
0xb4: {  	[dreg:$0x5] =	wrdreg s24  }
0xb5: {  	[dreg:$0x6] =	wrdreg s5  }
0xb6: {  	[dreg:$0x7] =	wrdreg $0x9  }
0xb7: {  	_ =	task.clear_ibuf [dreg:s10], $0x8FFFF;
	_ =	strace $0x90000046  }
0xb8: {  	s29 =	simm.s32 $0x9;
	_ =	strace $0x80000048  }
0xb9: {  	_ =	swait.ge [sflag:s29], $0x1  }
0xba: {  	[sflag:s29] =	ssyncadd.s32 $0xFFFFFFFF  }
0xbb: {  	_ =	strace $0x90000048  }
0xbc: {  	_ =	sfence  }
0xbd: {  	s30 =	sld [smem:$0x0];
	_ =	sdelay $0x2  }
0xbe: {  	s31 =	sshll.u32 s1, $0xD;
	s1 =	sshrl.u32 s1, $0x2  }
0xbf: {  	s3 =	sand.u32 $0x4000, s31;
	s1 =	sadd.s32 s1, s30  }
0xc0: {  	s0 =	sor.u32 s3, s0;
	s1 =	sshll.u32 s1, $0x11  }
0xc1: {  	s0 =	sor.u32 s1, s0  }
0xc2: {  	s0 =	sadd.s32 $0x8F2B, s0  }
0xc3: {  	[sflag:s0] =	ssyncadd.remote.s32 $0x1  }
0xc4: {  	_ =	sfence.sel $0xFFFF  }
0xc5: {  	[dreg:$0x0] =	wrdreg $0xFFFFFFFF;
	(pc) =	sbr.abs _section_cstart, $3  }
0xc6: {  	[dreg:$0x1] =	wrdreg $0xFFFFFFFF  }
0xc7: {  	_ =	task.clear_ibuf [dreg:s10], $0x2FFFF;
	_ =	strace $0x9FFFFFFF  }
0xc8: {  	(tm) =	ssettm $0x7FFFFFFF  }
0xc9: {  	_ =	shalt  }
tec
execute0_lowered:
.L_overlay_start_1:
0x0: {  	(tag) =	ssettag $0x1  }
0x1: {  	s0 =	rddreg [dreg:$0x0]  }
0x2: {  	s2 =	rddreg [dreg:$0x1]  }
0x3: {  	s7 =	rddreg [dreg:$0x2]  }
0x4: {  	s4 =	rddreg [dreg:$0x3]  }
0x5: {  	s8 =	rddreg [dreg:$0x4]  }
0x6: {  	s1 =	simm.s32 $0x0;
	s3 =	srdreg.scid;
	s10 =	stileid.u32  }
0x7: {  	s11 =	simm.s32 $0x200;
	s12 =	simm.s32 $0x400;
	s13 =	simm.s32 $0x80  }
0x8: {  	s25 =	simm.s32 $0xC600;
	s26 =	simm.s32 $0x500;
	s28 =	simm.s32 $0x14600  }
0x9: {  	s29 =	simm.s32 $0x180;
	s30 =	simm.s32 $0x6600;
	s31 =	simm.s32 $0x380  }
0xa: {  	s14 =	simm.s32 $0x16600;
	s15 =	simm.s32 $0x1;
	s16 =	simm.s32 $0x18800  }
0xb: {  	v0 =	vlaneseq.u32;
	s17 =	simm.s32 $0x2;
	s18 =	simm.s32 $0x3;
	s19 =	simm.s32 $0x4  }
0xc: {  	s20 =	simm.s32 $0x18600;
	s21 =	simm.s32 $0x0;
	[smem:$0x7FF] =	sst s1;
	v0 =	vmul.u32 $0x10, v0  }
0xd: {  	s5 =	sand.u32 $0x1, s3;
	s3 =	sadd.s32 $0xF42A00, s4;
	s10 =	sshll.u32 s10, $0x7  }
0xe: {  	s4 =	sadd.s32 $0x600, s4;
	s6 =	ssub.s32 $0x2, s5;
	s5 =	sshll.u32 s5, $0x6;
	v1 =	vor.u32 $0x1, v0;
	v2 =	vor.u32 $0x2, v0;
	v3 =	vor.u32 $0x3, v0  }
0xf: {  	_ =	strace $0x80000047;
	s9 =	sshrl.u32 s6, $0x1;
	s10 =	sor.u32 s5, s10;
	v4 =	vor.u32 $0x4, v0;
	v5 =	vor.u32 $0x5, v0;
	v6 =	vor.u32 $0x6, v0  }
0x10: {  	v7 =	vor.u32 $0x7, v0;
	v8 =	vor.u32 $0x8, v0;
	v9 =	vor.u32 $0x9, v0;
	s9 =	ssub.s32 s6, s9;
	s5 =	sadd.s32 s0, s10;
	s6 =	sadd.s32 s2, s10  }
0x11: {  	v10 =	vor.u32 $0xA, v0;
	v11 =	vor.u32 $0xB, v0;
	v12 =	vor.u32 $0xC, v0;
	s7 =	sadd.s32 s7, s10;
	s8 =	sadd.s32 s8, s10;
	s10 =	simm.s32 $0x5  }
0x12: {  	v13 =	vor.u32 $0xD, v0;
	v14 =	vor.u32 $0xE, v0;
	v15 =	vor.u32 $0xF, v0;
	s0 =	simm.s32 $0xE600;
	s2 =	simm.s32 $0x580;
	s9 =	smax.u32 s9, $0x1  }
.LBB2_1:
0x13: {  	[tilespmem:s1], [sflag:$0x5] =	stream.linear.gather [hbm4b:s5+s1], $0x200, $0x38;
	[tilespmem:$0x18900] =	vst v63  }
0x14: {  	_ =	swait.ge [sflag:s10], $0x200  }
0x15: {  	[sflag:s10] =	ssyncset.done $0x0  }
0x16: {  	[sflag:s10] =	ssyncadd.s32 $0xFFFFFE00  }
0x17: {  	[tilespmem:s11], [sflag:$0x5] =	stream.linear.gather [hbm4b:s6+s1], $0x200, $0x38;
	[tilespmem:$0x18900] =	vst v63  }
0x18: {  	_ =	swait.ge [sflag:s10], $0x200  }
0x19: {  	[sflag:s10] =	ssyncset.done $0x0  }
0x1a: {  	[sflag:s10] =	ssyncadd.s32 $0xFFFFFE00  }
0x1b: {  	[tilespmem:s12], [sflag:$0x5] =	stream.linear.gather [hbm4b:s7+s1], $0x200, $0x38;
	[tilespmem:$0x18900] =	vst v63  }
0x1c: {  	_ =	swait.ge [sflag:s10], $0x200  }
0x1d: {  	[sflag:s10] =	ssyncset.done $0x0  }
0x1e: {  	s22 =	simm.s32 $0x600;
	[sflag:s10] =	ssyncadd.s32 $0xFFFFFE00  }
0x1f: {  	[tilespmem:s22], [sflag:$0x1] =	stream.indirect.gather [hbm4b:s3+s13], $0x40, s1, s13, $0xb8;
	[tilespmem:$0x18900] =	vst v63  }
0x20: {  	s23 =	simm.s32 $0x8600  }
0x21: {  	[tilespmem:s23], [sflag:$0x1] =	stream.indirect.gather [hbm4b:s4+s13], $0x40, s11, s13, $0xb8;
	[tilespmem:$0x18900] =	vst v63  }
0x22: {  	s24 =	simm.s32 $0x10600  }
0x23: {  	[tilespmem:s24], [sflag:$0x1] =	stream.indirect.gather [hbm4b:s3+s13], $0x40, s12, s13, $0xb8;
	[tilespmem:$0x18900] =	vst v63  }
0x24: {  	s23 =	simm.s32 $0x2600  }
0x25: {  	[tilespmem:s23], [sflag:$0x2] =	stream.indirect.gather [hbm4b:s3+s13], $0x40, s13, s13, $0xb8;
	[tilespmem:$0x18900] =	vst v63  }
0x26: {  	s24 =	simm.s32 $0x280;
	s23 =	simm.s32 $0xA600  }
0x27: {  	[tilespmem:s23], [sflag:$0x2] =	stream.indirect.gather [hbm4b:s4+s13], $0x40, s24, s13, $0xb8;
	[tilespmem:$0x18900] =	vst v63  }
0x28: {  	s23 =	simm.s32 $0x480;
	s24 =	simm.s32 $0x12600  }
0x29: {  	[tilespmem:s24], [sflag:$0x2] =	stream.indirect.gather [hbm4b:s3+s13], $0x40, s23, s13, $0xb8;
	[tilespmem:$0x18900] =	vst v63  }
0x2a: {  	s23 =	simm.s32 $0x100;
	s24 =	simm.s32 $0x4600  }
0x2b: {  	[tilespmem:s24], [sflag:$0x3] =	stream.indirect.gather [hbm4b:s3+s13], $0x40, s23, s13, $0xb8;
	[tilespmem:$0x18900] =	vst v63  }
0x2c: {  	s24 =	simm.s32 $0x300  }
0x2d: {  	[tilespmem:s25], [sflag:$0x3] =	stream.indirect.gather [hbm4b:s4+s13], $0x40, s24, s13, $0xb8;
	[tilespmem:$0x18900] =	vst v63  }
0x2e: {  	_ = 	snop  }
0x2f: {  	[tilespmem:s28], [sflag:$0x3] =	stream.indirect.gather [hbm4b:s3+s13], $0x40, s26, s13, $0xb8;
	[tilespmem:$0x18900] =	vst v63  }
0x30: {  	_ = 	snop  }
0x31: {  	[tilespmem:s30], [sflag:$0x4] =	stream.indirect.gather [hbm4b:s3+s13], $0x40, s29, s13, $0xb8;
	[tilespmem:$0x18900] =	vst v63  }
0x32: {  	_ = 	snop  }
0x33: {  	[tilespmem:s0], [sflag:$0x4] =	stream.indirect.gather [hbm4b:s4+s13], $0x40, s31, s13, $0xb8;
	[tilespmem:$0x18900] =	vst v63  }
0x34: {  	_ = 	snop  }
0x35: {  	[tilespmem:s14], [sflag:$0x4] =	stream.indirect.gather [hbm4b:s3+s13], $0x40, s2, s13, $0xb8;
	[tilespmem:$0x18900] =	vst v63  }
0x36: {  	_ =	swait.ge [sflag:s15], $0x2000  }
0x37: {  	[sflag:s15] =	ssyncset.done $0x0  }
0x38: {  	[sflag:s15] =	ssyncadd.s32 $0xFFFFE000  }
0x39: {  	_ =	swait.ge [sflag:s15], $0x2000  }
0x3a: {  	[sflag:s15] =	ssyncset.done $0x0  }
0x3b: {  	[sflag:s15] =	ssyncadd.s32 $0xFFFFE000  }
0x3c: {  	_ =	swait.ge [sflag:s15], $0x2000  }
0x3d: {  	[sflag:s15] =	ssyncset.done $0x0  }
0x3e: {  	s22 =	simm.s32 $0x18600;
	s23 =	simm.s32 $0x0;
	[sflag:s15] =	ssyncadd.s32 $0xFFFFE000  }
.LBB2_2:
0x3f: {  	s24 =	sshra.s32 s23, $0x2  }
0x40: {  	v16 =	vld [tilespmem:s24+$0x600]  }
0x41: {  	v17 =	vld [tilespmem:s24+$0x620]  }
0x42: {  	v18 =	vld [tilespmem:s24+$0x10600]  }
0x43: {  	v19 =	vld [tilespmem:s24+$0x10620]  }
0x44: {  	v20 =	vld [tilespmem:s24+$0x610]  }
0x45: {  	v21 =	vld [tilespmem:s24+$0x630]  }
0x46: {  	v22 =	vld [tilespmem:s24+$0x10610]  }
0x47: {  	v23 =	vld [tilespmem:s24+$0x10630];
	_ =	sdelay $0x1  }
0x48: {  	v24 =	vld [tilespmem:s24+$0x8600]  }
0x49: {  	v25 =	vld [tilespmem:s24+$0x8620];
	v26 =	vmul.f32 v18, v16;
	v27 =	vmul.f32 v19, v17  }
0x4a: {  	v45 =	vld [tilespmem:s24+$0x8610];
	v16 =	vmul.f32 v19, v16;
	v17 =	vmul.f32 v18, v17  }
0x4b: {  	v46 =	vld [tilespmem:s24+$0x8630];
	v28 =	vmul.f32 v22, v20;
	v29 =	vmul.f32 v23, v21  }
0x4c: {  	v20 =	vmul.f32 v23, v20;
	v21 =	vmul.f32 v22, v21  }
0x4d: {  	v47 =	vadd.f32 v27, v26;
	v16 =	vsub.f32 v16, v17  }
0x4e: {  	v17 =	vadd.f32 v29, v28;
	v20 =	vsub.f32 v20, v21  }
0x4f: {  	v48 =	vmul.f32 v47, v24;
	v16 =	vmul.f32 v16, v25  }
0x50: {  	v17 =	vmul.f32 v17, v45;
	v49 =	vmul.f32 v20, v46;
	_ =	sdelay $0x1  }
0x51: {  	v16 =	vadd.f32 v16, v48;
	v17 =	vadd.f32 v49, v17;
	_ =	sdelay $0x1  }
0x52: {  	v16 =	vadd.f32 v17, v16;
	_ =	sdelay $0x1  }
0x53: {  	[tilespmem:$0x18800] =	vst v16  }
0x54: {  	v16 =	vld [tilespmem:s24+$0x640]  }
0x55: {  	v17 =	vld [tilespmem:s24+$0x660]  }
0x56: {  	v50 =	vld [tilespmem:s24+$0x10640]  }
0x57: {  	v51 =	vld [tilespmem:s24+$0x10660]  }
0x58: {  	v52 =	vld [tilespmem:s24+$0x650]  }
0x59: {  	v53 =	vld [tilespmem:s24+$0x670]  }
0x5a: {  	v54 =	vld [tilespmem:s24+$0x10650]  }
0x5b: {  	v55 =	vld [tilespmem:s24+$0x10670];
	_ =	sdelay $0x1  }
0x5c: {  	v56 =	vld [tilespmem:s24+$0x8640]  }
0x5d: {  	v57 =	vld [tilespmem:s24+$0x8660];
	v58 =	vmul.f32 v50, v16;
	v59 =	vmul.f32 v51, v17  }
0x5e: {  	v60 =	vld [tilespmem:s24+$0x8650];
	v16 =	vmul.f32 v51, v16;
	v17 =	vmul.f32 v50, v17  }
0x5f: {  	v61 =	vld [tilespmem:s24+$0x8670];
	v62 =	vmul.f32 v54, v52;
	v63 =	vmul.f32 v55, v53  }
0x60: {  	v20 =	vmul.f32 v55, v52;
	v21 =	vmul.f32 v54, v53  }
0x61: {  	v30 =	vadd.f32 v59, v58;
	v16 =	vsub.f32 v16, v17  }
0x62: {  	v17 =	vadd.f32 v63, v62;
	v20 =	vsub.f32 v20, v21  }
0x63: {  	v31 =	vmul.f32 v30, v56;
	v16 =	vmul.f32 v16, v57  }
0x64: {  	v17 =	vmul.f32 v17, v60;
	v32 =	vmul.f32 v20, v61;
	_ =	sdelay $0x1  }
0x65: {  	v16 =	vadd.f32 v16, v31;
	v17 =	vadd.f32 v32, v17;
	_ =	sdelay $0x1  }
0x66: {  	v16 =	vadd.f32 v17, v16;
	_ =	sdelay $0x1  }
0x67: {  	[tilespmem:$0x18810] =	vst v16  }
0x68: {  	v16 =	vld [tilespmem:s24+$0x680]  }
0x69: {  	v17 =	vld [tilespmem:s24+$0x6A0]  }
0x6a: {  	v33 =	vld [tilespmem:s24+$0x10680]  }
0x6b: {  	v34 =	vld [tilespmem:s24+$0x106A0]  }
0x6c: {  	v35 =	vld [tilespmem:s24+$0x690]  }
0x6d: {  	v36 =	vld [tilespmem:s24+$0x6B0]  }
0x6e: {  	v37 =	vld [tilespmem:s24+$0x10690]  }
0x6f: {  	v38 =	vld [tilespmem:s24+$0x106B0];
	_ =	sdelay $0x1  }
0x70: {  	v39 =	vld [tilespmem:s24+$0x8680]  }
0x71: {  	v40 =	vld [tilespmem:s24+$0x86A0];
	v41 =	vmul.f32 v33, v16;
	v42 =	vmul.f32 v34, v17  }
0x72: {  	v43 =	vld [tilespmem:s24+$0x8690];
	v16 =	vmul.f32 v34, v16;
	v17 =	vmul.f32 v33, v17  }
0x73: {  	v44 =	vld [tilespmem:s24+$0x86B0];
	v45 =	vmul.f32 v37, v35;
	v46 =	vmul.f32 v38, v36  }
0x74: {  	v20 =	vmul.f32 v38, v35;
	v21 =	vmul.f32 v37, v36  }
0x75: {  	v47 =	vadd.f32 v42, v41;
	v16 =	vsub.f32 v16, v17  }
0x76: {  	v17 =	vadd.f32 v46, v45;
	v20 =	vsub.f32 v20, v21  }
0x77: {  	v48 =	vmul.f32 v47, v39;
	v16 =	vmul.f32 v16, v40  }
0x78: {  	v17 =	vmul.f32 v17, v43;
	v49 =	vmul.f32 v20, v44;
	_ =	sdelay $0x1  }
0x79: {  	v16 =	vadd.f32 v16, v48;
	v17 =	vadd.f32 v49, v17;
	_ =	sdelay $0x1  }
0x7a: {  	v16 =	vadd.f32 v17, v16;
	_ =	sdelay $0x1  }
0x7b: {  	[tilespmem:$0x18820] =	vst v16  }
0x7c: {  	v16 =	vld [tilespmem:s24+$0x6C0]  }
0x7d: {  	v17 =	vld [tilespmem:s24+$0x6E0]  }
0x7e: {  	v50 =	vld [tilespmem:s24+$0x106C0]  }
0x7f: {  	v51 =	vld [tilespmem:s24+$0x106E0]  }
0x80: {  	v52 =	vld [tilespmem:s24+$0x6D0]  }
0x81: {  	v53 =	vld [tilespmem:s24+$0x6F0]  }
0x82: {  	v54 =	vld [tilespmem:s24+$0x106D0]  }
0x83: {  	v55 =	vld [tilespmem:s24+$0x106F0];
	_ =	sdelay $0x1  }
0x84: {  	v56 =	vld [tilespmem:s24+$0x86C0]  }
0x85: {  	v57 =	vld [tilespmem:s24+$0x86E0];
	v58 =	vmul.f32 v50, v16;
	v59 =	vmul.f32 v51, v17  }
0x86: {  	v60 =	vld [tilespmem:s24+$0x86D0];
	v16 =	vmul.f32 v51, v16;
	v17 =	vmul.f32 v50, v17  }
0x87: {  	v61 =	vld [tilespmem:s24+$0x86F0];
	v62 =	vmul.f32 v54, v52;
	v63 =	vmul.f32 v55, v53  }
0x88: {  	v20 =	vmul.f32 v55, v52;
	v21 =	vmul.f32 v54, v53  }
0x89: {  	v30 =	vadd.f32 v59, v58;
	v16 =	vsub.f32 v16, v17  }
0x8a: {  	v17 =	vadd.f32 v63, v62;
	v20 =	vsub.f32 v20, v21  }
0x8b: {  	v31 =	vmul.f32 v30, v56;
	v16 =	vmul.f32 v16, v57  }
0x8c: {  	v17 =	vmul.f32 v17, v60;
	v32 =	vmul.f32 v20, v61;
	_ =	sdelay $0x1  }
0x8d: {  	v16 =	vadd.f32 v16, v31;
	v17 =	vadd.f32 v32, v17;
	_ =	sdelay $0x1  }
0x8e: {  	v16 =	vadd.f32 v17, v16;
	_ =	sdelay $0x1  }
0x8f: {  	[tilespmem:$0x18830] =	vst v16  }
0x90: {  	v16 =	vld [tilespmem:s24+$0x700]  }
0x91: {  	v17 =	vld [tilespmem:s24+$0x720]  }
0x92: {  	v33 =	vld [tilespmem:s24+$0x10700]  }
0x93: {  	v34 =	vld [tilespmem:s24+$0x10720]  }
0x94: {  	v35 =	vld [tilespmem:s24+$0x710]  }
0x95: {  	v36 =	vld [tilespmem:s24+$0x730]  }
0x96: {  	v37 =	vld [tilespmem:s24+$0x10710]  }
0x97: {  	v38 =	vld [tilespmem:s24+$0x10730];
	_ =	sdelay $0x1  }
0x98: {  	v39 =	vld [tilespmem:s24+$0x8700]  }
0x99: {  	v40 =	vld [tilespmem:s24+$0x8720];
	v41 =	vmul.f32 v33, v16;
	v42 =	vmul.f32 v34, v17  }
0x9a: {  	v43 =	vld [tilespmem:s24+$0x8710];
	v16 =	vmul.f32 v34, v16;
	v17 =	vmul.f32 v33, v17  }
0x9b: {  	v44 =	vld [tilespmem:s24+$0x8730];
	v45 =	vmul.f32 v37, v35;
	v46 =	vmul.f32 v38, v36  }
0x9c: {  	v20 =	vmul.f32 v38, v35;
	v21 =	vmul.f32 v37, v36  }
0x9d: {  	v47 =	vadd.f32 v42, v41;
	v16 =	vsub.f32 v16, v17  }
0x9e: {  	v17 =	vadd.f32 v46, v45;
	v20 =	vsub.f32 v20, v21  }
0x9f: {  	v48 =	vmul.f32 v47, v39;
	v16 =	vmul.f32 v16, v40  }
0xa0: {  	v17 =	vmul.f32 v17, v43;
	v49 =	vmul.f32 v20, v44;
	_ =	sdelay $0x1  }
0xa1: {  	v16 =	vadd.f32 v16, v48;
	v17 =	vadd.f32 v49, v17;
	_ =	sdelay $0x1  }
0xa2: {  	v16 =	vadd.f32 v17, v16;
	_ =	sdelay $0x1  }
0xa3: {  	[tilespmem:$0x18840] =	vst v16  }
0xa4: {  	v16 =	vld [tilespmem:s24+$0x740]  }
0xa5: {  	v17 =	vld [tilespmem:s24+$0x760]  }
0xa6: {  	v50 =	vld [tilespmem:s24+$0x10740]  }
0xa7: {  	v51 =	vld [tilespmem:s24+$0x10760]  }
0xa8: {  	v52 =	vld [tilespmem:s24+$0x750]  }
0xa9: {  	v53 =	vld [tilespmem:s24+$0x770]  }
0xaa: {  	v54 =	vld [tilespmem:s24+$0x10750]  }
0xab: {  	v55 =	vld [tilespmem:s24+$0x10770];
	_ =	sdelay $0x1  }
0xac: {  	v56 =	vld [tilespmem:s24+$0x8740]  }
0xad: {  	v57 =	vld [tilespmem:s24+$0x8760];
	v58 =	vmul.f32 v50, v16;
	v59 =	vmul.f32 v51, v17  }
0xae: {  	v60 =	vld [tilespmem:s24+$0x8750];
	v16 =	vmul.f32 v51, v16;
	v17 =	vmul.f32 v50, v17  }
0xaf: {  	v61 =	vld [tilespmem:s24+$0x8770];
	v62 =	vmul.f32 v54, v52;
	v63 =	vmul.f32 v55, v53  }
0xb0: {  	v20 =	vmul.f32 v55, v52;
	v21 =	vmul.f32 v54, v53  }
0xb1: {  	v31 =	vadd.f32 v59, v58;
	v16 =	vsub.f32 v16, v17  }
0xb2: {  	v17 =	vadd.f32 v63, v62;
	v20 =	vsub.f32 v20, v21  }
0xb3: {  	v32 =	vmul.f32 v31, v56;
	v16 =	vmul.f32 v16, v57  }
0xb4: {  	v17 =	vmul.f32 v17, v60;
	v33 =	vmul.f32 v20, v61;
	_ =	sdelay $0x1  }
0xb5: {  	v16 =	vadd.f32 v16, v32;
	v17 =	vadd.f32 v33, v17;
	_ =	sdelay $0x1  }
0xb6: {  	v16 =	vadd.f32 v17, v16;
	_ =	sdelay $0x1  }
0xb7: {  	[tilespmem:$0x18850] =	vst v16  }
0xb8: {  	v16 =	vld [tilespmem:s24+$0x780]  }
0xb9: {  	v17 =	vld [tilespmem:s24+$0x7A0]  }
0xba: {  	v34 =	vld [tilespmem:s24+$0x10780]  }
0xbb: {  	v35 =	vld [tilespmem:s24+$0x107A0]  }
0xbc: {  	v36 =	vld [tilespmem:s24+$0x790]  }
0xbd: {  	v37 =	vld [tilespmem:s24+$0x7B0]  }
0xbe: {  	v38 =	vld [tilespmem:s24+$0x10790]  }
0xbf: {  	v39 =	vld [tilespmem:s24+$0x107B0];
	_ =	sdelay $0x1  }
0xc0: {  	v40 =	vld [tilespmem:s24+$0x8780]  }
0xc1: {  	v41 =	vld [tilespmem:s24+$0x87A0];
	v42 =	vmul.f32 v34, v16;
	v43 =	vmul.f32 v35, v17  }
0xc2: {  	v44 =	vld [tilespmem:s24+$0x8790];
	v16 =	vmul.f32 v35, v16;
	v17 =	vmul.f32 v34, v17  }
0xc3: {  	v45 =	vld [tilespmem:s24+$0x87B0];
	v46 =	vmul.f32 v38, v36;
	v47 =	vmul.f32 v39, v37  }
0xc4: {  	v20 =	vmul.f32 v39, v36;
	v21 =	vmul.f32 v38, v37  }
0xc5: {  	v48 =	vadd.f32 v43, v42;
	v16 =	vsub.f32 v16, v17  }
0xc6: {  	v17 =	vadd.f32 v47, v46;
	v20 =	vsub.f32 v20, v21  }
0xc7: {  	v49 =	vmul.f32 v48, v40;
	v16 =	vmul.f32 v16, v41  }
0xc8: {  	v17 =	vmul.f32 v17, v44;
	v50 =	vmul.f32 v20, v45;
	_ =	sdelay $0x1  }
0xc9: {  	v16 =	vadd.f32 v16, v49;
	v17 =	vadd.f32 v50, v17;
	_ =	sdelay $0x1  }
0xca: {  	v16 =	vadd.f32 v17, v16;
	_ =	sdelay $0x1  }
0xcb: {  	[tilespmem:$0x18860] =	vst v16  }
0xcc: {  	v16 =	vld [tilespmem:s24+$0x7C0]  }
0xcd: {  	v17 =	vld [tilespmem:s24+$0x7E0]  }
0xce: {  	v51 =	vld [tilespmem:s24+$0x107C0]  }
0xcf: {  	v52 =	vld [tilespmem:s24+$0x107E0]  }
0xd0: {  	v53 =	vld [tilespmem:s24+$0x7D0]  }
0xd1: {  	v54 =	vld [tilespmem:s24+$0x7F0]  }
0xd2: {  	v55 =	vld [tilespmem:s24+$0x107D0]  }
0xd3: {  	v56 =	vld [tilespmem:s24+$0x107F0];
	_ =	sdelay $0x1  }
0xd4: {  	v57 =	vld [tilespmem:s24+$0x87C0]  }
0xd5: {  	v58 =	vld [tilespmem:s24+$0x87E0];
	v59 =	vmul.f32 v51, v16;
	v60 =	vmul.f32 v52, v17  }
0xd6: {  	v61 =	vld [tilespmem:s24+$0x87D0];
	v16 =	vmul.f32 v52, v16;
	v17 =	vmul.f32 v51, v17  }
0xd7: {  	v62 =	vld [tilespmem:s24+$0x87F0];
	v63 =	vmul.f32 v55, v53;
	v32 =	vmul.f32 v56, v54  }
0xd8: {  	v20 =	vmul.f32 v56, v53;
	v21 =	vmul.f32 v55, v54  }
0xd9: {  	v33 =	vadd.f32 v60, v59;
	v16 =	vsub.f32 v16, v17  }
0xda: {  	v17 =	vadd.f32 v32, v63;
	v20 =	vsub.f32 v20, v21  }
0xdb: {  	v34 =	vmul.f32 v33, v57;
	v16 =	vmul.f32 v16, v58  }
0xdc: {  	v17 =	vmul.f32 v17, v61;
	v35 =	vmul.f32 v20, v62;
	_ =	sdelay $0x1  }
0xdd: {  	v16 =	vadd.f32 v16, v34;
	v17 =	vadd.f32 v35, v17;
	_ =	sdelay $0x1  }
0xde: {  	v16 =	vadd.f32 v17, v16;
	_ =	sdelay $0x1  }
0xdf: {  	[tilespmem:$0x18870] =	vst v16  }
0xe0: {  	v16 =	vld [tilespmem:s24+$0x800]  }
0xe1: {  	v17 =	vld [tilespmem:s24+$0x820]  }
0xe2: {  	v36 =	vld [tilespmem:s24+$0x10800]  }
0xe3: {  	v37 =	vld [tilespmem:s24+$0x10820]  }
0xe4: {  	v38 =	vld [tilespmem:s24+$0x810]  }
0xe5: {  	v39 =	vld [tilespmem:s24+$0x830]  }
0xe6: {  	v40 =	vld [tilespmem:s24+$0x10810]  }
0xe7: {  	v41 =	vld [tilespmem:s24+$0x10830];
	_ =	sdelay $0x1  }
0xe8: {  	v42 =	vld [tilespmem:s24+$0x8800]  }
0xe9: {  	v43 =	vld [tilespmem:s24+$0x8820];
	v44 =	vmul.f32 v36, v16;
	v45 =	vmul.f32 v37, v17  }
0xea: {  	v46 =	vld [tilespmem:s24+$0x8810];
	v16 =	vmul.f32 v37, v16;
	v17 =	vmul.f32 v36, v17  }
0xeb: {  	v47 =	vld [tilespmem:s24+$0x8830];
	v48 =	vmul.f32 v40, v38;
	v49 =	vmul.f32 v41, v39  }
0xec: {  	v20 =	vmul.f32 v41, v38;
	v21 =	vmul.f32 v40, v39  }
0xed: {  	v50 =	vadd.f32 v45, v44;
	v16 =	vsub.f32 v16, v17  }
0xee: {  	v17 =	vadd.f32 v49, v48;
	v20 =	vsub.f32 v20, v21  }
0xef: {  	v51 =	vmul.f32 v50, v42;
	v16 =	vmul.f32 v16, v43  }
0xf0: {  	v17 =	vmul.f32 v17, v46;
	v52 =	vmul.f32 v20, v47;
	_ =	sdelay $0x1  }
0xf1: {  	v16 =	vadd.f32 v16, v51;
	v17 =	vadd.f32 v52, v17;
	_ =	sdelay $0x1  }
0xf2: {  	v16 =	vadd.f32 v17, v16;
	_ =	sdelay $0x1  }
0xf3: {  	[tilespmem:$0x18880] =	vst v16  }
0xf4: {  	v16 =	vld [tilespmem:s24+$0x840]  }
0xf5: {  	v17 =	vld [tilespmem:s24+$0x860]  }
0xf6: {  	v53 =	vld [tilespmem:s24+$0x10840]  }
0xf7: {  	v54 =	vld [tilespmem:s24+$0x10860]  }
0xf8: {  	v55 =	vld [tilespmem:s24+$0x850]  }
0xf9: {  	v56 =	vld [tilespmem:s24+$0x870]  }
0xfa: {  	v57 =	vld [tilespmem:s24+$0x10850]  }
0xfb: {  	v58 =	vld [tilespmem:s24+$0x10870];
	_ =	sdelay $0x1  }
0xfc: {  	v59 =	vld [tilespmem:s24+$0x8840]  }
0xfd: {  	v60 =	vld [tilespmem:s24+$0x8860];
	v61 =	vmul.f32 v53, v16;
	v62 =	vmul.f32 v54, v17  }
0xfe: {  	v63 =	vld [tilespmem:s24+$0x8850];
	v16 =	vmul.f32 v54, v16;
	v17 =	vmul.f32 v53, v17  }
0xff: {  	v32 =	vld [tilespmem:s24+$0x8870];
	v33 =	vmul.f32 v57, v55;
	v34 =	vmul.f32 v58, v56  }
0x100: {  	v20 =	vmul.f32 v58, v55;
	v21 =	vmul.f32 v57, v56  }
0x101: {  	v35 =	vadd.f32 v62, v61;
	v16 =	vsub.f32 v16, v17  }
0x102: {  	v17 =	vadd.f32 v34, v33;
	v20 =	vsub.f32 v20, v21  }
0x103: {  	v36 =	vmul.f32 v35, v59;
	v16 =	vmul.f32 v16, v60  }
0x104: {  	v17 =	vmul.f32 v17, v63;
	v37 =	vmul.f32 v20, v32;
	_ =	sdelay $0x1  }
0x105: {  	v16 =	vadd.f32 v16, v36;
	v17 =	vadd.f32 v37, v17;
	_ =	sdelay $0x1  }
0x106: {  	v16 =	vadd.f32 v17, v16;
	_ =	sdelay $0x1  }
0x107: {  	[tilespmem:$0x18890] =	vst v16  }
0x108: {  	v16 =	vld [tilespmem:s24+$0x880]  }
0x109: {  	v17 =	vld [tilespmem:s24+$0x8A0]  }
0x10a: {  	v38 =	vld [tilespmem:s24+$0x10880]  }
0x10b: {  	v39 =	vld [tilespmem:s24+$0x108A0]  }
0x10c: {  	v40 =	vld [tilespmem:s24+$0x890]  }
0x10d: {  	v41 =	vld [tilespmem:s24+$0x8B0]  }
0x10e: {  	v42 =	vld [tilespmem:s24+$0x10890]  }
0x10f: {  	v43 =	vld [tilespmem:s24+$0x108B0];
	_ =	sdelay $0x1  }
0x110: {  	v44 =	vld [tilespmem:s24+$0x8880]  }
0x111: {  	v45 =	vld [tilespmem:s24+$0x88A0];
	v46 =	vmul.f32 v38, v16;
	v47 =	vmul.f32 v39, v17  }
0x112: {  	v48 =	vld [tilespmem:s24+$0x8890];
	v16 =	vmul.f32 v39, v16;
	v17 =	vmul.f32 v38, v17  }
0x113: {  	v49 =	vld [tilespmem:s24+$0x88B0];
	v50 =	vmul.f32 v42, v40;
	v51 =	vmul.f32 v43, v41  }
0x114: {  	v20 =	vmul.f32 v43, v40;
	v21 =	vmul.f32 v42, v41  }
0x115: {  	v52 =	vadd.f32 v47, v46;
	v16 =	vsub.f32 v16, v17  }
0x116: {  	v17 =	vadd.f32 v51, v50;
	v20 =	vsub.f32 v20, v21  }
0x117: {  	v53 =	vmul.f32 v52, v44;
	v16 =	vmul.f32 v16, v45  }
0x118: {  	v17 =	vmul.f32 v17, v48;
	v54 =	vmul.f32 v20, v49;
	_ =	sdelay $0x1  }
0x119: {  	v16 =	vadd.f32 v16, v53;
	v17 =	vadd.f32 v54, v17;
	_ =	sdelay $0x1  }
0x11a: {  	v16 =	vadd.f32 v17, v16;
	_ =	sdelay $0x1  }
0x11b: {  	[tilespmem:$0x188A0] =	vst v16  }
0x11c: {  	v16 =	vld [tilespmem:s24+$0x8C0]  }
0x11d: {  	v17 =	vld [tilespmem:s24+$0x8E0]  }
0x11e: {  	v55 =	vld [tilespmem:s24+$0x108C0]  }
0x11f: {  	v56 =	vld [tilespmem:s24+$0x108E0]  }
0x120: {  	v57 =	vld [tilespmem:s24+$0x8D0]  }
0x121: {  	v58 =	vld [tilespmem:s24+$0x8F0]  }
0x122: {  	v59 =	vld [tilespmem:s24+$0x108D0]  }
0x123: {  	v60 =	vld [tilespmem:s24+$0x108F0];
	_ =	sdelay $0x1  }
0x124: {  	v61 =	vld [tilespmem:s24+$0x88C0]  }
0x125: {  	v62 =	vld [tilespmem:s24+$0x88E0];
	v63 =	vmul.f32 v55, v16;
	v32 =	vmul.f32 v56, v17  }
0x126: {  	v33 =	vld [tilespmem:s24+$0x88D0];
	v16 =	vmul.f32 v56, v16;
	v17 =	vmul.f32 v55, v17  }
0x127: {  	v34 =	vld [tilespmem:s24+$0x88F0];
	v35 =	vmul.f32 v59, v57;
	v36 =	vmul.f32 v60, v58  }
0x128: {  	v20 =	vmul.f32 v60, v57;
	v21 =	vmul.f32 v59, v58  }
0x129: {  	v37 =	vadd.f32 v32, v63;
	v16 =	vsub.f32 v16, v17  }
0x12a: {  	v17 =	vadd.f32 v36, v35;
	v20 =	vsub.f32 v20, v21  }
0x12b: {  	v38 =	vmul.f32 v37, v61;
	v16 =	vmul.f32 v16, v62  }
0x12c: {  	v17 =	vmul.f32 v17, v33;
	v39 =	vmul.f32 v20, v34;
	_ =	sdelay $0x1  }
0x12d: {  	v16 =	vadd.f32 v16, v38;
	v17 =	vadd.f32 v39, v17;
	_ =	sdelay $0x1  }
0x12e: {  	v16 =	vadd.f32 v17, v16;
	_ =	sdelay $0x1  }
0x12f: {  	[tilespmem:$0x188B0] =	vst v16  }
0x130: {  	v16 =	vld [tilespmem:s24+$0x900]  }
0x131: {  	v17 =	vld [tilespmem:s24+$0x920]  }
0x132: {  	v40 =	vld [tilespmem:s24+$0x10900]  }
0x133: {  	v41 =	vld [tilespmem:s24+$0x10920]  }
0x134: {  	v42 =	vld [tilespmem:s24+$0x910]  }
0x135: {  	v43 =	vld [tilespmem:s24+$0x930]  }
0x136: {  	v44 =	vld [tilespmem:s24+$0x10910]  }
0x137: {  	v45 =	vld [tilespmem:s24+$0x10930];
	_ =	sdelay $0x1  }
0x138: {  	v46 =	vld [tilespmem:s24+$0x8900]  }
0x139: {  	v47 =	vld [tilespmem:s24+$0x8920];
	v48 =	vmul.f32 v40, v16;
	v49 =	vmul.f32 v41, v17  }
0x13a: {  	v50 =	vld [tilespmem:s24+$0x8910];
	v16 =	vmul.f32 v41, v16;
	v17 =	vmul.f32 v40, v17  }
0x13b: {  	v51 =	vld [tilespmem:s24+$0x8930];
	v52 =	vmul.f32 v44, v42;
	v53 =	vmul.f32 v45, v43  }
0x13c: {  	v20 =	vmul.f32 v45, v42;
	v21 =	vmul.f32 v44, v43  }
0x13d: {  	v54 =	vadd.f32 v49, v48;
	v16 =	vsub.f32 v16, v17  }
0x13e: {  	v17 =	vadd.f32 v53, v52;
	v20 =	vsub.f32 v20, v21  }
0x13f: {  	v55 =	vmul.f32 v54, v46;
	v16 =	vmul.f32 v16, v47  }
0x140: {  	v17 =	vmul.f32 v17, v50;
	v56 =	vmul.f32 v20, v51;
	_ =	sdelay $0x1  }
0x141: {  	v16 =	vadd.f32 v16, v55;
	v17 =	vadd.f32 v56, v17;
	_ =	sdelay $0x1  }
0x142: {  	v16 =	vadd.f32 v17, v16;
	_ =	sdelay $0x1  }
0x143: {  	[tilespmem:$0x188C0] =	vst v16  }
0x144: {  	v16 =	vld [tilespmem:s24+$0x940]  }
0x145: {  	v17 =	vld [tilespmem:s24+$0x960]  }
0x146: {  	v57 =	vld [tilespmem:s24+$0x10940]  }
0x147: {  	v58 =	vld [tilespmem:s24+$0x10960]  }
0x148: {  	v59 =	vld [tilespmem:s24+$0x950]  }
0x149: {  	v60 =	vld [tilespmem:s24+$0x970]  }
0x14a: {  	v61 =	vld [tilespmem:s24+$0x10950]  }
0x14b: {  	v62 =	vld [tilespmem:s24+$0x10970];
	_ =	sdelay $0x1  }
0x14c: {  	v63 =	vld [tilespmem:s24+$0x8940]  }
0x14d: {  	v32 =	vld [tilespmem:s24+$0x8960];
	v33 =	vmul.f32 v57, v16;
	v34 =	vmul.f32 v58, v17  }
0x14e: {  	v35 =	vld [tilespmem:s24+$0x8950];
	v16 =	vmul.f32 v58, v16;
	v17 =	vmul.f32 v57, v17  }
0x14f: {  	v36 =	vld [tilespmem:s24+$0x8970];
	v37 =	vmul.f32 v61, v59;
	v38 =	vmul.f32 v62, v60  }
0x150: {  	v20 =	vmul.f32 v62, v59;
	v21 =	vmul.f32 v61, v60  }
0x151: {  	v39 =	vadd.f32 v34, v33;
	v16 =	vsub.f32 v16, v17  }
0x152: {  	v17 =	vadd.f32 v38, v37;
	v20 =	vsub.f32 v20, v21  }
0x153: {  	v40 =	vmul.f32 v39, v63;
	v16 =	vmul.f32 v16, v32  }
0x154: {  	v17 =	vmul.f32 v17, v35;
	v41 =	vmul.f32 v20, v36;
	_ =	sdelay $0x1  }
0x155: {  	v16 =	vadd.f32 v16, v40;
	v17 =	vadd.f32 v41, v17;
	_ =	sdelay $0x1  }
0x156: {  	v16 =	vadd.f32 v17, v16;
	_ =	sdelay $0x1  }
0x157: {  	[tilespmem:$0x188D0] =	vst v16  }
0x158: {  	v16 =	vld [tilespmem:s24+$0x980]  }
0x159: {  	v17 =	vld [tilespmem:s24+$0x9A0]  }
0x15a: {  	v42 =	vld [tilespmem:s24+$0x10980]  }
0x15b: {  	v43 =	vld [tilespmem:s24+$0x109A0]  }
0x15c: {  	v44 =	vld [tilespmem:s24+$0x990]  }
0x15d: {  	v45 =	vld [tilespmem:s24+$0x9B0]  }
0x15e: {  	v46 =	vld [tilespmem:s24+$0x10990]  }
0x15f: {  	v47 =	vld [tilespmem:s24+$0x109B0];
	_ =	sdelay $0x1  }
0x160: {  	v48 =	vld [tilespmem:s24+$0x8980]  }
0x161: {  	v49 =	vld [tilespmem:s24+$0x89A0];
	v50 =	vmul.f32 v42, v16;
	v51 =	vmul.f32 v43, v17  }
0x162: {  	v52 =	vld [tilespmem:s24+$0x8990];
	v16 =	vmul.f32 v43, v16;
	v17 =	vmul.f32 v42, v17  }
0x163: {  	v53 =	vld [tilespmem:s24+$0x89B0];
	v54 =	vmul.f32 v46, v44;
	v55 =	vmul.f32 v47, v45  }
0x164: {  	v20 =	vmul.f32 v47, v44;
	v21 =	vmul.f32 v46, v45  }
0x165: {  	v56 =	vadd.f32 v51, v50;
	v16 =	vsub.f32 v16, v17  }
0x166: {  	v17 =	vadd.f32 v55, v54;
	v20 =	vsub.f32 v20, v21  }
0x167: {  	v57 =	vmul.f32 v56, v48;
	v16 =	vmul.f32 v16, v49  }
0x168: {  	v17 =	vmul.f32 v17, v52;
	v58 =	vmul.f32 v20, v53;
	_ =	sdelay $0x1  }
0x169: {  	v16 =	vadd.f32 v16, v57;
	v17 =	vadd.f32 v58, v17;
	_ =	sdelay $0x1  }
0x16a: {  	v16 =	vadd.f32 v17, v16;
	_ =	sdelay $0x1  }
0x16b: {  	[tilespmem:$0x188E0] =	vst v16  }
0x16c: {  	v16 =	vld [tilespmem:s24+$0x9C0]  }
0x16d: {  	v17 =	vld [tilespmem:s24+$0x9E0]  }
0x16e: {  	v59 =	vld [tilespmem:s24+$0x109C0]  }
0x16f: {  	v60 =	vld [tilespmem:s24+$0x109E0]  }
0x170: {  	v61 =	vld [tilespmem:s24+$0x9D0]  }
0x171: {  	v62 =	vld [tilespmem:s24+$0x9F0]  }
0x172: {  	v63 =	vld [tilespmem:s24+$0x109D0]  }
0x173: {  	v32 =	vld [tilespmem:s24+$0x109F0];
	_ =	sdelay $0x1  }
0x174: {  	v33 =	vld [tilespmem:s24+$0x89C0]  }
0x175: {  	v34 =	vld [tilespmem:s24+$0x89E0];
	v35 =	vmul.f32 v59, v16;
	v36 =	vmul.f32 v60, v17  }
0x176: {  	v37 =	vld [tilespmem:s24+$0x89D0];
	v16 =	vmul.f32 v60, v16;
	v17 =	vmul.f32 v59, v17  }
0x177: {  	v38 =	vld [tilespmem:s24+$0x89F0];
	v39 =	vmul.f32 v63, v61;
	v40 =	vmul.f32 v32, v62  }
0x178: {  	v20 =	vmul.f32 v32, v61;
	v21 =	vmul.f32 v63, v62  }
0x179: {  	v41 =	vadd.f32 v36, v35;
	v16 =	vsub.f32 v16, v17  }
0x17a: {  	v17 =	vadd.f32 v40, v39;
	v20 =	vsub.f32 v20, v21  }
0x17b: {  	v42 =	vmul.f32 v41, v33;
	v16 =	vmul.f32 v16, v34  }
0x17c: {  	v17 =	vmul.f32 v17, v37;
	v43 =	vmul.f32 v20, v38;
	_ =	sdelay $0x1  }
0x17d: {  	v16 =	vadd.f32 v16, v42;
	v17 =	vadd.f32 v43, v17;
	_ =	sdelay $0x1  }
0x17e: {  	v16 =	vadd.f32 v17, v16;
	_ =	sdelay $0x1  }
0x17f: {  	[tilespmem:$0x188F0] =	vst v16  }
0x180: {  	v16 =	vld.idx.msk [tilespmem:v0+s16+$0x0], $0xffff  }
0x181: {  	v17 =	vld.idx.msk [tilespmem:v1+s16+$0x0], $0xffff  }
0x182: {  	v44 =	vld.idx.msk [tilespmem:v2+s16+$0x0], $0xffff  }
0x183: {  	v45 =	vld.idx.msk [tilespmem:v3+s16+$0x0], $0xffff  }
0x184: {  	v46 =	vld.idx.msk [tilespmem:v4+s16+$0x0], $0xffff  }
0x185: {  	v47 =	vld.idx.msk [tilespmem:v5+s16+$0x0], $0xffff  }
0x186: {  	v48 =	vld.idx.msk [tilespmem:v6+s16+$0x0], $0xffff  }
0x187: {  	v49 =	vld.idx.msk [tilespmem:v7+s16+$0x0], $0xffff  }
0x188: {  	v50 =	vld.idx.msk [tilespmem:v8+s16+$0x0], $0xffff  }
0x189: {  	v51 =	vld.idx.msk [tilespmem:v9+s16+$0x0], $0xffff  }
0x18a: {  	v52 =	vld.idx.msk [tilespmem:v10+s16+$0x0], $0xffff  }
0x18b: {  	v53 =	vld.idx.msk [tilespmem:v11+s16+$0x0], $0xffff  }
0x18c: {  	v54 =	vld.idx.msk [tilespmem:v12+s16+$0x0], $0xffff  }
0x18d: {  	v55 =	vld.idx.msk [tilespmem:v13+s16+$0x0], $0xffff  }
0x18e: {  	v30 =	vld.idx.msk [tilespmem:v14+s16+$0x0], $0xffff  }
0x18f: {  	v31 =	vld.idx.msk [tilespmem:v15+s16+$0x0], $0xffff;
	_ =	sdelay $0x1  }
0x190: {  	v16 =	vadd.f32 v17, v16;
	v17 =	vadd.f32 v45, v44  }
0x191: {  	v56 =	vadd.f32 v47, v46;
	v57 =	vadd.f32 v49, v48  }
0x192: {  	v58 =	vadd.f32 v51, v50;
	v59 =	vadd.f32 v53, v52  }
0x193: {  	v60 =	vadd.f32 v55, v54;
	v61 =	vadd.f32 v31, v30  }
0x194: {  	v16 =	vadd.f32 v17, v16;
	v17 =	vadd.f32 v57, v56  }
0x195: {  	v62 =	vadd.f32 v59, v58;
	v63 =	vadd.f32 v61, v60  }
0x196: {  	p0 =	sne.s32 s23, $0x7000  }
.Ltmp0:
0x197: {  	v16 =	vadd.f32 v17, v16;
	v17 =	vadd.f32 v63, v62;
	(pc) =	sbr.rel @p0 .LBB2_2-.Ltmp0, $3  }
0x198: {  	_ = 	snop  }
0x199: {  	v16 =	vadd.f32 v17, v16;
	_ =	sdelay $0x1  }
0x19a: {  	s23 =	sadd.s32 $0x1000, s23;
	[tilespmem:s22+$0x0] =	vst v16;
	s22 =	sadd.s32 $0x10, s22  }
0x19b: {  	_ =	swait.ge [sflag:s17], $0x2000  }
0x19c: {  	[sflag:s17] =	ssyncset.done $0x0  }
0x19d: {  	[sflag:s17] =	ssyncadd.s32 $0xFFFFE000  }
0x19e: {  	_ =	swait.ge [sflag:s17], $0x2000  }
0x19f: {  	[sflag:s17] =	ssyncset.done $0x0  }
0x1a0: {  	[sflag:s17] =	ssyncadd.s32 $0xFFFFE000  }
0x1a1: {  	_ =	swait.ge [sflag:s17], $0x2000  }
0x1a2: {  	[sflag:s17] =	ssyncset.done $0x0  }
0x1a3: {  	s22 =	simm.s32 $0x0;
	s23 =	simm.s32 $0x18680;
	[sflag:s17] =	ssyncadd.s32 $0xFFFFE000  }
.LBB2_4:
0x1a4: {  	s24 =	sshra.s32 s22, $0x2  }
0x1a5: {  	v16 =	vld [tilespmem:s24+$0x2600]  }
0x1a6: {  	v17 =	vld [tilespmem:s24+$0x2620]  }
0x1a7: {  	v18 =	vld [tilespmem:s24+$0x12600]  }
0x1a8: {  	v19 =	vld [tilespmem:s24+$0x12620]  }
0x1a9: {  	v20 =	vld [tilespmem:s24+$0x2610]  }
0x1aa: {  	v21 =	vld [tilespmem:s24+$0x2630]  }
0x1ab: {  	v22 =	vld [tilespmem:s24+$0x12610]  }
0x1ac: {  	v23 =	vld [tilespmem:s24+$0x12630];
	_ =	sdelay $0x1  }
0x1ad: {  	v24 =	vld [tilespmem:s24+$0xA600]  }
0x1ae: {  	v25 =	vld [tilespmem:s24+$0xA620];
	v26 =	vmul.f32 v18, v16;
	v27 =	vmul.f32 v19, v17  }
0x1af: {  	v45 =	vld [tilespmem:s24+$0xA610];
	v16 =	vmul.f32 v19, v16;
	v17 =	vmul.f32 v18, v17  }
0x1b0: {  	v46 =	vld [tilespmem:s24+$0xA630];
	v28 =	vmul.f32 v22, v20;
	v29 =	vmul.f32 v23, v21  }
0x1b1: {  	v20 =	vmul.f32 v23, v20;
	v21 =	vmul.f32 v22, v21  }
0x1b2: {  	v47 =	vadd.f32 v27, v26;
	v16 =	vsub.f32 v16, v17  }
0x1b3: {  	v17 =	vadd.f32 v29, v28;
	v20 =	vsub.f32 v20, v21  }
0x1b4: {  	v48 =	vmul.f32 v47, v24;
	v16 =	vmul.f32 v16, v25  }
0x1b5: {  	v17 =	vmul.f32 v17, v45;
	v49 =	vmul.f32 v20, v46;
	_ =	sdelay $0x1  }
0x1b6: {  	v16 =	vadd.f32 v16, v48;
	v17 =	vadd.f32 v49, v17;
	_ =	sdelay $0x1  }
0x1b7: {  	v16 =	vadd.f32 v17, v16;
	_ =	sdelay $0x1  }
0x1b8: {  	[tilespmem:$0x18800] =	vst v16  }
0x1b9: {  	v16 =	vld [tilespmem:s24+$0x2640]  }
0x1ba: {  	v17 =	vld [tilespmem:s24+$0x2660]  }
0x1bb: {  	v50 =	vld [tilespmem:s24+$0x12640]  }
0x1bc: {  	v51 =	vld [tilespmem:s24+$0x12660]  }
0x1bd: {  	v52 =	vld [tilespmem:s24+$0x2650]  }
0x1be: {  	v53 =	vld [tilespmem:s24+$0x2670]  }
0x1bf: {  	v54 =	vld [tilespmem:s24+$0x12650]  }
0x1c0: {  	v55 =	vld [tilespmem:s24+$0x12670];
	_ =	sdelay $0x1  }
0x1c1: {  	v56 =	vld [tilespmem:s24+$0xA640]  }
0x1c2: {  	v57 =	vld [tilespmem:s24+$0xA660];
	v58 =	vmul.f32 v50, v16;
	v59 =	vmul.f32 v51, v17  }
0x1c3: {  	v60 =	vld [tilespmem:s24+$0xA650];
	v16 =	vmul.f32 v51, v16;
	v17 =	vmul.f32 v50, v17  }
0x1c4: {  	v61 =	vld [tilespmem:s24+$0xA670];
	v62 =	vmul.f32 v54, v52;
	v63 =	vmul.f32 v55, v53  }
0x1c5: {  	v20 =	vmul.f32 v55, v52;
	v21 =	vmul.f32 v54, v53  }
0x1c6: {  	v30 =	vadd.f32 v59, v58;
	v16 =	vsub.f32 v16, v17  }
0x1c7: {  	v17 =	vadd.f32 v63, v62;
	v20 =	vsub.f32 v20, v21  }
0x1c8: {  	v31 =	vmul.f32 v30, v56;
	v16 =	vmul.f32 v16, v57  }
0x1c9: {  	v17 =	vmul.f32 v17, v60;
	v32 =	vmul.f32 v20, v61;
	_ =	sdelay $0x1  }
0x1ca: {  	v16 =	vadd.f32 v16, v31;
	v17 =	vadd.f32 v32, v17;
	_ =	sdelay $0x1  }
0x1cb: {  	v16 =	vadd.f32 v17, v16;
	_ =	sdelay $0x1  }
0x1cc: {  	[tilespmem:$0x18810] =	vst v16  }
0x1cd: {  	v16 =	vld [tilespmem:s24+$0x2680]  }
0x1ce: {  	v17 =	vld [tilespmem:s24+$0x26A0]  }
0x1cf: {  	v33 =	vld [tilespmem:s24+$0x12680]  }
0x1d0: {  	v34 =	vld [tilespmem:s24+$0x126A0]  }
0x1d1: {  	v35 =	vld [tilespmem:s24+$0x2690]  }
0x1d2: {  	v36 =	vld [tilespmem:s24+$0x26B0]  }
0x1d3: {  	v37 =	vld [tilespmem:s24+$0x12690]  }
0x1d4: {  	v38 =	vld [tilespmem:s24+$0x126B0];
	_ =	sdelay $0x1  }
0x1d5: {  	v39 =	vld [tilespmem:s24+$0xA680]  }
0x1d6: {  	v40 =	vld [tilespmem:s24+$0xA6A0];
	v41 =	vmul.f32 v33, v16;
	v42 =	vmul.f32 v34, v17  }
0x1d7: {  	v43 =	vld [tilespmem:s24+$0xA690];
	v16 =	vmul.f32 v34, v16;
	v17 =	vmul.f32 v33, v17  }
0x1d8: {  	v44 =	vld [tilespmem:s24+$0xA6B0];
	v45 =	vmul.f32 v37, v35;
	v46 =	vmul.f32 v38, v36  }
0x1d9: {  	v20 =	vmul.f32 v38, v35;
	v21 =	vmul.f32 v37, v36  }
0x1da: {  	v47 =	vadd.f32 v42, v41;
	v16 =	vsub.f32 v16, v17  }
0x1db: {  	v17 =	vadd.f32 v46, v45;
	v20 =	vsub.f32 v20, v21  }
0x1dc: {  	v48 =	vmul.f32 v47, v39;
	v16 =	vmul.f32 v16, v40  }
0x1dd: {  	v17 =	vmul.f32 v17, v43;
	v49 =	vmul.f32 v20, v44;
	_ =	sdelay $0x1  }
0x1de: {  	v16 =	vadd.f32 v16, v48;
	v17 =	vadd.f32 v49, v17;
	_ =	sdelay $0x1  }
0x1df: {  	v16 =	vadd.f32 v17, v16;
	_ =	sdelay $0x1  }
0x1e0: {  	[tilespmem:$0x18820] =	vst v16  }
0x1e1: {  	v16 =	vld [tilespmem:s24+$0x26C0]  }
0x1e2: {  	v17 =	vld [tilespmem:s24+$0x26E0]  }
0x1e3: {  	v50 =	vld [tilespmem:s24+$0x126C0]  }
0x1e4: {  	v51 =	vld [tilespmem:s24+$0x126E0]  }
0x1e5: {  	v52 =	vld [tilespmem:s24+$0x26D0]  }
0x1e6: {  	v53 =	vld [tilespmem:s24+$0x26F0]  }
0x1e7: {  	v54 =	vld [tilespmem:s24+$0x126D0]  }
0x1e8: {  	v55 =	vld [tilespmem:s24+$0x126F0];
	_ =	sdelay $0x1  }
0x1e9: {  	v56 =	vld [tilespmem:s24+$0xA6C0]  }
0x1ea: {  	v57 =	vld [tilespmem:s24+$0xA6E0];
	v58 =	vmul.f32 v50, v16;
	v59 =	vmul.f32 v51, v17  }
0x1eb: {  	v60 =	vld [tilespmem:s24+$0xA6D0];
	v16 =	vmul.f32 v51, v16;
	v17 =	vmul.f32 v50, v17  }
0x1ec: {  	v61 =	vld [tilespmem:s24+$0xA6F0];
	v62 =	vmul.f32 v54, v52;
	v63 =	vmul.f32 v55, v53  }
0x1ed: {  	v20 =	vmul.f32 v55, v52;
	v21 =	vmul.f32 v54, v53  }
0x1ee: {  	v30 =	vadd.f32 v59, v58;
	v16 =	vsub.f32 v16, v17  }
0x1ef: {  	v17 =	vadd.f32 v63, v62;
	v20 =	vsub.f32 v20, v21  }
0x1f0: {  	v31 =	vmul.f32 v30, v56;
	v16 =	vmul.f32 v16, v57  }
0x1f1: {  	v17 =	vmul.f32 v17, v60;
	v32 =	vmul.f32 v20, v61;
	_ =	sdelay $0x1  }
0x1f2: {  	v16 =	vadd.f32 v16, v31;
	v17 =	vadd.f32 v32, v17;
	_ =	sdelay $0x1  }
0x1f3: {  	v16 =	vadd.f32 v17, v16;
	_ =	sdelay $0x1  }
0x1f4: {  	[tilespmem:$0x18830] =	vst v16  }
0x1f5: {  	v16 =	vld [tilespmem:s24+$0x2700]  }
0x1f6: {  	v17 =	vld [tilespmem:s24+$0x2720]  }
0x1f7: {  	v33 =	vld [tilespmem:s24+$0x12700]  }
0x1f8: {  	v34 =	vld [tilespmem:s24+$0x12720]  }
0x1f9: {  	v35 =	vld [tilespmem:s24+$0x2710]  }
0x1fa: {  	v36 =	vld [tilespmem:s24+$0x2730]  }
0x1fb: {  	v37 =	vld [tilespmem:s24+$0x12710]  }
0x1fc: {  	v38 =	vld [tilespmem:s24+$0x12730];
	_ =	sdelay $0x1  }
0x1fd: {  	v39 =	vld [tilespmem:s24+$0xA700]  }
0x1fe: {  	v40 =	vld [tilespmem:s24+$0xA720];
	v41 =	vmul.f32 v33, v16;
	v42 =	vmul.f32 v34, v17  }
0x1ff: {  	v43 =	vld [tilespmem:s24+$0xA710];
	v16 =	vmul.f32 v34, v16;
	v17 =	vmul.f32 v33, v17  }
0x200: {  	v44 =	vld [tilespmem:s24+$0xA730];
	v45 =	vmul.f32 v37, v35;
	v46 =	vmul.f32 v38, v36  }
0x201: {  	v20 =	vmul.f32 v38, v35;
	v21 =	vmul.f32 v37, v36  }
0x202: {  	v47 =	vadd.f32 v42, v41;
	v16 =	vsub.f32 v16, v17  }
0x203: {  	v17 =	vadd.f32 v46, v45;
	v20 =	vsub.f32 v20, v21  }
0x204: {  	v48 =	vmul.f32 v47, v39;
	v16 =	vmul.f32 v16, v40  }
0x205: {  	v17 =	vmul.f32 v17, v43;
	v49 =	vmul.f32 v20, v44;
	_ =	sdelay $0x1  }
0x206: {  	v16 =	vadd.f32 v16, v48;
	v17 =	vadd.f32 v49, v17;
	_ =	sdelay $0x1  }
0x207: {  	v16 =	vadd.f32 v17, v16;
	_ =	sdelay $0x1  }
0x208: {  	[tilespmem:$0x18840] =	vst v16  }
0x209: {  	v16 =	vld [tilespmem:s24+$0x2740]  }
0x20a: {  	v17 =	vld [tilespmem:s24+$0x2760]  }
0x20b: {  	v50 =	vld [tilespmem:s24+$0x12740]  }
0x20c: {  	v51 =	vld [tilespmem:s24+$0x12760]  }
0x20d: {  	v52 =	vld [tilespmem:s24+$0x2750]  }
0x20e: {  	v53 =	vld [tilespmem:s24+$0x2770]  }
0x20f: {  	v54 =	vld [tilespmem:s24+$0x12750]  }
0x210: {  	v55 =	vld [tilespmem:s24+$0x12770];
	_ =	sdelay $0x1  }
0x211: {  	v56 =	vld [tilespmem:s24+$0xA740]  }
0x212: {  	v57 =	vld [tilespmem:s24+$0xA760];
	v58 =	vmul.f32 v50, v16;
	v59 =	vmul.f32 v51, v17  }
0x213: {  	v60 =	vld [tilespmem:s24+$0xA750];
	v16 =	vmul.f32 v51, v16;
	v17 =	vmul.f32 v50, v17  }
0x214: {  	v61 =	vld [tilespmem:s24+$0xA770];
	v62 =	vmul.f32 v54, v52;
	v63 =	vmul.f32 v55, v53  }
0x215: {  	v20 =	vmul.f32 v55, v52;
	v21 =	vmul.f32 v54, v53  }
0x216: {  	v31 =	vadd.f32 v59, v58;
	v16 =	vsub.f32 v16, v17  }
0x217: {  	v17 =	vadd.f32 v63, v62;
	v20 =	vsub.f32 v20, v21  }
0x218: {  	v32 =	vmul.f32 v31, v56;
	v16 =	vmul.f32 v16, v57  }
0x219: {  	v17 =	vmul.f32 v17, v60;
	v33 =	vmul.f32 v20, v61;
	_ =	sdelay $0x1  }
0x21a: {  	v16 =	vadd.f32 v16, v32;
	v17 =	vadd.f32 v33, v17;
	_ =	sdelay $0x1  }
0x21b: {  	v16 =	vadd.f32 v17, v16;
	_ =	sdelay $0x1  }
0x21c: {  	[tilespmem:$0x18850] =	vst v16  }
0x21d: {  	v16 =	vld [tilespmem:s24+$0x2780]  }
0x21e: {  	v17 =	vld [tilespmem:s24+$0x27A0]  }
0x21f: {  	v34 =	vld [tilespmem:s24+$0x12780]  }
0x220: {  	v35 =	vld [tilespmem:s24+$0x127A0]  }
0x221: {  	v36 =	vld [tilespmem:s24+$0x2790]  }
0x222: {  	v37 =	vld [tilespmem:s24+$0x27B0]  }
0x223: {  	v38 =	vld [tilespmem:s24+$0x12790]  }
0x224: {  	v39 =	vld [tilespmem:s24+$0x127B0];
	_ =	sdelay $0x1  }
0x225: {  	v40 =	vld [tilespmem:s24+$0xA780]  }
0x226: {  	v41 =	vld [tilespmem:s24+$0xA7A0];
	v42 =	vmul.f32 v34, v16;
	v43 =	vmul.f32 v35, v17  }
0x227: {  	v44 =	vld [tilespmem:s24+$0xA790];
	v16 =	vmul.f32 v35, v16;
	v17 =	vmul.f32 v34, v17  }
0x228: {  	v45 =	vld [tilespmem:s24+$0xA7B0];
	v46 =	vmul.f32 v38, v36;
	v47 =	vmul.f32 v39, v37  }
0x229: {  	v20 =	vmul.f32 v39, v36;
	v21 =	vmul.f32 v38, v37  }
0x22a: {  	v48 =	vadd.f32 v43, v42;
	v16 =	vsub.f32 v16, v17  }
0x22b: {  	v17 =	vadd.f32 v47, v46;
	v20 =	vsub.f32 v20, v21  }
0x22c: {  	v49 =	vmul.f32 v48, v40;
	v16 =	vmul.f32 v16, v41  }
0x22d: {  	v17 =	vmul.f32 v17, v44;
	v50 =	vmul.f32 v20, v45;
	_ =	sdelay $0x1  }
0x22e: {  	v16 =	vadd.f32 v16, v49;
	v17 =	vadd.f32 v50, v17;
	_ =	sdelay $0x1  }
0x22f: {  	v16 =	vadd.f32 v17, v16;
	_ =	sdelay $0x1  }
0x230: {  	[tilespmem:$0x18860] =	vst v16  }
0x231: {  	v16 =	vld [tilespmem:s24+$0x27C0]  }
0x232: {  	v17 =	vld [tilespmem:s24+$0x27E0]  }
0x233: {  	v51 =	vld [tilespmem:s24+$0x127C0]  }
0x234: {  	v52 =	vld [tilespmem:s24+$0x127E0]  }
0x235: {  	v53 =	vld [tilespmem:s24+$0x27D0]  }
0x236: {  	v54 =	vld [tilespmem:s24+$0x27F0]  }
0x237: {  	v55 =	vld [tilespmem:s24+$0x127D0]  }
0x238: {  	v56 =	vld [tilespmem:s24+$0x127F0];
	_ =	sdelay $0x1  }
0x239: {  	v57 =	vld [tilespmem:s24+$0xA7C0]  }
0x23a: {  	v58 =	vld [tilespmem:s24+$0xA7E0];
	v59 =	vmul.f32 v51, v16;
	v60 =	vmul.f32 v52, v17  }
0x23b: {  	v61 =	vld [tilespmem:s24+$0xA7D0];
	v16 =	vmul.f32 v52, v16;
	v17 =	vmul.f32 v51, v17  }
0x23c: {  	v62 =	vld [tilespmem:s24+$0xA7F0];
	v63 =	vmul.f32 v55, v53;
	v32 =	vmul.f32 v56, v54  }
0x23d: {  	v20 =	vmul.f32 v56, v53;
	v21 =	vmul.f32 v55, v54  }
0x23e: {  	v33 =	vadd.f32 v60, v59;
	v16 =	vsub.f32 v16, v17  }
0x23f: {  	v17 =	vadd.f32 v32, v63;
	v20 =	vsub.f32 v20, v21  }
0x240: {  	v34 =	vmul.f32 v33, v57;
	v16 =	vmul.f32 v16, v58  }
0x241: {  	v17 =	vmul.f32 v17, v61;
	v35 =	vmul.f32 v20, v62;
	_ =	sdelay $0x1  }
0x242: {  	v16 =	vadd.f32 v16, v34;
	v17 =	vadd.f32 v35, v17;
	_ =	sdelay $0x1  }
0x243: {  	v16 =	vadd.f32 v17, v16;
	_ =	sdelay $0x1  }
0x244: {  	[tilespmem:$0x18870] =	vst v16  }
0x245: {  	v16 =	vld [tilespmem:s24+$0x2800]  }
0x246: {  	v17 =	vld [tilespmem:s24+$0x2820]  }
0x247: {  	v36 =	vld [tilespmem:s24+$0x12800]  }
0x248: {  	v37 =	vld [tilespmem:s24+$0x12820]  }
0x249: {  	v38 =	vld [tilespmem:s24+$0x2810]  }
0x24a: {  	v39 =	vld [tilespmem:s24+$0x2830]  }
0x24b: {  	v40 =	vld [tilespmem:s24+$0x12810]  }
0x24c: {  	v41 =	vld [tilespmem:s24+$0x12830];
	_ =	sdelay $0x1  }
0x24d: {  	v42 =	vld [tilespmem:s24+$0xA800]  }
0x24e: {  	v43 =	vld [tilespmem:s24+$0xA820];
	v44 =	vmul.f32 v36, v16;
	v45 =	vmul.f32 v37, v17  }
0x24f: {  	v46 =	vld [tilespmem:s24+$0xA810];
	v16 =	vmul.f32 v37, v16;
	v17 =	vmul.f32 v36, v17  }
0x250: {  	v47 =	vld [tilespmem:s24+$0xA830];
	v48 =	vmul.f32 v40, v38;
	v49 =	vmul.f32 v41, v39  }
0x251: {  	v20 =	vmul.f32 v41, v38;
	v21 =	vmul.f32 v40, v39  }
0x252: {  	v50 =	vadd.f32 v45, v44;
	v16 =	vsub.f32 v16, v17  }
0x253: {  	v17 =	vadd.f32 v49, v48;
	v20 =	vsub.f32 v20, v21  }
0x254: {  	v51 =	vmul.f32 v50, v42;
	v16 =	vmul.f32 v16, v43  }
0x255: {  	v17 =	vmul.f32 v17, v46;
	v52 =	vmul.f32 v20, v47;
	_ =	sdelay $0x1  }
0x256: {  	v16 =	vadd.f32 v16, v51;
	v17 =	vadd.f32 v52, v17;
	_ =	sdelay $0x1  }
0x257: {  	v16 =	vadd.f32 v17, v16;
	_ =	sdelay $0x1  }
0x258: {  	[tilespmem:$0x18880] =	vst v16  }
0x259: {  	v16 =	vld [tilespmem:s24+$0x2840]  }
0x25a: {  	v17 =	vld [tilespmem:s24+$0x2860]  }
0x25b: {  	v53 =	vld [tilespmem:s24+$0x12840]  }
0x25c: {  	v54 =	vld [tilespmem:s24+$0x12860]  }
0x25d: {  	v55 =	vld [tilespmem:s24+$0x2850]  }
0x25e: {  	v56 =	vld [tilespmem:s24+$0x2870]  }
0x25f: {  	v57 =	vld [tilespmem:s24+$0x12850]  }
0x260: {  	v58 =	vld [tilespmem:s24+$0x12870];
	_ =	sdelay $0x1  }
0x261: {  	v59 =	vld [tilespmem:s24+$0xA840]  }
0x262: {  	v60 =	vld [tilespmem:s24+$0xA860];
	v61 =	vmul.f32 v53, v16;
	v62 =	vmul.f32 v54, v17  }
0x263: {  	v63 =	vld [tilespmem:s24+$0xA850];
	v16 =	vmul.f32 v54, v16;
	v17 =	vmul.f32 v53, v17  }
0x264: {  	v32 =	vld [tilespmem:s24+$0xA870];
	v33 =	vmul.f32 v57, v55;
	v34 =	vmul.f32 v58, v56  }
0x265: {  	v20 =	vmul.f32 v58, v55;
	v21 =	vmul.f32 v57, v56  }
0x266: {  	v35 =	vadd.f32 v62, v61;
	v16 =	vsub.f32 v16, v17  }
0x267: {  	v17 =	vadd.f32 v34, v33;
	v20 =	vsub.f32 v20, v21  }
0x268: {  	v36 =	vmul.f32 v35, v59;
	v16 =	vmul.f32 v16, v60  }
0x269: {  	v17 =	vmul.f32 v17, v63;
	v37 =	vmul.f32 v20, v32;
	_ =	sdelay $0x1  }
0x26a: {  	v16 =	vadd.f32 v16, v36;
	v17 =	vadd.f32 v37, v17;
	_ =	sdelay $0x1  }
0x26b: {  	v16 =	vadd.f32 v17, v16;
	_ =	sdelay $0x1  }
0x26c: {  	[tilespmem:$0x18890] =	vst v16  }
0x26d: {  	v16 =	vld [tilespmem:s24+$0x2880]  }
0x26e: {  	v17 =	vld [tilespmem:s24+$0x28A0]  }
0x26f: {  	v38 =	vld [tilespmem:s24+$0x12880]  }
0x270: {  	v39 =	vld [tilespmem:s24+$0x128A0]  }
0x271: {  	v40 =	vld [tilespmem:s24+$0x2890]  }
0x272: {  	v41 =	vld [tilespmem:s24+$0x28B0]  }
0x273: {  	v42 =	vld [tilespmem:s24+$0x12890]  }
0x274: {  	v43 =	vld [tilespmem:s24+$0x128B0];
	_ =	sdelay $0x1  }
0x275: {  	v44 =	vld [tilespmem:s24+$0xA880]  }
0x276: {  	v45 =	vld [tilespmem:s24+$0xA8A0];
	v46 =	vmul.f32 v38, v16;
	v47 =	vmul.f32 v39, v17  }
0x277: {  	v48 =	vld [tilespmem:s24+$0xA890];
	v16 =	vmul.f32 v39, v16;
	v17 =	vmul.f32 v38, v17  }
0x278: {  	v49 =	vld [tilespmem:s24+$0xA8B0];
	v50 =	vmul.f32 v42, v40;
	v51 =	vmul.f32 v43, v41  }
0x279: {  	v20 =	vmul.f32 v43, v40;
	v21 =	vmul.f32 v42, v41  }
0x27a: {  	v52 =	vadd.f32 v47, v46;
	v16 =	vsub.f32 v16, v17  }
0x27b: {  	v17 =	vadd.f32 v51, v50;
	v20 =	vsub.f32 v20, v21  }
0x27c: {  	v53 =	vmul.f32 v52, v44;
	v16 =	vmul.f32 v16, v45  }
0x27d: {  	v17 =	vmul.f32 v17, v48;
	v54 =	vmul.f32 v20, v49;
	_ =	sdelay $0x1  }
0x27e: {  	v16 =	vadd.f32 v16, v53;
	v17 =	vadd.f32 v54, v17;
	_ =	sdelay $0x1  }
0x27f: {  	v16 =	vadd.f32 v17, v16;
	_ =	sdelay $0x1  }
0x280: {  	[tilespmem:$0x188A0] =	vst v16  }
0x281: {  	v16 =	vld [tilespmem:s24+$0x28C0]  }
0x282: {  	v17 =	vld [tilespmem:s24+$0x28E0]  }
0x283: {  	v55 =	vld [tilespmem:s24+$0x128C0]  }
0x284: {  	v56 =	vld [tilespmem:s24+$0x128E0]  }
0x285: {  	v57 =	vld [tilespmem:s24+$0x28D0]  }
0x286: {  	v58 =	vld [tilespmem:s24+$0x28F0]  }
0x287: {  	v59 =	vld [tilespmem:s24+$0x128D0]  }
0x288: {  	v60 =	vld [tilespmem:s24+$0x128F0];
	_ =	sdelay $0x1  }
0x289: {  	v61 =	vld [tilespmem:s24+$0xA8C0]  }
0x28a: {  	v62 =	vld [tilespmem:s24+$0xA8E0];
	v63 =	vmul.f32 v55, v16;
	v32 =	vmul.f32 v56, v17  }
0x28b: {  	v33 =	vld [tilespmem:s24+$0xA8D0];
	v16 =	vmul.f32 v56, v16;
	v17 =	vmul.f32 v55, v17  }
0x28c: {  	v34 =	vld [tilespmem:s24+$0xA8F0];
	v35 =	vmul.f32 v59, v57;
	v36 =	vmul.f32 v60, v58  }
0x28d: {  	v20 =	vmul.f32 v60, v57;
	v21 =	vmul.f32 v59, v58  }
0x28e: {  	v37 =	vadd.f32 v32, v63;
	v16 =	vsub.f32 v16, v17  }
0x28f: {  	v17 =	vadd.f32 v36, v35;
	v20 =	vsub.f32 v20, v21  }
0x290: {  	v38 =	vmul.f32 v37, v61;
	v16 =	vmul.f32 v16, v62  }
0x291: {  	v17 =	vmul.f32 v17, v33;
	v39 =	vmul.f32 v20, v34;
	_ =	sdelay $0x1  }
0x292: {  	v16 =	vadd.f32 v16, v38;
	v17 =	vadd.f32 v39, v17;
	_ =	sdelay $0x1  }
0x293: {  	v16 =	vadd.f32 v17, v16;
	_ =	sdelay $0x1  }
0x294: {  	[tilespmem:$0x188B0] =	vst v16  }
0x295: {  	v16 =	vld [tilespmem:s24+$0x2900]  }
0x296: {  	v17 =	vld [tilespmem:s24+$0x2920]  }
0x297: {  	v40 =	vld [tilespmem:s24+$0x12900]  }
0x298: {  	v41 =	vld [tilespmem:s24+$0x12920]  }
0x299: {  	v42 =	vld [tilespmem:s24+$0x2910]  }
0x29a: {  	v43 =	vld [tilespmem:s24+$0x2930]  }
0x29b: {  	v44 =	vld [tilespmem:s24+$0x12910]  }
0x29c: {  	v45 =	vld [tilespmem:s24+$0x12930];
	_ =	sdelay $0x1  }
0x29d: {  	v46 =	vld [tilespmem:s24+$0xA900]  }
0x29e: {  	v47 =	vld [tilespmem:s24+$0xA920];
	v48 =	vmul.f32 v40, v16;
	v49 =	vmul.f32 v41, v17  }
0x29f: {  	v50 =	vld [tilespmem:s24+$0xA910];
	v16 =	vmul.f32 v41, v16;
	v17 =	vmul.f32 v40, v17  }
0x2a0: {  	v51 =	vld [tilespmem:s24+$0xA930];
	v52 =	vmul.f32 v44, v42;
	v53 =	vmul.f32 v45, v43  }
0x2a1: {  	v20 =	vmul.f32 v45, v42;
	v21 =	vmul.f32 v44, v43  }
0x2a2: {  	v54 =	vadd.f32 v49, v48;
	v16 =	vsub.f32 v16, v17  }
0x2a3: {  	v17 =	vadd.f32 v53, v52;
	v20 =	vsub.f32 v20, v21  }
0x2a4: {  	v55 =	vmul.f32 v54, v46;
	v16 =	vmul.f32 v16, v47  }
0x2a5: {  	v17 =	vmul.f32 v17, v50;
	v56 =	vmul.f32 v20, v51;
	_ =	sdelay $0x1  }
0x2a6: {  	v16 =	vadd.f32 v16, v55;
	v17 =	vadd.f32 v56, v17;
	_ =	sdelay $0x1  }
0x2a7: {  	v16 =	vadd.f32 v17, v16;
	_ =	sdelay $0x1  }
0x2a8: {  	[tilespmem:$0x188C0] =	vst v16  }
0x2a9: {  	v16 =	vld [tilespmem:s24+$0x2940]  }
0x2aa: {  	v17 =	vld [tilespmem:s24+$0x2960]  }
0x2ab: {  	v57 =	vld [tilespmem:s24+$0x12940]  }
0x2ac: {  	v58 =	vld [tilespmem:s24+$0x12960]  }
0x2ad: {  	v59 =	vld [tilespmem:s24+$0x2950]  }
0x2ae: {  	v60 =	vld [tilespmem:s24+$0x2970]  }
0x2af: {  	v61 =	vld [tilespmem:s24+$0x12950]  }
0x2b0: {  	v62 =	vld [tilespmem:s24+$0x12970];
	_ =	sdelay $0x1  }
0x2b1: {  	v63 =	vld [tilespmem:s24+$0xA940]  }
0x2b2: {  	v32 =	vld [tilespmem:s24+$0xA960];
	v33 =	vmul.f32 v57, v16;
	v34 =	vmul.f32 v58, v17  }
0x2b3: {  	v35 =	vld [tilespmem:s24+$0xA950];
	v16 =	vmul.f32 v58, v16;
	v17 =	vmul.f32 v57, v17  }
0x2b4: {  	v36 =	vld [tilespmem:s24+$0xA970];
	v37 =	vmul.f32 v61, v59;
	v38 =	vmul.f32 v62, v60  }
0x2b5: {  	v20 =	vmul.f32 v62, v59;
	v21 =	vmul.f32 v61, v60  }
0x2b6: {  	v39 =	vadd.f32 v34, v33;
	v16 =	vsub.f32 v16, v17  }
0x2b7: {  	v17 =	vadd.f32 v38, v37;
	v20 =	vsub.f32 v20, v21  }
0x2b8: {  	v40 =	vmul.f32 v39, v63;
	v16 =	vmul.f32 v16, v32  }
0x2b9: {  	v17 =	vmul.f32 v17, v35;
	v41 =	vmul.f32 v20, v36;
	_ =	sdelay $0x1  }
0x2ba: {  	v16 =	vadd.f32 v16, v40;
	v17 =	vadd.f32 v41, v17;
	_ =	sdelay $0x1  }
0x2bb: {  	v16 =	vadd.f32 v17, v16;
	_ =	sdelay $0x1  }
0x2bc: {  	[tilespmem:$0x188D0] =	vst v16  }
0x2bd: {  	v16 =	vld [tilespmem:s24+$0x2980]  }
0x2be: {  	v17 =	vld [tilespmem:s24+$0x29A0]  }
0x2bf: {  	v42 =	vld [tilespmem:s24+$0x12980]  }
0x2c0: {  	v43 =	vld [tilespmem:s24+$0x129A0]  }
0x2c1: {  	v44 =	vld [tilespmem:s24+$0x2990]  }
0x2c2: {  	v45 =	vld [tilespmem:s24+$0x29B0]  }
0x2c3: {  	v46 =	vld [tilespmem:s24+$0x12990]  }
0x2c4: {  	v47 =	vld [tilespmem:s24+$0x129B0];
	_ =	sdelay $0x1  }
0x2c5: {  	v48 =	vld [tilespmem:s24+$0xA980]  }
0x2c6: {  	v49 =	vld [tilespmem:s24+$0xA9A0];
	v50 =	vmul.f32 v42, v16;
	v51 =	vmul.f32 v43, v17  }
0x2c7: {  	v52 =	vld [tilespmem:s24+$0xA990];
	v16 =	vmul.f32 v43, v16;
	v17 =	vmul.f32 v42, v17  }
0x2c8: {  	v53 =	vld [tilespmem:s24+$0xA9B0];
	v54 =	vmul.f32 v46, v44;
	v55 =	vmul.f32 v47, v45  }
0x2c9: {  	v20 =	vmul.f32 v47, v44;
	v21 =	vmul.f32 v46, v45  }
0x2ca: {  	v56 =	vadd.f32 v51, v50;
	v16 =	vsub.f32 v16, v17  }
0x2cb: {  	v17 =	vadd.f32 v55, v54;
	v20 =	vsub.f32 v20, v21  }
0x2cc: {  	v57 =	vmul.f32 v56, v48;
	v16 =	vmul.f32 v16, v49  }
0x2cd: {  	v17 =	vmul.f32 v17, v52;
	v58 =	vmul.f32 v20, v53;
	_ =	sdelay $0x1  }
0x2ce: {  	v16 =	vadd.f32 v16, v57;
	v17 =	vadd.f32 v58, v17;
	_ =	sdelay $0x1  }
0x2cf: {  	v16 =	vadd.f32 v17, v16;
	_ =	sdelay $0x1  }
0x2d0: {  	[tilespmem:$0x188E0] =	vst v16  }
0x2d1: {  	v16 =	vld [tilespmem:s24+$0x29C0]  }
0x2d2: {  	v17 =	vld [tilespmem:s24+$0x29E0]  }
0x2d3: {  	v59 =	vld [tilespmem:s24+$0x129C0]  }
0x2d4: {  	v60 =	vld [tilespmem:s24+$0x129E0]  }
0x2d5: {  	v61 =	vld [tilespmem:s24+$0x29D0]  }
0x2d6: {  	v62 =	vld [tilespmem:s24+$0x29F0]  }
0x2d7: {  	v63 =	vld [tilespmem:s24+$0x129D0]  }
0x2d8: {  	v32 =	vld [tilespmem:s24+$0x129F0];
	_ =	sdelay $0x1  }
0x2d9: {  	v33 =	vld [tilespmem:s24+$0xA9C0]  }
0x2da: {  	v34 =	vld [tilespmem:s24+$0xA9E0];
	v35 =	vmul.f32 v59, v16;
	v36 =	vmul.f32 v60, v17  }
0x2db: {  	v37 =	vld [tilespmem:s24+$0xA9D0];
	v16 =	vmul.f32 v60, v16;
	v17 =	vmul.f32 v59, v17  }
0x2dc: {  	v38 =	vld [tilespmem:s24+$0xA9F0];
	v39 =	vmul.f32 v63, v61;
	v40 =	vmul.f32 v32, v62  }
0x2dd: {  	v20 =	vmul.f32 v32, v61;
	v21 =	vmul.f32 v63, v62  }
0x2de: {  	v41 =	vadd.f32 v36, v35;
	v16 =	vsub.f32 v16, v17  }
0x2df: {  	v17 =	vadd.f32 v40, v39;
	v20 =	vsub.f32 v20, v21  }
0x2e0: {  	v42 =	vmul.f32 v41, v33;
	v16 =	vmul.f32 v16, v34  }
0x2e1: {  	v17 =	vmul.f32 v17, v37;
	v43 =	vmul.f32 v20, v38;
	_ =	sdelay $0x1  }
0x2e2: {  	v16 =	vadd.f32 v16, v42;
	v17 =	vadd.f32 v43, v17;
	_ =	sdelay $0x1  }
0x2e3: {  	v16 =	vadd.f32 v17, v16;
	_ =	sdelay $0x1  }
0x2e4: {  	[tilespmem:$0x188F0] =	vst v16  }
0x2e5: {  	v16 =	vld.idx.msk [tilespmem:v0+s16+$0x0], $0xffff  }
0x2e6: {  	v17 =	vld.idx.msk [tilespmem:v1+s16+$0x0], $0xffff  }
0x2e7: {  	v44 =	vld.idx.msk [tilespmem:v2+s16+$0x0], $0xffff  }
0x2e8: {  	v45 =	vld.idx.msk [tilespmem:v3+s16+$0x0], $0xffff  }
0x2e9: {  	v46 =	vld.idx.msk [tilespmem:v4+s16+$0x0], $0xffff  }
0x2ea: {  	v47 =	vld.idx.msk [tilespmem:v5+s16+$0x0], $0xffff  }
0x2eb: {  	v48 =	vld.idx.msk [tilespmem:v6+s16+$0x0], $0xffff  }
0x2ec: {  	v49 =	vld.idx.msk [tilespmem:v7+s16+$0x0], $0xffff  }
0x2ed: {  	v50 =	vld.idx.msk [tilespmem:v8+s16+$0x0], $0xffff  }
0x2ee: {  	v51 =	vld.idx.msk [tilespmem:v9+s16+$0x0], $0xffff  }
0x2ef: {  	v52 =	vld.idx.msk [tilespmem:v10+s16+$0x0], $0xffff  }
0x2f0: {  	v53 =	vld.idx.msk [tilespmem:v11+s16+$0x0], $0xffff  }
0x2f1: {  	v54 =	vld.idx.msk [tilespmem:v12+s16+$0x0], $0xffff  }
0x2f2: {  	v55 =	vld.idx.msk [tilespmem:v13+s16+$0x0], $0xffff  }
0x2f3: {  	v30 =	vld.idx.msk [tilespmem:v14+s16+$0x0], $0xffff  }
0x2f4: {  	v31 =	vld.idx.msk [tilespmem:v15+s16+$0x0], $0xffff;
	_ =	sdelay $0x1  }
0x2f5: {  	v16 =	vadd.f32 v17, v16;
	v17 =	vadd.f32 v45, v44  }
0x2f6: {  	v56 =	vadd.f32 v47, v46;
	v57 =	vadd.f32 v49, v48  }
0x2f7: {  	v58 =	vadd.f32 v51, v50;
	v59 =	vadd.f32 v53, v52  }
0x2f8: {  	v60 =	vadd.f32 v55, v54;
	v61 =	vadd.f32 v31, v30  }
0x2f9: {  	v16 =	vadd.f32 v17, v16;
	v17 =	vadd.f32 v57, v56  }
0x2fa: {  	v62 =	vadd.f32 v59, v58;
	v63 =	vadd.f32 v61, v60  }
0x2fb: {  	p0 =	sne.s32 s22, $0x7000  }
.Ltmp1:
0x2fc: {  	v16 =	vadd.f32 v17, v16;
	v17 =	vadd.f32 v63, v62;
	(pc) =	sbr.rel @p0 .LBB2_4-.Ltmp1, $3  }
0x2fd: {  	_ = 	snop  }
0x2fe: {  	v16 =	vadd.f32 v17, v16;
	_ =	sdelay $0x1  }
0x2ff: {  	s22 =	sadd.s32 $0x1000, s22;
	[tilespmem:s23+$0x0] =	vst v16;
	s23 =	sadd.s32 $0x10, s23  }
0x300: {  	_ =	swait.ge [sflag:s18], $0x2000  }
0x301: {  	[sflag:s18] =	ssyncset.done $0x0  }
0x302: {  	[sflag:s18] =	ssyncadd.s32 $0xFFFFE000  }
0x303: {  	_ =	swait.ge [sflag:s18], $0x2000  }
0x304: {  	[sflag:s18] =	ssyncset.done $0x0  }
0x305: {  	[sflag:s18] =	ssyncadd.s32 $0xFFFFE000  }
0x306: {  	_ =	swait.ge [sflag:s18], $0x2000  }
0x307: {  	[sflag:s18] =	ssyncset.done $0x0  }
0x308: {  	s22 =	simm.s32 $0x0;
	s23 =	simm.s32 $0x18700;
	[sflag:s18] =	ssyncadd.s32 $0xFFFFE000  }
.LBB2_6:
0x309: {  	s24 =	sshra.s32 s22, $0x2  }
0x30a: {  	v16 =	vld [tilespmem:s24+$0x4600]  }
0x30b: {  	v17 =	vld [tilespmem:s24+$0x4620]  }
0x30c: {  	v18 =	vld [tilespmem:s24+$0x14600]  }
0x30d: {  	v19 =	vld [tilespmem:s24+$0x14620]  }
0x30e: {  	v20 =	vld [tilespmem:s24+$0x4610]  }
0x30f: {  	v21 =	vld [tilespmem:s24+$0x4630]  }
0x310: {  	v22 =	vld [tilespmem:s24+$0x14610]  }
0x311: {  	v23 =	vld [tilespmem:s24+$0x14630];
	_ =	sdelay $0x1  }
0x312: {  	v24 =	vld [tilespmem:s24+$0xC600]  }
0x313: {  	v25 =	vld [tilespmem:s24+$0xC620];
	v26 =	vmul.f32 v18, v16;
	v27 =	vmul.f32 v19, v17  }
0x314: {  	v45 =	vld [tilespmem:s24+$0xC610];
	v16 =	vmul.f32 v19, v16;
	v17 =	vmul.f32 v18, v17  }
0x315: {  	v46 =	vld [tilespmem:s24+$0xC630];
	v28 =	vmul.f32 v22, v20;
	v29 =	vmul.f32 v23, v21  }
0x316: {  	v20 =	vmul.f32 v23, v20;
	v21 =	vmul.f32 v22, v21  }
0x317: {  	v47 =	vadd.f32 v27, v26;
	v16 =	vsub.f32 v16, v17  }
0x318: {  	v17 =	vadd.f32 v29, v28;
	v20 =	vsub.f32 v20, v21  }
0x319: {  	v48 =	vmul.f32 v47, v24;
	v16 =	vmul.f32 v16, v25  }
0x31a: {  	v17 =	vmul.f32 v17, v45;
	v49 =	vmul.f32 v20, v46;
	_ =	sdelay $0x1  }
0x31b: {  	v16 =	vadd.f32 v16, v48;
	v17 =	vadd.f32 v49, v17;
	_ =	sdelay $0x1  }
0x31c: {  	v16 =	vadd.f32 v17, v16;
	_ =	sdelay $0x1  }
0x31d: {  	[tilespmem:$0x18800] =	vst v16  }
0x31e: {  	v16 =	vld [tilespmem:s24+$0x4640]  }
0x31f: {  	v17 =	vld [tilespmem:s24+$0x4660]  }
0x320: {  	v50 =	vld [tilespmem:s24+$0x14640]  }
0x321: {  	v51 =	vld [tilespmem:s24+$0x14660]  }
0x322: {  	v52 =	vld [tilespmem:s24+$0x4650]  }
0x323: {  	v53 =	vld [tilespmem:s24+$0x4670]  }
0x324: {  	v54 =	vld [tilespmem:s24+$0x14650]  }
0x325: {  	v55 =	vld [tilespmem:s24+$0x14670];
	_ =	sdelay $0x1  }
0x326: {  	v56 =	vld [tilespmem:s24+$0xC640]  }
0x327: {  	v57 =	vld [tilespmem:s24+$0xC660];
	v58 =	vmul.f32 v50, v16;
	v59 =	vmul.f32 v51, v17  }
0x328: {  	v60 =	vld [tilespmem:s24+$0xC650];
	v16 =	vmul.f32 v51, v16;
	v17 =	vmul.f32 v50, v17  }
0x329: {  	v61 =	vld [tilespmem:s24+$0xC670];
	v62 =	vmul.f32 v54, v52;
	v63 =	vmul.f32 v55, v53  }
0x32a: {  	v20 =	vmul.f32 v55, v52;
	v21 =	vmul.f32 v54, v53  }
0x32b: {  	v30 =	vadd.f32 v59, v58;
	v16 =	vsub.f32 v16, v17  }
0x32c: {  	v17 =	vadd.f32 v63, v62;
	v20 =	vsub.f32 v20, v21  }
0x32d: {  	v31 =	vmul.f32 v30, v56;
	v16 =	vmul.f32 v16, v57  }
0x32e: {  	v17 =	vmul.f32 v17, v60;
	v32 =	vmul.f32 v20, v61;
	_ =	sdelay $0x1  }
0x32f: {  	v16 =	vadd.f32 v16, v31;
	v17 =	vadd.f32 v32, v17;
	_ =	sdelay $0x1  }
0x330: {  	v16 =	vadd.f32 v17, v16;
	_ =	sdelay $0x1  }
0x331: {  	[tilespmem:$0x18810] =	vst v16  }
0x332: {  	v16 =	vld [tilespmem:s24+$0x4680]  }
0x333: {  	v17 =	vld [tilespmem:s24+$0x46A0]  }
0x334: {  	v33 =	vld [tilespmem:s24+$0x14680]  }
0x335: {  	v34 =	vld [tilespmem:s24+$0x146A0]  }
0x336: {  	v35 =	vld [tilespmem:s24+$0x4690]  }
0x337: {  	v36 =	vld [tilespmem:s24+$0x46B0]  }
0x338: {  	v37 =	vld [tilespmem:s24+$0x14690]  }
0x339: {  	v38 =	vld [tilespmem:s24+$0x146B0];
	_ =	sdelay $0x1  }
0x33a: {  	v39 =	vld [tilespmem:s24+$0xC680]  }
0x33b: {  	v40 =	vld [tilespmem:s24+$0xC6A0];
	v41 =	vmul.f32 v33, v16;
	v42 =	vmul.f32 v34, v17  }
0x33c: {  	v43 =	vld [tilespmem:s24+$0xC690];
	v16 =	vmul.f32 v34, v16;
	v17 =	vmul.f32 v33, v17  }
0x33d: {  	v44 =	vld [tilespmem:s24+$0xC6B0];
	v45 =	vmul.f32 v37, v35;
	v46 =	vmul.f32 v38, v36  }
0x33e: {  	v20 =	vmul.f32 v38, v35;
	v21 =	vmul.f32 v37, v36  }
0x33f: {  	v47 =	vadd.f32 v42, v41;
	v16 =	vsub.f32 v16, v17  }
0x340: {  	v17 =	vadd.f32 v46, v45;
	v20 =	vsub.f32 v20, v21  }
0x341: {  	v48 =	vmul.f32 v47, v39;
	v16 =	vmul.f32 v16, v40  }
0x342: {  	v17 =	vmul.f32 v17, v43;
	v49 =	vmul.f32 v20, v44;
	_ =	sdelay $0x1  }
0x343: {  	v16 =	vadd.f32 v16, v48;
	v17 =	vadd.f32 v49, v17;
	_ =	sdelay $0x1  }
0x344: {  	v16 =	vadd.f32 v17, v16;
	_ =	sdelay $0x1  }
0x345: {  	[tilespmem:$0x18820] =	vst v16  }
0x346: {  	v16 =	vld [tilespmem:s24+$0x46C0]  }
0x347: {  	v17 =	vld [tilespmem:s24+$0x46E0]  }
0x348: {  	v50 =	vld [tilespmem:s24+$0x146C0]  }
0x349: {  	v51 =	vld [tilespmem:s24+$0x146E0]  }
0x34a: {  	v52 =	vld [tilespmem:s24+$0x46D0]  }
0x34b: {  	v53 =	vld [tilespmem:s24+$0x46F0]  }
0x34c: {  	v54 =	vld [tilespmem:s24+$0x146D0]  }
0x34d: {  	v55 =	vld [tilespmem:s24+$0x146F0];
	_ =	sdelay $0x1  }
0x34e: {  	v56 =	vld [tilespmem:s24+$0xC6C0]  }
0x34f: {  	v57 =	vld [tilespmem:s24+$0xC6E0];
	v58 =	vmul.f32 v50, v16;
	v59 =	vmul.f32 v51, v17  }
0x350: {  	v60 =	vld [tilespmem:s24+$0xC6D0];
	v16 =	vmul.f32 v51, v16;
	v17 =	vmul.f32 v50, v17  }
0x351: {  	v61 =	vld [tilespmem:s24+$0xC6F0];
	v62 =	vmul.f32 v54, v52;
	v63 =	vmul.f32 v55, v53  }
0x352: {  	v20 =	vmul.f32 v55, v52;
	v21 =	vmul.f32 v54, v53  }
0x353: {  	v30 =	vadd.f32 v59, v58;
	v16 =	vsub.f32 v16, v17  }
0x354: {  	v17 =	vadd.f32 v63, v62;
	v20 =	vsub.f32 v20, v21  }
0x355: {  	v31 =	vmul.f32 v30, v56;
	v16 =	vmul.f32 v16, v57  }
0x356: {  	v17 =	vmul.f32 v17, v60;
	v32 =	vmul.f32 v20, v61;
	_ =	sdelay $0x1  }
0x357: {  	v16 =	vadd.f32 v16, v31;
	v17 =	vadd.f32 v32, v17;
	_ =	sdelay $0x1  }
0x358: {  	v16 =	vadd.f32 v17, v16;
	_ =	sdelay $0x1  }
0x359: {  	[tilespmem:$0x18830] =	vst v16  }
0x35a: {  	v16 =	vld [tilespmem:s24+$0x4700]  }
0x35b: {  	v17 =	vld [tilespmem:s24+$0x4720]  }
0x35c: {  	v33 =	vld [tilespmem:s24+$0x14700]  }
0x35d: {  	v34 =	vld [tilespmem:s24+$0x14720]  }
0x35e: {  	v35 =	vld [tilespmem:s24+$0x4710]  }
0x35f: {  	v36 =	vld [tilespmem:s24+$0x4730]  }
0x360: {  	v37 =	vld [tilespmem:s24+$0x14710]  }
0x361: {  	v38 =	vld [tilespmem:s24+$0x14730];
	_ =	sdelay $0x1  }
0x362: {  	v39 =	vld [tilespmem:s24+$0xC700]  }
0x363: {  	v40 =	vld [tilespmem:s24+$0xC720];
	v41 =	vmul.f32 v33, v16;
	v42 =	vmul.f32 v34, v17  }
0x364: {  	v43 =	vld [tilespmem:s24+$0xC710];
	v16 =	vmul.f32 v34, v16;
	v17 =	vmul.f32 v33, v17  }
0x365: {  	v44 =	vld [tilespmem:s24+$0xC730];
	v45 =	vmul.f32 v37, v35;
	v46 =	vmul.f32 v38, v36  }
0x366: {  	v20 =	vmul.f32 v38, v35;
	v21 =	vmul.f32 v37, v36  }
0x367: {  	v47 =	vadd.f32 v42, v41;
	v16 =	vsub.f32 v16, v17  }
0x368: {  	v17 =	vadd.f32 v46, v45;
	v20 =	vsub.f32 v20, v21  }
0x369: {  	v48 =	vmul.f32 v47, v39;
	v16 =	vmul.f32 v16, v40  }
0x36a: {  	v17 =	vmul.f32 v17, v43;
	v49 =	vmul.f32 v20, v44;
	_ =	sdelay $0x1  }
0x36b: {  	v16 =	vadd.f32 v16, v48;
	v17 =	vadd.f32 v49, v17;
	_ =	sdelay $0x1  }
0x36c: {  	v16 =	vadd.f32 v17, v16;
	_ =	sdelay $0x1  }
0x36d: {  	[tilespmem:$0x18840] =	vst v16  }
0x36e: {  	v16 =	vld [tilespmem:s24+$0x4740]  }
0x36f: {  	v17 =	vld [tilespmem:s24+$0x4760]  }
0x370: {  	v50 =	vld [tilespmem:s24+$0x14740]  }
0x371: {  	v51 =	vld [tilespmem:s24+$0x14760]  }
0x372: {  	v52 =	vld [tilespmem:s24+$0x4750]  }
0x373: {  	v53 =	vld [tilespmem:s24+$0x4770]  }
0x374: {  	v54 =	vld [tilespmem:s24+$0x14750]  }
0x375: {  	v55 =	vld [tilespmem:s24+$0x14770];
	_ =	sdelay $0x1  }
0x376: {  	v56 =	vld [tilespmem:s24+$0xC740]  }
0x377: {  	v57 =	vld [tilespmem:s24+$0xC760];
	v58 =	vmul.f32 v50, v16;
	v59 =	vmul.f32 v51, v17  }
0x378: {  	v60 =	vld [tilespmem:s24+$0xC750];
	v16 =	vmul.f32 v51, v16;
	v17 =	vmul.f32 v50, v17  }
0x379: {  	v61 =	vld [tilespmem:s24+$0xC770];
	v62 =	vmul.f32 v54, v52;
	v63 =	vmul.f32 v55, v53  }
0x37a: {  	v20 =	vmul.f32 v55, v52;
	v21 =	vmul.f32 v54, v53  }
0x37b: {  	v31 =	vadd.f32 v59, v58;
	v16 =	vsub.f32 v16, v17  }
0x37c: {  	v17 =	vadd.f32 v63, v62;
	v20 =	vsub.f32 v20, v21  }
0x37d: {  	v32 =	vmul.f32 v31, v56;
	v16 =	vmul.f32 v16, v57  }
0x37e: {  	v17 =	vmul.f32 v17, v60;
	v33 =	vmul.f32 v20, v61;
	_ =	sdelay $0x1  }
0x37f: {  	v16 =	vadd.f32 v16, v32;
	v17 =	vadd.f32 v33, v17;
	_ =	sdelay $0x1  }
0x380: {  	v16 =	vadd.f32 v17, v16;
	_ =	sdelay $0x1  }
0x381: {  	[tilespmem:$0x18850] =	vst v16  }
0x382: {  	v16 =	vld [tilespmem:s24+$0x4780]  }
0x383: {  	v17 =	vld [tilespmem:s24+$0x47A0]  }
0x384: {  	v34 =	vld [tilespmem:s24+$0x14780]  }
0x385: {  	v35 =	vld [tilespmem:s24+$0x147A0]  }
0x386: {  	v36 =	vld [tilespmem:s24+$0x4790]  }
0x387: {  	v37 =	vld [tilespmem:s24+$0x47B0]  }
0x388: {  	v38 =	vld [tilespmem:s24+$0x14790]  }
0x389: {  	v39 =	vld [tilespmem:s24+$0x147B0];
	_ =	sdelay $0x1  }
0x38a: {  	v40 =	vld [tilespmem:s24+$0xC780]  }
0x38b: {  	v41 =	vld [tilespmem:s24+$0xC7A0];
	v42 =	vmul.f32 v34, v16;
	v43 =	vmul.f32 v35, v17  }
0x38c: {  	v44 =	vld [tilespmem:s24+$0xC790];
	v16 =	vmul.f32 v35, v16;
	v17 =	vmul.f32 v34, v17  }
0x38d: {  	v45 =	vld [tilespmem:s24+$0xC7B0];
	v46 =	vmul.f32 v38, v36;
	v47 =	vmul.f32 v39, v37  }
0x38e: {  	v20 =	vmul.f32 v39, v36;
	v21 =	vmul.f32 v38, v37  }
0x38f: {  	v48 =	vadd.f32 v43, v42;
	v16 =	vsub.f32 v16, v17  }
0x390: {  	v17 =	vadd.f32 v47, v46;
	v20 =	vsub.f32 v20, v21  }
0x391: {  	v49 =	vmul.f32 v48, v40;
	v16 =	vmul.f32 v16, v41  }
0x392: {  	v17 =	vmul.f32 v17, v44;
	v50 =	vmul.f32 v20, v45;
	_ =	sdelay $0x1  }
0x393: {  	v16 =	vadd.f32 v16, v49;
	v17 =	vadd.f32 v50, v17;
	_ =	sdelay $0x1  }
0x394: {  	v16 =	vadd.f32 v17, v16;
	_ =	sdelay $0x1  }
0x395: {  	[tilespmem:$0x18860] =	vst v16  }
0x396: {  	v16 =	vld [tilespmem:s24+$0x47C0]  }
0x397: {  	v17 =	vld [tilespmem:s24+$0x47E0]  }
0x398: {  	v51 =	vld [tilespmem:s24+$0x147C0]  }
0x399: {  	v52 =	vld [tilespmem:s24+$0x147E0]  }
0x39a: {  	v53 =	vld [tilespmem:s24+$0x47D0]  }
0x39b: {  	v54 =	vld [tilespmem:s24+$0x47F0]  }
0x39c: {  	v55 =	vld [tilespmem:s24+$0x147D0]  }
0x39d: {  	v56 =	vld [tilespmem:s24+$0x147F0];
	_ =	sdelay $0x1  }
0x39e: {  	v57 =	vld [tilespmem:s24+$0xC7C0]  }
0x39f: {  	v58 =	vld [tilespmem:s24+$0xC7E0];
	v59 =	vmul.f32 v51, v16;
	v60 =	vmul.f32 v52, v17  }
0x3a0: {  	v61 =	vld [tilespmem:s24+$0xC7D0];
	v16 =	vmul.f32 v52, v16;
	v17 =	vmul.f32 v51, v17  }
0x3a1: {  	v62 =	vld [tilespmem:s24+$0xC7F0];
	v63 =	vmul.f32 v55, v53;
	v32 =	vmul.f32 v56, v54  }
0x3a2: {  	v20 =	vmul.f32 v56, v53;
	v21 =	vmul.f32 v55, v54  }
0x3a3: {  	v33 =	vadd.f32 v60, v59;
	v16 =	vsub.f32 v16, v17  }
0x3a4: {  	v17 =	vadd.f32 v32, v63;
	v20 =	vsub.f32 v20, v21  }
0x3a5: {  	v34 =	vmul.f32 v33, v57;
	v16 =	vmul.f32 v16, v58  }
0x3a6: {  	v17 =	vmul.f32 v17, v61;
	v35 =	vmul.f32 v20, v62;
	_ =	sdelay $0x1  }
0x3a7: {  	v16 =	vadd.f32 v16, v34;
	v17 =	vadd.f32 v35, v17;
	_ =	sdelay $0x1  }
0x3a8: {  	v16 =	vadd.f32 v17, v16;
	_ =	sdelay $0x1  }
0x3a9: {  	[tilespmem:$0x18870] =	vst v16  }
0x3aa: {  	v16 =	vld [tilespmem:s24+$0x4800]  }
0x3ab: {  	v17 =	vld [tilespmem:s24+$0x4820]  }
0x3ac: {  	v36 =	vld [tilespmem:s24+$0x14800]  }
0x3ad: {  	v37 =	vld [tilespmem:s24+$0x14820]  }
0x3ae: {  	v38 =	vld [tilespmem:s24+$0x4810]  }
0x3af: {  	v39 =	vld [tilespmem:s24+$0x4830]  }
0x3b0: {  	v40 =	vld [tilespmem:s24+$0x14810]  }
0x3b1: {  	v41 =	vld [tilespmem:s24+$0x14830];
	_ =	sdelay $0x1  }
0x3b2: {  	v42 =	vld [tilespmem:s24+$0xC800]  }
0x3b3: {  	v43 =	vld [tilespmem:s24+$0xC820];
	v44 =	vmul.f32 v36, v16;
	v45 =	vmul.f32 v37, v17  }
0x3b4: {  	v46 =	vld [tilespmem:s24+$0xC810];
	v16 =	vmul.f32 v37, v16;
	v17 =	vmul.f32 v36, v17  }
0x3b5: {  	v47 =	vld [tilespmem:s24+$0xC830];
	v48 =	vmul.f32 v40, v38;
	v49 =	vmul.f32 v41, v39  }
0x3b6: {  	v20 =	vmul.f32 v41, v38;
	v21 =	vmul.f32 v40, v39  }
0x3b7: {  	v50 =	vadd.f32 v45, v44;
	v16 =	vsub.f32 v16, v17  }
0x3b8: {  	v17 =	vadd.f32 v49, v48;
	v20 =	vsub.f32 v20, v21  }
0x3b9: {  	v51 =	vmul.f32 v50, v42;
	v16 =	vmul.f32 v16, v43  }
0x3ba: {  	v17 =	vmul.f32 v17, v46;
	v52 =	vmul.f32 v20, v47;
	_ =	sdelay $0x1  }
0x3bb: {  	v16 =	vadd.f32 v16, v51;
	v17 =	vadd.f32 v52, v17;
	_ =	sdelay $0x1  }
0x3bc: {  	v16 =	vadd.f32 v17, v16;
	_ =	sdelay $0x1  }
0x3bd: {  	[tilespmem:$0x18880] =	vst v16  }
0x3be: {  	v16 =	vld [tilespmem:s24+$0x4840]  }
0x3bf: {  	v17 =	vld [tilespmem:s24+$0x4860]  }
0x3c0: {  	v53 =	vld [tilespmem:s24+$0x14840]  }
0x3c1: {  	v54 =	vld [tilespmem:s24+$0x14860]  }
0x3c2: {  	v55 =	vld [tilespmem:s24+$0x4850]  }
0x3c3: {  	v56 =	vld [tilespmem:s24+$0x4870]  }
0x3c4: {  	v57 =	vld [tilespmem:s24+$0x14850]  }
0x3c5: {  	v58 =	vld [tilespmem:s24+$0x14870];
	_ =	sdelay $0x1  }
0x3c6: {  	v59 =	vld [tilespmem:s24+$0xC840]  }
0x3c7: {  	v60 =	vld [tilespmem:s24+$0xC860];
	v61 =	vmul.f32 v53, v16;
	v62 =	vmul.f32 v54, v17  }
0x3c8: {  	v63 =	vld [tilespmem:s24+$0xC850];
	v16 =	vmul.f32 v54, v16;
	v17 =	vmul.f32 v53, v17  }
0x3c9: {  	v32 =	vld [tilespmem:s24+$0xC870];
	v33 =	vmul.f32 v57, v55;
	v34 =	vmul.f32 v58, v56  }
0x3ca: {  	v20 =	vmul.f32 v58, v55;
	v21 =	vmul.f32 v57, v56  }
0x3cb: {  	v35 =	vadd.f32 v62, v61;
	v16 =	vsub.f32 v16, v17  }
0x3cc: {  	v17 =	vadd.f32 v34, v33;
	v20 =	vsub.f32 v20, v21  }
0x3cd: {  	v36 =	vmul.f32 v35, v59;
	v16 =	vmul.f32 v16, v60  }
0x3ce: {  	v17 =	vmul.f32 v17, v63;
	v37 =	vmul.f32 v20, v32;
	_ =	sdelay $0x1  }
0x3cf: {  	v16 =	vadd.f32 v16, v36;
	v17 =	vadd.f32 v37, v17;
	_ =	sdelay $0x1  }
0x3d0: {  	v16 =	vadd.f32 v17, v16;
	_ =	sdelay $0x1  }
0x3d1: {  	[tilespmem:$0x18890] =	vst v16  }
0x3d2: {  	v16 =	vld [tilespmem:s24+$0x4880]  }
0x3d3: {  	v17 =	vld [tilespmem:s24+$0x48A0]  }
0x3d4: {  	v38 =	vld [tilespmem:s24+$0x14880]  }
0x3d5: {  	v39 =	vld [tilespmem:s24+$0x148A0]  }
0x3d6: {  	v40 =	vld [tilespmem:s24+$0x4890]  }
0x3d7: {  	v41 =	vld [tilespmem:s24+$0x48B0]  }
0x3d8: {  	v42 =	vld [tilespmem:s24+$0x14890]  }
0x3d9: {  	v43 =	vld [tilespmem:s24+$0x148B0];
	_ =	sdelay $0x1  }
0x3da: {  	v44 =	vld [tilespmem:s24+$0xC880]  }
0x3db: {  	v45 =	vld [tilespmem:s24+$0xC8A0];
	v46 =	vmul.f32 v38, v16;
	v47 =	vmul.f32 v39, v17  }
0x3dc: {  	v48 =	vld [tilespmem:s24+$0xC890];
	v16 =	vmul.f32 v39, v16;
	v17 =	vmul.f32 v38, v17  }
0x3dd: {  	v49 =	vld [tilespmem:s24+$0xC8B0];
	v50 =	vmul.f32 v42, v40;
	v51 =	vmul.f32 v43, v41  }
0x3de: {  	v20 =	vmul.f32 v43, v40;
	v21 =	vmul.f32 v42, v41  }
0x3df: {  	v52 =	vadd.f32 v47, v46;
	v16 =	vsub.f32 v16, v17  }
0x3e0: {  	v17 =	vadd.f32 v51, v50;
	v20 =	vsub.f32 v20, v21  }
0x3e1: {  	v53 =	vmul.f32 v52, v44;
	v16 =	vmul.f32 v16, v45  }
0x3e2: {  	v17 =	vmul.f32 v17, v48;
	v54 =	vmul.f32 v20, v49;
	_ =	sdelay $0x1  }
0x3e3: {  	v16 =	vadd.f32 v16, v53;
	v17 =	vadd.f32 v54, v17;
	_ =	sdelay $0x1  }
0x3e4: {  	v16 =	vadd.f32 v17, v16;
	_ =	sdelay $0x1  }
0x3e5: {  	[tilespmem:$0x188A0] =	vst v16  }
0x3e6: {  	v16 =	vld [tilespmem:s24+$0x48C0]  }
0x3e7: {  	v17 =	vld [tilespmem:s24+$0x48E0]  }
0x3e8: {  	v55 =	vld [tilespmem:s24+$0x148C0]  }
0x3e9: {  	v56 =	vld [tilespmem:s24+$0x148E0]  }
0x3ea: {  	v57 =	vld [tilespmem:s24+$0x48D0]  }
0x3eb: {  	v58 =	vld [tilespmem:s24+$0x48F0]  }
0x3ec: {  	v59 =	vld [tilespmem:s24+$0x148D0]  }
0x3ed: {  	v60 =	vld [tilespmem:s24+$0x148F0];
	_ =	sdelay $0x1  }
0x3ee: {  	v61 =	vld [tilespmem:s24+$0xC8C0]  }
0x3ef: {  	v62 =	vld [tilespmem:s24+$0xC8E0];
	v63 =	vmul.f32 v55, v16;
	v32 =	vmul.f32 v56, v17  }
0x3f0: {  	v33 =	vld [tilespmem:s24+$0xC8D0];
	v16 =	vmul.f32 v56, v16;
	v17 =	vmul.f32 v55, v17  }
0x3f1: {  	v34 =	vld [tilespmem:s24+$0xC8F0];
	v35 =	vmul.f32 v59, v57;
	v36 =	vmul.f32 v60, v58  }
0x3f2: {  	v20 =	vmul.f32 v60, v57;
	v21 =	vmul.f32 v59, v58  }
0x3f3: {  	v37 =	vadd.f32 v32, v63;
	v16 =	vsub.f32 v16, v17  }
0x3f4: {  	v17 =	vadd.f32 v36, v35;
	v20 =	vsub.f32 v20, v21  }
0x3f5: {  	v38 =	vmul.f32 v37, v61;
	v16 =	vmul.f32 v16, v62  }
0x3f6: {  	v17 =	vmul.f32 v17, v33;
	v39 =	vmul.f32 v20, v34;
	_ =	sdelay $0x1  }
0x3f7: {  	v16 =	vadd.f32 v16, v38;
	v17 =	vadd.f32 v39, v17;
	_ =	sdelay $0x1  }
0x3f8: {  	v16 =	vadd.f32 v17, v16;
	_ =	sdelay $0x1  }
0x3f9: {  	[tilespmem:$0x188B0] =	vst v16  }
0x3fa: {  	v16 =	vld [tilespmem:s24+$0x4900]  }
0x3fb: {  	v17 =	vld [tilespmem:s24+$0x4920]  }
0x3fc: {  	v40 =	vld [tilespmem:s24+$0x14900]  }
0x3fd: {  	v41 =	vld [tilespmem:s24+$0x14920]  }
0x3fe: {  	v42 =	vld [tilespmem:s24+$0x4910]  }
0x3ff: {  	v43 =	vld [tilespmem:s24+$0x4930]  }
0x400: {  	v44 =	vld [tilespmem:s24+$0x14910]  }
0x401: {  	v45 =	vld [tilespmem:s24+$0x14930];
	_ =	sdelay $0x1  }
0x402: {  	v46 =	vld [tilespmem:s24+$0xC900]  }
0x403: {  	v47 =	vld [tilespmem:s24+$0xC920];
	v48 =	vmul.f32 v40, v16;
	v49 =	vmul.f32 v41, v17  }
0x404: {  	v50 =	vld [tilespmem:s24+$0xC910];
	v16 =	vmul.f32 v41, v16;
	v17 =	vmul.f32 v40, v17  }
0x405: {  	v51 =	vld [tilespmem:s24+$0xC930];
	v52 =	vmul.f32 v44, v42;
	v53 =	vmul.f32 v45, v43  }
0x406: {  	v20 =	vmul.f32 v45, v42;
	v21 =	vmul.f32 v44, v43  }
0x407: {  	v54 =	vadd.f32 v49, v48;
	v16 =	vsub.f32 v16, v17  }
0x408: {  	v17 =	vadd.f32 v53, v52;
	v20 =	vsub.f32 v20, v21  }
0x409: {  	v55 =	vmul.f32 v54, v46;
	v16 =	vmul.f32 v16, v47  }
0x40a: {  	v17 =	vmul.f32 v17, v50;
	v56 =	vmul.f32 v20, v51;
	_ =	sdelay $0x1  }
0x40b: {  	v16 =	vadd.f32 v16, v55;
	v17 =	vadd.f32 v56, v17;
	_ =	sdelay $0x1  }
0x40c: {  	v16 =	vadd.f32 v17, v16;
	_ =	sdelay $0x1  }
0x40d: {  	[tilespmem:$0x188C0] =	vst v16  }
0x40e: {  	v16 =	vld [tilespmem:s24+$0x4940]  }
0x40f: {  	v17 =	vld [tilespmem:s24+$0x4960]  }
0x410: {  	v57 =	vld [tilespmem:s24+$0x14940]  }
0x411: {  	v58 =	vld [tilespmem:s24+$0x14960]  }
0x412: {  	v59 =	vld [tilespmem:s24+$0x4950]  }
0x413: {  	v60 =	vld [tilespmem:s24+$0x4970]  }
0x414: {  	v61 =	vld [tilespmem:s24+$0x14950]  }
0x415: {  	v62 =	vld [tilespmem:s24+$0x14970];
	_ =	sdelay $0x1  }
0x416: {  	v63 =	vld [tilespmem:s24+$0xC940]  }
0x417: {  	v32 =	vld [tilespmem:s24+$0xC960];
	v33 =	vmul.f32 v57, v16;
	v34 =	vmul.f32 v58, v17  }
0x418: {  	v35 =	vld [tilespmem:s24+$0xC950];
	v16 =	vmul.f32 v58, v16;
	v17 =	vmul.f32 v57, v17  }
0x419: {  	v36 =	vld [tilespmem:s24+$0xC970];
	v37 =	vmul.f32 v61, v59;
	v38 =	vmul.f32 v62, v60  }
0x41a: {  	v20 =	vmul.f32 v62, v59;
	v21 =	vmul.f32 v61, v60  }
0x41b: {  	v39 =	vadd.f32 v34, v33;
	v16 =	vsub.f32 v16, v17  }
0x41c: {  	v17 =	vadd.f32 v38, v37;
	v20 =	vsub.f32 v20, v21  }
0x41d: {  	v40 =	vmul.f32 v39, v63;
	v16 =	vmul.f32 v16, v32  }
0x41e: {  	v17 =	vmul.f32 v17, v35;
	v41 =	vmul.f32 v20, v36;
	_ =	sdelay $0x1  }
0x41f: {  	v16 =	vadd.f32 v16, v40;
	v17 =	vadd.f32 v41, v17;
	_ =	sdelay $0x1  }
0x420: {  	v16 =	vadd.f32 v17, v16;
	_ =	sdelay $0x1  }
0x421: {  	[tilespmem:$0x188D0] =	vst v16  }
0x422: {  	v16 =	vld [tilespmem:s24+$0x4980]  }
0x423: {  	v17 =	vld [tilespmem:s24+$0x49A0]  }
0x424: {  	v42 =	vld [tilespmem:s24+$0x14980]  }
0x425: {  	v43 =	vld [tilespmem:s24+$0x149A0]  }
0x426: {  	v44 =	vld [tilespmem:s24+$0x4990]  }
0x427: {  	v45 =	vld [tilespmem:s24+$0x49B0]  }
0x428: {  	v46 =	vld [tilespmem:s24+$0x14990]  }
0x429: {  	v47 =	vld [tilespmem:s24+$0x149B0];
	_ =	sdelay $0x1  }
0x42a: {  	v48 =	vld [tilespmem:s24+$0xC980]  }
0x42b: {  	v49 =	vld [tilespmem:s24+$0xC9A0];
	v50 =	vmul.f32 v42, v16;
	v51 =	vmul.f32 v43, v17  }
0x42c: {  	v52 =	vld [tilespmem:s24+$0xC990];
	v16 =	vmul.f32 v43, v16;
	v17 =	vmul.f32 v42, v17  }
0x42d: {  	v53 =	vld [tilespmem:s24+$0xC9B0];
	v54 =	vmul.f32 v46, v44;
	v55 =	vmul.f32 v47, v45  }
0x42e: {  	v20 =	vmul.f32 v47, v44;
	v21 =	vmul.f32 v46, v45  }
0x42f: {  	v56 =	vadd.f32 v51, v50;
	v16 =	vsub.f32 v16, v17  }
0x430: {  	v17 =	vadd.f32 v55, v54;
	v20 =	vsub.f32 v20, v21  }
0x431: {  	v57 =	vmul.f32 v56, v48;
	v16 =	vmul.f32 v16, v49  }
0x432: {  	v17 =	vmul.f32 v17, v52;
	v58 =	vmul.f32 v20, v53;
	_ =	sdelay $0x1  }
0x433: {  	v16 =	vadd.f32 v16, v57;
	v17 =	vadd.f32 v58, v17;
	_ =	sdelay $0x1  }
0x434: {  	v16 =	vadd.f32 v17, v16;
	_ =	sdelay $0x1  }
0x435: {  	[tilespmem:$0x188E0] =	vst v16  }
0x436: {  	v16 =	vld [tilespmem:s24+$0x49C0]  }
0x437: {  	v17 =	vld [tilespmem:s24+$0x49E0]  }
0x438: {  	v59 =	vld [tilespmem:s24+$0x149C0]  }
0x439: {  	v60 =	vld [tilespmem:s24+$0x149E0]  }
0x43a: {  	v61 =	vld [tilespmem:s24+$0x49D0]  }
0x43b: {  	v62 =	vld [tilespmem:s24+$0x49F0]  }
0x43c: {  	v63 =	vld [tilespmem:s24+$0x149D0]  }
0x43d: {  	v32 =	vld [tilespmem:s24+$0x149F0];
	_ =	sdelay $0x1  }
0x43e: {  	v33 =	vld [tilespmem:s24+$0xC9C0]  }
0x43f: {  	v34 =	vld [tilespmem:s24+$0xC9E0];
	v35 =	vmul.f32 v59, v16;
	v36 =	vmul.f32 v60, v17  }
0x440: {  	v37 =	vld [tilespmem:s24+$0xC9D0];
	v16 =	vmul.f32 v60, v16;
	v17 =	vmul.f32 v59, v17  }
0x441: {  	v38 =	vld [tilespmem:s24+$0xC9F0];
	v39 =	vmul.f32 v63, v61;
	v40 =	vmul.f32 v32, v62  }
0x442: {  	v20 =	vmul.f32 v32, v61;
	v21 =	vmul.f32 v63, v62  }
0x443: {  	v41 =	vadd.f32 v36, v35;
	v16 =	vsub.f32 v16, v17  }
0x444: {  	v17 =	vadd.f32 v40, v39;
	v20 =	vsub.f32 v20, v21  }
0x445: {  	v42 =	vmul.f32 v41, v33;
	v16 =	vmul.f32 v16, v34  }
0x446: {  	v17 =	vmul.f32 v17, v37;
	v43 =	vmul.f32 v20, v38;
	_ =	sdelay $0x1  }
0x447: {  	v16 =	vadd.f32 v16, v42;
	v17 =	vadd.f32 v43, v17;
	_ =	sdelay $0x1  }
0x448: {  	v16 =	vadd.f32 v17, v16;
	_ =	sdelay $0x1  }
0x449: {  	[tilespmem:$0x188F0] =	vst v16  }
0x44a: {  	v16 =	vld.idx.msk [tilespmem:v0+s16+$0x0], $0xffff  }
0x44b: {  	v17 =	vld.idx.msk [tilespmem:v1+s16+$0x0], $0xffff  }
0x44c: {  	v44 =	vld.idx.msk [tilespmem:v2+s16+$0x0], $0xffff  }
0x44d: {  	v45 =	vld.idx.msk [tilespmem:v3+s16+$0x0], $0xffff  }
0x44e: {  	v46 =	vld.idx.msk [tilespmem:v4+s16+$0x0], $0xffff  }
0x44f: {  	v47 =	vld.idx.msk [tilespmem:v5+s16+$0x0], $0xffff  }
0x450: {  	v48 =	vld.idx.msk [tilespmem:v6+s16+$0x0], $0xffff  }
0x451: {  	v49 =	vld.idx.msk [tilespmem:v7+s16+$0x0], $0xffff  }
0x452: {  	v50 =	vld.idx.msk [tilespmem:v8+s16+$0x0], $0xffff  }
0x453: {  	v51 =	vld.idx.msk [tilespmem:v9+s16+$0x0], $0xffff  }
0x454: {  	v52 =	vld.idx.msk [tilespmem:v10+s16+$0x0], $0xffff  }
0x455: {  	v53 =	vld.idx.msk [tilespmem:v11+s16+$0x0], $0xffff  }
0x456: {  	v54 =	vld.idx.msk [tilespmem:v12+s16+$0x0], $0xffff  }
0x457: {  	v55 =	vld.idx.msk [tilespmem:v13+s16+$0x0], $0xffff  }
0x458: {  	v30 =	vld.idx.msk [tilespmem:v14+s16+$0x0], $0xffff  }
0x459: {  	v31 =	vld.idx.msk [tilespmem:v15+s16+$0x0], $0xffff;
	_ =	sdelay $0x1  }
0x45a: {  	v16 =	vadd.f32 v17, v16;
	v17 =	vadd.f32 v45, v44  }
0x45b: {  	v56 =	vadd.f32 v47, v46;
	v57 =	vadd.f32 v49, v48  }
0x45c: {  	v58 =	vadd.f32 v51, v50;
	v59 =	vadd.f32 v53, v52  }
0x45d: {  	v60 =	vadd.f32 v55, v54;
	v61 =	vadd.f32 v31, v30  }
0x45e: {  	v16 =	vadd.f32 v17, v16;
	v17 =	vadd.f32 v57, v56  }
0x45f: {  	v62 =	vadd.f32 v59, v58;
	v63 =	vadd.f32 v61, v60  }
0x460: {  	p0 =	sne.s32 s22, $0x7000  }
.Ltmp2:
0x461: {  	v16 =	vadd.f32 v17, v16;
	v17 =	vadd.f32 v63, v62;
	(pc) =	sbr.rel @p0 .LBB2_6-.Ltmp2, $3  }
0x462: {  	_ = 	snop  }
0x463: {  	v16 =	vadd.f32 v17, v16;
	_ =	sdelay $0x1  }
0x464: {  	s22 =	sadd.s32 $0x1000, s22;
	[tilespmem:s23+$0x0] =	vst v16;
	s23 =	sadd.s32 $0x10, s23  }
0x465: {  	_ =	swait.ge [sflag:s19], $0x2000  }
0x466: {  	[sflag:s19] =	ssyncset.done $0x0  }
0x467: {  	[sflag:s19] =	ssyncadd.s32 $0xFFFFE000  }
0x468: {  	_ =	swait.ge [sflag:s19], $0x2000  }
0x469: {  	[sflag:s19] =	ssyncset.done $0x0  }
0x46a: {  	[sflag:s19] =	ssyncadd.s32 $0xFFFFE000  }
0x46b: {  	_ =	swait.ge [sflag:s19], $0x2000  }
0x46c: {  	[sflag:s19] =	ssyncset.done $0x0  }
0x46d: {  	s22 =	simm.s32 $0x0;
	s23 =	simm.s32 $0x18780;
	[sflag:s19] =	ssyncadd.s32 $0xFFFFE000  }
.LBB2_8:
0x46e: {  	s24 =	sshra.s32 s22, $0x2  }
0x46f: {  	v16 =	vld [tilespmem:s24+$0x6600]  }
0x470: {  	v17 =	vld [tilespmem:s24+$0x6620]  }
0x471: {  	v18 =	vld [tilespmem:s24+$0x16600]  }
0x472: {  	v19 =	vld [tilespmem:s24+$0x16620]  }
0x473: {  	v20 =	vld [tilespmem:s24+$0x6610]  }
0x474: {  	v21 =	vld [tilespmem:s24+$0x6630]  }
0x475: {  	v22 =	vld [tilespmem:s24+$0x16610]  }
0x476: {  	v23 =	vld [tilespmem:s24+$0x16630];
	_ =	sdelay $0x1  }
0x477: {  	v24 =	vld [tilespmem:s24+$0xE600]  }
0x478: {  	v25 =	vld [tilespmem:s24+$0xE620];
	v26 =	vmul.f32 v18, v16;
	v27 =	vmul.f32 v19, v17  }
0x479: {  	v45 =	vld [tilespmem:s24+$0xE610];
	v16 =	vmul.f32 v19, v16;
	v17 =	vmul.f32 v18, v17  }
0x47a: {  	v46 =	vld [tilespmem:s24+$0xE630];
	v28 =	vmul.f32 v22, v20;
	v29 =	vmul.f32 v23, v21  }
0x47b: {  	v20 =	vmul.f32 v23, v20;
	v21 =	vmul.f32 v22, v21  }
0x47c: {  	v47 =	vadd.f32 v27, v26;
	v16 =	vsub.f32 v16, v17  }
0x47d: {  	v17 =	vadd.f32 v29, v28;
	v20 =	vsub.f32 v20, v21  }
0x47e: {  	v48 =	vmul.f32 v47, v24;
	v16 =	vmul.f32 v16, v25  }
0x47f: {  	v17 =	vmul.f32 v17, v45;
	v49 =	vmul.f32 v20, v46;
	_ =	sdelay $0x1  }
0x480: {  	v16 =	vadd.f32 v16, v48;
	v17 =	vadd.f32 v49, v17;
	_ =	sdelay $0x1  }
0x481: {  	v16 =	vadd.f32 v17, v16;
	_ =	sdelay $0x1  }
0x482: {  	[tilespmem:$0x18800] =	vst v16  }
0x483: {  	v16 =	vld [tilespmem:s24+$0x6640]  }
0x484: {  	v17 =	vld [tilespmem:s24+$0x6660]  }
0x485: {  	v50 =	vld [tilespmem:s24+$0x16640]  }
0x486: {  	v51 =	vld [tilespmem:s24+$0x16660]  }
0x487: {  	v52 =	vld [tilespmem:s24+$0x6650]  }
0x488: {  	v53 =	vld [tilespmem:s24+$0x6670]  }
0x489: {  	v54 =	vld [tilespmem:s24+$0x16650]  }
0x48a: {  	v55 =	vld [tilespmem:s24+$0x16670];
	_ =	sdelay $0x1  }
0x48b: {  	v56 =	vld [tilespmem:s24+$0xE640]  }
0x48c: {  	v57 =	vld [tilespmem:s24+$0xE660];
	v58 =	vmul.f32 v50, v16;
	v59 =	vmul.f32 v51, v17  }
0x48d: {  	v60 =	vld [tilespmem:s24+$0xE650];
	v16 =	vmul.f32 v51, v16;
	v17 =	vmul.f32 v50, v17  }
0x48e: {  	v61 =	vld [tilespmem:s24+$0xE670];
	v62 =	vmul.f32 v54, v52;
	v63 =	vmul.f32 v55, v53  }
0x48f: {  	v20 =	vmul.f32 v55, v52;
	v21 =	vmul.f32 v54, v53  }
0x490: {  	v30 =	vadd.f32 v59, v58;
	v16 =	vsub.f32 v16, v17  }
0x491: {  	v17 =	vadd.f32 v63, v62;
	v20 =	vsub.f32 v20, v21  }
0x492: {  	v31 =	vmul.f32 v30, v56;
	v16 =	vmul.f32 v16, v57  }
0x493: {  	v17 =	vmul.f32 v17, v60;
	v32 =	vmul.f32 v20, v61;
	_ =	sdelay $0x1  }
0x494: {  	v16 =	vadd.f32 v16, v31;
	v17 =	vadd.f32 v32, v17;
	_ =	sdelay $0x1  }
0x495: {  	v16 =	vadd.f32 v17, v16;
	_ =	sdelay $0x1  }
0x496: {  	[tilespmem:$0x18810] =	vst v16  }
0x497: {  	v16 =	vld [tilespmem:s24+$0x6680]  }
0x498: {  	v17 =	vld [tilespmem:s24+$0x66A0]  }
0x499: {  	v33 =	vld [tilespmem:s24+$0x16680]  }
0x49a: {  	v34 =	vld [tilespmem:s24+$0x166A0]  }
0x49b: {  	v35 =	vld [tilespmem:s24+$0x6690]  }
0x49c: {  	v36 =	vld [tilespmem:s24+$0x66B0]  }
0x49d: {  	v37 =	vld [tilespmem:s24+$0x16690]  }
0x49e: {  	v38 =	vld [tilespmem:s24+$0x166B0];
	_ =	sdelay $0x1  }
0x49f: {  	v39 =	vld [tilespmem:s24+$0xE680]  }
0x4a0: {  	v40 =	vld [tilespmem:s24+$0xE6A0];
	v41 =	vmul.f32 v33, v16;
	v42 =	vmul.f32 v34, v17  }
0x4a1: {  	v43 =	vld [tilespmem:s24+$0xE690];
	v16 =	vmul.f32 v34, v16;
	v17 =	vmul.f32 v33, v17  }
0x4a2: {  	v44 =	vld [tilespmem:s24+$0xE6B0];
	v45 =	vmul.f32 v37, v35;
	v46 =	vmul.f32 v38, v36  }
0x4a3: {  	v20 =	vmul.f32 v38, v35;
	v21 =	vmul.f32 v37, v36  }
0x4a4: {  	v47 =	vadd.f32 v42, v41;
	v16 =	vsub.f32 v16, v17  }
0x4a5: {  	v17 =	vadd.f32 v46, v45;
	v20 =	vsub.f32 v20, v21  }
0x4a6: {  	v48 =	vmul.f32 v47, v39;
	v16 =	vmul.f32 v16, v40  }
0x4a7: {  	v17 =	vmul.f32 v17, v43;
	v49 =	vmul.f32 v20, v44;
	_ =	sdelay $0x1  }
0x4a8: {  	v16 =	vadd.f32 v16, v48;
	v17 =	vadd.f32 v49, v17;
	_ =	sdelay $0x1  }
0x4a9: {  	v16 =	vadd.f32 v17, v16;
	_ =	sdelay $0x1  }
0x4aa: {  	[tilespmem:$0x18820] =	vst v16  }
0x4ab: {  	v16 =	vld [tilespmem:s24+$0x66C0]  }
0x4ac: {  	v17 =	vld [tilespmem:s24+$0x66E0]  }
0x4ad: {  	v50 =	vld [tilespmem:s24+$0x166C0]  }
0x4ae: {  	v51 =	vld [tilespmem:s24+$0x166E0]  }
0x4af: {  	v52 =	vld [tilespmem:s24+$0x66D0]  }
0x4b0: {  	v53 =	vld [tilespmem:s24+$0x66F0]  }
0x4b1: {  	v54 =	vld [tilespmem:s24+$0x166D0]  }
0x4b2: {  	v55 =	vld [tilespmem:s24+$0x166F0];
	_ =	sdelay $0x1  }
0x4b3: {  	v56 =	vld [tilespmem:s24+$0xE6C0]  }
0x4b4: {  	v57 =	vld [tilespmem:s24+$0xE6E0];
	v58 =	vmul.f32 v50, v16;
	v59 =	vmul.f32 v51, v17  }
0x4b5: {  	v60 =	vld [tilespmem:s24+$0xE6D0];
	v16 =	vmul.f32 v51, v16;
	v17 =	vmul.f32 v50, v17  }
0x4b6: {  	v61 =	vld [tilespmem:s24+$0xE6F0];
	v62 =	vmul.f32 v54, v52;
	v63 =	vmul.f32 v55, v53  }
0x4b7: {  	v20 =	vmul.f32 v55, v52;
	v21 =	vmul.f32 v54, v53  }
0x4b8: {  	v30 =	vadd.f32 v59, v58;
	v16 =	vsub.f32 v16, v17  }
0x4b9: {  	v17 =	vadd.f32 v63, v62;
	v20 =	vsub.f32 v20, v21  }
0x4ba: {  	v31 =	vmul.f32 v30, v56;
	v16 =	vmul.f32 v16, v57  }
0x4bb: {  	v17 =	vmul.f32 v17, v60;
	v32 =	vmul.f32 v20, v61;
	_ =	sdelay $0x1  }
0x4bc: {  	v16 =	vadd.f32 v16, v31;
	v17 =	vadd.f32 v32, v17;
	_ =	sdelay $0x1  }
0x4bd: {  	v16 =	vadd.f32 v17, v16;
	_ =	sdelay $0x1  }
0x4be: {  	[tilespmem:$0x18830] =	vst v16  }
0x4bf: {  	v16 =	vld [tilespmem:s24+$0x6700]  }
0x4c0: {  	v17 =	vld [tilespmem:s24+$0x6720]  }
0x4c1: {  	v33 =	vld [tilespmem:s24+$0x16700]  }
0x4c2: {  	v34 =	vld [tilespmem:s24+$0x16720]  }
0x4c3: {  	v35 =	vld [tilespmem:s24+$0x6710]  }
0x4c4: {  	v36 =	vld [tilespmem:s24+$0x6730]  }
0x4c5: {  	v37 =	vld [tilespmem:s24+$0x16710]  }
0x4c6: {  	v38 =	vld [tilespmem:s24+$0x16730];
	_ =	sdelay $0x1  }
0x4c7: {  	v39 =	vld [tilespmem:s24+$0xE700]  }
0x4c8: {  	v40 =	vld [tilespmem:s24+$0xE720];
	v41 =	vmul.f32 v33, v16;
	v42 =	vmul.f32 v34, v17  }
0x4c9: {  	v43 =	vld [tilespmem:s24+$0xE710];
	v16 =	vmul.f32 v34, v16;
	v17 =	vmul.f32 v33, v17  }
0x4ca: {  	v44 =	vld [tilespmem:s24+$0xE730];
	v45 =	vmul.f32 v37, v35;
	v46 =	vmul.f32 v38, v36  }
0x4cb: {  	v20 =	vmul.f32 v38, v35;
	v21 =	vmul.f32 v37, v36  }
0x4cc: {  	v47 =	vadd.f32 v42, v41;
	v16 =	vsub.f32 v16, v17  }
0x4cd: {  	v17 =	vadd.f32 v46, v45;
	v20 =	vsub.f32 v20, v21  }
0x4ce: {  	v48 =	vmul.f32 v47, v39;
	v16 =	vmul.f32 v16, v40  }
0x4cf: {  	v17 =	vmul.f32 v17, v43;
	v49 =	vmul.f32 v20, v44;
	_ =	sdelay $0x1  }
0x4d0: {  	v16 =	vadd.f32 v16, v48;
	v17 =	vadd.f32 v49, v17;
	_ =	sdelay $0x1  }
0x4d1: {  	v16 =	vadd.f32 v17, v16;
	_ =	sdelay $0x1  }
0x4d2: {  	[tilespmem:$0x18840] =	vst v16  }
0x4d3: {  	v16 =	vld [tilespmem:s24+$0x6740]  }
0x4d4: {  	v17 =	vld [tilespmem:s24+$0x6760]  }
0x4d5: {  	v50 =	vld [tilespmem:s24+$0x16740]  }
0x4d6: {  	v51 =	vld [tilespmem:s24+$0x16760]  }
0x4d7: {  	v52 =	vld [tilespmem:s24+$0x6750]  }
0x4d8: {  	v53 =	vld [tilespmem:s24+$0x6770]  }
0x4d9: {  	v54 =	vld [tilespmem:s24+$0x16750]  }
0x4da: {  	v55 =	vld [tilespmem:s24+$0x16770];
	_ =	sdelay $0x1  }
0x4db: {  	v56 =	vld [tilespmem:s24+$0xE740]  }
0x4dc: {  	v57 =	vld [tilespmem:s24+$0xE760];
	v58 =	vmul.f32 v50, v16;
	v59 =	vmul.f32 v51, v17  }
0x4dd: {  	v60 =	vld [tilespmem:s24+$0xE750];
	v16 =	vmul.f32 v51, v16;
	v17 =	vmul.f32 v50, v17  }
0x4de: {  	v61 =	vld [tilespmem:s24+$0xE770];
	v62 =	vmul.f32 v54, v52;
	v63 =	vmul.f32 v55, v53  }
0x4df: {  	v20 =	vmul.f32 v55, v52;
	v21 =	vmul.f32 v54, v53  }
0x4e0: {  	v31 =	vadd.f32 v59, v58;
	v16 =	vsub.f32 v16, v17  }
0x4e1: {  	v17 =	vadd.f32 v63, v62;
	v20 =	vsub.f32 v20, v21  }
0x4e2: {  	v32 =	vmul.f32 v31, v56;
	v16 =	vmul.f32 v16, v57  }
0x4e3: {  	v17 =	vmul.f32 v17, v60;
	v33 =	vmul.f32 v20, v61;
	_ =	sdelay $0x1  }
0x4e4: {  	v16 =	vadd.f32 v16, v32;
	v17 =	vadd.f32 v33, v17;
	_ =	sdelay $0x1  }
0x4e5: {  	v16 =	vadd.f32 v17, v16;
	_ =	sdelay $0x1  }
0x4e6: {  	[tilespmem:$0x18850] =	vst v16  }
0x4e7: {  	v16 =	vld [tilespmem:s24+$0x6780]  }
0x4e8: {  	v17 =	vld [tilespmem:s24+$0x67A0]  }
0x4e9: {  	v34 =	vld [tilespmem:s24+$0x16780]  }
0x4ea: {  	v35 =	vld [tilespmem:s24+$0x167A0]  }
0x4eb: {  	v36 =	vld [tilespmem:s24+$0x6790]  }
0x4ec: {  	v37 =	vld [tilespmem:s24+$0x67B0]  }
0x4ed: {  	v38 =	vld [tilespmem:s24+$0x16790]  }
0x4ee: {  	v39 =	vld [tilespmem:s24+$0x167B0];
	_ =	sdelay $0x1  }
0x4ef: {  	v40 =	vld [tilespmem:s24+$0xE780]  }
0x4f0: {  	v41 =	vld [tilespmem:s24+$0xE7A0];
	v42 =	vmul.f32 v34, v16;
	v43 =	vmul.f32 v35, v17  }
0x4f1: {  	v44 =	vld [tilespmem:s24+$0xE790];
	v16 =	vmul.f32 v35, v16;
	v17 =	vmul.f32 v34, v17  }
0x4f2: {  	v45 =	vld [tilespmem:s24+$0xE7B0];
	v46 =	vmul.f32 v38, v36;
	v47 =	vmul.f32 v39, v37  }
0x4f3: {  	v20 =	vmul.f32 v39, v36;
	v21 =	vmul.f32 v38, v37  }
0x4f4: {  	v48 =	vadd.f32 v43, v42;
	v16 =	vsub.f32 v16, v17  }
0x4f5: {  	v17 =	vadd.f32 v47, v46;
	v20 =	vsub.f32 v20, v21  }
0x4f6: {  	v49 =	vmul.f32 v48, v40;
	v16 =	vmul.f32 v16, v41  }
0x4f7: {  	v17 =	vmul.f32 v17, v44;
	v50 =	vmul.f32 v20, v45;
	_ =	sdelay $0x1  }
0x4f8: {  	v16 =	vadd.f32 v16, v49;
	v17 =	vadd.f32 v50, v17;
	_ =	sdelay $0x1  }
0x4f9: {  	v16 =	vadd.f32 v17, v16;
	_ =	sdelay $0x1  }
0x4fa: {  	[tilespmem:$0x18860] =	vst v16  }
0x4fb: {  	v16 =	vld [tilespmem:s24+$0x67C0]  }
0x4fc: {  	v17 =	vld [tilespmem:s24+$0x67E0]  }
0x4fd: {  	v51 =	vld [tilespmem:s24+$0x167C0]  }
0x4fe: {  	v52 =	vld [tilespmem:s24+$0x167E0]  }
0x4ff: {  	v53 =	vld [tilespmem:s24+$0x67D0]  }
0x500: {  	v54 =	vld [tilespmem:s24+$0x67F0]  }
0x501: {  	v55 =	vld [tilespmem:s24+$0x167D0]  }
0x502: {  	v56 =	vld [tilespmem:s24+$0x167F0];
	_ =	sdelay $0x1  }
0x503: {  	v57 =	vld [tilespmem:s24+$0xE7C0]  }
0x504: {  	v58 =	vld [tilespmem:s24+$0xE7E0];
	v59 =	vmul.f32 v51, v16;
	v60 =	vmul.f32 v52, v17  }
0x505: {  	v61 =	vld [tilespmem:s24+$0xE7D0];
	v16 =	vmul.f32 v52, v16;
	v17 =	vmul.f32 v51, v17  }
0x506: {  	v62 =	vld [tilespmem:s24+$0xE7F0];
	v63 =	vmul.f32 v55, v53;
	v32 =	vmul.f32 v56, v54  }
0x507: {  	v20 =	vmul.f32 v56, v53;
	v21 =	vmul.f32 v55, v54  }
0x508: {  	v33 =	vadd.f32 v60, v59;
	v16 =	vsub.f32 v16, v17  }
0x509: {  	v17 =	vadd.f32 v32, v63;
	v20 =	vsub.f32 v20, v21  }
0x50a: {  	v34 =	vmul.f32 v33, v57;
	v16 =	vmul.f32 v16, v58  }
0x50b: {  	v17 =	vmul.f32 v17, v61;
	v35 =	vmul.f32 v20, v62;
	_ =	sdelay $0x1  }
0x50c: {  	v16 =	vadd.f32 v16, v34;
	v17 =	vadd.f32 v35, v17;
	_ =	sdelay $0x1  }
0x50d: {  	v16 =	vadd.f32 v17, v16;
	_ =	sdelay $0x1  }
0x50e: {  	[tilespmem:$0x18870] =	vst v16  }
0x50f: {  	v16 =	vld [tilespmem:s24+$0x6800]  }
0x510: {  	v17 =	vld [tilespmem:s24+$0x6820]  }
0x511: {  	v36 =	vld [tilespmem:s24+$0x16800]  }
0x512: {  	v37 =	vld [tilespmem:s24+$0x16820]  }
0x513: {  	v38 =	vld [tilespmem:s24+$0x6810]  }
0x514: {  	v39 =	vld [tilespmem:s24+$0x6830]  }
0x515: {  	v40 =	vld [tilespmem:s24+$0x16810]  }
0x516: {  	v41 =	vld [tilespmem:s24+$0x16830];
	_ =	sdelay $0x1  }
0x517: {  	v42 =	vld [tilespmem:s24+$0xE800]  }
0x518: {  	v43 =	vld [tilespmem:s24+$0xE820];
	v44 =	vmul.f32 v36, v16;
	v45 =	vmul.f32 v37, v17  }
0x519: {  	v46 =	vld [tilespmem:s24+$0xE810];
	v16 =	vmul.f32 v37, v16;
	v17 =	vmul.f32 v36, v17  }
0x51a: {  	v47 =	vld [tilespmem:s24+$0xE830];
	v48 =	vmul.f32 v40, v38;
	v49 =	vmul.f32 v41, v39  }
0x51b: {  	v20 =	vmul.f32 v41, v38;
	v21 =	vmul.f32 v40, v39  }
0x51c: {  	v50 =	vadd.f32 v45, v44;
	v16 =	vsub.f32 v16, v17  }
0x51d: {  	v17 =	vadd.f32 v49, v48;
	v20 =	vsub.f32 v20, v21  }
0x51e: {  	v51 =	vmul.f32 v50, v42;
	v16 =	vmul.f32 v16, v43  }
0x51f: {  	v17 =	vmul.f32 v17, v46;
	v52 =	vmul.f32 v20, v47;
	_ =	sdelay $0x1  }
0x520: {  	v16 =	vadd.f32 v16, v51;
	v17 =	vadd.f32 v52, v17;
	_ =	sdelay $0x1  }
0x521: {  	v16 =	vadd.f32 v17, v16;
	_ =	sdelay $0x1  }
0x522: {  	[tilespmem:$0x18880] =	vst v16  }
0x523: {  	v16 =	vld [tilespmem:s24+$0x6840]  }
0x524: {  	v17 =	vld [tilespmem:s24+$0x6860]  }
0x525: {  	v53 =	vld [tilespmem:s24+$0x16840]  }
0x526: {  	v54 =	vld [tilespmem:s24+$0x16860]  }
0x527: {  	v55 =	vld [tilespmem:s24+$0x6850]  }
0x528: {  	v56 =	vld [tilespmem:s24+$0x6870]  }
0x529: {  	v57 =	vld [tilespmem:s24+$0x16850]  }
0x52a: {  	v58 =	vld [tilespmem:s24+$0x16870];
	_ =	sdelay $0x1  }
0x52b: {  	v59 =	vld [tilespmem:s24+$0xE840]  }
0x52c: {  	v60 =	vld [tilespmem:s24+$0xE860];
	v61 =	vmul.f32 v53, v16;
	v62 =	vmul.f32 v54, v17  }
0x52d: {  	v63 =	vld [tilespmem:s24+$0xE850];
	v16 =	vmul.f32 v54, v16;
	v17 =	vmul.f32 v53, v17  }
0x52e: {  	v32 =	vld [tilespmem:s24+$0xE870];
	v33 =	vmul.f32 v57, v55;
	v34 =	vmul.f32 v58, v56  }
0x52f: {  	v20 =	vmul.f32 v58, v55;
	v21 =	vmul.f32 v57, v56  }
0x530: {  	v35 =	vadd.f32 v62, v61;
	v16 =	vsub.f32 v16, v17  }
0x531: {  	v17 =	vadd.f32 v34, v33;
	v20 =	vsub.f32 v20, v21  }
0x532: {  	v36 =	vmul.f32 v35, v59;
	v16 =	vmul.f32 v16, v60  }
0x533: {  	v17 =	vmul.f32 v17, v63;
	v37 =	vmul.f32 v20, v32;
	_ =	sdelay $0x1  }
0x534: {  	v16 =	vadd.f32 v16, v36;
	v17 =	vadd.f32 v37, v17;
	_ =	sdelay $0x1  }
0x535: {  	v16 =	vadd.f32 v17, v16;
	_ =	sdelay $0x1  }
0x536: {  	[tilespmem:$0x18890] =	vst v16  }
0x537: {  	v16 =	vld [tilespmem:s24+$0x6880]  }
0x538: {  	v17 =	vld [tilespmem:s24+$0x68A0]  }
0x539: {  	v38 =	vld [tilespmem:s24+$0x16880]  }
0x53a: {  	v39 =	vld [tilespmem:s24+$0x168A0]  }
0x53b: {  	v40 =	vld [tilespmem:s24+$0x6890]  }
0x53c: {  	v41 =	vld [tilespmem:s24+$0x68B0]  }
0x53d: {  	v42 =	vld [tilespmem:s24+$0x16890]  }
0x53e: {  	v43 =	vld [tilespmem:s24+$0x168B0];
	_ =	sdelay $0x1  }
0x53f: {  	v44 =	vld [tilespmem:s24+$0xE880]  }
0x540: {  	v45 =	vld [tilespmem:s24+$0xE8A0];
	v46 =	vmul.f32 v38, v16;
	v47 =	vmul.f32 v39, v17  }
0x541: {  	v48 =	vld [tilespmem:s24+$0xE890];
	v16 =	vmul.f32 v39, v16;
	v17 =	vmul.f32 v38, v17  }
0x542: {  	v49 =	vld [tilespmem:s24+$0xE8B0];
	v50 =	vmul.f32 v42, v40;
	v51 =	vmul.f32 v43, v41  }
0x543: {  	v20 =	vmul.f32 v43, v40;
	v21 =	vmul.f32 v42, v41  }
0x544: {  	v52 =	vadd.f32 v47, v46;
	v16 =	vsub.f32 v16, v17  }
0x545: {  	v17 =	vadd.f32 v51, v50;
	v20 =	vsub.f32 v20, v21  }
0x546: {  	v53 =	vmul.f32 v52, v44;
	v16 =	vmul.f32 v16, v45  }
0x547: {  	v17 =	vmul.f32 v17, v48;
	v54 =	vmul.f32 v20, v49;
	_ =	sdelay $0x1  }
0x548: {  	v16 =	vadd.f32 v16, v53;
	v17 =	vadd.f32 v54, v17;
	_ =	sdelay $0x1  }
0x549: {  	v16 =	vadd.f32 v17, v16;
	_ =	sdelay $0x1  }
0x54a: {  	[tilespmem:$0x188A0] =	vst v16  }
0x54b: {  	v16 =	vld [tilespmem:s24+$0x68C0]  }
0x54c: {  	v17 =	vld [tilespmem:s24+$0x68E0]  }
0x54d: {  	v55 =	vld [tilespmem:s24+$0x168C0]  }
0x54e: {  	v56 =	vld [tilespmem:s24+$0x168E0]  }
0x54f: {  	v57 =	vld [tilespmem:s24+$0x68D0]  }
0x550: {  	v58 =	vld [tilespmem:s24+$0x68F0]  }
0x551: {  	v59 =	vld [tilespmem:s24+$0x168D0]  }
0x552: {  	v60 =	vld [tilespmem:s24+$0x168F0];
	_ =	sdelay $0x1  }
0x553: {  	v61 =	vld [tilespmem:s24+$0xE8C0]  }
0x554: {  	v62 =	vld [tilespmem:s24+$0xE8E0];
	v63 =	vmul.f32 v55, v16;
	v32 =	vmul.f32 v56, v17  }
0x555: {  	v33 =	vld [tilespmem:s24+$0xE8D0];
	v16 =	vmul.f32 v56, v16;
	v17 =	vmul.f32 v55, v17  }
0x556: {  	v34 =	vld [tilespmem:s24+$0xE8F0];
	v35 =	vmul.f32 v59, v57;
	v36 =	vmul.f32 v60, v58  }
0x557: {  	v20 =	vmul.f32 v60, v57;
	v21 =	vmul.f32 v59, v58  }
0x558: {  	v37 =	vadd.f32 v32, v63;
	v16 =	vsub.f32 v16, v17  }
0x559: {  	v17 =	vadd.f32 v36, v35;
	v20 =	vsub.f32 v20, v21  }
0x55a: {  	v38 =	vmul.f32 v37, v61;
	v16 =	vmul.f32 v16, v62  }
0x55b: {  	v17 =	vmul.f32 v17, v33;
	v39 =	vmul.f32 v20, v34;
	_ =	sdelay $0x1  }
0x55c: {  	v16 =	vadd.f32 v16, v38;
	v17 =	vadd.f32 v39, v17;
	_ =	sdelay $0x1  }
0x55d: {  	v16 =	vadd.f32 v17, v16;
	_ =	sdelay $0x1  }
0x55e: {  	[tilespmem:$0x188B0] =	vst v16  }
0x55f: {  	v16 =	vld [tilespmem:s24+$0x6900]  }
0x560: {  	v17 =	vld [tilespmem:s24+$0x6920]  }
0x561: {  	v40 =	vld [tilespmem:s24+$0x16900]  }
0x562: {  	v41 =	vld [tilespmem:s24+$0x16920]  }
0x563: {  	v42 =	vld [tilespmem:s24+$0x6910]  }
0x564: {  	v43 =	vld [tilespmem:s24+$0x6930]  }
0x565: {  	v44 =	vld [tilespmem:s24+$0x16910]  }
0x566: {  	v45 =	vld [tilespmem:s24+$0x16930];
	_ =	sdelay $0x1  }
0x567: {  	v46 =	vld [tilespmem:s24+$0xE900]  }
0x568: {  	v47 =	vld [tilespmem:s24+$0xE920];
	v48 =	vmul.f32 v40, v16;
	v49 =	vmul.f32 v41, v17  }
0x569: {  	v50 =	vld [tilespmem:s24+$0xE910];
	v16 =	vmul.f32 v41, v16;
	v17 =	vmul.f32 v40, v17  }
0x56a: {  	v51 =	vld [tilespmem:s24+$0xE930];
	v52 =	vmul.f32 v44, v42;
	v53 =	vmul.f32 v45, v43  }
0x56b: {  	v20 =	vmul.f32 v45, v42;
	v21 =	vmul.f32 v44, v43  }
0x56c: {  	v54 =	vadd.f32 v49, v48;
	v16 =	vsub.f32 v16, v17  }
0x56d: {  	v17 =	vadd.f32 v53, v52;
	v20 =	vsub.f32 v20, v21  }
0x56e: {  	v55 =	vmul.f32 v54, v46;
	v16 =	vmul.f32 v16, v47  }
0x56f: {  	v17 =	vmul.f32 v17, v50;
	v56 =	vmul.f32 v20, v51;
	_ =	sdelay $0x1  }
0x570: {  	v16 =	vadd.f32 v16, v55;
	v17 =	vadd.f32 v56, v17;
	_ =	sdelay $0x1  }
0x571: {  	v16 =	vadd.f32 v17, v16;
	_ =	sdelay $0x1  }
0x572: {  	[tilespmem:$0x188C0] =	vst v16  }
0x573: {  	v16 =	vld [tilespmem:s24+$0x6940]  }
0x574: {  	v17 =	vld [tilespmem:s24+$0x6960]  }
0x575: {  	v57 =	vld [tilespmem:s24+$0x16940]  }
0x576: {  	v58 =	vld [tilespmem:s24+$0x16960]  }
0x577: {  	v59 =	vld [tilespmem:s24+$0x6950]  }
0x578: {  	v60 =	vld [tilespmem:s24+$0x6970]  }
0x579: {  	v61 =	vld [tilespmem:s24+$0x16950]  }
0x57a: {  	v62 =	vld [tilespmem:s24+$0x16970];
	_ =	sdelay $0x1  }
0x57b: {  	v63 =	vld [tilespmem:s24+$0xE940]  }
0x57c: {  	v32 =	vld [tilespmem:s24+$0xE960];
	v33 =	vmul.f32 v57, v16;
	v34 =	vmul.f32 v58, v17  }
0x57d: {  	v35 =	vld [tilespmem:s24+$0xE950];
	v16 =	vmul.f32 v58, v16;
	v17 =	vmul.f32 v57, v17  }
0x57e: {  	v36 =	vld [tilespmem:s24+$0xE970];
	v37 =	vmul.f32 v61, v59;
	v38 =	vmul.f32 v62, v60  }
0x57f: {  	v20 =	vmul.f32 v62, v59;
	v21 =	vmul.f32 v61, v60  }
0x580: {  	v39 =	vadd.f32 v34, v33;
	v16 =	vsub.f32 v16, v17  }
0x581: {  	v17 =	vadd.f32 v38, v37;
	v20 =	vsub.f32 v20, v21  }
0x582: {  	v40 =	vmul.f32 v39, v63;
	v16 =	vmul.f32 v16, v32  }
0x583: {  	v17 =	vmul.f32 v17, v35;
	v41 =	vmul.f32 v20, v36;
	_ =	sdelay $0x1  }
0x584: {  	v16 =	vadd.f32 v16, v40;
	v17 =	vadd.f32 v41, v17;
	_ =	sdelay $0x1  }
0x585: {  	v16 =	vadd.f32 v17, v16;
	_ =	sdelay $0x1  }
0x586: {  	[tilespmem:$0x188D0] =	vst v16  }
0x587: {  	v16 =	vld [tilespmem:s24+$0x6980]  }
0x588: {  	v17 =	vld [tilespmem:s24+$0x69A0]  }
0x589: {  	v42 =	vld [tilespmem:s24+$0x16980]  }
0x58a: {  	v43 =	vld [tilespmem:s24+$0x169A0]  }
0x58b: {  	v44 =	vld [tilespmem:s24+$0x6990]  }
0x58c: {  	v45 =	vld [tilespmem:s24+$0x69B0]  }
0x58d: {  	v46 =	vld [tilespmem:s24+$0x16990]  }
0x58e: {  	v47 =	vld [tilespmem:s24+$0x169B0];
	_ =	sdelay $0x1  }
0x58f: {  	v48 =	vld [tilespmem:s24+$0xE980]  }
0x590: {  	v49 =	vld [tilespmem:s24+$0xE9A0];
	v50 =	vmul.f32 v42, v16;
	v51 =	vmul.f32 v43, v17  }
0x591: {  	v52 =	vld [tilespmem:s24+$0xE990];
	v16 =	vmul.f32 v43, v16;
	v17 =	vmul.f32 v42, v17  }
0x592: {  	v53 =	vld [tilespmem:s24+$0xE9B0];
	v54 =	vmul.f32 v46, v44;
	v55 =	vmul.f32 v47, v45  }
0x593: {  	v20 =	vmul.f32 v47, v44;
	v21 =	vmul.f32 v46, v45  }
0x594: {  	v56 =	vadd.f32 v51, v50;
	v16 =	vsub.f32 v16, v17  }
0x595: {  	v17 =	vadd.f32 v55, v54;
	v20 =	vsub.f32 v20, v21  }
0x596: {  	v57 =	vmul.f32 v56, v48;
	v16 =	vmul.f32 v16, v49  }
0x597: {  	v17 =	vmul.f32 v17, v52;
	v58 =	vmul.f32 v20, v53;
	_ =	sdelay $0x1  }
0x598: {  	v16 =	vadd.f32 v16, v57;
	v17 =	vadd.f32 v58, v17;
	_ =	sdelay $0x1  }
0x599: {  	v16 =	vadd.f32 v17, v16;
	_ =	sdelay $0x1  }
0x59a: {  	[tilespmem:$0x188E0] =	vst v16  }
0x59b: {  	v16 =	vld [tilespmem:s24+$0x69C0]  }
0x59c: {  	v17 =	vld [tilespmem:s24+$0x69E0]  }
0x59d: {  	v59 =	vld [tilespmem:s24+$0x169C0]  }
0x59e: {  	v60 =	vld [tilespmem:s24+$0x169E0]  }
0x59f: {  	v61 =	vld [tilespmem:s24+$0x69D0]  }
0x5a0: {  	v62 =	vld [tilespmem:s24+$0x69F0]  }
0x5a1: {  	v63 =	vld [tilespmem:s24+$0x169D0]  }
0x5a2: {  	v32 =	vld [tilespmem:s24+$0x169F0];
	_ =	sdelay $0x1  }
0x5a3: {  	v33 =	vld [tilespmem:s24+$0xE9C0]  }
0x5a4: {  	v34 =	vld [tilespmem:s24+$0xE9E0];
	v35 =	vmul.f32 v59, v16;
	v36 =	vmul.f32 v60, v17  }
0x5a5: {  	v37 =	vld [tilespmem:s24+$0xE9D0];
	v16 =	vmul.f32 v60, v16;
	v17 =	vmul.f32 v59, v17  }
0x5a6: {  	v38 =	vld [tilespmem:s24+$0xE9F0];
	v39 =	vmul.f32 v63, v61;
	v40 =	vmul.f32 v32, v62  }
0x5a7: {  	v20 =	vmul.f32 v32, v61;
	v21 =	vmul.f32 v63, v62  }
0x5a8: {  	v41 =	vadd.f32 v36, v35;
	v16 =	vsub.f32 v16, v17  }
0x5a9: {  	v17 =	vadd.f32 v40, v39;
	v20 =	vsub.f32 v20, v21  }
0x5aa: {  	v42 =	vmul.f32 v41, v33;
	v16 =	vmul.f32 v16, v34  }
0x5ab: {  	v17 =	vmul.f32 v17, v37;
	v43 =	vmul.f32 v20, v38;
	_ =	sdelay $0x1  }
0x5ac: {  	v16 =	vadd.f32 v16, v42;
	v17 =	vadd.f32 v43, v17;
	_ =	sdelay $0x1  }
0x5ad: {  	v16 =	vadd.f32 v17, v16;
	_ =	sdelay $0x1  }
0x5ae: {  	[tilespmem:$0x188F0] =	vst v16  }
0x5af: {  	v16 =	vld.idx.msk [tilespmem:v0+s16+$0x0], $0xffff  }
0x5b0: {  	v17 =	vld.idx.msk [tilespmem:v1+s16+$0x0], $0xffff  }
0x5b1: {  	v44 =	vld.idx.msk [tilespmem:v2+s16+$0x0], $0xffff  }
0x5b2: {  	v45 =	vld.idx.msk [tilespmem:v3+s16+$0x0], $0xffff  }
0x5b3: {  	v46 =	vld.idx.msk [tilespmem:v4+s16+$0x0], $0xffff  }
0x5b4: {  	v47 =	vld.idx.msk [tilespmem:v5+s16+$0x0], $0xffff  }
0x5b5: {  	v48 =	vld.idx.msk [tilespmem:v6+s16+$0x0], $0xffff  }
0x5b6: {  	v49 =	vld.idx.msk [tilespmem:v7+s16+$0x0], $0xffff  }
0x5b7: {  	v50 =	vld.idx.msk [tilespmem:v8+s16+$0x0], $0xffff  }
0x5b8: {  	v51 =	vld.idx.msk [tilespmem:v9+s16+$0x0], $0xffff  }
0x5b9: {  	v52 =	vld.idx.msk [tilespmem:v10+s16+$0x0], $0xffff  }
0x5ba: {  	v53 =	vld.idx.msk [tilespmem:v11+s16+$0x0], $0xffff  }
0x5bb: {  	v54 =	vld.idx.msk [tilespmem:v12+s16+$0x0], $0xffff  }
0x5bc: {  	v55 =	vld.idx.msk [tilespmem:v13+s16+$0x0], $0xffff  }
0x5bd: {  	v30 =	vld.idx.msk [tilespmem:v14+s16+$0x0], $0xffff  }
0x5be: {  	v31 =	vld.idx.msk [tilespmem:v15+s16+$0x0], $0xffff;
	_ =	sdelay $0x1  }
0x5bf: {  	v16 =	vadd.f32 v17, v16;
	v17 =	vadd.f32 v45, v44  }
0x5c0: {  	v56 =	vadd.f32 v47, v46;
	v57 =	vadd.f32 v49, v48  }
0x5c1: {  	v58 =	vadd.f32 v51, v50;
	v59 =	vadd.f32 v53, v52  }
0x5c2: {  	v60 =	vadd.f32 v55, v54;
	v61 =	vadd.f32 v31, v30  }
0x5c3: {  	v16 =	vadd.f32 v17, v16;
	v17 =	vadd.f32 v57, v56  }
0x5c4: {  	v62 =	vadd.f32 v59, v58;
	v63 =	vadd.f32 v61, v60  }
0x5c5: {  	p0 =	sne.s32 s22, $0x7000  }
.Ltmp3:
0x5c6: {  	v16 =	vadd.f32 v17, v16;
	v17 =	vadd.f32 v63, v62;
	(pc) =	sbr.rel @p0 .LBB2_8-.Ltmp3, $3  }
0x5c7: {  	_ = 	snop  }
0x5c8: {  	v16 =	vadd.f32 v17, v16;
	_ =	sdelay $0x1  }
0x5c9: {  	s22 =	sadd.s32 $0x1000, s22;
	[tilespmem:s23+$0x0] =	vst v16;
	s23 =	sadd.s32 $0x10, s23  }
0x5ca: {  	s21 =	sadd.s32 $0x1, s21  }
0x5cb: {  	p0 =	sne.s32 s21, s9  }
.Ltmp4:
0x5cc: {  	_ = 	snop;
	(pc) =	sbr.rel @p0 .LBB2_1-.Ltmp4, $4  }
0x5cd: {  	[hbm4b:s8+s1] =	stream.linear.scatter [tilespmem:s20], [sflag:$0x5], $0x200, $0x38;
	[tilespmem:$0x18900] =	vst v63  }
0x5ce: {  	_ =	swait.ge [sflag:s10], $0x200  }
0x5cf: {  	[sflag:s10] =	ssyncset.done $0x0  }
0x5d0: {  	[sflag:s10] =	ssyncadd.s32 $0xFFFFFE00  }
0x5d1: {  	_ =	sfence.sel $0x180000  }
0x5d2: {  	[bflag:$0x0] =	sbarrier.arrive $0xFFFF  }
0x5d3: {  	_ =	strace $0x90000047  }
0x5d4: {  	s0 =	stileid.u32;
	[bflag:$0x2] =	sbarrier.arrive $0xFFFF  }
0x5d5: {  	p0 =	sne.s32 s0, $0x0;
	s0 =	rddreg [dreg:$0x5]  }
0x5d6: {  	s0 =	sadd.s32 @!p0 $0x100000, s0  }
0x5d7: {  	[sflag:s0] =	ssyncadd.tile.s32 @!p0 $0x1;
	_ =	shalt  }
.Lfunc_end2:
_tile_overlayer_lowered:
.L_overlay_start_2:
0x5d8: {  	(tag) =	ssettag $0x2  }
0x5d9: {  	s0 =	rddreg [dreg:$0x0];
	s2 =	stileid.u32  }
0x5da: {  	s1 =	rddreg [dreg:$0x1];
	p0 =	sne.s32 s2, $0x0  }
0x5db: {  	s3 =	rddreg [dreg:$0x2];
	[bflag:$0x3] =	sbarrier.arrive $0xFFFF;
	s2 =	simm.s32 @!p0 $0x1C05  }
0x5dc: {  	[timem:s3], [sflag:s2] =	dma.local @!p0 [hbm:s0], s1  }
0x5dd: {  	s0 =	simm.s32 @!p0 $0x5  }
0x5de: {  	_ =	swait.ge @!p0 [sflag:s0], s1  }
0x5df: {  	s1 =	ssub.s32 @!p0 $0x0, s1;
	[sflag:s0] =	ssyncset.done @!p0 $0x0  }
0x5e0: {  	[sflag:s0] =	ssyncadd.s32 @!p0 s1  }
0x5e1: {  	[bflag:$0x3] =	sbarrier.arrive $0xFFFF  }
0x5e2: {  	_ =	shalt  }

</sc_bundles>
